<compile_context>
chip_gen: v7x
topology: tpu7x:2x2x1
jax: 0.10.2.dev20260603
libtpu: 0.0.44.dev20260713+nightly
codegen_flags: <defaults>
</compile_context>

<pallas_src>
import jax
import jax.numpy as jnp
from jax import lax
from jax.experimental import pallas as pl
from jax.experimental.pallas import tpu as pltpu
from jax.experimental.pallas import tpu_sc as plsc

N_NODES = 10000
F = 128
HF = F // 2
OUT_DIM = 64
N_EDGES = 320000
ROW_BLK = 1000
N_BLK = N_NODES // ROW_BLK

NC = 2
NS = 16
CHUNK = 100
SCHUNK = 125
ECH = N_EDGES // CHUNK
NCH_DEG = ECH // (NC * NS)
NCH_AGG = ECH // NS
DEG_PAD = 10240

_mesh = plsc.VectorSubcoreMesh(core_axis_name="c", subcore_axis_name="s")



def _deg_body(dst2, ones_hbm, zrow_hbm, dout, didx, ones_v, stage, dacc, sem):
    c = lax.axis_index("c")
    s = lax.axis_index("s")
    cbase = (c * NS + s) * NCH_DEG
    pltpu.sync_copy(dst2.at[pl.ds(cbase, NCH_DEG)], didx)
    pltpu.sync_copy(ones_hbm, ones_v)
    pltpu.sync_copy(zrow_hbm, stage.at[pl.ds(0, 1024)])

    @pl.when(s < 10)
    def _():
        pltpu.sync_copy(stage.at[pl.ds(0, 1000)], dacc.at[pl.ds(s * 1000, 1000)])

    plsc.subcore_barrier()

    @pl.loop(0, NCH_DEG)
    def _fire(k):
        pltpu.async_copy(ones_v.at[pl.ds(0, CHUNK)], dacc.at[didx.at[k]], sem, add=True)

    @pl.loop(0, NCH_DEG)
    def _drain(k):
        pltpu.make_async_copy(ones_v.at[pl.ds(0, CHUNK)], dacc.at[didx.at[0]], sem).wait()

    plsc.subcore_barrier()

    @pl.when(s == 0)
    def _():
        pltpu.sync_copy(dacc, stage)
        pltpu.sync_copy(stage, dout.at[pl.ds(c * DEG_PAD, N_NODES)])


_deg_call = pl.kernel(
    _deg_body,
    out_type=jax.ShapeDtypeStruct((NC * DEG_PAD,), jnp.float32),
    mesh=_mesh,
    scratch_types=[
        pltpu.VMEM((NCH_DEG, CHUNK), jnp.int32),
        pltpu.VMEM((CHUNK,), jnp.float32),
        pltpu.VMEM((N_NODES,), jnp.float32),
        pltpu.VMEM_SHARED((N_NODES,), jnp.float32),
        pltpu.SemaphoreType.DMA,
    ],
    compiler_params=pltpu.CompilerParams(use_tc_tiling_on_sc=False),
)



def _agg_body(g3, src2, dst2, zeros_hbm, out_hbm, sidx, didx, rows, zbuf, acc,
              g0, g1, g2, g3s, g4, s0, s1, s2, s3, s4):
    gsems = (g0, g1, g2, g3s, g4)
    ssems = (s0, s1, s2, s3, s4)
    c = lax.axis_index("c")
    s = lax.axis_index("s")
    cbase = s * NCH_AGG
    pltpu.sync_copy(src2.at[pl.ds(cbase, NCH_AGG)], sidx)
    pltpu.sync_copy(dst2.at[pl.ds(cbase, NCH_AGG)], didx)
    pltpu.sync_copy(zeros_hbm, zbuf)

    @pl.loop(0, 5)
    def _zero(j):
        pltpu.sync_copy(zbuf.at[pl.ds(0, SCHUNK), :],
                        acc.at[pl.ds(s * 625 + j * SCHUNK, SCHUNK), :])

    def prime(table):
        pltpu.make_async_copy(table.at[sidx.at[0]], rows.at[0], gsems[0]).start()
        pltpu.make_async_copy(table.at[sidx.at[1]], rows.at[1], gsems[1]).start()

    def run(table):
        @pl.loop(0, NCH_AGG, step=5)
        def _body(k):
            for b in range(5):
                kk = k + b
                pltpu.make_async_copy(table.at[sidx.at[kk]], rows.at[b], gsems[b]).wait()
                pltpu.async_copy(rows.at[b], acc.at[didx.at[kk]], ssems[b], add=True)
                b2 = (b + 2) % 5

                @pl.when(kk >= 3)
                def _():
                    pltpu.make_async_copy(rows.at[b2], acc.at[didx.at[0]], ssems[b2]).wait()

                @pl.when(kk + 2 < NCH_AGG)
                def _():
                    pltpu.make_async_copy(table.at[sidx.at[kk + 2]], rows.at[b2], gsems[b2]).start()

        for b in (2, 3, 4):
            pltpu.make_async_copy(rows.at[b], acc.at[didx.at[0]], ssems[b]).wait()

    @pl.when(c == 0)
    def _():
        prime(g3.at[0])

    @pl.when(c == 1)
    def _():
        prime(g3.at[1])

    plsc.subcore_barrier()

    @pl.when(c == 0)
    def _():
        run(g3.at[0])

    @pl.when(c == 1)
    def _():
        run(g3.at[1])

    plsc.subcore_barrier()

    @pl.loop(0, 5)
    def _out(j):
        r0 = s * 625 + j * SCHUNK
        pltpu.sync_copy(acc.at[pl.ds(r0, SCHUNK), :], zbuf.at[pl.ds(0, SCHUNK), :])
        pltpu.sync_copy(zbuf.at[pl.ds(0, SCHUNK), :], out_hbm.at[c, pl.ds(r0, SCHUNK), :])


_agg_call = pl.kernel(
    _agg_body,
    out_type=jax.ShapeDtypeStruct((NC, N_NODES, HF), jnp.float32),
    mesh=_mesh,
    scratch_types=[
        pltpu.VMEM((NCH_AGG, CHUNK), jnp.int32),
        pltpu.VMEM((NCH_AGG, CHUNK), jnp.int32),
        pltpu.VMEM((5, CHUNK, HF), jnp.float32),
        pltpu.VMEM((200, HF), jnp.float32),
        pltpu.VMEM_SHARED((N_NODES, HF), jnp.float32),
    ] + [pltpu.SemaphoreType.DMA] * 10,
    compiler_params=pltpu.CompilerParams(use_tc_tiling_on_sc=False),
)



def _tc1_body(x_ref, w1_ref, degp_ref, g3_ref, dinv_ref):
    deg = 1.0 + degp_ref[0] + degp_ref[1]
    dinv = jax.lax.rsqrt(deg)
    g = jnp.dot(x_ref[...], w1_ref[...], preferred_element_type=jnp.float32) * dinv
    g3_ref[0] = g[:, :HF]
    g3_ref[1] = g[:, HF:]
    dinv_ref[...] = dinv


def _tc1(x, W1, degp):
    return pl.pallas_call(
        _tc1_body,
        grid=(N_BLK,),
        in_specs=[
            pl.BlockSpec((ROW_BLK, F), lambda i: (i, 0)),
            pl.BlockSpec((F, F), lambda i: (0, 0)),
            pl.BlockSpec((2, ROW_BLK, 1), lambda i: (0, i, 0)),
        ],
        out_specs=[
            pl.BlockSpec((2, ROW_BLK, HF), lambda i: (0, i, 0)),
            pl.BlockSpec((ROW_BLK, 1), lambda i: (i, 0)),
        ],
        out_shape=[
            jax.ShapeDtypeStruct((2, N_NODES, HF), jnp.float32),
            jax.ShapeDtypeStruct((N_NODES, 1), jnp.float32),
        ],
    )(x, W1, degp)


def _tc2_body(p_ref, g1_ref, dinv_ref, b1_ref, w2_ref, g3_ref):
    dinv = dinv_ref[...]
    agg = jnp.concatenate([p_ref[0] + g1_ref[0], p_ref[1] + g1_ref[1]], axis=1)
    out1 = jnp.maximum(dinv * agg + b1_ref[...], 0.0)
    g = jnp.dot(out1, w2_ref[...], preferred_element_type=jnp.float32) * dinv
    g3_ref[0] = g[:, :HF]
    g3_ref[1] = g[:, HF:]


def _tc2(p, g1, dinv, b1, W2):
    return pl.pallas_call(
        _tc2_body,
        grid=(N_BLK,),
        in_specs=[
            pl.BlockSpec((2, ROW_BLK, HF), lambda i: (0, i, 0)),
            pl.BlockSpec((2, ROW_BLK, HF), lambda i: (0, i, 0)),
            pl.BlockSpec((ROW_BLK, 1), lambda i: (i, 0)),
            pl.BlockSpec((1, F), lambda i: (0, 0)),
            pl.BlockSpec((F, F), lambda i: (0, 0)),
        ],
        out_specs=pl.BlockSpec((2, ROW_BLK, HF), lambda i: (0, i, 0)),
        out_shape=jax.ShapeDtypeStruct((2, N_NODES, HF), jnp.float32),
    )(p, g1, dinv, b1.reshape(1, F), W2)


def _tc3_body(p_ref, g2_ref, dinv_ref, b2_ref, wo_ref, bo_ref, out_ref):
    dinv = dinv_ref[...]
    agg = jnp.concatenate([p_ref[0] + g2_ref[0], p_ref[1] + g2_ref[1]], axis=1)
    out2 = dinv * agg + b2_ref[...]
    logits = jnp.dot(out2, wo_ref[...], preferred_element_type=jnp.float32) + bo_ref[...]
    m = jnp.max(logits, axis=1, keepdims=True)
    srow = jnp.log(jnp.sum(jnp.exp(logits - m), axis=1, keepdims=True))
    out_ref[...] = logits - m - srow


def _tc3(p, g2, dinv, b2, Wo, bo):
    return pl.pallas_call(
        _tc3_body,
        grid=(N_BLK,),
        in_specs=[
            pl.BlockSpec((2, ROW_BLK, HF), lambda i: (0, i, 0)),
            pl.BlockSpec((2, ROW_BLK, HF), lambda i: (0, i, 0)),
            pl.BlockSpec((ROW_BLK, 1), lambda i: (i, 0)),
            pl.BlockSpec((1, F), lambda i: (0, 0)),
            pl.BlockSpec((F, OUT_DIM), lambda i: (0, 0)),
            pl.BlockSpec((1, OUT_DIM), lambda i: (0, 0)),
        ],
        out_specs=pl.BlockSpec((ROW_BLK, OUT_DIM), lambda i: (i, 0)),
        out_shape=jax.ShapeDtypeStruct((N_NODES, OUT_DIM), jnp.float32),
    )(p, g2, dinv, b2.reshape(1, F), Wo, bo.reshape(1, OUT_DIM))


def kernel(x, edge_index, W1, b1, W2, b2, Wo, bo):
    src2 = edge_index[0].astype(jnp.int32).reshape(ECH, CHUNK)
    dst2 = edge_index[1].astype(jnp.int32).reshape(ECH, CHUNK)
    ones_row = jnp.ones((CHUNK,), jnp.float32)
    zrow = jnp.zeros((1024,), jnp.float32)
    zeros = jnp.zeros((200, HF), jnp.float32)

    degp = _deg_call(dst2, ones_row, zrow)
    degp = degp.reshape(NC, DEG_PAD)[:, :N_NODES].reshape(NC, N_NODES, 1)
    g1, dinv = _tc1(x, W1, degp)
    p1 = _agg_call(g1, src2, dst2, zeros)
    g2 = _tc2(p1, g1, dinv, b1, W2)
    p2 = _agg_call(g2, src2, dst2, zeros)
    return _tc3(p2, g2, dinv, b2, Wo, bo)

# --- scband reference (transcript-rebuilt; emitter-appended) ---
"""Pipeline reference for scband-gcn-5085241278657 (READ-ONLY COPY).

The authoritative reference and input builder live on the scoring server;
editing this copy changes nothing except your own understanding.
"""

import jax, jax.numpy as jnp
import numpy as np

N_NODES = 10000
N_EDGES = 320000
IN_DIM = 128
HID_DIM = 128
HID_DIM1 = 128
OUT_DIM = 64


def gcn_conv(x, src, dst, W, b):
    # PyG GCNConv: add self-loops, symmetric normalization, linear transform, scatter-add aggregate
    n = x.shape[0]
    loop = jnp.arange(n, dtype=src.dtype)
    s = jnp.concatenate([src, loop])
    d = jnp.concatenate([dst, loop])
    w = jnp.ones(s.shape[0], dtype=x.dtype)
    deg = jnp.zeros(n, dtype=x.dtype).at[d].add(w)
    dinv = jnp.where(deg > 0, deg ** -0.5, 0.0)
    norm = dinv[s] * w * dinv[d]
    h = x @ W
    msg = h[s] * norm[:, None]
    out = jnp.zeros((n, h.shape[1]), dtype=x.dtype).at[d].add(msg)
    return out + b


def setup_inputs(seed: int = 0) -> dict:
    key = jax.random.key(seed)
    ks = jax.random.split(key, 8)
    x = jax.random.normal(ks[0], (N_NODES, IN_DIM), dtype=jnp.float32)
    edge_index = jax.random.randint(ks[1], (2, N_EDGES), 0, N_NODES, dtype=jnp.int64)
    s1 = 1.0 / np.sqrt(IN_DIM)
    s2 = 1.0 / np.sqrt(HID_DIM)
    s3 = 1.0 / np.sqrt(HID_DIM1)
    W1 = jax.random.uniform(ks[2], (IN_DIM, HID_DIM), minval=-s1, maxval=s1, dtype=jnp.float32)
    b1 = jnp.zeros((HID_DIM,), dtype=jnp.float32)
    W2 = jax.random.uniform(ks[3], (HID_DIM, HID_DIM1), minval=-s2, maxval=s2, dtype=jnp.float32)
    b2 = jnp.zeros((HID_DIM1,), dtype=jnp.float32)
    Wo = jax.random.uniform(ks[4], (HID_DIM1, OUT_DIM), minval=-s3, maxval=s3, dtype=jnp.float32)
    bo = jax.random.uniform(ks[5], (OUT_DIM,), minval=-s3, maxval=s3, dtype=jnp.float32)
    return {"x": x, "edge_index": edge_index, "W1": W1, "b1": b1, "W2": W2, "b2": b2, "Wo": Wo, "bo": bo}


def reference(x, edge_index, W1, b1, W2, b2, Wo, bo):
    src = edge_index[0]
    dst = edge_index[1]
    h = gcn_conv(x, src, dst, W1, b1)
    h = jax.nn.relu(h)
    # dropout is identity in eval mode
    h = gcn_conv(h, src, dst, W2, b2)
    logits = h @ Wo + bo
    return jax.nn.log_softmax(logits, axis=1)

if __name__ == "__main__":
    import jax
    _d = setup_inputs()
    print(jax.jit(kernel)(*tuple(_d.values())))

</pallas_src>

<mosaic_0001>
#map = affine_map<(d0, d1) -> (0, 0)>
#map1 = affine_map<(d0, d1) -> (0)>
module attributes {stable_mosaic.version = 14 : i64} {
  func.func @_deg_body(%arg0: i32, %arg1: i32, %arg2: memref<3200x100xi32, #tpu.memory_space<hbm>>, %arg3: memref<100xf32, #tpu.memory_space<hbm>>, %arg4: memref<1024xf32, #tpu.memory_space<hbm>>, %arg5: memref<20480xf32, #tpu.memory_space<hbm>>, %arg6: memref<100x100xi32, #tpu.memory_space<vmem>>, %arg7: memref<100xf32, #tpu.memory_space<vmem>>, %arg8: memref<10000xf32, #tpu.memory_space<vmem>>, %arg9: memref<10000xf32, #tpu.memory_space<vmem_shared>>, %arg10: memref<!tpu.dma_semaphore, #tpu.memory_space<semaphore_mem>>) attributes {dimension_semantics = [#tpu.dimension_semantics<core_parallel>, #tpu.dimension_semantics<subcore_parallel>], iteration_bounds = array<i64: 2, 16>, scalar_prefetch = 0 : i64, scratch_operands = 5 : i64, tpu.core_type = #tpu.core_type<sc_vector_subcore>, window_params = [{transform_indices = #map}, {transform_indices = #map1}, {transform_indices = #map1}, {transform_indices = #map1}]} {
    %mul3A = arith.constant 16 : i32
    %mul3A_0 = arith.muli %arg0, %mul3A : i32
    %add3A = arith.addi %mul3A_0, %arg1 : i32
    %mul3A_1 = arith.constant 100 : i32
    %mul3A_2 = arith.muli %add3A, %mul3A_1 : i32
    "tpu.region"() ({
      %run_scoped3A = tpu.sem_alloc : memref<!tpu.dma_semaphore, #tpu.memory_space<semaphore_mem>>
      %dma_start3A = arith.constant 0 : i32
      %dma_start3A_19 = tpu.memref_slice %arg2[%mul3A_2, %dma_start3A] : memref<3200x100xi32, #tpu.memory_space<hbm>> -> memref<100x100xi32, #tpu.memory_space<hbm>>
      %dma_start3A_20 = arith.constant 0 : i32
      %dma_start3A_21 = tpu.memref_slice %arg2[%mul3A_2, %dma_start3A_20] : memref<3200x100xi32, #tpu.memory_space<hbm>> -> memref<100x100xi32, #tpu.memory_space<hbm>>
      tpu.enqueue_dma source(%dma_start3A_21 : memref<100x100xi32, #tpu.memory_space<hbm>>) target(%arg6 : memref<100x100xi32, #tpu.memory_space<vmem>>) target_semaphore(%run_scoped3A : memref<!tpu.dma_semaphore, #tpu.memory_space<semaphore_mem>>)
      %dma_wait3A = arith.constant 0 : i32
      %dma_wait3A_22 = tpu.memref_slice %arg2[%mul3A_2, %dma_wait3A] : memref<3200x100xi32, #tpu.memory_space<hbm>> -> memref<100x100xi32, #tpu.memory_space<hbm>>
      %dma_wait3A_23 = arith.constant 0 : i32
      %dma_wait3A_24 = tpu.memref_slice %arg2[%mul3A_2, %dma_wait3A_23] : memref<3200x100xi32, #tpu.memory_space<hbm>> -> memref<100x100xi32, #tpu.memory_space<hbm>>
      tpu.wait_dma2 semaphore(%run_scoped3A : memref<!tpu.dma_semaphore, #tpu.memory_space<semaphore_mem>>) src(%dma_wait3A_24 : memref<100x100xi32, #tpu.memory_space<hbm>>) dst(%arg6 : memref<100x100xi32, #tpu.memory_space<vmem>>)
      tpu.yield
    }) : () -> ()
    "tpu.region"() ({
      %run_scoped3A = tpu.sem_alloc : memref<!tpu.dma_semaphore, #tpu.memory_space<semaphore_mem>>
      tpu.enqueue_dma source(%arg3 : memref<100xf32, #tpu.memory_space<hbm>>) target(%arg7 : memref<100xf32, #tpu.memory_space<vmem>>) target_semaphore(%run_scoped3A : memref<!tpu.dma_semaphore, #tpu.memory_space<semaphore_mem>>)
      tpu.wait_dma2 semaphore(%run_scoped3A : memref<!tpu.dma_semaphore, #tpu.memory_space<semaphore_mem>>) src(%arg3 : memref<100xf32, #tpu.memory_space<hbm>>) dst(%arg7 : memref<100xf32, #tpu.memory_space<vmem>>)
      tpu.yield
    }) : () -> ()
    "tpu.region"() ({
      %run_scoped3A = tpu.sem_alloc : memref<!tpu.dma_semaphore, #tpu.memory_space<semaphore_mem>>
      %dma_start3A = arith.constant 0 : i32
      %dma_start3A_19 = tpu.memref_slice %arg8[%dma_start3A] : memref<10000xf32, #tpu.memory_space<vmem>> -> memref<1024xf32, #tpu.memory_space<vmem>>
      %dma_start3A_20 = arith.constant 0 : i32
      %dma_start3A_21 = tpu.memref_slice %arg8[%dma_start3A_20] : memref<10000xf32, #tpu.memory_space<vmem>> -> memref<1024xf32, #tpu.memory_space<vmem>>
      tpu.enqueue_dma source(%arg4 : memref<1024xf32, #tpu.memory_space<hbm>>) target(%dma_start3A_21 : memref<1024xf32, #tpu.memory_space<vmem>>) target_semaphore(%run_scoped3A : memref<!tpu.dma_semaphore, #tpu.memory_space<semaphore_mem>>)
      %dma_wait3A = arith.constant 0 : i32
      %dma_wait3A_22 = tpu.memref_slice %arg8[%dma_wait3A] : memref<10000xf32, #tpu.memory_space<vmem>> -> memref<1024xf32, #tpu.memory_space<vmem>>
      %dma_wait3A_23 = arith.constant 0 : i32
      %dma_wait3A_24 = tpu.memref_slice %arg8[%dma_wait3A_23] : memref<10000xf32, #tpu.memory_space<vmem>> -> memref<1024xf32, #tpu.memory_space<vmem>>
      tpu.wait_dma2 semaphore(%run_scoped3A : memref<!tpu.dma_semaphore, #tpu.memory_space<semaphore_mem>>) src(%arg4 : memref<1024xf32, #tpu.memory_space<hbm>>) dst(%dma_wait3A_24 : memref<1024xf32, #tpu.memory_space<vmem>>)
      tpu.yield
    }) : () -> ()
    %lt3A = arith.constant 10 : i32
    %lt3A_3 = arith.cmpi slt, %arg1, %lt3A : i32
    %convert_element_type3A = arith.extui %lt3A_3 : i1 to i32
    %cond3A = arith.constant 0 : i32
    %cond3A_4 = arith.cmpi ne, %convert_element_type3A, %cond3A : i32
    scf.if %cond3A_4 {
      %mul3A_19 = arith.constant 1000 : i32
      %mul3A_20 = arith.muli %arg1, %mul3A_19 : i32
      "tpu.region"() ({
        %run_scoped3A = tpu.sem_alloc : memref<!tpu.dma_semaphore, #tpu.memory_space<semaphore_mem>>
        %dma_start3A = arith.constant 0 : i32
        %dma_start3A_21 = tpu.memref_slice %arg8[%dma_start3A] : memref<10000xf32, #tpu.memory_space<vmem>> -> memref<1000xf32, #tpu.memory_space<vmem>>
        %dma_start3A_22 = tpu.memref_slice %arg9[%mul3A_20] : memref<10000xf32, #tpu.memory_space<vmem_shared>> -> memref<1000xf32, #tpu.memory_space<vmem_shared>>
        %dma_start3A_23 = tpu.memref_slice %arg9[%mul3A_20] : memref<10000xf32, #tpu.memory_space<vmem_shared>> -> memref<1000xf32, #tpu.memory_space<vmem_shared>>
        %dma_start3A_24 = arith.constant 0 : i32
        %dma_start3A_25 = tpu.memref_slice %arg8[%dma_start3A_24] : memref<10000xf32, #tpu.memory_space<vmem>> -> memref<1000xf32, #tpu.memory_space<vmem>>
        tpu.enqueue_dma source(%dma_start3A_25 : memref<1000xf32, #tpu.memory_space<vmem>>) target(%dma_start3A_23 : memref<1000xf32, #tpu.memory_space<vmem_shared>>) target_semaphore(%run_scoped3A : memref<!tpu.dma_semaphore, #tpu.memory_space<semaphore_mem>>)
        %dma_wait3A = arith.constant 0 : i32
        %dma_wait3A_26 = tpu.memref_slice %arg8[%dma_wait3A] : memref<10000xf32, #tpu.memory_space<vmem>> -> memref<1000xf32, #tpu.memory_space<vmem>>
        %dma_wait3A_27 = tpu.memref_slice %arg9[%mul3A_20] : memref<10000xf32, #tpu.memory_space<vmem_shared>> -> memref<1000xf32, #tpu.memory_space<vmem_shared>>
        %dma_wait3A_28 = tpu.memref_slice %arg9[%mul3A_20] : memref<10000xf32, #tpu.memory_space<vmem_shared>> -> memref<1000xf32, #tpu.memory_space<vmem_shared>>
        %dma_wait3A_29 = arith.constant 0 : i32
        %dma_wait3A_30 = tpu.memref_slice %arg8[%dma_wait3A_29] : memref<10000xf32, #tpu.memory_space<vmem>> -> memref<1000xf32, #tpu.memory_space<vmem>>
        tpu.wait_dma2 semaphore(%run_scoped3A : memref<!tpu.dma_semaphore, #tpu.memory_space<semaphore_mem>>) src(%dma_wait3A_30 : memref<1000xf32, #tpu.memory_space<vmem>>) dst(%dma_wait3A_28 : memref<1000xf32, #tpu.memory_space<vmem_shared>>)
        tpu.yield
      }) : () -> ()
    } else {
    }
    %barrier3A = arith.constant 0 : index
    tpu.barrier barrier_id(%barrier3A)
    %scan3A = arith.constant 0 : i32
    %scan3A_5 = arith.constant 100 : i32
    %scan3A_6 = arith.addi %scan3A, %scan3A_5 : i32
    %scan3A_7 = arith.constant 1 : i32
    scf.for %scan3A_19 = %scan3A to %scan3A_6 step %scan3A_7  : i32 {
      %mul3A_20 = arith.constant 1 : i32
      %mul3A_21 = arith.muli %scan3A_19, %mul3A_20 : i32
      %add3A_22 = arith.constant 0 : i32
      %add3A_23 = arith.addi %add3A_22, %mul3A_21 : i32
      %dma_start3A = arith.constant 0 : i32
      %dma_start3A_24 = tpu.memref_slice %arg7[%dma_start3A] : memref<100xf32, #tpu.memory_space<vmem>> -> memref<100xf32, #tpu.memory_space<vmem>>
      %dma_start3A_25 = arith.constant 0 : i32
      %dma_start3A_26 = tpu.memref_slice %arg6[%add3A_23, %dma_start3A_25] : memref<100x100xi32, #tpu.memory_space<vmem>> -> memref<1x100xi32, #tpu.memory_space<vmem>>
      %dma_start3A_27 = tpu.memref_squeeze %dma_start3A_26 : memref<1x100xi32, #tpu.memory_space<vmem>> -> memref<100xi32, #tpu.memory_space<vmem>>
      %dma_start3A_28 = arith.constant 0 : i32
      %dma_start3A_29 = tpu.memref_slice %arg9[%dma_start3A_28] : memref<10000xf32, #tpu.memory_space<vmem_shared>> -> memref<10000xf32, #tpu.memory_space<vmem_shared>>
      tpu.enqueue_indirect_dma source(%dma_start3A_24 : memref<100xf32, #tpu.memory_space<vmem>>) target(%dma_start3A_29 : memref<10000xf32, #tpu.memory_space<vmem_shared>>) offsets(%dma_start3A_27 : memref<100xi32, #tpu.memory_space<vmem>>) semaphore(%arg10 : memref<!tpu.dma_semaphore, #tpu.memory_space<semaphore_mem>>) {add = true}
    }
    %scan3A_8 = arith.constant 100 : i32
    %scan3A_9 = arith.constant 0 : i32
    %scan3A_10 = arith.constant 100 : i32
    %scan3A_11 = arith.addi %scan3A_9, %scan3A_10 : i32
    %scan3A_12 = arith.constant 1 : i32
    scf.for %scan3A_19 = %scan3A_9 to %scan3A_11 step %scan3A_12  : i32 {
      %mul3A_20 = arith.constant 1 : i32
      %mul3A_21 = arith.muli %scan3A_19, %mul3A_20 : i32
      %add3A_22 = arith.constant 0 : i32
      %add3A_23 = arith.addi %add3A_22, %mul3A_21 : i32
      %dma_wait3A = arith.constant 0 : i32
      %dma_wait3A_24 = arith.constant 0 : i32
      %dma_wait3A_25 = tpu.memref_slice %arg7[%dma_wait3A_24] : memref<100xf32, #tpu.memory_space<vmem>> -> memref<100xf32, #tpu.memory_space<vmem>>
      %dma_wait3A_26 = arith.constant 0 : i32
      %dma_wait3A_27 = tpu.memref_slice %arg6[%dma_wait3A, %dma_wait3A_26] : memref<100x100xi32, #tpu.memory_space<vmem>> -> memref<1x100xi32, #tpu.memory_space<vmem>>
      %dma_wait3A_28 = tpu.memref_squeeze %dma_wait3A_27 : memref<1x100xi32, #tpu.memory_space<vmem>> -> memref<100xi32, #tpu.memory_space<vmem>>
      %dma_wait3A_29 = arith.constant 0 : i32
      %dma_wait3A_30 = tpu.memref_slice %arg9[%dma_wait3A_29] : memref<10000xf32, #tpu.memory_space<vmem_shared>> -> memref<10000xf32, #tpu.memory_space<vmem_shared>>
      tpu.wait_indirect_dma semaphore(%arg10 : memref<!tpu.dma_semaphore, #tpu.memory_space<semaphore_mem>>) src(%dma_wait3A_25 : memref<100xf32, #tpu.memory_space<vmem>>) dst(%dma_wait3A_30 : memref<10000xf32, #tpu.memory_space<vmem_shared>>)
    }
    %scan3A_13 = arith.constant 100 : i32
    %barrier3A_14 = arith.constant 0 : index
    tpu.barrier barrier_id(%barrier3A_14)
    %eq3A = arith.constant 0 : i32
    %eq3A_15 = arith.cmpi eq, %arg1, %eq3A : i32
    %convert_element_type3A_16 = arith.extui %eq3A_15 : i1 to i32
    %cond3A_17 = arith.constant 0 : i32
    %cond3A_18 = arith.cmpi ne, %convert_element_type3A_16, %cond3A_17 : i32
    scf.if %cond3A_18 {
      "tpu.region"() ({
        %run_scoped3A = tpu.sem_alloc : memref<!tpu.dma_semaphore, #tpu.memory_space<semaphore_mem>>
        tpu.enqueue_dma source(%arg9 : memref<10000xf32, #tpu.memory_space<vmem_shared>>) target(%arg8 : memref<10000xf32, #tpu.memory_space<vmem>>) target_semaphore(%run_scoped3A : memref<!tpu.dma_semaphore, #tpu.memory_space<semaphore_mem>>)
        tpu.wait_dma2 semaphore(%run_scoped3A : memref<!tpu.dma_semaphore, #tpu.memory_space<semaphore_mem>>) src(%arg9 : memref<10000xf32, #tpu.memory_space<vmem_shared>>) dst(%arg8 : memref<10000xf32, #tpu.memory_space<vmem>>)
        tpu.yield
      }) : () -> ()
      %mul3A_19 = arith.constant 10240 : i32
      %mul3A_20 = arith.muli %arg0, %mul3A_19 : i32
      "tpu.region"() ({
        %run_scoped3A = tpu.sem_alloc : memref<!tpu.dma_semaphore, #tpu.memory_space<semaphore_mem>>
        %dma_start3A = tpu.memref_slice %arg5[%mul3A_20] : memref<20480xf32, #tpu.memory_space<hbm>> -> memref<10000xf32, #tpu.memory_space<hbm>>
        %dma_start3A_21 = tpu.memref_slice %arg5[%mul3A_20] : memref<20480xf32, #tpu.memory_space<hbm>> -> memref<10000xf32, #tpu.memory_space<hbm>>
        tpu.enqueue_dma source(%arg8 : memref<10000xf32, #tpu.memory_space<vmem>>) target(%dma_start3A_21 : memref<10000xf32, #tpu.memory_space<hbm>>) target_semaphore(%run_scoped3A : memref<!tpu.dma_semaphore, #tpu.memory_space<semaphore_mem>>)
        %dma_wait3A = tpu.memref_slice %arg5[%mul3A_20] : memref<20480xf32, #tpu.memory_space<hbm>> -> memref<10000xf32, #tpu.memory_space<hbm>>
        %dma_wait3A_22 = tpu.memref_slice %arg5[%mul3A_20] : memref<20480xf32, #tpu.memory_space<hbm>> -> memref<10000xf32, #tpu.memory_space<hbm>>
        tpu.wait_dma2 semaphore(%run_scoped3A : memref<!tpu.dma_semaphore, #tpu.memory_space<semaphore_mem>>) src(%arg8 : memref<10000xf32, #tpu.memory_space<vmem>>) dst(%dma_wait3A_22 : memref<10000xf32, #tpu.memory_space<hbm>>)
        tpu.yield
      }) : () -> ()
    } else {
    }
    return
  }
}

#map = affine_map<(d0, d1) -> (0, 0, 0)>
#map1 = affine_map<(d0, d1) -> (0, 0)>
module attributes {stable_mosaic.version = 14 : i64} {
  func.func @_agg_body(%arg0: i32, %arg1: i32, %arg2: memref<2x10000x64xf32, #tpu.memory_space<hbm>>, %arg3: memref<3200x100xi32, #tpu.memory_space<hbm>>, %arg4: memref<3200x100xi32, #tpu.memory_space<hbm>>, %arg5: memref<200x64xf32, #tpu.memory_space<hbm>>, %arg6: memref<2x10000x64xf32, #tpu.memory_space<hbm>>, %arg7: memref<200x100xi32, #tpu.memory_space<vmem>>, %arg8: memref<200x100xi32, #tpu.memory_space<vmem>>, %arg9: memref<5x100x64xf32, #tpu.memory_space<vmem>>, %arg10: memref<200x64xf32, #tpu.memory_space<vmem>>, %arg11: memref<10000x64xf32, #tpu.memory_space<vmem_shared>>, %arg12: memref<!tpu.dma_semaphore, #tpu.memory_space<semaphore_mem>>, %arg13: memref<!tpu.dma_semaphore, #tpu.memory_space<semaphore_mem>>, %arg14: memref<!tpu.dma_semaphore, #tpu.memory_space<semaphore_mem>>, %arg15: memref<!tpu.dma_semaphore, #tpu.memory_space<semaphore_mem>>, %arg16: memref<!tpu.dma_semaphore, #tpu.memory_space<semaphore_mem>>, %arg17: memref<!tpu.dma_semaphore, #tpu.memory_space<semaphore_mem>>, %arg18: memref<!tpu.dma_semaphore, #tpu.memory_space<semaphore_mem>>, %arg19: memref<!tpu.dma_semaphore, #tpu.memory_space<semaphore_mem>>, %arg20: memref<!tpu.dma_semaphore, #tpu.memory_space<semaphore_mem>>, %arg21: memref<!tpu.dma_semaphore, #tpu.memory_space<semaphore_mem>>) attributes {dimension_semantics = [#tpu.dimension_semantics<core_parallel>, #tpu.dimension_semantics<subcore_parallel>], iteration_bounds = array<i64: 2, 16>, scalar_prefetch = 0 : i64, scratch_operands = 15 : i64, tpu.core_type = #tpu.core_type<sc_vector_subcore>, window_params = [{transform_indices = #map}, {transform_indices = #map1}, {transform_indices = #map1}, {transform_indices = #map1}, {transform_indices = #map}]} {
    %mul3A = arith.constant 200 : i32
    %mul3A_0 = arith.muli %arg1, %mul3A : i32
    "tpu.region"() ({
      %run_scoped3A = tpu.sem_alloc : memref<!tpu.dma_semaphore, #tpu.memory_space<semaphore_mem>>
      %dma_start3A = arith.constant 0 : i32
      %dma_start3A_28 = tpu.memref_slice %arg3[%mul3A_0, %dma_start3A] : memref<3200x100xi32, #tpu.memory_space<hbm>> -> memref<200x100xi32, #tpu.memory_space<hbm>>
      %dma_start3A_29 = arith.constant 0 : i32
      %dma_start3A_30 = tpu.memref_slice %arg3[%mul3A_0, %dma_start3A_29] : memref<3200x100xi32, #tpu.memory_space<hbm>> -> memref<200x100xi32, #tpu.memory_space<hbm>>
      tpu.enqueue_dma source(%dma_start3A_30 : memref<200x100xi32, #tpu.memory_space<hbm>>) target(%arg7 : memref<200x100xi32, #tpu.memory_space<vmem>>) target_semaphore(%run_scoped3A : memref<!tpu.dma_semaphore, #tpu.memory_space<semaphore_mem>>)
      %dma_wait3A = arith.constant 0 : i32
      %dma_wait3A_31 = tpu.memref_slice %arg3[%mul3A_0, %dma_wait3A] : memref<3200x100xi32, #tpu.memory_space<hbm>> -> memref<200x100xi32, #tpu.memory_space<hbm>>
      %dma_wait3A_32 = arith.constant 0 : i32
      %dma_wait3A_33 = tpu.memref_slice %arg3[%mul3A_0, %dma_wait3A_32] : memref<3200x100xi32, #tpu.memory_space<hbm>> -> memref<200x100xi32, #tpu.memory_space<hbm>>
      tpu.wait_dma2 semaphore(%run_scoped3A : memref<!tpu.dma_semaphore, #tpu.memory_space<semaphore_mem>>) src(%dma_wait3A_33 : memref<200x100xi32, #tpu.memory_space<hbm>>) dst(%arg7 : memref<200x100xi32, #tpu.memory_space<vmem>>)
      tpu.yield
    }) : () -> ()
    "tpu.region"() ({
      %run_scoped3A = tpu.sem_alloc : memref<!tpu.dma_semaphore, #tpu.memory_space<semaphore_mem>>
      %dma_start3A = arith.constant 0 : i32
      %dma_start3A_28 = tpu.memref_slice %arg4[%mul3A_0, %dma_start3A] : memref<3200x100xi32, #tpu.memory_space<hbm>> -> memref<200x100xi32, #tpu.memory_space<hbm>>
      %dma_start3A_29 = arith.constant 0 : i32
      %dma_start3A_30 = tpu.memref_slice %arg4[%mul3A_0, %dma_start3A_29] : memref<3200x100xi32, #tpu.memory_space<hbm>> -> memref<200x100xi32, #tpu.memory_space<hbm>>
      tpu.enqueue_dma source(%dma_start3A_30 : memref<200x100xi32, #tpu.memory_space<hbm>>) target(%arg8 : memref<200x100xi32, #tpu.memory_space<vmem>>) target_semaphore(%run_scoped3A : memref<!tpu.dma_semaphore, #tpu.memory_space<semaphore_mem>>)
      %dma_wait3A = arith.constant 0 : i32
      %dma_wait3A_31 = tpu.memref_slice %arg4[%mul3A_0, %dma_wait3A] : memref<3200x100xi32, #tpu.memory_space<hbm>> -> memref<200x100xi32, #tpu.memory_space<hbm>>
      %dma_wait3A_32 = arith.constant 0 : i32
      %dma_wait3A_33 = tpu.memref_slice %arg4[%mul3A_0, %dma_wait3A_32] : memref<3200x100xi32, #tpu.memory_space<hbm>> -> memref<200x100xi32, #tpu.memory_space<hbm>>
      tpu.wait_dma2 semaphore(%run_scoped3A : memref<!tpu.dma_semaphore, #tpu.memory_space<semaphore_mem>>) src(%dma_wait3A_33 : memref<200x100xi32, #tpu.memory_space<hbm>>) dst(%arg8 : memref<200x100xi32, #tpu.memory_space<vmem>>)
      tpu.yield
    }) : () -> ()
    "tpu.region"() ({
      %run_scoped3A = tpu.sem_alloc : memref<!tpu.dma_semaphore, #tpu.memory_space<semaphore_mem>>
      tpu.enqueue_dma source(%arg5 : memref<200x64xf32, #tpu.memory_space<hbm>>) target(%arg10 : memref<200x64xf32, #tpu.memory_space<vmem>>) target_semaphore(%run_scoped3A : memref<!tpu.dma_semaphore, #tpu.memory_space<semaphore_mem>>)
      tpu.wait_dma2 semaphore(%run_scoped3A : memref<!tpu.dma_semaphore, #tpu.memory_space<semaphore_mem>>) src(%arg5 : memref<200x64xf32, #tpu.memory_space<hbm>>) dst(%arg10 : memref<200x64xf32, #tpu.memory_space<vmem>>)
      tpu.yield
    }) : () -> ()
    %scan3A = arith.constant 0 : i32
    %scan3A_1 = arith.constant 5 : i32
    %scan3A_2 = arith.addi %scan3A, %scan3A_1 : i32
    %scan3A_3 = arith.constant 1 : i32
    scf.for %scan3A_28 = %scan3A to %scan3A_2 step %scan3A_3  : i32 {
      %mul3A_29 = arith.constant 1 : i32
      %mul3A_30 = arith.muli %scan3A_28, %mul3A_29 : i32
      %add3A = arith.constant 0 : i32
      %add3A_31 = arith.addi %add3A, %mul3A_30 : i32
      %mul3A_32 = arith.constant 625 : i32
      %mul3A_33 = arith.muli %arg1, %mul3A_32 : i32
      %mul3A_34 = arith.constant 125 : i32
      %mul3A_35 = arith.muli %add3A_31, %mul3A_34 : i32
      %add3A_36 = arith.addi %mul3A_33, %mul3A_35 : i32
      "tpu.region"() ({
        %run_scoped3A = tpu.sem_alloc : memref<!tpu.dma_semaphore, #tpu.memory_space<semaphore_mem>>
        %dma_start3A = arith.constant 0 : i32
        %dma_start3A_37 = arith.constant 0 : i32
        %dma_start3A_38 = tpu.memref_slice %arg10[%dma_start3A, %dma_start3A_37] : memref<200x64xf32, #tpu.memory_space<vmem>> -> memref<125x64xf32, #tpu.memory_space<vmem>>
        %dma_start3A_39 = arith.constant 0 : i32
        %dma_start3A_40 = tpu.memref_slice %arg11[%add3A_36, %dma_start3A_39] : memref<10000x64xf32, #tpu.memory_space<vmem_shared>> -> memref<125x64xf32, #tpu.memory_space<vmem_shared>>
        %dma_start3A_41 = arith.constant 0 : i32
        %dma_start3A_42 = tpu.memref_slice %arg11[%add3A_36, %dma_start3A_41] : memref<10000x64xf32, #tpu.memory_space<vmem_shared>> -> memref<125x64xf32, #tpu.memory_space<vmem_shared>>
        %dma_start3A_43 = arith.constant 0 : i32
        %dma_start3A_44 = arith.constant 0 : i32
        %dma_start3A_45 = tpu.memref_slice %arg10[%dma_start3A_43, %dma_start3A_44] : memref<200x64xf32, #tpu.memory_space<vmem>> -> memref<125x64xf32, #tpu.memory_space<vmem>>
        tpu.enqueue_dma source(%dma_start3A_45 : memref<125x64xf32, #tpu.memory_space<vmem>>) target(%dma_start3A_42 : memref<125x64xf32, #tpu.memory_space<vmem_shared>>) target_semaphore(%run_scoped3A : memref<!tpu.dma_semaphore, #tpu.memory_space<semaphore_mem>>)
        %dma_wait3A = arith.constant 0 : i32
        %dma_wait3A_46 = arith.constant 0 : i32
        %dma_wait3A_47 = tpu.memref_slice %arg10[%dma_wait3A, %dma_wait3A_46] : memref<200x64xf32, #tpu.memory_space<vmem>> -> memref<125x64xf32, #tpu.memory_space<vmem>>
        %dma_wait3A_48 = arith.constant 0 : i32
        %dma_wait3A_49 = tpu.memref_slice %arg11[%add3A_36, %dma_wait3A_48] : memref<10000x64xf32, #tpu.memory_space<vmem_shared>> -> memref<125x64xf32, #tpu.memory_space<vmem_shared>>
        %dma_wait3A_50 = arith.constant 0 : i32
        %dma_wait3A_51 = tpu.memref_slice %arg11[%add3A_36, %dma_wait3A_50] : memref<10000x64xf32, #tpu.memory_space<vmem_shared>> -> memref<125x64xf32, #tpu.memory_space<vmem_shared>>
        %dma_wait3A_52 = arith.constant 0 : i32
        %dma_wait3A_53 = arith.constant 0 : i32
        %dma_wait3A_54 = tpu.memref_slice %arg10[%dma_wait3A_52, %dma_wait3A_53] : memref<200x64xf32, #tpu.memory_space<vmem>> -> memref<125x64xf32, #tpu.memory_space<vmem>>
        tpu.wait_dma2 semaphore(%run_scoped3A : memref<!tpu.dma_semaphore, #tpu.memory_space<semaphore_mem>>) src(%dma_wait3A_54 : memref<125x64xf32, #tpu.memory_space<vmem>>) dst(%dma_wait3A_51 : memref<125x64xf32, #tpu.memory_space<vmem_shared>>)
        tpu.yield
      }) : () -> ()
    }
    %scan3A_4 = arith.constant 5 : i32
    %eq3A = arith.constant 0 : i32
    %eq3A_5 = arith.cmpi eq, %arg0, %eq3A : i32
    %convert_element_type3A = arith.extui %eq3A_5 : i1 to i32
    %cond3A = arith.constant 0 : i32
    %cond3A_6 = arith.cmpi ne, %convert_element_type3A, %cond3A : i32
    scf.if %cond3A_6 {
      %dma_start3A = arith.constant 0 : i32
      %dma_start3A_28 = arith.constant 0 : i32
      %dma_start3A_29 = arith.constant 0 : i32
      %dma_start3A_30 = arith.constant 0 : i32
      %dma_start3A_31 = arith.constant 0 : i32
      %dma_start3A_32 = tpu.memref_slice %arg9[%dma_start3A_29, %dma_start3A_30, %dma_start3A_31] : memref<5x100x64xf32, #tpu.memory_space<vmem>> -> memref<1x100x64xf32, #tpu.memory_space<vmem>>
      %dma_start3A_33 = tpu.memref_squeeze %dma_start3A_32 : memref<1x100x64xf32, #tpu.memory_space<vmem>> -> memref<100x64xf32, #tpu.memory_space<vmem>>
      %dma_start3A_34 = arith.constant 0 : i32
      %dma_start3A_35 = tpu.memref_slice %arg7[%dma_start3A_28, %dma_start3A_34] : memref<200x100xi32, #tpu.memory_space<vmem>> -> memref<1x100xi32, #tpu.memory_space<vmem>>
      %dma_start3A_36 = tpu.memref_squeeze %dma_start3A_35 : memref<1x100xi32, #tpu.memory_space<vmem>> -> memref<100xi32, #tpu.memory_space<vmem>>
      %dma_start3A_37 = arith.constant 0 : i32
      %dma_start3A_38 = arith.constant 0 : i32
      %dma_start3A_39 = tpu.memref_slice %arg2[%dma_start3A, %dma_start3A_37, %dma_start3A_38] : memref<2x10000x64xf32, #tpu.memory_space<hbm>> -> memref<1x10000x64xf32, #tpu.memory_space<hbm>>
      %dma_start3A_40 = tpu.memref_squeeze %dma_start3A_39 : memref<1x10000x64xf32, #tpu.memory_space<hbm>> -> memref<10000x64xf32, #tpu.memory_space<hbm>>
      %dma_start3A_41 = arith.constant 0 : i32
      %dma_start3A_42 = arith.constant 0 : i32
      %dma_start3A_43 = tpu.memref_slice %dma_start3A_40[%dma_start3A_41, %dma_start3A_42] : memref<10000x64xf32, #tpu.memory_space<hbm>> -> memref<10000x64xf32, #tpu.memory_space<hbm>>
      tpu.enqueue_indirect_dma source(%dma_start3A_43 : memref<10000x64xf32, #tpu.memory_space<hbm>>) target(%dma_start3A_33 : memref<100x64xf32, #tpu.memory_space<vmem>>) offsets(%dma_start3A_36 : memref<100xi32, #tpu.memory_space<vmem>>) semaphore(%arg12 : memref<!tpu.dma_semaphore, #tpu.memory_space<semaphore_mem>>)
      %dma_start3A_44 = arith.constant 0 : i32
      %dma_start3A_45 = arith.constant 1 : i32
      %dma_start3A_46 = arith.constant 1 : i32
      %dma_start3A_47 = arith.constant 0 : i32
      %dma_start3A_48 = arith.constant 0 : i32
      %dma_start3A_49 = tpu.memref_slice %arg9[%dma_start3A_46, %dma_start3A_47, %dma_start3A_48] : memref<5x100x64xf32, #tpu.memory_space<vmem>> -> memref<1x100x64xf32, #tpu.memory_space<vmem>>
      %dma_start3A_50 = tpu.memref_squeeze %dma_start3A_49 : memref<1x100x64xf32, #tpu.memory_space<vmem>> -> memref<100x64xf32, #tpu.memory_space<vmem>>
      %dma_start3A_51 = arith.constant 0 : i32
      %dma_start3A_52 = tpu.memref_slice %arg7[%dma_start3A_45, %dma_start3A_51] : memref<200x100xi32, #tpu.memory_space<vmem>> -> memref<1x100xi32, #tpu.memory_space<vmem>>
      %dma_start3A_53 = tpu.memref_squeeze %dma_start3A_52 : memref<1x100xi32, #tpu.memory_space<vmem>> -> memref<100xi32, #tpu.memory_space<vmem>>
      %dma_start3A_54 = arith.constant 0 : i32
      %dma_start3A_55 = arith.constant 0 : i32
      %dma_start3A_56 = tpu.memref_slice %arg2[%dma_start3A_44, %dma_start3A_54, %dma_start3A_55] : memref<2x10000x64xf32, #tpu.memory_space<hbm>> -> memref<1x10000x64xf32, #tpu.memory_space<hbm>>
      %dma_start3A_57 = tpu.memref_squeeze %dma_start3A_56 : memref<1x10000x64xf32, #tpu.memory_space<hbm>> -> memref<10000x64xf32, #tpu.memory_space<hbm>>
      %dma_start3A_58 = arith.constant 0 : i32
      %dma_start3A_59 = arith.constant 0 : i32
      %dma_start3A_60 = tpu.memref_slice %dma_start3A_57[%dma_start3A_58, %dma_start3A_59] : memref<10000x64xf32, #tpu.memory_space<hbm>> -> memref<10000x64xf32, #tpu.memory_space<hbm>>
      tpu.enqueue_indirect_dma source(%dma_start3A_60 : memref<10000x64xf32, #tpu.memory_space<hbm>>) target(%dma_start3A_50 : memref<100x64xf32, #tpu.memory_space<vmem>>) offsets(%dma_start3A_53 : memref<100xi32, #tpu.memory_space<vmem>>) semaphore(%arg13 : memref<!tpu.dma_semaphore, #tpu.memory_space<semaphore_mem>>)
    } else {
    }
    %eq3A_7 = arith.constant 1 : i32
    %eq3A_8 = arith.cmpi eq, %arg0, %eq3A_7 : i32
    %convert_element_type3A_9 = arith.extui %eq3A_8 : i1 to i32
    %cond3A_10 = arith.constant 0 : i32
    %cond3A_11 = arith.cmpi ne, %convert_element_type3A_9, %cond3A_10 : i32
    scf.if %cond3A_11 {
      %dma_start3A = arith.constant 1 : i32
      %dma_start3A_28 = arith.constant 0 : i32
      %dma_start3A_29 = arith.constant 0 : i32
      %dma_start3A_30 = arith.constant 0 : i32
      %dma_start3A_31 = arith.constant 0 : i32
      %dma_start3A_32 = tpu.memref_slice %arg9[%dma_start3A_29, %dma_start3A_30, %dma_start3A_31] : memref<5x100x64xf32, #tpu.memory_space<vmem>> -> memref<1x100x64xf32, #tpu.memory_space<vmem>>
      %dma_start3A_33 = tpu.memref_squeeze %dma_start3A_32 : memref<1x100x64xf32, #tpu.memory_space<vmem>> -> memref<100x64xf32, #tpu.memory_space<vmem>>
      %dma_start3A_34 = arith.constant 0 : i32
      %dma_start3A_35 = tpu.memref_slice %arg7[%dma_start3A_28, %dma_start3A_34] : memref<200x100xi32, #tpu.memory_space<vmem>> -> memref<1x100xi32, #tpu.memory_space<vmem>>
      %dma_start3A_36 = tpu.memref_squeeze %dma_start3A_35 : memref<1x100xi32, #tpu.memory_space<vmem>> -> memref<100xi32, #tpu.memory_space<vmem>>
      %dma_start3A_37 = arith.constant 0 : i32
      %dma_start3A_38 = arith.constant 0 : i32
      %dma_start3A_39 = tpu.memref_slice %arg2[%dma_start3A, %dma_start3A_37, %dma_start3A_38] : memref<2x10000x64xf32, #tpu.memory_space<hbm>> -> memref<1x10000x64xf32, #tpu.memory_space<hbm>>
      %dma_start3A_40 = tpu.memref_squeeze %dma_start3A_39 : memref<1x10000x64xf32, #tpu.memory_space<hbm>> -> memref<10000x64xf32, #tpu.memory_space<hbm>>
      %dma_start3A_41 = arith.constant 0 : i32
      %dma_start3A_42 = arith.constant 0 : i32
      %dma_start3A_43 = tpu.memref_slice %dma_start3A_40[%dma_start3A_41, %dma_start3A_42] : memref<10000x64xf32, #tpu.memory_space<hbm>> -> memref<10000x64xf32, #tpu.memory_space<hbm>>
      tpu.enqueue_indirect_dma source(%dma_start3A_43 : memref<10000x64xf32, #tpu.memory_space<hbm>>) target(%dma_start3A_33 : memref<100x64xf32, #tpu.memory_space<vmem>>) offsets(%dma_start3A_36 : memref<100xi32, #tpu.memory_space<vmem>>) semaphore(%arg12 : memref<!tpu.dma_semaphore, #tpu.memory_space<semaphore_mem>>)
      %dma_start3A_44 = arith.constant 1 : i32
      %dma_start3A_45 = arith.constant 1 : i32
      %dma_start3A_46 = arith.constant 1 : i32
      %dma_start3A_47 = arith.constant 0 : i32
      %dma_start3A_48 = arith.constant 0 : i32
      %dma_start3A_49 = tpu.memref_slice %arg9[%dma_start3A_46, %dma_start3A_47, %dma_start3A_48] : memref<5x100x64xf32, #tpu.memory_space<vmem>> -> memref<1x100x64xf32, #tpu.memory_space<vmem>>
      %dma_start3A_50 = tpu.memref_squeeze %dma_start3A_49 : memref<1x100x64xf32, #tpu.memory_space<vmem>> -> memref<100x64xf32, #tpu.memory_space<vmem>>
      %dma_start3A_51 = arith.constant 0 : i32
      %dma_start3A_52 = tpu.memref_slice %arg7[%dma_start3A_45, %dma_start3A_51] : memref<200x100xi32, #tpu.memory_space<vmem>> -> memref<1x100xi32, #tpu.memory_space<vmem>>
      %dma_start3A_53 = tpu.memref_squeeze %dma_start3A_52 : memref<1x100xi32, #tpu.memory_space<vmem>> -> memref<100xi32, #tpu.memory_space<vmem>>
      %dma_start3A_54 = arith.constant 0 : i32
      %dma_start3A_55 = arith.constant 0 : i32
      %dma_start3A_56 = tpu.memref_slice %arg2[%dma_start3A_44, %dma_start3A_54, %dma_start3A_55] : memref<2x10000x64xf32, #tpu.memory_space<hbm>> -> memref<1x10000x64xf32, #tpu.memory_space<hbm>>
      %dma_start3A_57 = tpu.memref_squeeze %dma_start3A_56 : memref<1x10000x64xf32, #tpu.memory_space<hbm>> -> memref<10000x64xf32, #tpu.memory_space<hbm>>
      %dma_start3A_58 = arith.constant 0 : i32
      %dma_start3A_59 = arith.constant 0 : i32
      %dma_start3A_60 = tpu.memref_slice %dma_start3A_57[%dma_start3A_58, %dma_start3A_59] : memref<10000x64xf32, #tpu.memory_space<hbm>> -> memref<10000x64xf32, #tpu.memory_space<hbm>>
      tpu.enqueue_indirect_dma source(%dma_start3A_60 : memref<10000x64xf32, #tpu.memory_space<hbm>>) target(%dma_start3A_50 : memref<100x64xf32, #tpu.memory_space<vmem>>) offsets(%dma_start3A_53 : memref<100xi32, #tpu.memory_space<vmem>>) semaphore(%arg13 : memref<!tpu.dma_semaphore, #tpu.memory_space<semaphore_mem>>)
    } else {
    }
    %barrier3A = arith.constant 0 : index
    tpu.barrier barrier_id(%barrier3A)
    %eq3A_12 = arith.constant 0 : i32
    %eq3A_13 = arith.cmpi eq, %arg0, %eq3A_12 : i32
    %convert_element_type3A_14 = arith.extui %eq3A_13 : i1 to i32
    %cond3A_15 = arith.constant 0 : i32
    %cond3A_16 = arith.cmpi ne, %convert_element_type3A_14, %cond3A_15 : i32
    scf.if %cond3A_16 {
      %scan3A_28 = arith.constant 0 : i32
      %scan3A_29 = arith.constant 0 : i32
      %scan3A_30 = arith.constant 40 : i32
      %scan3A_31 = arith.addi %scan3A_29, %scan3A_30 : i32
      %scan3A_32 = arith.constant 1 : i32
      scf.for %scan3A_69 = %scan3A_29 to %scan3A_31 step %scan3A_32  : i32 {
        %mul3A_70 = arith.constant 5 : i32
        %mul3A_71 = arith.muli %scan3A_69, %mul3A_70 : i32
        %add3A = arith.constant 0 : i32
        %add3A_72 = arith.addi %add3A, %mul3A_71 : i32
        %add3A_73 = arith.constant 0 : i32
        %add3A_74 = arith.addi %add3A_72, %add3A_73 : i32
        %dma_wait3A_75 = arith.constant 0 : i32
        %dma_wait3A_76 = arith.constant 0 : i32
        %dma_wait3A_77 = arith.constant 0 : i32
        %dma_wait3A_78 = tpu.memref_slice %arg9[%dma_wait3A_75, %dma_wait3A_76, %dma_wait3A_77] : memref<5x100x64xf32, #tpu.memory_space<vmem>> -> memref<1x100x64xf32, #tpu.memory_space<vmem>>
        %dma_wait3A_79 = tpu.memref_squeeze %dma_wait3A_78 : memref<1x100x64xf32, #tpu.memory_space<vmem>> -> memref<100x64xf32, #tpu.memory_space<vmem>>
        %dma_wait3A_80 = arith.constant 0 : i32
        %dma_wait3A_81 = tpu.memref_slice %arg7[%add3A_74, %dma_wait3A_80] : memref<200x100xi32, #tpu.memory_space<vmem>> -> memref<1x100xi32, #tpu.memory_space<vmem>>
        %dma_wait3A_82 = tpu.memref_squeeze %dma_wait3A_81 : memref<1x100xi32, #tpu.memory_space<vmem>> -> memref<100xi32, #tpu.memory_space<vmem>>
        %dma_wait3A_83 = arith.constant 0 : i32
        %dma_wait3A_84 = arith.constant 0 : i32
        %dma_wait3A_85 = tpu.memref_slice %arg2[%scan3A_28, %dma_wait3A_83, %dma_wait3A_84] : memref<2x10000x64xf32, #tpu.memory_space<hbm>> -> memref<1x10000x64xf32, #tpu.memory_space<hbm>>
        %dma_wait3A_86 = tpu.memref_squeeze %dma_wait3A_85 : memref<1x10000x64xf32, #tpu.memory_space<hbm>> -> memref<10000x64xf32, #tpu.memory_space<hbm>>
        %dma_wait3A_87 = arith.constant 0 : i32
        %dma_wait3A_88 = arith.constant 0 : i32
        %dma_wait3A_89 = tpu.memref_slice %dma_wait3A_86[%dma_wait3A_87, %dma_wait3A_88] : memref<10000x64xf32, #tpu.memory_space<hbm>> -> memref<10000x64xf32, #tpu.memory_space<hbm>>
        tpu.wait_indirect_dma semaphore(%arg12 : memref<!tpu.dma_semaphore, #tpu.memory_space<semaphore_mem>>) src(%dma_wait3A_89 : memref<10000x64xf32, #tpu.memory_space<hbm>>) dst(%dma_wait3A_79 : memref<100x64xf32, #tpu.memory_space<vmem>>)
        %dma_start3A = arith.constant 0 : i32
        %dma_start3A_90 = arith.constant 0 : i32
        %dma_start3A_91 = arith.constant 0 : i32
        %dma_start3A_92 = tpu.memref_slice %arg9[%dma_start3A, %dma_start3A_90, %dma_start3A_91] : memref<5x100x64xf32, #tpu.memory_space<vmem>> -> memref<1x100x64xf32, #tpu.memory_space<vmem>>
        %dma_start3A_93 = tpu.memref_squeeze %dma_start3A_92 : memref<1x100x64xf32, #tpu.memory_space<vmem>> -> memref<100x64xf32, #tpu.memory_space<vmem>>
        %dma_start3A_94 = arith.constant 0 : i32
        %dma_start3A_95 = tpu.memref_slice %arg8[%add3A_74, %dma_start3A_94] : memref<200x100xi32, #tpu.memory_space<vmem>> -> memref<1x100xi32, #tpu.memory_space<vmem>>
        %dma_start3A_96 = tpu.memref_squeeze %dma_start3A_95 : memref<1x100xi32, #tpu.memory_space<vmem>> -> memref<100xi32, #tpu.memory_space<vmem>>
        %dma_start3A_97 = arith.constant 0 : i32
        %dma_start3A_98 = arith.constant 0 : i32
        %dma_start3A_99 = tpu.memref_slice %arg11[%dma_start3A_97, %dma_start3A_98] : memref<10000x64xf32, #tpu.memory_space<vmem_shared>> -> memref<10000x64xf32, #tpu.memory_space<vmem_shared>>
        tpu.enqueue_indirect_dma source(%dma_start3A_93 : memref<100x64xf32, #tpu.memory_space<vmem>>) target(%dma_start3A_99 : memref<10000x64xf32, #tpu.memory_space<vmem_shared>>) offsets(%dma_start3A_96 : memref<100xi32, #tpu.memory_space<vmem>>) semaphore(%arg17 : memref<!tpu.dma_semaphore, #tpu.memory_space<semaphore_mem>>) {add = true}
        %ge3A = arith.constant 3 : i32
        %ge3A_100 = arith.cmpi sge, %add3A_74, %ge3A : i32
        %convert_element_type3A_101 = arith.extui %ge3A_100 : i1 to i32
        %cond3A_102 = arith.constant 0 : i32
        %cond3A_103 = arith.cmpi ne, %convert_element_type3A_101, %cond3A_102 : i32
        scf.if %cond3A_103 {
          %dma_wait3A_270 = arith.constant 2 : i32
          %dma_wait3A_271 = arith.constant 0 : i32
          %dma_wait3A_272 = arith.constant 0 : i32
          %dma_wait3A_273 = arith.constant 0 : i32
          %dma_wait3A_274 = tpu.memref_slice %arg9[%dma_wait3A_270, %dma_wait3A_272, %dma_wait3A_273] : memref<5x100x64xf32, #tpu.memory_space<vmem>> -> memref<1x100x64xf32, #tpu.memory_space<vmem>>
          %dma_wait3A_275 = tpu.memref_squeeze %dma_wait3A_274 : memref<1x100x64xf32, #tpu.memory_space<vmem>> -> memref<100x64xf32, #tpu.memory_space<vmem>>
          %dma_wait3A_276 = arith.constant 0 : i32
          %dma_wait3A_277 = tpu.memref_slice %arg8[%dma_wait3A_271, %dma_wait3A_276] : memref<200x100xi32, #tpu.memory_space<vmem>> -> memref<1x100xi32, #tpu.memory_space<vmem>>
          %dma_wait3A_278 = tpu.memref_squeeze %dma_wait3A_277 : memref<1x100xi32, #tpu.memory_space<vmem>> -> memref<100xi32, #tpu.memory_space<vmem>>
          %dma_wait3A_279 = arith.constant 0 : i32
          %dma_wait3A_280 = arith.constant 0 : i32
          %dma_wait3A_281 = tpu.memref_slice %arg11[%dma_wait3A_279, %dma_wait3A_280] : memref<10000x64xf32, #tpu.memory_space<vmem_shared>> -> memref<10000x64xf32, #tpu.memory_space<vmem_shared>>
          tpu.wait_indirect_dma semaphore(%arg19 : memref<!tpu.dma_semaphore, #tpu.memory_space<semaphore_mem>>) src(%dma_wait3A_275 : memref<100x64xf32, #tpu.memory_space<vmem>>) dst(%dma_wait3A_281 : memref<10000x64xf32, #tpu.memory_space<vmem_shared>>)
        } else {
        }
        %add3A_104 = arith.constant 2 : i32
        %add3A_105 = arith.addi %add3A_74, %add3A_104 : i32
        %lt3A = arith.constant 200 : i32
        %lt3A_106 = arith.cmpi slt, %add3A_105, %lt3A : i32
        %convert_element_type3A_107 = arith.extui %lt3A_106 : i1 to i32
        %cond3A_108 = arith.constant 0 : i32
        %cond3A_109 = arith.cmpi ne, %convert_element_type3A_107, %cond3A_108 : i32
        scf.if %cond3A_109 {
          %add3A_270 = arith.constant 2 : i32
          %add3A_271 = arith.addi %add3A_74, %add3A_270 : i32
          %dma_start3A_272 = arith.constant 2 : i32
          %dma_start3A_273 = arith.constant 0 : i32
          %dma_start3A_274 = arith.constant 0 : i32
          %dma_start3A_275 = tpu.memref_slice %arg9[%dma_start3A_272, %dma_start3A_273, %dma_start3A_274] : memref<5x100x64xf32, #tpu.memory_space<vmem>> -> memref<1x100x64xf32, #tpu.memory_space<vmem>>
          %dma_start3A_276 = tpu.memref_squeeze %dma_start3A_275 : memref<1x100x64xf32, #tpu.memory_space<vmem>> -> memref<100x64xf32, #tpu.memory_space<vmem>>
          %dma_start3A_277 = arith.constant 0 : i32
          %dma_start3A_278 = tpu.memref_slice %arg7[%add3A_271, %dma_start3A_277] : memref<200x100xi32, #tpu.memory_space<vmem>> -> memref<1x100xi32, #tpu.memory_space<vmem>>
          %dma_start3A_279 = tpu.memref_squeeze %dma_start3A_278 : memref<1x100xi32, #tpu.memory_space<vmem>> -> memref<100xi32, #tpu.memory_space<vmem>>
          %dma_start3A_280 = arith.constant 0 : i32
          %dma_start3A_281 = arith.constant 0 : i32
          %dma_start3A_282 = tpu.memref_slice %arg2[%scan3A_28, %dma_start3A_280, %dma_start3A_281] : memref<2x10000x64xf32, #tpu.memory_space<hbm>> -> memref<1x10000x64xf32, #tpu.memory_space<hbm>>
          %dma_start3A_283 = tpu.memref_squeeze %dma_start3A_282 : memref<1x10000x64xf32, #tpu.memory_space<hbm>> -> memref<10000x64xf32, #tpu.memory_space<hbm>>
          %dma_start3A_284 = arith.constant 0 : i32
          %dma_start3A_285 = arith.constant 0 : i32
          %dma_start3A_286 = tpu.memref_slice %dma_start3A_283[%dma_start3A_284, %dma_start3A_285] : memref<10000x64xf32, #tpu.memory_space<hbm>> -> memref<10000x64xf32, #tpu.memory_space<hbm>>
          tpu.enqueue_indirect_dma source(%dma_start3A_286 : memref<10000x64xf32, #tpu.memory_space<hbm>>) target(%dma_start3A_276 : memref<100x64xf32, #tpu.memory_space<vmem>>) offsets(%dma_start3A_279 : memref<100xi32, #tpu.memory_space<vmem>>) semaphore(%arg14 : memref<!tpu.dma_semaphore, #tpu.memory_space<semaphore_mem>>)
        } else {
        }
        %add3A_110 = arith.constant 1 : i32
        %add3A_111 = arith.addi %add3A_72, %add3A_110 : i32
        %dma_wait3A_112 = arith.constant 1 : i32
        %dma_wait3A_113 = arith.constant 0 : i32
        %dma_wait3A_114 = arith.constant 0 : i32
        %dma_wait3A_115 = tpu.memref_slice %arg9[%dma_wait3A_112, %dma_wait3A_113, %dma_wait3A_114] : memref<5x100x64xf32, #tpu.memory_space<vmem>> -> memref<1x100x64xf32, #tpu.memory_space<vmem>>
        %dma_wait3A_116 = tpu.memref_squeeze %dma_wait3A_115 : memref<1x100x64xf32, #tpu.memory_space<vmem>> -> memref<100x64xf32, #tpu.memory_space<vmem>>
        %dma_wait3A_117 = arith.constant 0 : i32
        %dma_wait3A_118 = tpu.memref_slice %arg7[%add3A_111, %dma_wait3A_117] : memref<200x100xi32, #tpu.memory_space<vmem>> -> memref<1x100xi32, #tpu.memory_space<vmem>>
        %dma_wait3A_119 = tpu.memref_squeeze %dma_wait3A_118 : memref<1x100xi32, #tpu.memory_space<vmem>> -> memref<100xi32, #tpu.memory_space<vmem>>
        %dma_wait3A_120 = arith.constant 0 : i32
        %dma_wait3A_121 = arith.constant 0 : i32
        %dma_wait3A_122 = tpu.memref_slice %arg2[%scan3A_28, %dma_wait3A_120, %dma_wait3A_121] : memref<2x10000x64xf32, #tpu.memory_space<hbm>> -> memref<1x10000x64xf32, #tpu.memory_space<hbm>>
        %dma_wait3A_123 = tpu.memref_squeeze %dma_wait3A_122 : memref<1x10000x64xf32, #tpu.memory_space<hbm>> -> memref<10000x64xf32, #tpu.memory_space<hbm>>
        %dma_wait3A_124 = arith.constant 0 : i32
        %dma_wait3A_125 = arith.constant 0 : i32
        %dma_wait3A_126 = tpu.memref_slice %dma_wait3A_123[%dma_wait3A_124, %dma_wait3A_125] : memref<10000x64xf32, #tpu.memory_space<hbm>> -> memref<10000x64xf32, #tpu.memory_space<hbm>>
        tpu.wait_indirect_dma semaphore(%arg13 : memref<!tpu.dma_semaphore, #tpu.memory_space<semaphore_mem>>) src(%dma_wait3A_126 : memref<10000x64xf32, #tpu.memory_space<hbm>>) dst(%dma_wait3A_116 : memref<100x64xf32, #tpu.memory_space<vmem>>)
        %dma_start3A_127 = arith.constant 1 : i32
        %dma_start3A_128 = arith.constant 0 : i32
        %dma_start3A_129 = arith.constant 0 : i32
        %dma_start3A_130 = tpu.memref_slice %arg9[%dma_start3A_127, %dma_start3A_128, %dma_start3A_129] : memref<5x100x64xf32, #tpu.memory_space<vmem>> -> memref<1x100x64xf32, #tpu.memory_space<vmem>>
        %dma_start3A_131 = tpu.memref_squeeze %dma_start3A_130 : memref<1x100x64xf32, #tpu.memory_space<vmem>> -> memref<100x64xf32, #tpu.memory_space<vmem>>
        %dma_start3A_132 = arith.constant 0 : i32
        %dma_start3A_133 = tpu.memref_slice %arg8[%add3A_111, %dma_start3A_132] : memref<200x100xi32, #tpu.memory_space<vmem>> -> memref<1x100xi32, #tpu.memory_space<vmem>>
        %dma_start3A_134 = tpu.memref_squeeze %dma_start3A_133 : memref<1x100xi32, #tpu.memory_space<vmem>> -> memref<100xi32, #tpu.memory_space<vmem>>
        %dma_start3A_135 = arith.constant 0 : i32
        %dma_start3A_136 = arith.constant 0 : i32
        %dma_start3A_137 = tpu.memref_slice %arg11[%dma_start3A_135, %dma_start3A_136] : memref<10000x64xf32, #tpu.memory_space<vmem_shared>> -> memref<10000x64xf32, #tpu.memory_space<vmem_shared>>
        tpu.enqueue_indirect_dma source(%dma_start3A_131 : memref<100x64xf32, #tpu.memory_space<vmem>>) target(%dma_start3A_137 : memref<10000x64xf32, #tpu.memory_space<vmem_shared>>) offsets(%dma_start3A_134 : memref<100xi32, #tpu.memory_space<vmem>>) semaphore(%arg18 : memref<!tpu.dma_semaphore, #tpu.memory_space<semaphore_mem>>) {add = true}
        %ge3A_138 = arith.constant 3 : i32
        %ge3A_139 = arith.cmpi sge, %add3A_111, %ge3A_138 : i32
        %convert_element_type3A_140 = arith.extui %ge3A_139 : i1 to i32
        %cond3A_141 = arith.constant 0 : i32
        %cond3A_142 = arith.cmpi ne, %convert_element_type3A_140, %cond3A_141 : i32
        scf.if %cond3A_142 {
          %dma_wait3A_270 = arith.constant 3 : i32
          %dma_wait3A_271 = arith.constant 0 : i32
          %dma_wait3A_272 = arith.constant 0 : i32
          %dma_wait3A_273 = arith.constant 0 : i32
          %dma_wait3A_274 = tpu.memref_slice %arg9[%dma_wait3A_270, %dma_wait3A_272, %dma_wait3A_273] : memref<5x100x64xf32, #tpu.memory_space<vmem>> -> memref<1x100x64xf32, #tpu.memory_space<vmem>>
          %dma_wait3A_275 = tpu.memref_squeeze %dma_wait3A_274 : memref<1x100x64xf32, #tpu.memory_space<vmem>> -> memref<100x64xf32, #tpu.memory_space<vmem>>
          %dma_wait3A_276 = arith.constant 0 : i32
          %dma_wait3A_277 = tpu.memref_slice %arg8[%dma_wait3A_271, %dma_wait3A_276] : memref<200x100xi32, #tpu.memory_space<vmem>> -> memref<1x100xi32, #tpu.memory_space<vmem>>
          %dma_wait3A_278 = tpu.memref_squeeze %dma_wait3A_277 : memref<1x100xi32, #tpu.memory_space<vmem>> -> memref<100xi32, #tpu.memory_space<vmem>>
          %dma_wait3A_279 = arith.constant 0 : i32
          %dma_wait3A_280 = arith.constant 0 : i32
          %dma_wait3A_281 = tpu.memref_slice %arg11[%dma_wait3A_279, %dma_wait3A_280] : memref<10000x64xf32, #tpu.memory_space<vmem_shared>> -> memref<10000x64xf32, #tpu.memory_space<vmem_shared>>
          tpu.wait_indirect_dma semaphore(%arg20 : memref<!tpu.dma_semaphore, #tpu.memory_space<semaphore_mem>>) src(%dma_wait3A_275 : memref<100x64xf32, #tpu.memory_space<vmem>>) dst(%dma_wait3A_281 : memref<10000x64xf32, #tpu.memory_space<vmem_shared>>)
        } else {
        }
        %add3A_143 = arith.constant 2 : i32
        %add3A_144 = arith.addi %add3A_111, %add3A_143 : i32
        %lt3A_145 = arith.constant 200 : i32
        %lt3A_146 = arith.cmpi slt, %add3A_144, %lt3A_145 : i32
        %convert_element_type3A_147 = arith.extui %lt3A_146 : i1 to i32
        %cond3A_148 = arith.constant 0 : i32
        %cond3A_149 = arith.cmpi ne, %convert_element_type3A_147, %cond3A_148 : i32
        scf.if %cond3A_149 {
          %add3A_270 = arith.constant 2 : i32
          %add3A_271 = arith.addi %add3A_111, %add3A_270 : i32
          %dma_start3A_272 = arith.constant 3 : i32
          %dma_start3A_273 = arith.constant 0 : i32
          %dma_start3A_274 = arith.constant 0 : i32
          %dma_start3A_275 = tpu.memref_slice %arg9[%dma_start3A_272, %dma_start3A_273, %dma_start3A_274] : memref<5x100x64xf32, #tpu.memory_space<vmem>> -> memref<1x100x64xf32, #tpu.memory_space<vmem>>
          %dma_start3A_276 = tpu.memref_squeeze %dma_start3A_275 : memref<1x100x64xf32, #tpu.memory_space<vmem>> -> memref<100x64xf32, #tpu.memory_space<vmem>>
          %dma_start3A_277 = arith.constant 0 : i32
          %dma_start3A_278 = tpu.memref_slice %arg7[%add3A_271, %dma_start3A_277] : memref<200x100xi32, #tpu.memory_space<vmem>> -> memref<1x100xi32, #tpu.memory_space<vmem>>
          %dma_start3A_279 = tpu.memref_squeeze %dma_start3A_278 : memref<1x100xi32, #tpu.memory_space<vmem>> -> memref<100xi32, #tpu.memory_space<vmem>>
          %dma_start3A_280 = arith.constant 0 : i32
          %dma_start3A_281 = arith.constant 0 : i32
          %dma_start3A_282 = tpu.memref_slice %arg2[%scan3A_28, %dma_start3A_280, %dma_start3A_281] : memref<2x10000x64xf32, #tpu.memory_space<hbm>> -> memref<1x10000x64xf32, #tpu.memory_space<hbm>>
          %dma_start3A_283 = tpu.memref_squeeze %dma_start3A_282 : memref<1x10000x64xf32, #tpu.memory_space<hbm>> -> memref<10000x64xf32, #tpu.memory_space<hbm>>
          %dma_start3A_284 = arith.constant 0 : i32
          %dma_start3A_285 = arith.constant 0 : i32
          %dma_start3A_286 = tpu.memref_slice %dma_start3A_283[%dma_start3A_284, %dma_start3A_285] : memref<10000x64xf32, #tpu.memory_space<hbm>> -> memref<10000x64xf32, #tpu.memory_space<hbm>>
          tpu.enqueue_indirect_dma source(%dma_start3A_286 : memref<10000x64xf32, #tpu.memory_space<hbm>>) target(%dma_start3A_276 : memref<100x64xf32, #tpu.memory_space<vmem>>) offsets(%dma_start3A_279 : memref<100xi32, #tpu.memory_space<vmem>>) semaphore(%arg15 : memref<!tpu.dma_semaphore, #tpu.memory_space<semaphore_mem>>)
        } else {
        }
        %add3A_150 = arith.constant 2 : i32
        %add3A_151 = arith.addi %add3A_72, %add3A_150 : i32
        %dma_wait3A_152 = arith.constant 2 : i32
        %dma_wait3A_153 = arith.constant 0 : i32
        %dma_wait3A_154 = arith.constant 0 : i32
        %dma_wait3A_155 = tpu.memref_slice %arg9[%dma_wait3A_152, %dma_wait3A_153, %dma_wait3A_154] : memref<5x100x64xf32, #tpu.memory_space<vmem>> -> memref<1x100x64xf32, #tpu.memory_space<vmem>>
        %dma_wait3A_156 = tpu.memref_squeeze %dma_wait3A_155 : memref<1x100x64xf32, #tpu.memory_space<vmem>> -> memref<100x64xf32, #tpu.memory_space<vmem>>
        %dma_wait3A_157 = arith.constant 0 : i32
        %dma_wait3A_158 = tpu.memref_slice %arg7[%add3A_151, %dma_wait3A_157] : memref<200x100xi32, #tpu.memory_space<vmem>> -> memref<1x100xi32, #tpu.memory_space<vmem>>
        %dma_wait3A_159 = tpu.memref_squeeze %dma_wait3A_158 : memref<1x100xi32, #tpu.memory_space<vmem>> -> memref<100xi32, #tpu.memory_space<vmem>>
        %dma_wait3A_160 = arith.constant 0 : i32
        %dma_wait3A_161 = arith.constant 0 : i32
        %dma_wait3A_162 = tpu.memref_slice %arg2[%scan3A_28, %dma_wait3A_160, %dma_wait3A_161] : memref<2x10000x64xf32, #tpu.memory_space<hbm>> -> memref<1x10000x64xf32, #tpu.memory_space<hbm>>
        %dma_wait3A_163 = tpu.memref_squeeze %dma_wait3A_162 : memref<1x10000x64xf32, #tpu.memory_space<hbm>> -> memref<10000x64xf32, #tpu.memory_space<hbm>>
        %dma_wait3A_164 = arith.constant 0 : i32
        %dma_wait3A_165 = arith.constant 0 : i32
        %dma_wait3A_166 = tpu.memref_slice %dma_wait3A_163[%dma_wait3A_164, %dma_wait3A_165] : memref<10000x64xf32, #tpu.memory_space<hbm>> -> memref<10000x64xf32, #tpu.memory_space<hbm>>
        tpu.wait_indirect_dma semaphore(%arg14 : memref<!tpu.dma_semaphore, #tpu.memory_space<semaphore_mem>>) src(%dma_wait3A_166 : memref<10000x64xf32, #tpu.memory_space<hbm>>) dst(%dma_wait3A_156 : memref<100x64xf32, #tpu.memory_space<vmem>>)
        %dma_start3A_167 = arith.constant 2 : i32
        %dma_start3A_168 = arith.constant 0 : i32
        %dma_start3A_169 = arith.constant 0 : i32
        %dma_start3A_170 = tpu.memref_slice %arg9[%dma_start3A_167, %dma_start3A_168, %dma_start3A_169] : memref<5x100x64xf32, #tpu.memory_space<vmem>> -> memref<1x100x64xf32, #tpu.memory_space<vmem>>
        %dma_start3A_171 = tpu.memref_squeeze %dma_start3A_170 : memref<1x100x64xf32, #tpu.memory_space<vmem>> -> memref<100x64xf32, #tpu.memory_space<vmem>>
        %dma_start3A_172 = arith.constant 0 : i32
        %dma_start3A_173 = tpu.memref_slice %arg8[%add3A_151, %dma_start3A_172] : memref<200x100xi32, #tpu.memory_space<vmem>> -> memref<1x100xi32, #tpu.memory_space<vmem>>
        %dma_start3A_174 = tpu.memref_squeeze %dma_start3A_173 : memref<1x100xi32, #tpu.memory_space<vmem>> -> memref<100xi32, #tpu.memory_space<vmem>>
        %dma_start3A_175 = arith.constant 0 : i32
        %dma_start3A_176 = arith.constant 0 : i32
        %dma_start3A_177 = tpu.memref_slice %arg11[%dma_start3A_175, %dma_start3A_176] : memref<10000x64xf32, #tpu.memory_space<vmem_shared>> -> memref<10000x64xf32, #tpu.memory_space<vmem_shared>>
        tpu.enqueue_indirect_dma source(%dma_start3A_171 : memref<100x64xf32, #tpu.memory_space<vmem>>) target(%dma_start3A_177 : memref<10000x64xf32, #tpu.memory_space<vmem_shared>>) offsets(%dma_start3A_174 : memref<100xi32, #tpu.memory_space<vmem>>) semaphore(%arg19 : memref<!tpu.dma_semaphore, #tpu.memory_space<semaphore_mem>>) {add = true}
        %ge3A_178 = arith.constant 3 : i32
        %ge3A_179 = arith.cmpi sge, %add3A_151, %ge3A_178 : i32
        %convert_element_type3A_180 = arith.extui %ge3A_179 : i1 to i32
        %cond3A_181 = arith.constant 0 : i32
        %cond3A_182 = arith.cmpi ne, %convert_element_type3A_180, %cond3A_181 : i32
        scf.if %cond3A_182 {
          %dma_wait3A_270 = arith.constant 4 : i32
          %dma_wait3A_271 = arith.constant 0 : i32
          %dma_wait3A_272 = arith.constant 0 : i32
          %dma_wait3A_273 = arith.constant 0 : i32
          %dma_wait3A_274 = tpu.memref_slice %arg9[%dma_wait3A_270, %dma_wait3A_272, %dma_wait3A_273] : memref<5x100x64xf32, #tpu.memory_space<vmem>> -> memref<1x100x64xf32, #tpu.memory_space<vmem>>
          %dma_wait3A_275 = tpu.memref_squeeze %dma_wait3A_274 : memref<1x100x64xf32, #tpu.memory_space<vmem>> -> memref<100x64xf32, #tpu.memory_space<vmem>>
          %dma_wait3A_276 = arith.constant 0 : i32
          %dma_wait3A_277 = tpu.memref_slice %arg8[%dma_wait3A_271, %dma_wait3A_276] : memref<200x100xi32, #tpu.memory_space<vmem>> -> memref<1x100xi32, #tpu.memory_space<vmem>>
          %dma_wait3A_278 = tpu.memref_squeeze %dma_wait3A_277 : memref<1x100xi32, #tpu.memory_space<vmem>> -> memref<100xi32, #tpu.memory_space<vmem>>
          %dma_wait3A_279 = arith.constant 0 : i32
          %dma_wait3A_280 = arith.constant 0 : i32
          %dma_wait3A_281 = tpu.memref_slice %arg11[%dma_wait3A_279, %dma_wait3A_280] : memref<10000x64xf32, #tpu.memory_space<vmem_shared>> -> memref<10000x64xf32, #tpu.memory_space<vmem_shared>>
          tpu.wait_indirect_dma semaphore(%arg21 : memref<!tpu.dma_semaphore, #tpu.memory_space<semaphore_mem>>) src(%dma_wait3A_275 : memref<100x64xf32, #tpu.memory_space<vmem>>) dst(%dma_wait3A_281 : memref<10000x64xf32, #tpu.memory_space<vmem_shared>>)
        } else {
        }
        %add3A_183 = arith.constant 2 : i32
        %add3A_184 = arith.addi %add3A_151, %add3A_183 : i32
        %lt3A_185 = arith.constant 200 : i32
        %lt3A_186 = arith.cmpi slt, %add3A_184, %lt3A_185 : i32
        %convert_element_type3A_187 = arith.extui %lt3A_186 : i1 to i32
        %cond3A_188 = arith.constant 0 : i32
        %cond3A_189 = arith.cmpi ne, %convert_element_type3A_187, %cond3A_188 : i32
        scf.if %cond3A_189 {
          %add3A_270 = arith.constant 2 : i32
          %add3A_271 = arith.addi %add3A_151, %add3A_270 : i32
          %dma_start3A_272 = arith.constant 4 : i32
          %dma_start3A_273 = arith.constant 0 : i32
          %dma_start3A_274 = arith.constant 0 : i32
          %dma_start3A_275 = tpu.memref_slice %arg9[%dma_start3A_272, %dma_start3A_273, %dma_start3A_274] : memref<5x100x64xf32, #tpu.memory_space<vmem>> -> memref<1x100x64xf32, #tpu.memory_space<vmem>>
          %dma_start3A_276 = tpu.memref_squeeze %dma_start3A_275 : memref<1x100x64xf32, #tpu.memory_space<vmem>> -> memref<100x64xf32, #tpu.memory_space<vmem>>
          %dma_start3A_277 = arith.constant 0 : i32
          %dma_start3A_278 = tpu.memref_slice %arg7[%add3A_271, %dma_start3A_277] : memref<200x100xi32, #tpu.memory_space<vmem>> -> memref<1x100xi32, #tpu.memory_space<vmem>>
          %dma_start3A_279 = tpu.memref_squeeze %dma_start3A_278 : memref<1x100xi32, #tpu.memory_space<vmem>> -> memref<100xi32, #tpu.memory_space<vmem>>
          %dma_start3A_280 = arith.constant 0 : i32
          %dma_start3A_281 = arith.constant 0 : i32
          %dma_start3A_282 = tpu.memref_slice %arg2[%scan3A_28, %dma_start3A_280, %dma_start3A_281] : memref<2x10000x64xf32, #tpu.memory_space<hbm>> -> memref<1x10000x64xf32, #tpu.memory_space<hbm>>
          %dma_start3A_283 = tpu.memref_squeeze %dma_start3A_282 : memref<1x10000x64xf32, #tpu.memory_space<hbm>> -> memref<10000x64xf32, #tpu.memory_space<hbm>>
          %dma_start3A_284 = arith.constant 0 : i32
          %dma_start3A_285 = arith.constant 0 : i32
          %dma_start3A_286 = tpu.memref_slice %dma_start3A_283[%dma_start3A_284, %dma_start3A_285] : memref<10000x64xf32, #tpu.memory_space<hbm>> -> memref<10000x64xf32, #tpu.memory_space<hbm>>
          tpu.enqueue_indirect_dma source(%dma_start3A_286 : memref<10000x64xf32, #tpu.memory_space<hbm>>) target(%dma_start3A_276 : memref<100x64xf32, #tpu.memory_space<vmem>>) offsets(%dma_start3A_279 : memref<100xi32, #tpu.memory_space<vmem>>) semaphore(%arg16 : memref<!tpu.dma_semaphore, #tpu.memory_space<semaphore_mem>>)
        } else {
        }
        %add3A_190 = arith.constant 3 : i32
        %add3A_191 = arith.addi %add3A_72, %add3A_190 : i32
        %dma_wait3A_192 = arith.constant 3 : i32
        %dma_wait3A_193 = arith.constant 0 : i32
        %dma_wait3A_194 = arith.constant 0 : i32
        %dma_wait3A_195 = tpu.memref_slice %arg9[%dma_wait3A_192, %dma_wait3A_193, %dma_wait3A_194] : memref<5x100x64xf32, #tpu.memory_space<vmem>> -> memref<1x100x64xf32, #tpu.memory_space<vmem>>
        %dma_wait3A_196 = tpu.memref_squeeze %dma_wait3A_195 : memref<1x100x64xf32, #tpu.memory_space<vmem>> -> memref<100x64xf32, #tpu.memory_space<vmem>>
        %dma_wait3A_197 = arith.constant 0 : i32
        %dma_wait3A_198 = tpu.memref_slice %arg7[%add3A_191, %dma_wait3A_197] : memref<200x100xi32, #tpu.memory_space<vmem>> -> memref<1x100xi32, #tpu.memory_space<vmem>>
        %dma_wait3A_199 = tpu.memref_squeeze %dma_wait3A_198 : memref<1x100xi32, #tpu.memory_space<vmem>> -> memref<100xi32, #tpu.memory_space<vmem>>
        %dma_wait3A_200 = arith.constant 0 : i32
        %dma_wait3A_201 = arith.constant 0 : i32
        %dma_wait3A_202 = tpu.memref_slice %arg2[%scan3A_28, %dma_wait3A_200, %dma_wait3A_201] : memref<2x10000x64xf32, #tpu.memory_space<hbm>> -> memref<1x10000x64xf32, #tpu.memory_space<hbm>>
        %dma_wait3A_203 = tpu.memref_squeeze %dma_wait3A_202 : memref<1x10000x64xf32, #tpu.memory_space<hbm>> -> memref<10000x64xf32, #tpu.memory_space<hbm>>
        %dma_wait3A_204 = arith.constant 0 : i32
        %dma_wait3A_205 = arith.constant 0 : i32
        %dma_wait3A_206 = tpu.memref_slice %dma_wait3A_203[%dma_wait3A_204, %dma_wait3A_205] : memref<10000x64xf32, #tpu.memory_space<hbm>> -> memref<10000x64xf32, #tpu.memory_space<hbm>>
        tpu.wait_indirect_dma semaphore(%arg15 : memref<!tpu.dma_semaphore, #tpu.memory_space<semaphore_mem>>) src(%dma_wait3A_206 : memref<10000x64xf32, #tpu.memory_space<hbm>>) dst(%dma_wait3A_196 : memref<100x64xf32, #tpu.memory_space<vmem>>)
        %dma_start3A_207 = arith.constant 3 : i32
        %dma_start3A_208 = arith.constant 0 : i32
        %dma_start3A_209 = arith.constant 0 : i32
        %dma_start3A_210 = tpu.memref_slice %arg9[%dma_start3A_207, %dma_start3A_208, %dma_start3A_209] : memref<5x100x64xf32, #tpu.memory_space<vmem>> -> memref<1x100x64xf32, #tpu.memory_space<vmem>>
        %dma_start3A_211 = tpu.memref_squeeze %dma_start3A_210 : memref<1x100x64xf32, #tpu.memory_space<vmem>> -> memref<100x64xf32, #tpu.memory_space<vmem>>
        %dma_start3A_212 = arith.constant 0 : i32
        %dma_start3A_213 = tpu.memref_slice %arg8[%add3A_191, %dma_start3A_212] : memref<200x100xi32, #tpu.memory_space<vmem>> -> memref<1x100xi32, #tpu.memory_space<vmem>>
        %dma_start3A_214 = tpu.memref_squeeze %dma_start3A_213 : memref<1x100xi32, #tpu.memory_space<vmem>> -> memref<100xi32, #tpu.memory_space<vmem>>
        %dma_start3A_215 = arith.constant 0 : i32
        %dma_start3A_216 = arith.constant 0 : i32
        %dma_start3A_217 = tpu.memref_slice %arg11[%dma_start3A_215, %dma_start3A_216] : memref<10000x64xf32, #tpu.memory_space<vmem_shared>> -> memref<10000x64xf32, #tpu.memory_space<vmem_shared>>
        tpu.enqueue_indirect_dma source(%dma_start3A_211 : memref<100x64xf32, #tpu.memory_space<vmem>>) target(%dma_start3A_217 : memref<10000x64xf32, #tpu.memory_space<vmem_shared>>) offsets(%dma_start3A_214 : memref<100xi32, #tpu.memory_space<vmem>>) semaphore(%arg20 : memref<!tpu.dma_semaphore, #tpu.memory_space<semaphore_mem>>) {add = true}
        %ge3A_218 = arith.constant 3 : i32
        %ge3A_219 = arith.cmpi sge, %add3A_191, %ge3A_218 : i32
        %convert_element_type3A_220 = arith.extui %ge3A_219 : i1 to i32
        %cond3A_221 = arith.constant 0 : i32
        %cond3A_222 = arith.cmpi ne, %convert_element_type3A_220, %cond3A_221 : i32
        scf.if %cond3A_222 {
          %dma_wait3A_270 = arith.constant 0 : i32
          %dma_wait3A_271 = arith.constant 0 : i32
          %dma_wait3A_272 = arith.constant 0 : i32
          %dma_wait3A_273 = arith.constant 0 : i32
          %dma_wait3A_274 = tpu.memref_slice %arg9[%dma_wait3A_270, %dma_wait3A_272, %dma_wait3A_273] : memref<5x100x64xf32, #tpu.memory_space<vmem>> -> memref<1x100x64xf32, #tpu.memory_space<vmem>>
          %dma_wait3A_275 = tpu.memref_squeeze %dma_wait3A_274 : memref<1x100x64xf32, #tpu.memory_space<vmem>> -> memref<100x64xf32, #tpu.memory_space<vmem>>
          %dma_wait3A_276 = arith.constant 0 : i32
          %dma_wait3A_277 = tpu.memref_slice %arg8[%dma_wait3A_271, %dma_wait3A_276] : memref<200x100xi32, #tpu.memory_space<vmem>> -> memref<1x100xi32, #tpu.memory_space<vmem>>
          %dma_wait3A_278 = tpu.memref_squeeze %dma_wait3A_277 : memref<1x100xi32, #tpu.memory_space<vmem>> -> memref<100xi32, #tpu.memory_space<vmem>>
          %dma_wait3A_279 = arith.constant 0 : i32
          %dma_wait3A_280 = arith.constant 0 : i32
          %dma_wait3A_281 = tpu.memref_slice %arg11[%dma_wait3A_279, %dma_wait3A_280] : memref<10000x64xf32, #tpu.memory_space<vmem_shared>> -> memref<10000x64xf32, #tpu.memory_space<vmem_shared>>
          tpu.wait_indirect_dma semaphore(%arg17 : memref<!tpu.dma_semaphore, #tpu.memory_space<semaphore_mem>>) src(%dma_wait3A_275 : memref<100x64xf32, #tpu.memory_space<vmem>>) dst(%dma_wait3A_281 : memref<10000x64xf32, #tpu.memory_space<vmem_shared>>)
        } else {
        }
        %add3A_223 = arith.constant 2 : i32
        %add3A_224 = arith.addi %add3A_191, %add3A_223 : i32
        %lt3A_225 = arith.constant 200 : i32
        %lt3A_226 = arith.cmpi slt, %add3A_224, %lt3A_225 : i32
        %convert_element_type3A_227 = arith.extui %lt3A_226 : i1 to i32
        %cond3A_228 = arith.constant 0 : i32
        %cond3A_229 = arith.cmpi ne, %convert_element_type3A_227, %cond3A_228 : i32
        scf.if %cond3A_229 {
          %add3A_270 = arith.constant 2 : i32
          %add3A_271 = arith.addi %add3A_191, %add3A_270 : i32
          %dma_start3A_272 = arith.constant 0 : i32
          %dma_start3A_273 = arith.constant 0 : i32
          %dma_start3A_274 = arith.constant 0 : i32
          %dma_start3A_275 = tpu.memref_slice %arg9[%dma_start3A_272, %dma_start3A_273, %dma_start3A_274] : memref<5x100x64xf32, #tpu.memory_space<vmem>> -> memref<1x100x64xf32, #tpu.memory_space<vmem>>
          %dma_start3A_276 = tpu.memref_squeeze %dma_start3A_275 : memref<1x100x64xf32, #tpu.memory_space<vmem>> -> memref<100x64xf32, #tpu.memory_space<vmem>>
          %dma_start3A_277 = arith.constant 0 : i32
          %dma_start3A_278 = tpu.memref_slice %arg7[%add3A_271, %dma_start3A_277] : memref<200x100xi32, #tpu.memory_space<vmem>> -> memref<1x100xi32, #tpu.memory_space<vmem>>
          %dma_start3A_279 = tpu.memref_squeeze %dma_start3A_278 : memref<1x100xi32, #tpu.memory_space<vmem>> -> memref<100xi32, #tpu.memory_space<vmem>>
          %dma_start3A_280 = arith.constant 0 : i32
          %dma_start3A_281 = arith.constant 0 : i32
          %dma_start3A_282 = tpu.memref_slice %arg2[%scan3A_28, %dma_start3A_280, %dma_start3A_281] : memref<2x10000x64xf32, #tpu.memory_space<hbm>> -> memref<1x10000x64xf32, #tpu.memory_space<hbm>>
          %dma_start3A_283 = tpu.memref_squeeze %dma_start3A_282 : memref<1x10000x64xf32, #tpu.memory_space<hbm>> -> memref<10000x64xf32, #tpu.memory_space<hbm>>
          %dma_start3A_284 = arith.constant 0 : i32
          %dma_start3A_285 = arith.constant 0 : i32
          %dma_start3A_286 = tpu.memref_slice %dma_start3A_283[%dma_start3A_284, %dma_start3A_285] : memref<10000x64xf32, #tpu.memory_space<hbm>> -> memref<10000x64xf32, #tpu.memory_space<hbm>>
          tpu.enqueue_indirect_dma source(%dma_start3A_286 : memref<10000x64xf32, #tpu.memory_space<hbm>>) target(%dma_start3A_276 : memref<100x64xf32, #tpu.memory_space<vmem>>) offsets(%dma_start3A_279 : memref<100xi32, #tpu.memory_space<vmem>>) semaphore(%arg12 : memref<!tpu.dma_semaphore, #tpu.memory_space<semaphore_mem>>)
        } else {
        }
        %add3A_230 = arith.constant 4 : i32
        %add3A_231 = arith.addi %add3A_72, %add3A_230 : i32
        %dma_wait3A_232 = arith.constant 4 : i32
        %dma_wait3A_233 = arith.constant 0 : i32
        %dma_wait3A_234 = arith.constant 0 : i32
        %dma_wait3A_235 = tpu.memref_slice %arg9[%dma_wait3A_232, %dma_wait3A_233, %dma_wait3A_234] : memref<5x100x64xf32, #tpu.memory_space<vmem>> -> memref<1x100x64xf32, #tpu.memory_space<vmem>>
        %dma_wait3A_236 = tpu.memref_squeeze %dma_wait3A_235 : memref<1x100x64xf32, #tpu.memory_space<vmem>> -> memref<100x64xf32, #tpu.memory_space<vmem>>
        %dma_wait3A_237 = arith.constant 0 : i32
        %dma_wait3A_238 = tpu.memref_slice %arg7[%add3A_231, %dma_wait3A_237] : memref<200x100xi32, #tpu.memory_space<vmem>> -> memref<1x100xi32, #tpu.memory_space<vmem>>
        %dma_wait3A_239 = tpu.memref_squeeze %dma_wait3A_238 : memref<1x100xi32, #tpu.memory_space<vmem>> -> memref<100xi32, #tpu.memory_space<vmem>>
        %dma_wait3A_240 = arith.constant 0 : i32
        %dma_wait3A_241 = arith.constant 0 : i32
        %dma_wait3A_242 = tpu.memref_slice %arg2[%scan3A_28, %dma_wait3A_240, %dma_wait3A_241] : memref<2x10000x64xf32, #tpu.memory_space<hbm>> -> memref<1x10000x64xf32, #tpu.memory_space<hbm>>
        %dma_wait3A_243 = tpu.memref_squeeze %dma_wait3A_242 : memref<1x10000x64xf32, #tpu.memory_space<hbm>> -> memref<10000x64xf32, #tpu.memory_space<hbm>>
        %dma_wait3A_244 = arith.constant 0 : i32
        %dma_wait3A_245 = arith.constant 0 : i32
        %dma_wait3A_246 = tpu.memref_slice %dma_wait3A_243[%dma_wait3A_244, %dma_wait3A_245] : memref<10000x64xf32, #tpu.memory_space<hbm>> -> memref<10000x64xf32, #tpu.memory_space<hbm>>
        tpu.wait_indirect_dma semaphore(%arg16 : memref<!tpu.dma_semaphore, #tpu.memory_space<semaphore_mem>>) src(%dma_wait3A_246 : memref<10000x64xf32, #tpu.memory_space<hbm>>) dst(%dma_wait3A_236 : memref<100x64xf32, #tpu.memory_space<vmem>>)
        %dma_start3A_247 = arith.constant 4 : i32
        %dma_start3A_248 = arith.constant 0 : i32
        %dma_start3A_249 = arith.constant 0 : i32
        %dma_start3A_250 = tpu.memref_slice %arg9[%dma_start3A_247, %dma_start3A_248, %dma_start3A_249] : memref<5x100x64xf32, #tpu.memory_space<vmem>> -> memref<1x100x64xf32, #tpu.memory_space<vmem>>
        %dma_start3A_251 = tpu.memref_squeeze %dma_start3A_250 : memref<1x100x64xf32, #tpu.memory_space<vmem>> -> memref<100x64xf32, #tpu.memory_space<vmem>>
        %dma_start3A_252 = arith.constant 0 : i32
        %dma_start3A_253 = tpu.memref_slice %arg8[%add3A_231, %dma_start3A_252] : memref<200x100xi32, #tpu.memory_space<vmem>> -> memref<1x100xi32, #tpu.memory_space<vmem>>
        %dma_start3A_254 = tpu.memref_squeeze %dma_start3A_253 : memref<1x100xi32, #tpu.memory_space<vmem>> -> memref<100xi32, #tpu.memory_space<vmem>>
        %dma_start3A_255 = arith.constant 0 : i32
        %dma_start3A_256 = arith.constant 0 : i32
        %dma_start3A_257 = tpu.memref_slice %arg11[%dma_start3A_255, %dma_start3A_256] : memref<10000x64xf32, #tpu.memory_space<vmem_shared>> -> memref<10000x64xf32, #tpu.memory_space<vmem_shared>>
        tpu.enqueue_indirect_dma source(%dma_start3A_251 : memref<100x64xf32, #tpu.memory_space<vmem>>) target(%dma_start3A_257 : memref<10000x64xf32, #tpu.memory_space<vmem_shared>>) offsets(%dma_start3A_254 : memref<100xi32, #tpu.memory_space<vmem>>) semaphore(%arg21 : memref<!tpu.dma_semaphore, #tpu.memory_space<semaphore_mem>>) {add = true}
        %ge3A_258 = arith.constant 3 : i32
        %ge3A_259 = arith.cmpi sge, %add3A_231, %ge3A_258 : i32
        %convert_element_type3A_260 = arith.extui %ge3A_259 : i1 to i32
        %cond3A_261 = arith.constant 0 : i32
        %cond3A_262 = arith.cmpi ne, %convert_element_type3A_260, %cond3A_261 : i32
        scf.if %cond3A_262 {
          %dma_wait3A_270 = arith.constant 1 : i32
          %dma_wait3A_271 = arith.constant 0 : i32
          %dma_wait3A_272 = arith.constant 0 : i32
          %dma_wait3A_273 = arith.constant 0 : i32
          %dma_wait3A_274 = tpu.memref_slice %arg9[%dma_wait3A_270, %dma_wait3A_272, %dma_wait3A_273] : memref<5x100x64xf32, #tpu.memory_space<vmem>> -> memref<1x100x64xf32, #tpu.memory_space<vmem>>
          %dma_wait3A_275 = tpu.memref_squeeze %dma_wait3A_274 : memref<1x100x64xf32, #tpu.memory_space<vmem>> -> memref<100x64xf32, #tpu.memory_space<vmem>>
          %dma_wait3A_276 = arith.constant 0 : i32
          %dma_wait3A_277 = tpu.memref_slice %arg8[%dma_wait3A_271, %dma_wait3A_276] : memref<200x100xi32, #tpu.memory_space<vmem>> -> memref<1x100xi32, #tpu.memory_space<vmem>>
          %dma_wait3A_278 = tpu.memref_squeeze %dma_wait3A_277 : memref<1x100xi32, #tpu.memory_space<vmem>> -> memref<100xi32, #tpu.memory_space<vmem>>
          %dma_wait3A_279 = arith.constant 0 : i32
          %dma_wait3A_280 = arith.constant 0 : i32
          %dma_wait3A_281 = tpu.memref_slice %arg11[%dma_wait3A_279, %dma_wait3A_280] : memref<10000x64xf32, #tpu.memory_space<vmem_shared>> -> memref<10000x64xf32, #tpu.memory_space<vmem_shared>>
          tpu.wait_indirect_dma semaphore(%arg18 : memref<!tpu.dma_semaphore, #tpu.memory_space<semaphore_mem>>) src(%dma_wait3A_275 : memref<100x64xf32, #tpu.memory_space<vmem>>) dst(%dma_wait3A_281 : memref<10000x64xf32, #tpu.memory_space<vmem_shared>>)
        } else {
        }
        %add3A_263 = arith.constant 2 : i32
        %add3A_264 = arith.addi %add3A_231, %add3A_263 : i32
        %lt3A_265 = arith.constant 200 : i32
        %lt3A_266 = arith.cmpi slt, %add3A_264, %lt3A_265 : i32
        %convert_element_type3A_267 = arith.extui %lt3A_266 : i1 to i32
        %cond3A_268 = arith.constant 0 : i32
        %cond3A_269 = arith.cmpi ne, %convert_element_type3A_267, %cond3A_268 : i32
        scf.if %cond3A_269 {
          %add3A_270 = arith.constant 2 : i32
          %add3A_271 = arith.addi %add3A_231, %add3A_270 : i32
          %dma_start3A_272 = arith.constant 1 : i32
          %dma_start3A_273 = arith.constant 0 : i32
          %dma_start3A_274 = arith.constant 0 : i32
          %dma_start3A_275 = tpu.memref_slice %arg9[%dma_start3A_272, %dma_start3A_273, %dma_start3A_274] : memref<5x100x64xf32, #tpu.memory_space<vmem>> -> memref<1x100x64xf32, #tpu.memory_space<vmem>>
          %dma_start3A_276 = tpu.memref_squeeze %dma_start3A_275 : memref<1x100x64xf32, #tpu.memory_space<vmem>> -> memref<100x64xf32, #tpu.memory_space<vmem>>
          %dma_start3A_277 = arith.constant 0 : i32
          %dma_start3A_278 = tpu.memref_slice %arg7[%add3A_271, %dma_start3A_277] : memref<200x100xi32, #tpu.memory_space<vmem>> -> memref<1x100xi32, #tpu.memory_space<vmem>>
          %dma_start3A_279 = tpu.memref_squeeze %dma_start3A_278 : memref<1x100xi32, #tpu.memory_space<vmem>> -> memref<100xi32, #tpu.memory_space<vmem>>
          %dma_start3A_280 = arith.constant 0 : i32
          %dma_start3A_281 = arith.constant 0 : i32
          %dma_start3A_282 = tpu.memref_slice %arg2[%scan3A_28, %dma_start3A_280, %dma_start3A_281] : memref<2x10000x64xf32, #tpu.memory_space<hbm>> -> memref<1x10000x64xf32, #tpu.memory_space<hbm>>
          %dma_start3A_283 = tpu.memref_squeeze %dma_start3A_282 : memref<1x10000x64xf32, #tpu.memory_space<hbm>> -> memref<10000x64xf32, #tpu.memory_space<hbm>>
          %dma_start3A_284 = arith.constant 0 : i32
          %dma_start3A_285 = arith.constant 0 : i32
          %dma_start3A_286 = tpu.memref_slice %dma_start3A_283[%dma_start3A_284, %dma_start3A_285] : memref<10000x64xf32, #tpu.memory_space<hbm>> -> memref<10000x64xf32, #tpu.memory_space<hbm>>
          tpu.enqueue_indirect_dma source(%dma_start3A_286 : memref<10000x64xf32, #tpu.memory_space<hbm>>) target(%dma_start3A_276 : memref<100x64xf32, #tpu.memory_space<vmem>>) offsets(%dma_start3A_279 : memref<100xi32, #tpu.memory_space<vmem>>) semaphore(%arg13 : memref<!tpu.dma_semaphore, #tpu.memory_space<semaphore_mem>>)
        } else {
        }
      }
      %scan3A_33 = arith.constant 40 : i32
      %dma_wait3A = arith.constant 2 : i32
      %dma_wait3A_34 = arith.constant 0 : i32
      %dma_wait3A_35 = arith.constant 0 : i32
      %dma_wait3A_36 = arith.constant 0 : i32
      %dma_wait3A_37 = tpu.memref_slice %arg9[%dma_wait3A, %dma_wait3A_35, %dma_wait3A_36] : memref<5x100x64xf32, #tpu.memory_space<vmem>> -> memref<1x100x64xf32, #tpu.memory_space<vmem>>
      %dma_wait3A_38 = tpu.memref_squeeze %dma_wait3A_37 : memref<1x100x64xf32, #tpu.memory_space<vmem>> -> memref<100x64xf32, #tpu.memory_space<vmem>>
      %dma_wait3A_39 = arith.constant 0 : i32
      %dma_wait3A_40 = tpu.memref_slice %arg8[%dma_wait3A_34, %dma_wait3A_39] : memref<200x100xi32, #tpu.memory_space<vmem>> -> memref<1x100xi32, #tpu.memory_space<vmem>>
      %dma_wait3A_41 = tpu.memref_squeeze %dma_wait3A_40 : memref<1x100xi32, #tpu.memory_space<vmem>> -> memref<100xi32, #tpu.memory_space<vmem>>
      %dma_wait3A_42 = arith.constant 0 : i32
      %dma_wait3A_43 = arith.constant 0 : i32
      %dma_wait3A_44 = tpu.memref_slice %arg11[%dma_wait3A_42, %dma_wait3A_43] : memref<10000x64xf32, #tpu.memory_space<vmem_shared>> -> memref<10000x64xf32, #tpu.memory_space<vmem_shared>>
      tpu.wait_indirect_dma semaphore(%arg19 : memref<!tpu.dma_semaphore, #tpu.memory_space<semaphore_mem>>) src(%dma_wait3A_38 : memref<100x64xf32, #tpu.memory_space<vmem>>) dst(%dma_wait3A_44 : memref<10000x64xf32, #tpu.memory_space<vmem_shared>>)
      %dma_wait3A_45 = arith.constant 3 : i32
      %dma_wait3A_46 = arith.constant 0 : i32
      %dma_wait3A_47 = arith.constant 0 : i32
      %dma_wait3A_48 = arith.constant 0 : i32
      %dma_wait3A_49 = tpu.memref_slice %arg9[%dma_wait3A_45, %dma_wait3A_47, %dma_wait3A_48] : memref<5x100x64xf32, #tpu.memory_space<vmem>> -> memref<1x100x64xf32, #tpu.memory_space<vmem>>
      %dma_wait3A_50 = tpu.memref_squeeze %dma_wait3A_49 : memref<1x100x64xf32, #tpu.memory_space<vmem>> -> memref<100x64xf32, #tpu.memory_space<vmem>>
      %dma_wait3A_51 = arith.constant 0 : i32
      %dma_wait3A_52 = tpu.memref_slice %arg8[%dma_wait3A_46, %dma_wait3A_51] : memref<200x100xi32, #tpu.memory_space<vmem>> -> memref<1x100xi32, #tpu.memory_space<vmem>>
      %dma_wait3A_53 = tpu.memref_squeeze %dma_wait3A_52 : memref<1x100xi32, #tpu.memory_space<vmem>> -> memref<100xi32, #tpu.memory_space<vmem>>
      %dma_wait3A_54 = arith.constant 0 : i32
      %dma_wait3A_55 = arith.constant 0 : i32
      %dma_wait3A_56 = tpu.memref_slice %arg11[%dma_wait3A_54, %dma_wait3A_55] : memref<10000x64xf32, #tpu.memory_space<vmem_shared>> -> memref<10000x64xf32, #tpu.memory_space<vmem_shared>>
      tpu.wait_indirect_dma semaphore(%arg20 : memref<!tpu.dma_semaphore, #tpu.memory_space<semaphore_mem>>) src(%dma_wait3A_50 : memref<100x64xf32, #tpu.memory_space<vmem>>) dst(%dma_wait3A_56 : memref<10000x64xf32, #tpu.memory_space<vmem_shared>>)
      %dma_wait3A_57 = arith.constant 4 : i32
      %dma_wait3A_58 = arith.constant 0 : i32
      %dma_wait3A_59 = arith.constant 0 : i32
      %dma_wait3A_60 = arith.constant 0 : i32
      %dma_wait3A_61 = tpu.memref_slice %arg9[%dma_wait3A_57, %dma_wait3A_59, %dma_wait3A_60] : memref<5x100x64xf32, #tpu.memory_space<vmem>> -> memref<1x100x64xf32, #tpu.memory_space<vmem>>
      %dma_wait3A_62 = tpu.memref_squeeze %dma_wait3A_61 : memref<1x100x64xf32, #tpu.memory_space<vmem>> -> memref<100x64xf32, #tpu.memory_space<vmem>>
      %dma_wait3A_63 = arith.constant 0 : i32
      %dma_wait3A_64 = tpu.memref_slice %arg8[%dma_wait3A_58, %dma_wait3A_63] : memref<200x100xi32, #tpu.memory_space<vmem>> -> memref<1x100xi32, #tpu.memory_space<vmem>>
      %dma_wait3A_65 = tpu.memref_squeeze %dma_wait3A_64 : memref<1x100xi32, #tpu.memory_space<vmem>> -> memref<100xi32, #tpu.memory_space<vmem>>
      %dma_wait3A_66 = arith.constant 0 : i32
      %dma_wait3A_67 = arith.constant 0 : i32
      %dma_wait3A_68 = tpu.memref_slice %arg11[%dma_wait3A_66, %dma_wait3A_67] : memref<10000x64xf32, #tpu.memory_space<vmem_shared>> -> memref<10000x64xf32, #tpu.memory_space<vmem_shared>>
      tpu.wait_indirect_dma semaphore(%arg21 : memref<!tpu.dma_semaphore, #tpu.memory_space<semaphore_mem>>) src(%dma_wait3A_62 : memref<100x64xf32, #tpu.memory_space<vmem>>) dst(%dma_wait3A_68 : memref<10000x64xf32, #tpu.memory_space<vmem_shared>>)
    } else {
    }
    %eq3A_17 = arith.constant 1 : i32
    %eq3A_18 = arith.cmpi eq, %arg0, %eq3A_17 : i32
    %convert_element_type3A_19 = arith.extui %eq3A_18 : i1 to i32
    %cond3A_20 = arith.constant 0 : i32
    %cond3A_21 = arith.cmpi ne, %convert_element_type3A_19, %cond3A_20 : i32
    scf.if %cond3A_21 {
      %scan3A_28 = arith.constant 1 : i32
      %scan3A_29 = arith.constant 0 : i32
      %scan3A_30 = arith.constant 40 : i32
      %scan3A_31 = arith.addi %scan3A_29, %scan3A_30 : i32
      %scan3A_32 = arith.constant 1 : i32
      scf.for %scan3A_69 = %scan3A_29 to %scan3A_31 step %scan3A_32  : i32 {
        %mul3A_70 = arith.constant 5 : i32
        %mul3A_71 = arith.muli %scan3A_69, %mul3A_70 : i32
        %add3A = arith.constant 0 : i32
        %add3A_72 = arith.addi %add3A, %mul3A_71 : i32
        %add3A_73 = arith.constant 0 : i32
        %add3A_74 = arith.addi %add3A_72, %add3A_73 : i32
        %dma_wait3A_75 = arith.constant 0 : i32
        %dma_wait3A_76 = arith.constant 0 : i32
        %dma_wait3A_77 = arith.constant 0 : i32
        %dma_wait3A_78 = tpu.memref_slice %arg9[%dma_wait3A_75, %dma_wait3A_76, %dma_wait3A_77] : memref<5x100x64xf32, #tpu.memory_space<vmem>> -> memref<1x100x64xf32, #tpu.memory_space<vmem>>
        %dma_wait3A_79 = tpu.memref_squeeze %dma_wait3A_78 : memref<1x100x64xf32, #tpu.memory_space<vmem>> -> memref<100x64xf32, #tpu.memory_space<vmem>>
        %dma_wait3A_80 = arith.constant 0 : i32
        %dma_wait3A_81 = tpu.memref_slice %arg7[%add3A_74, %dma_wait3A_80] : memref<200x100xi32, #tpu.memory_space<vmem>> -> memref<1x100xi32, #tpu.memory_space<vmem>>
        %dma_wait3A_82 = tpu.memref_squeeze %dma_wait3A_81 : memref<1x100xi32, #tpu.memory_space<vmem>> -> memref<100xi32, #tpu.memory_space<vmem>>
        %dma_wait3A_83 = arith.constant 0 : i32
        %dma_wait3A_84 = arith.constant 0 : i32
        %dma_wait3A_85 = tpu.memref_slice %arg2[%scan3A_28, %dma_wait3A_83, %dma_wait3A_84] : memref<2x10000x64xf32, #tpu.memory_space<hbm>> -> memref<1x10000x64xf32, #tpu.memory_space<hbm>>
        %dma_wait3A_86 = tpu.memref_squeeze %dma_wait3A_85 : memref<1x10000x64xf32, #tpu.memory_space<hbm>> -> memref<10000x64xf32, #tpu.memory_space<hbm>>
        %dma_wait3A_87 = arith.constant 0 : i32
        %dma_wait3A_88 = arith.constant 0 : i32
        %dma_wait3A_89 = tpu.memref_slice %dma_wait3A_86[%dma_wait3A_87, %dma_wait3A_88] : memref<10000x64xf32, #tpu.memory_space<hbm>> -> memref<10000x64xf32, #tpu.memory_space<hbm>>
        tpu.wait_indirect_dma semaphore(%arg12 : memref<!tpu.dma_semaphore, #tpu.memory_space<semaphore_mem>>) src(%dma_wait3A_89 : memref<10000x64xf32, #tpu.memory_space<hbm>>) dst(%dma_wait3A_79 : memref<100x64xf32, #tpu.memory_space<vmem>>)
        %dma_start3A = arith.constant 0 : i32
        %dma_start3A_90 = arith.constant 0 : i32
        %dma_start3A_91 = arith.constant 0 : i32
        %dma_start3A_92 = tpu.memref_slice %arg9[%dma_start3A, %dma_start3A_90, %dma_start3A_91] : memref<5x100x64xf32, #tpu.memory_space<vmem>> -> memref<1x100x64xf32, #tpu.memory_space<vmem>>
        %dma_start3A_93 = tpu.memref_squeeze %dma_start3A_92 : memref<1x100x64xf32, #tpu.memory_space<vmem>> -> memref<100x64xf32, #tpu.memory_space<vmem>>
        %dma_start3A_94 = arith.constant 0 : i32
        %dma_start3A_95 = tpu.memref_slice %arg8[%add3A_74, %dma_start3A_94] : memref<200x100xi32, #tpu.memory_space<vmem>> -> memref<1x100xi32, #tpu.memory_space<vmem>>
        %dma_start3A_96 = tpu.memref_squeeze %dma_start3A_95 : memref<1x100xi32, #tpu.memory_space<vmem>> -> memref<100xi32, #tpu.memory_space<vmem>>
        %dma_start3A_97 = arith.constant 0 : i32
        %dma_start3A_98 = arith.constant 0 : i32
        %dma_start3A_99 = tpu.memref_slice %arg11[%dma_start3A_97, %dma_start3A_98] : memref<10000x64xf32, #tpu.memory_space<vmem_shared>> -> memref<10000x64xf32, #tpu.memory_space<vmem_shared>>
        tpu.enqueue_indirect_dma source(%dma_start3A_93 : memref<100x64xf32, #tpu.memory_space<vmem>>) target(%dma_start3A_99 : memref<10000x64xf32, #tpu.memory_space<vmem_shared>>) offsets(%dma_start3A_96 : memref<100xi32, #tpu.memory_space<vmem>>) semaphore(%arg17 : memref<!tpu.dma_semaphore, #tpu.memory_space<semaphore_mem>>) {add = true}
        %ge3A = arith.constant 3 : i32
        %ge3A_100 = arith.cmpi sge, %add3A_74, %ge3A : i32
        %convert_element_type3A_101 = arith.extui %ge3A_100 : i1 to i32
        %cond3A_102 = arith.constant 0 : i32
        %cond3A_103 = arith.cmpi ne, %convert_element_type3A_101, %cond3A_102 : i32
        scf.if %cond3A_103 {
          %dma_wait3A_270 = arith.constant 2 : i32
          %dma_wait3A_271 = arith.constant 0 : i32
          %dma_wait3A_272 = arith.constant 0 : i32
          %dma_wait3A_273 = arith.constant 0 : i32
          %dma_wait3A_274 = tpu.memref_slice %arg9[%dma_wait3A_270, %dma_wait3A_272, %dma_wait3A_273] : memref<5x100x64xf32, #tpu.memory_space<vmem>> -> memref<1x100x64xf32, #tpu.memory_space<vmem>>
          %dma_wait3A_275 = tpu.memref_squeeze %dma_wait3A_274 : memref<1x100x64xf32, #tpu.memory_space<vmem>> -> memref<100x64xf32, #tpu.memory_space<vmem>>
          %dma_wait3A_276 = arith.constant 0 : i32
          %dma_wait3A_277 = tpu.memref_slice %arg8[%dma_wait3A_271, %dma_wait3A_276] : memref<200x100xi32, #tpu.memory_space<vmem>> -> memref<1x100xi32, #tpu.memory_space<vmem>>
          %dma_wait3A_278 = tpu.memref_squeeze %dma_wait3A_277 : memref<1x100xi32, #tpu.memory_space<vmem>> -> memref<100xi32, #tpu.memory_space<vmem>>
          %dma_wait3A_279 = arith.constant 0 : i32
          %dma_wait3A_280 = arith.constant 0 : i32
          %dma_wait3A_281 = tpu.memref_slice %arg11[%dma_wait3A_279, %dma_wait3A_280] : memref<10000x64xf32, #tpu.memory_space<vmem_shared>> -> memref<10000x64xf32, #tpu.memory_space<vmem_shared>>
          tpu.wait_indirect_dma semaphore(%arg19 : memref<!tpu.dma_semaphore, #tpu.memory_space<semaphore_mem>>) src(%dma_wait3A_275 : memref<100x64xf32, #tpu.memory_space<vmem>>) dst(%dma_wait3A_281 : memref<10000x64xf32, #tpu.memory_space<vmem_shared>>)
        } else {
        }
        %add3A_104 = arith.constant 2 : i32
        %add3A_105 = arith.addi %add3A_74, %add3A_104 : i32
        %lt3A = arith.constant 200 : i32
        %lt3A_106 = arith.cmpi slt, %add3A_105, %lt3A : i32
        %convert_element_type3A_107 = arith.extui %lt3A_106 : i1 to i32
        %cond3A_108 = arith.constant 0 : i32
        %cond3A_109 = arith.cmpi ne, %convert_element_type3A_107, %cond3A_108 : i32
        scf.if %cond3A_109 {
          %add3A_270 = arith.constant 2 : i32
          %add3A_271 = arith.addi %add3A_74, %add3A_270 : i32
          %dma_start3A_272 = arith.constant 2 : i32
          %dma_start3A_273 = arith.constant 0 : i32
          %dma_start3A_274 = arith.constant 0 : i32
          %dma_start3A_275 = tpu.memref_slice %arg9[%dma_start3A_272, %dma_start3A_273, %dma_start3A_274] : memref<5x100x64xf32, #tpu.memory_space<vmem>> -> memref<1x100x64xf32, #tpu.memory_space<vmem>>
          %dma_start3A_276 = tpu.memref_squeeze %dma_start3A_275 : memref<1x100x64xf32, #tpu.memory_space<vmem>> -> memref<100x64xf32, #tpu.memory_space<vmem>>
          %dma_start3A_277 = arith.constant 0 : i32
          %dma_start3A_278 = tpu.memref_slice %arg7[%add3A_271, %dma_start3A_277] : memref<200x100xi32, #tpu.memory_space<vmem>> -> memref<1x100xi32, #tpu.memory_space<vmem>>
          %dma_start3A_279 = tpu.memref_squeeze %dma_start3A_278 : memref<1x100xi32, #tpu.memory_space<vmem>> -> memref<100xi32, #tpu.memory_space<vmem>>
          %dma_start3A_280 = arith.constant 0 : i32
          %dma_start3A_281 = arith.constant 0 : i32
          %dma_start3A_282 = tpu.memref_slice %arg2[%scan3A_28, %dma_start3A_280, %dma_start3A_281] : memref<2x10000x64xf32, #tpu.memory_space<hbm>> -> memref<1x10000x64xf32, #tpu.memory_space<hbm>>
          %dma_start3A_283 = tpu.memref_squeeze %dma_start3A_282 : memref<1x10000x64xf32, #tpu.memory_space<hbm>> -> memref<10000x64xf32, #tpu.memory_space<hbm>>
          %dma_start3A_284 = arith.constant 0 : i32
          %dma_start3A_285 = arith.constant 0 : i32
          %dma_start3A_286 = tpu.memref_slice %dma_start3A_283[%dma_start3A_284, %dma_start3A_285] : memref<10000x64xf32, #tpu.memory_space<hbm>> -> memref<10000x64xf32, #tpu.memory_space<hbm>>
          tpu.enqueue_indirect_dma source(%dma_start3A_286 : memref<10000x64xf32, #tpu.memory_space<hbm>>) target(%dma_start3A_276 : memref<100x64xf32, #tpu.memory_space<vmem>>) offsets(%dma_start3A_279 : memref<100xi32, #tpu.memory_space<vmem>>) semaphore(%arg14 : memref<!tpu.dma_semaphore, #tpu.memory_space<semaphore_mem>>)
        } else {
        }
        %add3A_110 = arith.constant 1 : i32
        %add3A_111 = arith.addi %add3A_72, %add3A_110 : i32
        %dma_wait3A_112 = arith.constant 1 : i32
        %dma_wait3A_113 = arith.constant 0 : i32
        %dma_wait3A_114 = arith.constant 0 : i32
        %dma_wait3A_115 = tpu.memref_slice %arg9[%dma_wait3A_112, %dma_wait3A_113, %dma_wait3A_114] : memref<5x100x64xf32, #tpu.memory_space<vmem>> -> memref<1x100x64xf32, #tpu.memory_space<vmem>>
        %dma_wait3A_116 = tpu.memref_squeeze %dma_wait3A_115 : memref<1x100x64xf32, #tpu.memory_space<vmem>> -> memref<100x64xf32, #tpu.memory_space<vmem>>
        %dma_wait3A_117 = arith.constant 0 : i32
        %dma_wait3A_118 = tpu.memref_slice %arg7[%add3A_111, %dma_wait3A_117] : memref<200x100xi32, #tpu.memory_space<vmem>> -> memref<1x100xi32, #tpu.memory_space<vmem>>
        %dma_wait3A_119 = tpu.memref_squeeze %dma_wait3A_118 : memref<1x100xi32, #tpu.memory_space<vmem>> -> memref<100xi32, #tpu.memory_space<vmem>>
        %dma_wait3A_120 = arith.constant 0 : i32
        %dma_wait3A_121 = arith.constant 0 : i32
        %dma_wait3A_122 = tpu.memref_slice %arg2[%scan3A_28, %dma_wait3A_120, %dma_wait3A_121] : memref<2x10000x64xf32, #tpu.memory_space<hbm>> -> memref<1x10000x64xf32, #tpu.memory_space<hbm>>
        %dma_wait3A_123 = tpu.memref_squeeze %dma_wait3A_122 : memref<1x10000x64xf32, #tpu.memory_space<hbm>> -> memref<10000x64xf32, #tpu.memory_space<hbm>>
        %dma_wait3A_124 = arith.constant 0 : i32
        %dma_wait3A_125 = arith.constant 0 : i32
        %dma_wait3A_126 = tpu.memref_slice %dma_wait3A_123[%dma_wait3A_124, %dma_wait3A_125] : memref<10000x64xf32, #tpu.memory_space<hbm>> -> memref<10000x64xf32, #tpu.memory_space<hbm>>
        tpu.wait_indirect_dma semaphore(%arg13 : memref<!tpu.dma_semaphore, #tpu.memory_space<semaphore_mem>>) src(%dma_wait3A_126 : memref<10000x64xf32, #tpu.memory_space<hbm>>) dst(%dma_wait3A_116 : memref<100x64xf32, #tpu.memory_space<vmem>>)
        %dma_start3A_127 = arith.constant 1 : i32
        %dma_start3A_128 = arith.constant 0 : i32
        %dma_start3A_129 = arith.constant 0 : i32
        %dma_start3A_130 = tpu.memref_slice %arg9[%dma_start3A_127, %dma_start3A_128, %dma_start3A_129] : memref<5x100x64xf32, #tpu.memory_space<vmem>> -> memref<1x100x64xf32, #tpu.memory_space<vmem>>
        %dma_start3A_131 = tpu.memref_squeeze %dma_start3A_130 : memref<1x100x64xf32, #tpu.memory_space<vmem>> -> memref<100x64xf32, #tpu.memory_space<vmem>>
        %dma_start3A_132 = arith.constant 0 : i32
        %dma_start3A_133 = tpu.memref_slice %arg8[%add3A_111, %dma_start3A_132] : memref<200x100xi32, #tpu.memory_space<vmem>> -> memref<1x100xi32, #tpu.memory_space<vmem>>
        %dma_start3A_134 = tpu.memref_squeeze %dma_start3A_133 : memref<1x100xi32, #tpu.memory_space<vmem>> -> memref<100xi32, #tpu.memory_space<vmem>>
        %dma_start3A_135 = arith.constant 0 : i32
        %dma_start3A_136 = arith.constant 0 : i32
        %dma_start3A_137 = tpu.memref_slice %arg11[%dma_start3A_135, %dma_start3A_136] : memref<10000x64xf32, #tpu.memory_space<vmem_shared>> -> memref<10000x64xf32, #tpu.memory_space<vmem_shared>>
        tpu.enqueue_indirect_dma source(%dma_start3A_131 : memref<100x64xf32, #tpu.memory_space<vmem>>) target(%dma_start3A_137 : memref<10000x64xf32, #tpu.memory_space<vmem_shared>>) offsets(%dma_start3A_134 : memref<100xi32, #tpu.memory_space<vmem>>) semaphore(%arg18 : memref<!tpu.dma_semaphore, #tpu.memory_space<semaphore_mem>>) {add = true}
        %ge3A_138 = arith.constant 3 : i32
        %ge3A_139 = arith.cmpi sge, %add3A_111, %ge3A_138 : i32
        %convert_element_type3A_140 = arith.extui %ge3A_139 : i1 to i32
        %cond3A_141 = arith.constant 0 : i32
        %cond3A_142 = arith.cmpi ne, %convert_element_type3A_140, %cond3A_141 : i32
        scf.if %cond3A_142 {
          %dma_wait3A_270 = arith.constant 3 : i32
          %dma_wait3A_271 = arith.constant 0 : i32
          %dma_wait3A_272 = arith.constant 0 : i32
          %dma_wait3A_273 = arith.constant 0 : i32
          %dma_wait3A_274 = tpu.memref_slice %arg9[%dma_wait3A_270, %dma_wait3A_272, %dma_wait3A_273] : memref<5x100x64xf32, #tpu.memory_space<vmem>> -> memref<1x100x64xf32, #tpu.memory_space<vmem>>
          %dma_wait3A_275 = tpu.memref_squeeze %dma_wait3A_274 : memref<1x100x64xf32, #tpu.memory_space<vmem>> -> memref<100x64xf32, #tpu.memory_space<vmem>>
          %dma_wait3A_276 = arith.constant 0 : i32
          %dma_wait3A_277 = tpu.memref_slice %arg8[%dma_wait3A_271, %dma_wait3A_276] : memref<200x100xi32, #tpu.memory_space<vmem>> -> memref<1x100xi32, #tpu.memory_space<vmem>>
          %dma_wait3A_278 = tpu.memref_squeeze %dma_wait3A_277 : memref<1x100xi32, #tpu.memory_space<vmem>> -> memref<100xi32, #tpu.memory_space<vmem>>
          %dma_wait3A_279 = arith.constant 0 : i32
          %dma_wait3A_280 = arith.constant 0 : i32
          %dma_wait3A_281 = tpu.memref_slice %arg11[%dma_wait3A_279, %dma_wait3A_280] : memref<10000x64xf32, #tpu.memory_space<vmem_shared>> -> memref<10000x64xf32, #tpu.memory_space<vmem_shared>>
          tpu.wait_indirect_dma semaphore(%arg20 : memref<!tpu.dma_semaphore, #tpu.memory_space<semaphore_mem>>) src(%dma_wait3A_275 : memref<100x64xf32, #tpu.memory_space<vmem>>) dst(%dma_wait3A_281 : memref<10000x64xf32, #tpu.memory_space<vmem_shared>>)
        } else {
        }
        %add3A_143 = arith.constant 2 : i32
        %add3A_144 = arith.addi %add3A_111, %add3A_143 : i32
        %lt3A_145 = arith.constant 200 : i32
        %lt3A_146 = arith.cmpi slt, %add3A_144, %lt3A_145 : i32
        %convert_element_type3A_147 = arith.extui %lt3A_146 : i1 to i32
        %cond3A_148 = arith.constant 0 : i32
        %cond3A_149 = arith.cmpi ne, %convert_element_type3A_147, %cond3A_148 : i32
        scf.if %cond3A_149 {
          %add3A_270 = arith.constant 2 : i32
          %add3A_271 = arith.addi %add3A_111, %add3A_270 : i32
          %dma_start3A_272 = arith.constant 3 : i32
          %dma_start3A_273 = arith.constant 0 : i32
          %dma_start3A_274 = arith.constant 0 : i32
          %dma_start3A_275 = tpu.memref_slice %arg9[%dma_start3A_272, %dma_start3A_273, %dma_start3A_274] : memref<5x100x64xf32, #tpu.memory_space<vmem>> -> memref<1x100x64xf32, #tpu.memory_space<vmem>>
          %dma_start3A_276 = tpu.memref_squeeze %dma_start3A_275 : memref<1x100x64xf32, #tpu.memory_space<vmem>> -> memref<100x64xf32, #tpu.memory_space<vmem>>
          %dma_start3A_277 = arith.constant 0 : i32
          %dma_start3A_278 = tpu.memref_slice %arg7[%add3A_271, %dma_start3A_277] : memref<200x100xi32, #tpu.memory_space<vmem>> -> memref<1x100xi32, #tpu.memory_space<vmem>>
          %dma_start3A_279 = tpu.memref_squeeze %dma_start3A_278 : memref<1x100xi32, #tpu.memory_space<vmem>> -> memref<100xi32, #tpu.memory_space<vmem>>
          %dma_start3A_280 = arith.constant 0 : i32
          %dma_start3A_281 = arith.constant 0 : i32
          %dma_start3A_282 = tpu.memref_slice %arg2[%scan3A_28, %dma_start3A_280, %dma_start3A_281] : memref<2x10000x64xf32, #tpu.memory_space<hbm>> -> memref<1x10000x64xf32, #tpu.memory_space<hbm>>
          %dma_start3A_283 = tpu.memref_squeeze %dma_start3A_282 : memref<1x10000x64xf32, #tpu.memory_space<hbm>> -> memref<10000x64xf32, #tpu.memory_space<hbm>>
          %dma_start3A_284 = arith.constant 0 : i32
          %dma_start3A_285 = arith.constant 0 : i32
          %dma_start3A_286 = tpu.memref_slice %dma_start3A_283[%dma_start3A_284, %dma_start3A_285] : memref<10000x64xf32, #tpu.memory_space<hbm>> -> memref<10000x64xf32, #tpu.memory_space<hbm>>
          tpu.enqueue_indirect_dma source(%dma_start3A_286 : memref<10000x64xf32, #tpu.memory_space<hbm>>) target(%dma_start3A_276 : memref<100x64xf32, #tpu.memory_space<vmem>>) offsets(%dma_start3A_279 : memref<100xi32, #tpu.memory_space<vmem>>) semaphore(%arg15 : memref<!tpu.dma_semaphore, #tpu.memory_space<semaphore_mem>>)
        } else {
        }
        %add3A_150 = arith.constant 2 : i32
        %add3A_151 = arith.addi %add3A_72, %add3A_150 : i32
        %dma_wait3A_152 = arith.constant 2 : i32
        %dma_wait3A_153 = arith.constant 0 : i32
        %dma_wait3A_154 = arith.constant 0 : i32
        %dma_wait3A_155 = tpu.memref_slice %arg9[%dma_wait3A_152, %dma_wait3A_153, %dma_wait3A_154] : memref<5x100x64xf32, #tpu.memory_space<vmem>> -> memref<1x100x64xf32, #tpu.memory_space<vmem>>
        %dma_wait3A_156 = tpu.memref_squeeze %dma_wait3A_155 : memref<1x100x64xf32, #tpu.memory_space<vmem>> -> memref<100x64xf32, #tpu.memory_space<vmem>>
        %dma_wait3A_157 = arith.constant 0 : i32
        %dma_wait3A_158 = tpu.memref_slice %arg7[%add3A_151, %dma_wait3A_157] : memref<200x100xi32, #tpu.memory_space<vmem>> -> memref<1x100xi32, #tpu.memory_space<vmem>>
        %dma_wait3A_159 = tpu.memref_squeeze %dma_wait3A_158 : memref<1x100xi32, #tpu.memory_space<vmem>> -> memref<100xi32, #tpu.memory_space<vmem>>
        %dma_wait3A_160 = arith.constant 0 : i32
        %dma_wait3A_161 = arith.constant 0 : i32
        %dma_wait3A_162 = tpu.memref_slice %arg2[%scan3A_28, %dma_wait3A_160, %dma_wait3A_161] : memref<2x10000x64xf32, #tpu.memory_space<hbm>> -> memref<1x10000x64xf32, #tpu.memory_space<hbm>>
        %dma_wait3A_163 = tpu.memref_squeeze %dma_wait3A_162 : memref<1x10000x64xf32, #tpu.memory_space<hbm>> -> memref<10000x64xf32, #tpu.memory_space<hbm>>
        %dma_wait3A_164 = arith.constant 0 : i32
        %dma_wait3A_165 = arith.constant 0 : i32
        %dma_wait3A_166 = tpu.memref_slice %dma_wait3A_163[%dma_wait3A_164, %dma_wait3A_165] : memref<10000x64xf32, #tpu.memory_space<hbm>> -> memref<10000x64xf32, #tpu.memory_space<hbm>>
        tpu.wait_indirect_dma semaphore(%arg14 : memref<!tpu.dma_semaphore, #tpu.memory_space<semaphore_mem>>) src(%dma_wait3A_166 : memref<10000x64xf32, #tpu.memory_space<hbm>>) dst(%dma_wait3A_156 : memref<100x64xf32, #tpu.memory_space<vmem>>)
        %dma_start3A_167 = arith.constant 2 : i32
        %dma_start3A_168 = arith.constant 0 : i32
        %dma_start3A_169 = arith.constant 0 : i32
        %dma_start3A_170 = tpu.memref_slice %arg9[%dma_start3A_167, %dma_start3A_168, %dma_start3A_169] : memref<5x100x64xf32, #tpu.memory_space<vmem>> -> memref<1x100x64xf32, #tpu.memory_space<vmem>>
        %dma_start3A_171 = tpu.memref_squeeze %dma_start3A_170 : memref<1x100x64xf32, #tpu.memory_space<vmem>> -> memref<100x64xf32, #tpu.memory_space<vmem>>
        %dma_start3A_172 = arith.constant 0 : i32
        %dma_start3A_173 = tpu.memref_slice %arg8[%add3A_151, %dma_start3A_172] : memref<200x100xi32, #tpu.memory_space<vmem>> -> memref<1x100xi32, #tpu.memory_space<vmem>>
        %dma_start3A_174 = tpu.memref_squeeze %dma_start3A_173 : memref<1x100xi32, #tpu.memory_space<vmem>> -> memref<100xi32, #tpu.memory_space<vmem>>
        %dma_start3A_175 = arith.constant 0 : i32
        %dma_start3A_176 = arith.constant 0 : i32
        %dma_start3A_177 = tpu.memref_slice %arg11[%dma_start3A_175, %dma_start3A_176] : memref<10000x64xf32, #tpu.memory_space<vmem_shared>> -> memref<10000x64xf32, #tpu.memory_space<vmem_shared>>
        tpu.enqueue_indirect_dma source(%dma_start3A_171 : memref<100x64xf32, #tpu.memory_space<vmem>>) target(%dma_start3A_177 : memref<10000x64xf32, #tpu.memory_space<vmem_shared>>) offsets(%dma_start3A_174 : memref<100xi32, #tpu.memory_space<vmem>>) semaphore(%arg19 : memref<!tpu.dma_semaphore, #tpu.memory_space<semaphore_mem>>) {add = true}
        %ge3A_178 = arith.constant 3 : i32
        %ge3A_179 = arith.cmpi sge, %add3A_151, %ge3A_178 : i32
        %convert_element_type3A_180 = arith.extui %ge3A_179 : i1 to i32
        %cond3A_181 = arith.constant 0 : i32
        %cond3A_182 = arith.cmpi ne, %convert_element_type3A_180, %cond3A_181 : i32
        scf.if %cond3A_182 {
          %dma_wait3A_270 = arith.constant 4 : i32
          %dma_wait3A_271 = arith.constant 0 : i32
          %dma_wait3A_272 = arith.constant 0 : i32
          %dma_wait3A_273 = arith.constant 0 : i32
          %dma_wait3A_274 = tpu.memref_slice %arg9[%dma_wait3A_270, %dma_wait3A_272, %dma_wait3A_273] : memref<5x100x64xf32, #tpu.memory_space<vmem>> -> memref<1x100x64xf32, #tpu.memory_space<vmem>>
          %dma_wait3A_275 = tpu.memref_squeeze %dma_wait3A_274 : memref<1x100x64xf32, #tpu.memory_space<vmem>> -> memref<100x64xf32, #tpu.memory_space<vmem>>
          %dma_wait3A_276 = arith.constant 0 : i32
          %dma_wait3A_277 = tpu.memref_slice %arg8[%dma_wait3A_271, %dma_wait3A_276] : memref<200x100xi32, #tpu.memory_space<vmem>> -> memref<1x100xi32, #tpu.memory_space<vmem>>
          %dma_wait3A_278 = tpu.memref_squeeze %dma_wait3A_277 : memref<1x100xi32, #tpu.memory_space<vmem>> -> memref<100xi32, #tpu.memory_space<vmem>>
          %dma_wait3A_279 = arith.constant 0 : i32
          %dma_wait3A_280 = arith.constant 0 : i32
          %dma_wait3A_281 = tpu.memref_slice %arg11[%dma_wait3A_279, %dma_wait3A_280] : memref<10000x64xf32, #tpu.memory_space<vmem_shared>> -> memref<10000x64xf32, #tpu.memory_space<vmem_shared>>
          tpu.wait_indirect_dma semaphore(%arg21 : memref<!tpu.dma_semaphore, #tpu.memory_space<semaphore_mem>>) src(%dma_wait3A_275 : memref<100x64xf32, #tpu.memory_space<vmem>>) dst(%dma_wait3A_281 : memref<10000x64xf32, #tpu.memory_space<vmem_shared>>)
        } else {
        }
        %add3A_183 = arith.constant 2 : i32
        %add3A_184 = arith.addi %add3A_151, %add3A_183 : i32
        %lt3A_185 = arith.constant 200 : i32
        %lt3A_186 = arith.cmpi slt, %add3A_184, %lt3A_185 : i32
        %convert_element_type3A_187 = arith.extui %lt3A_186 : i1 to i32
        %cond3A_188 = arith.constant 0 : i32
        %cond3A_189 = arith.cmpi ne, %convert_element_type3A_187, %cond3A_188 : i32
        scf.if %cond3A_189 {
          %add3A_270 = arith.constant 2 : i32
          %add3A_271 = arith.addi %add3A_151, %add3A_270 : i32
          %dma_start3A_272 = arith.constant 4 : i32
          %dma_start3A_273 = arith.constant 0 : i32
          %dma_start3A_274 = arith.constant 0 : i32
          %dma_start3A_275 = tpu.memref_slice %arg9[%dma_start3A_272, %dma_start3A_273, %dma_start3A_274] : memref<5x100x64xf32, #tpu.memory_space<vmem>> -> memref<1x100x64xf32, #tpu.memory_space<vmem>>
          %dma_start3A_276 = tpu.memref_squeeze %dma_start3A_275 : memref<1x100x64xf32, #tpu.memory_space<vmem>> -> memref<100x64xf32, #tpu.memory_space<vmem>>
          %dma_start3A_277 = arith.constant 0 : i32
          %dma_start3A_278 = tpu.memref_slice %arg7[%add3A_271, %dma_start3A_277] : memref<200x100xi32, #tpu.memory_space<vmem>> -> memref<1x100xi32, #tpu.memory_space<vmem>>
          %dma_start3A_279 = tpu.memref_squeeze %dma_start3A_278 : memref<1x100xi32, #tpu.memory_space<vmem>> -> memref<100xi32, #tpu.memory_space<vmem>>
          %dma_start3A_280 = arith.constant 0 : i32
          %dma_start3A_281 = arith.constant 0 : i32
          %dma_start3A_282 = tpu.memref_slice %arg2[%scan3A_28, %dma_start3A_280, %dma_start3A_281] : memref<2x10000x64xf32, #tpu.memory_space<hbm>> -> memref<1x10000x64xf32, #tpu.memory_space<hbm>>
          %dma_start3A_283 = tpu.memref_squeeze %dma_start3A_282 : memref<1x10000x64xf32, #tpu.memory_space<hbm>> -> memref<10000x64xf32, #tpu.memory_space<hbm>>
          %dma_start3A_284 = arith.constant 0 : i32
          %dma_start3A_285 = arith.constant 0 : i32
          %dma_start3A_286 = tpu.memref_slice %dma_start3A_283[%dma_start3A_284, %dma_start3A_285] : memref<10000x64xf32, #tpu.memory_space<hbm>> -> memref<10000x64xf32, #tpu.memory_space<hbm>>
          tpu.enqueue_indirect_dma source(%dma_start3A_286 : memref<10000x64xf32, #tpu.memory_space<hbm>>) target(%dma_start3A_276 : memref<100x64xf32, #tpu.memory_space<vmem>>) offsets(%dma_start3A_279 : memref<100xi32, #tpu.memory_space<vmem>>) semaphore(%arg16 : memref<!tpu.dma_semaphore, #tpu.memory_space<semaphore_mem>>)
        } else {
        }
        %add3A_190 = arith.constant 3 : i32
        %add3A_191 = arith.addi %add3A_72, %add3A_190 : i32
        %dma_wait3A_192 = arith.constant 3 : i32
        %dma_wait3A_193 = arith.constant 0 : i32
        %dma_wait3A_194 = arith.constant 0 : i32
        %dma_wait3A_195 = tpu.memref_slice %arg9[%dma_wait3A_192, %dma_wait3A_193, %dma_wait3A_194] : memref<5x100x64xf32, #tpu.memory_space<vmem>> -> memref<1x100x64xf32, #tpu.memory_space<vmem>>
        %dma_wait3A_196 = tpu.memref_squeeze %dma_wait3A_195 : memref<1x100x64xf32, #tpu.memory_space<vmem>> -> memref<100x64xf32, #tpu.memory_space<vmem>>
        %dma_wait3A_197 = arith.constant 0 : i32
        %dma_wait3A_198 = tpu.memref_slice %arg7[%add3A_191, %dma_wait3A_197] : memref<200x100xi32, #tpu.memory_space<vmem>> -> memref<1x100xi32, #tpu.memory_space<vmem>>
        %dma_wait3A_199 = tpu.memref_squeeze %dma_wait3A_198 : memref<1x100xi32, #tpu.memory_space<vmem>> -> memref<100xi32, #tpu.memory_space<vmem>>
        %dma_wait3A_200 = arith.constant 0 : i32
        %dma_wait3A_201 = arith.constant 0 : i32
        %dma_wait3A_202 = tpu.memref_slice %arg2[%scan3A_28, %dma_wait3A_200, %dma_wait3A_201] : memref<2x10000x64xf32, #tpu.memory_space<hbm>> -> memref<1x10000x64xf32, #tpu.memory_space<hbm>>
        %dma_wait3A_203 = tpu.memref_squeeze %dma_wait3A_202 : memref<1x10000x64xf32, #tpu.memory_space<hbm>> -> memref<10000x64xf32, #tpu.memory_space<hbm>>
        %dma_wait3A_204 = arith.constant 0 : i32
        %dma_wait3A_205 = arith.constant 0 : i32
        %dma_wait3A_206 = tpu.memref_slice %dma_wait3A_203[%dma_wait3A_204, %dma_wait3A_205] : memref<10000x64xf32, #tpu.memory_space<hbm>> -> memref<10000x64xf32, #tpu.memory_space<hbm>>
        tpu.wait_indirect_dma semaphore(%arg15 : memref<!tpu.dma_semaphore, #tpu.memory_space<semaphore_mem>>) src(%dma_wait3A_206 : memref<10000x64xf32, #tpu.memory_space<hbm>>) dst(%dma_wait3A_196 : memref<100x64xf32, #tpu.memory_space<vmem>>)
        %dma_start3A_207 = arith.constant 3 : i32
        %dma_start3A_208 = arith.constant 0 : i32
        %dma_start3A_209 = arith.constant 0 : i32
        %dma_start3A_210 = tpu.memref_slice %arg9[%dma_start3A_207, %dma_start3A_208, %dma_start3A_209] : memref<5x100x64xf32, #tpu.memory_space<vmem>> -> memref<1x100x64xf32, #tpu.memory_space<vmem>>
        %dma_start3A_211 = tpu.memref_squeeze %dma_start3A_210 : memref<1x100x64xf32, #tpu.memory_space<vmem>> -> memref<100x64xf32, #tpu.memory_space<vmem>>
        %dma_start3A_212 = arith.constant 0 : i32
        %dma_start3A_213 = tpu.memref_slice %arg8[%add3A_191, %dma_start3A_212] : memref<200x100xi32, #tpu.memory_space<vmem>> -> memref<1x100xi32, #tpu.memory_space<vmem>>
        %dma_start3A_214 = tpu.memref_squeeze %dma_start3A_213 : memref<1x100xi32, #tpu.memory_space<vmem>> -> memref<100xi32, #tpu.memory_space<vmem>>
        %dma_start3A_215 = arith.constant 0 : i32
        %dma_start3A_216 = arith.constant 0 : i32
        %dma_start3A_217 = tpu.memref_slice %arg11[%dma_start3A_215, %dma_start3A_216] : memref<10000x64xf32, #tpu.memory_space<vmem_shared>> -> memref<10000x64xf32, #tpu.memory_space<vmem_shared>>
        tpu.enqueue_indirect_dma source(%dma_start3A_211 : memref<100x64xf32, #tpu.memory_space<vmem>>) target(%dma_start3A_217 : memref<10000x64xf32, #tpu.memory_space<vmem_shared>>) offsets(%dma_start3A_214 : memref<100xi32, #tpu.memory_space<vmem>>) semaphore(%arg20 : memref<!tpu.dma_semaphore, #tpu.memory_space<semaphore_mem>>) {add = true}
        %ge3A_218 = arith.constant 3 : i32
        %ge3A_219 = arith.cmpi sge, %add3A_191, %ge3A_218 : i32
        %convert_element_type3A_220 = arith.extui %ge3A_219 : i1 to i32
        %cond3A_221 = arith.constant 0 : i32
        %cond3A_222 = arith.cmpi ne, %convert_element_type3A_220, %cond3A_221 : i32
        scf.if %cond3A_222 {
          %dma_wait3A_270 = arith.constant 0 : i32
          %dma_wait3A_271 = arith.constant 0 : i32
          %dma_wait3A_272 = arith.constant 0 : i32
          %dma_wait3A_273 = arith.constant 0 : i32
          %dma_wait3A_274 = tpu.memref_slice %arg9[%dma_wait3A_270, %dma_wait3A_272, %dma_wait3A_273] : memref<5x100x64xf32, #tpu.memory_space<vmem>> -> memref<1x100x64xf32, #tpu.memory_space<vmem>>
          %dma_wait3A_275 = tpu.memref_squeeze %dma_wait3A_274 : memref<1x100x64xf32, #tpu.memory_space<vmem>> -> memref<100x64xf32, #tpu.memory_space<vmem>>
          %dma_wait3A_276 = arith.constant 0 : i32
          %dma_wait3A_277 = tpu.memref_slice %arg8[%dma_wait3A_271, %dma_wait3A_276] : memref<200x100xi32, #tpu.memory_space<vmem>> -> memref<1x100xi32, #tpu.memory_space<vmem>>
          %dma_wait3A_278 = tpu.memref_squeeze %dma_wait3A_277 : memref<1x100xi32, #tpu.memory_space<vmem>> -> memref<100xi32, #tpu.memory_space<vmem>>
          %dma_wait3A_279 = arith.constant 0 : i32
          %dma_wait3A_280 = arith.constant 0 : i32
          %dma_wait3A_281 = tpu.memref_slice %arg11[%dma_wait3A_279, %dma_wait3A_280] : memref<10000x64xf32, #tpu.memory_space<vmem_shared>> -> memref<10000x64xf32, #tpu.memory_space<vmem_shared>>
          tpu.wait_indirect_dma semaphore(%arg17 : memref<!tpu.dma_semaphore, #tpu.memory_space<semaphore_mem>>) src(%dma_wait3A_275 : memref<100x64xf32, #tpu.memory_space<vmem>>) dst(%dma_wait3A_281 : memref<10000x64xf32, #tpu.memory_space<vmem_shared>>)
        } else {
        }
        %add3A_223 = arith.constant 2 : i32
        %add3A_224 = arith.addi %add3A_191, %add3A_223 : i32
        %lt3A_225 = arith.constant 200 : i32
        %lt3A_226 = arith.cmpi slt, %add3A_224, %lt3A_225 : i32
        %convert_element_type3A_227 = arith.extui %lt3A_226 : i1 to i32
        %cond3A_228 = arith.constant 0 : i32
        %cond3A_229 = arith.cmpi ne, %convert_element_type3A_227, %cond3A_228 : i32
        scf.if %cond3A_229 {
          %add3A_270 = arith.constant 2 : i32
          %add3A_271 = arith.addi %add3A_191, %add3A_270 : i32
          %dma_start3A_272 = arith.constant 0 : i32
          %dma_start3A_273 = arith.constant 0 : i32
          %dma_start3A_274 = arith.constant 0 : i32
          %dma_start3A_275 = tpu.memref_slice %arg9[%dma_start3A_272, %dma_start3A_273, %dma_start3A_274] : memref<5x100x64xf32, #tpu.memory_space<vmem>> -> memref<1x100x64xf32, #tpu.memory_space<vmem>>
          %dma_start3A_276 = tpu.memref_squeeze %dma_start3A_275 : memref<1x100x64xf32, #tpu.memory_space<vmem>> -> memref<100x64xf32, #tpu.memory_space<vmem>>
          %dma_start3A_277 = arith.constant 0 : i32
          %dma_start3A_278 = tpu.memref_slice %arg7[%add3A_271, %dma_start3A_277] : memref<200x100xi32, #tpu.memory_space<vmem>> -> memref<1x100xi32, #tpu.memory_space<vmem>>
          %dma_start3A_279 = tpu.memref_squeeze %dma_start3A_278 : memref<1x100xi32, #tpu.memory_space<vmem>> -> memref<100xi32, #tpu.memory_space<vmem>>
          %dma_start3A_280 = arith.constant 0 : i32
          %dma_start3A_281 = arith.constant 0 : i32
          %dma_start3A_282 = tpu.memref_slice %arg2[%scan3A_28, %dma_start3A_280, %dma_start3A_281] : memref<2x10000x64xf32, #tpu.memory_space<hbm>> -> memref<1x10000x64xf32, #tpu.memory_space<hbm>>
          %dma_start3A_283 = tpu.memref_squeeze %dma_start3A_282 : memref<1x10000x64xf32, #tpu.memory_space<hbm>> -> memref<10000x64xf32, #tpu.memory_space<hbm>>
          %dma_start3A_284 = arith.constant 0 : i32
          %dma_start3A_285 = arith.constant 0 : i32
          %dma_start3A_286 = tpu.memref_slice %dma_start3A_283[%dma_start3A_284, %dma_start3A_285] : memref<10000x64xf32, #tpu.memory_space<hbm>> -> memref<10000x64xf32, #tpu.memory_space<hbm>>
          tpu.enqueue_indirect_dma source(%dma_start3A_286 : memref<10000x64xf32, #tpu.memory_space<hbm>>) target(%dma_start3A_276 : memref<100x64xf32, #tpu.memory_space<vmem>>) offsets(%dma_start3A_279 : memref<100xi32, #tpu.memory_space<vmem>>) semaphore(%arg12 : memref<!tpu.dma_semaphore, #tpu.memory_space<semaphore_mem>>)
        } else {
        }
        %add3A_230 = arith.constant 4 : i32
        %add3A_231 = arith.addi %add3A_72, %add3A_230 : i32
        %dma_wait3A_232 = arith.constant 4 : i32
        %dma_wait3A_233 = arith.constant 0 : i32
        %dma_wait3A_234 = arith.constant 0 : i32
        %dma_wait3A_235 = tpu.memref_slice %arg9[%dma_wait3A_232, %dma_wait3A_233, %dma_wait3A_234] : memref<5x100x64xf32, #tpu.memory_space<vmem>> -> memref<1x100x64xf32, #tpu.memory_space<vmem>>
        %dma_wait3A_236 = tpu.memref_squeeze %dma_wait3A_235 : memref<1x100x64xf32, #tpu.memory_space<vmem>> -> memref<100x64xf32, #tpu.memory_space<vmem>>
        %dma_wait3A_237 = arith.constant 0 : i32
        %dma_wait3A_238 = tpu.memref_slice %arg7[%add3A_231, %dma_wait3A_237] : memref<200x100xi32, #tpu.memory_space<vmem>> -> memref<1x100xi32, #tpu.memory_space<vmem>>
        %dma_wait3A_239 = tpu.memref_squeeze %dma_wait3A_238 : memref<1x100xi32, #tpu.memory_space<vmem>> -> memref<100xi32, #tpu.memory_space<vmem>>
        %dma_wait3A_240 = arith.constant 0 : i32
        %dma_wait3A_241 = arith.constant 0 : i32
        %dma_wait3A_242 = tpu.memref_slice %arg2[%scan3A_28, %dma_wait3A_240, %dma_wait3A_241] : memref<2x10000x64xf32, #tpu.memory_space<hbm>> -> memref<1x10000x64xf32, #tpu.memory_space<hbm>>
        %dma_wait3A_243 = tpu.memref_squeeze %dma_wait3A_242 : memref<1x10000x64xf32, #tpu.memory_space<hbm>> -> memref<10000x64xf32, #tpu.memory_space<hbm>>
        %dma_wait3A_244 = arith.constant 0 : i32
        %dma_wait3A_245 = arith.constant 0 : i32
        %dma_wait3A_246 = tpu.memref_slice %dma_wait3A_243[%dma_wait3A_244, %dma_wait3A_245] : memref<10000x64xf32, #tpu.memory_space<hbm>> -> memref<10000x64xf32, #tpu.memory_space<hbm>>
        tpu.wait_indirect_dma semaphore(%arg16 : memref<!tpu.dma_semaphore, #tpu.memory_space<semaphore_mem>>) src(%dma_wait3A_246 : memref<10000x64xf32, #tpu.memory_space<hbm>>) dst(%dma_wait3A_236 : memref<100x64xf32, #tpu.memory_space<vmem>>)
        %dma_start3A_247 = arith.constant 4 : i32
        %dma_start3A_248 = arith.constant 0 : i32
        %dma_start3A_249 = arith.constant 0 : i32
        %dma_start3A_250 = tpu.memref_slice %arg9[%dma_start3A_247, %dma_start3A_248, %dma_start3A_249] : memref<5x100x64xf32, #tpu.memory_space<vmem>> -> memref<1x100x64xf32, #tpu.memory_space<vmem>>
        %dma_start3A_251 = tpu.memref_squeeze %dma_start3A_250 : memref<1x100x64xf32, #tpu.memory_space<vmem>> -> memref<100x64xf32, #tpu.memory_space<vmem>>
        %dma_start3A_252 = arith.constant 0 : i32
        %dma_start3A_253 = tpu.memref_slice %arg8[%add3A_231, %dma_start3A_252] : memref<200x100xi32, #tpu.memory_space<vmem>> -> memref<1x100xi32, #tpu.memory_space<vmem>>
        %dma_start3A_254 = tpu.memref_squeeze %dma_start3A_253 : memref<1x100xi32, #tpu.memory_space<vmem>> -> memref<100xi32, #tpu.memory_space<vmem>>
        %dma_start3A_255 = arith.constant 0 : i32
        %dma_start3A_256 = arith.constant 0 : i32
        %dma_start3A_257 = tpu.memref_slice %arg11[%dma_start3A_255, %dma_start3A_256] : memref<10000x64xf32, #tpu.memory_space<vmem_shared>> -> memref<10000x64xf32, #tpu.memory_space<vmem_shared>>
        tpu.enqueue_indirect_dma source(%dma_start3A_251 : memref<100x64xf32, #tpu.memory_space<vmem>>) target(%dma_start3A_257 : memref<10000x64xf32, #tpu.memory_space<vmem_shared>>) offsets(%dma_start3A_254 : memref<100xi32, #tpu.memory_space<vmem>>) semaphore(%arg21 : memref<!tpu.dma_semaphore, #tpu.memory_space<semaphore_mem>>) {add = true}
        %ge3A_258 = arith.constant 3 : i32
        %ge3A_259 = arith.cmpi sge, %add3A_231, %ge3A_258 : i32
        %convert_element_type3A_260 = arith.extui %ge3A_259 : i1 to i32
        %cond3A_261 = arith.constant 0 : i32
        %cond3A_262 = arith.cmpi ne, %convert_element_type3A_260, %cond3A_261 : i32
        scf.if %cond3A_262 {
          %dma_wait3A_270 = arith.constant 1 : i32
          %dma_wait3A_271 = arith.constant 0 : i32
          %dma_wait3A_272 = arith.constant 0 : i32
          %dma_wait3A_273 = arith.constant 0 : i32
          %dma_wait3A_274 = tpu.memref_slice %arg9[%dma_wait3A_270, %dma_wait3A_272, %dma_wait3A_273] : memref<5x100x64xf32, #tpu.memory_space<vmem>> -> memref<1x100x64xf32, #tpu.memory_space<vmem>>
          %dma_wait3A_275 = tpu.memref_squeeze %dma_wait3A_274 : memref<1x100x64xf32, #tpu.memory_space<vmem>> -> memref<100x64xf32, #tpu.memory_space<vmem>>
          %dma_wait3A_276 = arith.constant 0 : i32
          %dma_wait3A_277 = tpu.memref_slice %arg8[%dma_wait3A_271, %dma_wait3A_276] : memref<200x100xi32, #tpu.memory_space<vmem>> -> memref<1x100xi32, #tpu.memory_space<vmem>>
          %dma_wait3A_278 = tpu.memref_squeeze %dma_wait3A_277 : memref<1x100xi32, #tpu.memory_space<vmem>> -> memref<100xi32, #tpu.memory_space<vmem>>
          %dma_wait3A_279 = arith.constant 0 : i32
          %dma_wait3A_280 = arith.constant 0 : i32
          %dma_wait3A_281 = tpu.memref_slice %arg11[%dma_wait3A_279, %dma_wait3A_280] : memref<10000x64xf32, #tpu.memory_space<vmem_shared>> -> memref<10000x64xf32, #tpu.memory_space<vmem_shared>>
          tpu.wait_indirect_dma semaphore(%arg18 : memref<!tpu.dma_semaphore, #tpu.memory_space<semaphore_mem>>) src(%dma_wait3A_275 : memref<100x64xf32, #tpu.memory_space<vmem>>) dst(%dma_wait3A_281 : memref<10000x64xf32, #tpu.memory_space<vmem_shared>>)
        } else {
        }
        %add3A_263 = arith.constant 2 : i32
        %add3A_264 = arith.addi %add3A_231, %add3A_263 : i32
        %lt3A_265 = arith.constant 200 : i32
        %lt3A_266 = arith.cmpi slt, %add3A_264, %lt3A_265 : i32
        %convert_element_type3A_267 = arith.extui %lt3A_266 : i1 to i32
        %cond3A_268 = arith.constant 0 : i32
        %cond3A_269 = arith.cmpi ne, %convert_element_type3A_267, %cond3A_268 : i32
        scf.if %cond3A_269 {
          %add3A_270 = arith.constant 2 : i32
          %add3A_271 = arith.addi %add3A_231, %add3A_270 : i32
          %dma_start3A_272 = arith.constant 1 : i32
          %dma_start3A_273 = arith.constant 0 : i32
          %dma_start3A_274 = arith.constant 0 : i32
          %dma_start3A_275 = tpu.memref_slice %arg9[%dma_start3A_272, %dma_start3A_273, %dma_start3A_274] : memref<5x100x64xf32, #tpu.memory_space<vmem>> -> memref<1x100x64xf32, #tpu.memory_space<vmem>>
          %dma_start3A_276 = tpu.memref_squeeze %dma_start3A_275 : memref<1x100x64xf32, #tpu.memory_space<vmem>> -> memref<100x64xf32, #tpu.memory_space<vmem>>
          %dma_start3A_277 = arith.constant 0 : i32
          %dma_start3A_278 = tpu.memref_slice %arg7[%add3A_271, %dma_start3A_277] : memref<200x100xi32, #tpu.memory_space<vmem>> -> memref<1x100xi32, #tpu.memory_space<vmem>>
          %dma_start3A_279 = tpu.memref_squeeze %dma_start3A_278 : memref<1x100xi32, #tpu.memory_space<vmem>> -> memref<100xi32, #tpu.memory_space<vmem>>
          %dma_start3A_280 = arith.constant 0 : i32
          %dma_start3A_281 = arith.constant 0 : i32
          %dma_start3A_282 = tpu.memref_slice %arg2[%scan3A_28, %dma_start3A_280, %dma_start3A_281] : memref<2x10000x64xf32, #tpu.memory_space<hbm>> -> memref<1x10000x64xf32, #tpu.memory_space<hbm>>
          %dma_start3A_283 = tpu.memref_squeeze %dma_start3A_282 : memref<1x10000x64xf32, #tpu.memory_space<hbm>> -> memref<10000x64xf32, #tpu.memory_space<hbm>>
          %dma_start3A_284 = arith.constant 0 : i32
          %dma_start3A_285 = arith.constant 0 : i32
          %dma_start3A_286 = tpu.memref_slice %dma_start3A_283[%dma_start3A_284, %dma_start3A_285] : memref<10000x64xf32, #tpu.memory_space<hbm>> -> memref<10000x64xf32, #tpu.memory_space<hbm>>
          tpu.enqueue_indirect_dma source(%dma_start3A_286 : memref<10000x64xf32, #tpu.memory_space<hbm>>) target(%dma_start3A_276 : memref<100x64xf32, #tpu.memory_space<vmem>>) offsets(%dma_start3A_279 : memref<100xi32, #tpu.memory_space<vmem>>) semaphore(%arg13 : memref<!tpu.dma_semaphore, #tpu.memory_space<semaphore_mem>>)
        } else {
        }
      }
      %scan3A_33 = arith.constant 40 : i32
      %dma_wait3A = arith.constant 2 : i32
      %dma_wait3A_34 = arith.constant 0 : i32
      %dma_wait3A_35 = arith.constant 0 : i32
      %dma_wait3A_36 = arith.constant 0 : i32
      %dma_wait3A_37 = tpu.memref_slice %arg9[%dma_wait3A, %dma_wait3A_35, %dma_wait3A_36] : memref<5x100x64xf32, #tpu.memory_space<vmem>> -> memref<1x100x64xf32, #tpu.memory_space<vmem>>
      %dma_wait3A_38 = tpu.memref_squeeze %dma_wait3A_37 : memref<1x100x64xf32, #tpu.memory_space<vmem>> -> memref<100x64xf32, #tpu.memory_space<vmem>>
      %dma_wait3A_39 = arith.constant 0 : i32
      %dma_wait3A_40 = tpu.memref_slice %arg8[%dma_wait3A_34, %dma_wait3A_39] : memref<200x100xi32, #tpu.memory_space<vmem>> -> memref<1x100xi32, #tpu.memory_space<vmem>>
      %dma_wait3A_41 = tpu.memref_squeeze %dma_wait3A_40 : memref<1x100xi32, #tpu.memory_space<vmem>> -> memref<100xi32, #tpu.memory_space<vmem>>
      %dma_wait3A_42 = arith.constant 0 : i32
      %dma_wait3A_43 = arith.constant 0 : i32
      %dma_wait3A_44 = tpu.memref_slice %arg11[%dma_wait3A_42, %dma_wait3A_43] : memref<10000x64xf32, #tpu.memory_space<vmem_shared>> -> memref<10000x64xf32, #tpu.memory_space<vmem_shared>>
      tpu.wait_indirect_dma semaphore(%arg19 : memref<!tpu.dma_semaphore, #tpu.memory_space<semaphore_mem>>) src(%dma_wait3A_38 : memref<100x64xf32, #tpu.memory_space<vmem>>) dst(%dma_wait3A_44 : memref<10000x64xf32, #tpu.memory_space<vmem_shared>>)
      %dma_wait3A_45 = arith.constant 3 : i32
      %dma_wait3A_46 = arith.constant 0 : i32
      %dma_wait3A_47 = arith.constant 0 : i32
      %dma_wait3A_48 = arith.constant 0 : i32
      %dma_wait3A_49 = tpu.memref_slice %arg9[%dma_wait3A_45, %dma_wait3A_47, %dma_wait3A_48] : memref<5x100x64xf32, #tpu.memory_space<vmem>> -> memref<1x100x64xf32, #tpu.memory_space<vmem>>
      %dma_wait3A_50 = tpu.memref_squeeze %dma_wait3A_49 : memref<1x100x64xf32, #tpu.memory_space<vmem>> -> memref<100x64xf32, #tpu.memory_space<vmem>>
      %dma_wait3A_51 = arith.constant 0 : i32
      %dma_wait3A_52 = tpu.memref_slice %arg8[%dma_wait3A_46, %dma_wait3A_51] : memref<200x100xi32, #tpu.memory_space<vmem>> -> memref<1x100xi32, #tpu.memory_space<vmem>>
      %dma_wait3A_53 = tpu.memref_squeeze %dma_wait3A_52 : memref<1x100xi32, #tpu.memory_space<vmem>> -> memref<100xi32, #tpu.memory_space<vmem>>
      %dma_wait3A_54 = arith.constant 0 : i32
      %dma_wait3A_55 = arith.constant 0 : i32
      %dma_wait3A_56 = tpu.memref_slice %arg11[%dma_wait3A_54, %dma_wait3A_55] : memref<10000x64xf32, #tpu.memory_space<vmem_shared>> -> memref<10000x64xf32, #tpu.memory_space<vmem_shared>>
      tpu.wait_indirect_dma semaphore(%arg20 : memref<!tpu.dma_semaphore, #tpu.memory_space<semaphore_mem>>) src(%dma_wait3A_50 : memref<100x64xf32, #tpu.memory_space<vmem>>) dst(%dma_wait3A_56 : memref<10000x64xf32, #tpu.memory_space<vmem_shared>>)
      %dma_wait3A_57 = arith.constant 4 : i32
      %dma_wait3A_58 = arith.constant 0 : i32
      %dma_wait3A_59 = arith.constant 0 : i32
      %dma_wait3A_60 = arith.constant 0 : i32
      %dma_wait3A_61 = tpu.memref_slice %arg9[%dma_wait3A_57, %dma_wait3A_59, %dma_wait3A_60] : memref<5x100x64xf32, #tpu.memory_space<vmem>> -> memref<1x100x64xf32, #tpu.memory_space<vmem>>
      %dma_wait3A_62 = tpu.memref_squeeze %dma_wait3A_61 : memref<1x100x64xf32, #tpu.memory_space<vmem>> -> memref<100x64xf32, #tpu.memory_space<vmem>>
      %dma_wait3A_63 = arith.constant 0 : i32
      %dma_wait3A_64 = tpu.memref_slice %arg8[%dma_wait3A_58, %dma_wait3A_63] : memref<200x100xi32, #tpu.memory_space<vmem>> -> memref<1x100xi32, #tpu.memory_space<vmem>>
      %dma_wait3A_65 = tpu.memref_squeeze %dma_wait3A_64 : memref<1x100xi32, #tpu.memory_space<vmem>> -> memref<100xi32, #tpu.memory_space<vmem>>
      %dma_wait3A_66 = arith.constant 0 : i32
      %dma_wait3A_67 = arith.constant 0 : i32
      %dma_wait3A_68 = tpu.memref_slice %arg11[%dma_wait3A_66, %dma_wait3A_67] : memref<10000x64xf32, #tpu.memory_space<vmem_shared>> -> memref<10000x64xf32, #tpu.memory_space<vmem_shared>>
      tpu.wait_indirect_dma semaphore(%arg21 : memref<!tpu.dma_semaphore, #tpu.memory_space<semaphore_mem>>) src(%dma_wait3A_62 : memref<100x64xf32, #tpu.memory_space<vmem>>) dst(%dma_wait3A_68 : memref<10000x64xf32, #tpu.memory_space<vmem_shared>>)
    } else {
    }
    %barrier3A_22 = arith.constant 0 : index
    tpu.barrier barrier_id(%barrier3A_22)
    %scan3A_23 = arith.constant 0 : i32
    %scan3A_24 = arith.constant 5 : i32
    %scan3A_25 = arith.addi %scan3A_23, %scan3A_24 : i32
    %scan3A_26 = arith.constant 1 : i32
    scf.for %scan3A_28 = %scan3A_23 to %scan3A_25 step %scan3A_26  : i32 {
      %mul3A_29 = arith.constant 1 : i32
      %mul3A_30 = arith.muli %scan3A_28, %mul3A_29 : i32
      %add3A = arith.constant 0 : i32
      %add3A_31 = arith.addi %add3A, %mul3A_30 : i32
      %mul3A_32 = arith.constant 625 : i32
      %mul3A_33 = arith.muli %arg1, %mul3A_32 : i32
      %mul3A_34 = arith.constant 125 : i32
      %mul3A_35 = arith.muli %add3A_31, %mul3A_34 : i32
      %add3A_36 = arith.addi %mul3A_33, %mul3A_35 : i32
      "tpu.region"() ({
        %run_scoped3A = tpu.sem_alloc : memref<!tpu.dma_semaphore, #tpu.memory_space<semaphore_mem>>
        %dma_start3A = arith.constant 0 : i32
        %dma_start3A_37 = arith.constant 0 : i32
        %dma_start3A_38 = tpu.memref_slice %arg10[%dma_start3A, %dma_start3A_37] : memref<200x64xf32, #tpu.memory_space<vmem>> -> memref<125x64xf32, #tpu.memory_space<vmem>>
        %dma_start3A_39 = arith.constant 0 : i32
        %dma_start3A_40 = tpu.memref_slice %arg11[%add3A_36, %dma_start3A_39] : memref<10000x64xf32, #tpu.memory_space<vmem_shared>> -> memref<125x64xf32, #tpu.memory_space<vmem_shared>>
        %dma_start3A_41 = arith.constant 0 : i32
        %dma_start3A_42 = arith.constant 0 : i32
        %dma_start3A_43 = tpu.memref_slice %arg10[%dma_start3A_41, %dma_start3A_42] : memref<200x64xf32, #tpu.memory_space<vmem>> -> memref<125x64xf32, #tpu.memory_space<vmem>>
        %dma_start3A_44 = arith.constant 0 : i32
        %dma_start3A_45 = tpu.memref_slice %arg11[%add3A_36, %dma_start3A_44] : memref<10000x64xf32, #tpu.memory_space<vmem_shared>> -> memref<125x64xf32, #tpu.memory_space<vmem_shared>>
        tpu.enqueue_dma source(%dma_start3A_45 : memref<125x64xf32, #tpu.memory_space<vmem_shared>>) target(%dma_start3A_43 : memref<125x64xf32, #tpu.memory_space<vmem>>) target_semaphore(%run_scoped3A : memref<!tpu.dma_semaphore, #tpu.memory_space<semaphore_mem>>)
        %dma_wait3A = arith.constant 0 : i32
        %dma_wait3A_46 = arith.constant 0 : i32
        %dma_wait3A_47 = tpu.memref_slice %arg10[%dma_wait3A, %dma_wait3A_46] : memref<200x64xf32, #tpu.memory_space<vmem>> -> memref<125x64xf32, #tpu.memory_space<vmem>>
        %dma_wait3A_48 = arith.constant 0 : i32
        %dma_wait3A_49 = tpu.memref_slice %arg11[%add3A_36, %dma_wait3A_48] : memref<10000x64xf32, #tpu.memory_space<vmem_shared>> -> memref<125x64xf32, #tpu.memory_space<vmem_shared>>
        %dma_wait3A_50 = arith.constant 0 : i32
        %dma_wait3A_51 = arith.constant 0 : i32
        %dma_wait3A_52 = tpu.memref_slice %arg10[%dma_wait3A_50, %dma_wait3A_51] : memref<200x64xf32, #tpu.memory_space<vmem>> -> memref<125x64xf32, #tpu.memory_space<vmem>>
        %dma_wait3A_53 = arith.constant 0 : i32
        %dma_wait3A_54 = tpu.memref_slice %arg11[%add3A_36, %dma_wait3A_53] : memref<10000x64xf32, #tpu.memory_space<vmem_shared>> -> memref<125x64xf32, #tpu.memory_space<vmem_shared>>
        tpu.wait_dma2 semaphore(%run_scoped3A : memref<!tpu.dma_semaphore, #tpu.memory_space<semaphore_mem>>) src(%dma_wait3A_54 : memref<125x64xf32, #tpu.memory_space<vmem_shared>>) dst(%dma_wait3A_52 : memref<125x64xf32, #tpu.memory_space<vmem>>)
        tpu.yield
      }) : () -> ()
      "tpu.region"() ({
        %run_scoped3A = tpu.sem_alloc : memref<!tpu.dma_semaphore, #tpu.memory_space<semaphore_mem>>
        %dma_start3A = arith.constant 0 : i32
        %dma_start3A_37 = arith.constant 0 : i32
        %dma_start3A_38 = tpu.memref_slice %arg10[%dma_start3A, %dma_start3A_37] : memref<200x64xf32, #tpu.memory_space<vmem>> -> memref<125x64xf32, #tpu.memory_space<vmem>>
        %dma_start3A_39 = arith.constant 0 : i32
        %dma_start3A_40 = tpu.memref_slice %arg6[%arg0, %add3A_36, %dma_start3A_39] : memref<2x10000x64xf32, #tpu.memory_space<hbm>> -> memref<1x125x64xf32, #tpu.memory_space<hbm>>
        %dma_start3A_41 = tpu.memref_squeeze %dma_start3A_40 : memref<1x125x64xf32, #tpu.memory_space<hbm>> -> memref<125x64xf32, #tpu.memory_space<hbm>>
        %dma_start3A_42 = arith.constant 0 : i32
        %dma_start3A_43 = tpu.memref_slice %arg6[%arg0, %add3A_36, %dma_start3A_42] : memref<2x10000x64xf32, #tpu.memory_space<hbm>> -> memref<1x125x64xf32, #tpu.memory_space<hbm>>
        %dma_start3A_44 = tpu.memref_squeeze %dma_start3A_43 : memref<1x125x64xf32, #tpu.memory_space<hbm>> -> memref<125x64xf32, #tpu.memory_space<hbm>>
        %dma_start3A_45 = arith.constant 0 : i32
        %dma_start3A_46 = arith.constant 0 : i32
        %dma_start3A_47 = tpu.memref_slice %arg10[%dma_start3A_45, %dma_start3A_46] : memref<200x64xf32, #tpu.memory_space<vmem>> -> memref<125x64xf32, #tpu.memory_space<vmem>>
        tpu.enqueue_dma source(%dma_start3A_47 : memref<125x64xf32, #tpu.memory_space<vmem>>) target(%dma_start3A_44 : memref<125x64xf32, #tpu.memory_space<hbm>>) target_semaphore(%run_scoped3A : memref<!tpu.dma_semaphore, #tpu.memory_space<semaphore_mem>>)
        %dma_wait3A = arith.constant 0 : i32
        %dma_wait3A_48 = arith.constant 0 : i32
        %dma_wait3A_49 = tpu.memref_slice %arg10[%dma_wait3A, %dma_wait3A_48] : memref<200x64xf32, #tpu.memory_space<vmem>> -> memref<125x64xf32, #tpu.memory_space<vmem>>
        %dma_wait3A_50 = arith.constant 0 : i32
        %dma_wait3A_51 = tpu.memref_slice %arg6[%arg0, %add3A_36, %dma_wait3A_50] : memref<2x10000x64xf32, #tpu.memory_space<hbm>> -> memref<1x125x64xf32, #tpu.memory_space<hbm>>
        %dma_wait3A_52 = tpu.memref_squeeze %dma_wait3A_51 : memref<1x125x64xf32, #tpu.memory_space<hbm>> -> memref<125x64xf32, #tpu.memory_space<hbm>>
        %dma_wait3A_53 = arith.constant 0 : i32
        %dma_wait3A_54 = tpu.memref_slice %arg6[%arg0, %add3A_36, %dma_wait3A_53] : memref<2x10000x64xf32, #tpu.memory_space<hbm>> -> memref<1x125x64xf32, #tpu.memory_space<hbm>>
        %dma_wait3A_55 = tpu.memref_squeeze %dma_wait3A_54 : memref<1x125x64xf32, #tpu.memory_space<hbm>> -> memref<125x64xf32, #tpu.memory_space<hbm>>
        %dma_wait3A_56 = arith.constant 0 : i32
        %dma_wait3A_57 = arith.constant 0 : i32
        %dma_wait3A_58 = tpu.memref_slice %arg10[%dma_wait3A_56, %dma_wait3A_57] : memref<200x64xf32, #tpu.memory_space<vmem>> -> memref<125x64xf32, #tpu.memory_space<vmem>>
        tpu.wait_dma2 semaphore(%run_scoped3A : memref<!tpu.dma_semaphore, #tpu.memory_space<semaphore_mem>>) src(%dma_wait3A_58 : memref<125x64xf32, #tpu.memory_space<vmem>>) dst(%dma_wait3A_55 : memref<125x64xf32, #tpu.memory_space<hbm>>)
        tpu.yield
      }) : () -> ()
    }
    %scan3A_27 = arith.constant 5 : i32
    return
  }
}

#map = affine_map<(d0, d1) -> (0, 0, 0)>
#map1 = affine_map<(d0, d1) -> (0, 0)>
module attributes {stable_mosaic.version = 14 : i64} {
  func.func @_agg_body(%arg0: i32, %arg1: i32, %arg2: memref<2x10000x64xf32, #tpu.memory_space<hbm>>, %arg3: memref<3200x100xi32, #tpu.memory_space<hbm>>, %arg4: memref<3200x100xi32, #tpu.memory_space<hbm>>, %arg5: memref<200x64xf32, #tpu.memory_space<hbm>>, %arg6: memref<2x10000x64xf32, #tpu.memory_space<hbm>>, %arg7: memref<200x100xi32, #tpu.memory_space<vmem>>, %arg8: memref<200x100xi32, #tpu.memory_space<vmem>>, %arg9: memref<5x100x64xf32, #tpu.memory_space<vmem>>, %arg10: memref<200x64xf32, #tpu.memory_space<vmem>>, %arg11: memref<10000x64xf32, #tpu.memory_space<vmem_shared>>, %arg12: memref<!tpu.dma_semaphore, #tpu.memory_space<semaphore_mem>>, %arg13: memref<!tpu.dma_semaphore, #tpu.memory_space<semaphore_mem>>, %arg14: memref<!tpu.dma_semaphore, #tpu.memory_space<semaphore_mem>>, %arg15: memref<!tpu.dma_semaphore, #tpu.memory_space<semaphore_mem>>, %arg16: memref<!tpu.dma_semaphore, #tpu.memory_space<semaphore_mem>>, %arg17: memref<!tpu.dma_semaphore, #tpu.memory_space<semaphore_mem>>, %arg18: memref<!tpu.dma_semaphore, #tpu.memory_space<semaphore_mem>>, %arg19: memref<!tpu.dma_semaphore, #tpu.memory_space<semaphore_mem>>, %arg20: memref<!tpu.dma_semaphore, #tpu.memory_space<semaphore_mem>>, %arg21: memref<!tpu.dma_semaphore, #tpu.memory_space<semaphore_mem>>) attributes {dimension_semantics = [#tpu.dimension_semantics<core_parallel>, #tpu.dimension_semantics<subcore_parallel>], iteration_bounds = array<i64: 2, 16>, scalar_prefetch = 0 : i64, scratch_operands = 15 : i64, tpu.core_type = #tpu.core_type<sc_vector_subcore>, window_params = [{transform_indices = #map}, {transform_indices = #map1}, {transform_indices = #map1}, {transform_indices = #map1}, {transform_indices = #map}]} {
    %mul3A = arith.constant 200 : i32
    %mul3A_0 = arith.muli %arg1, %mul3A : i32
    "tpu.region"() ({
      %run_scoped3A = tpu.sem_alloc : memref<!tpu.dma_semaphore, #tpu.memory_space<semaphore_mem>>
      %dma_start3A = arith.constant 0 : i32
      %dma_start3A_28 = tpu.memref_slice %arg3[%mul3A_0, %dma_start3A] : memref<3200x100xi32, #tpu.memory_space<hbm>> -> memref<200x100xi32, #tpu.memory_space<hbm>>
      %dma_start3A_29 = arith.constant 0 : i32
      %dma_start3A_30 = tpu.memref_slice %arg3[%mul3A_0, %dma_start3A_29] : memref<3200x100xi32, #tpu.memory_space<hbm>> -> memref<200x100xi32, #tpu.memory_space<hbm>>
      tpu.enqueue_dma source(%dma_start3A_30 : memref<200x100xi32, #tpu.memory_space<hbm>>) target(%arg7 : memref<200x100xi32, #tpu.memory_space<vmem>>) target_semaphore(%run_scoped3A : memref<!tpu.dma_semaphore, #tpu.memory_space<semaphore_mem>>)
      %dma_wait3A = arith.constant 0 : i32
      %dma_wait3A_31 = tpu.memref_slice %arg3[%mul3A_0, %dma_wait3A] : memref<3200x100xi32, #tpu.memory_space<hbm>> -> memref<200x100xi32, #tpu.memory_space<hbm>>
      %dma_wait3A_32 = arith.constant 0 : i32
      %dma_wait3A_33 = tpu.memref_slice %arg3[%mul3A_0, %dma_wait3A_32] : memref<3200x100xi32, #tpu.memory_space<hbm>> -> memref<200x100xi32, #tpu.memory_space<hbm>>
      tpu.wait_dma2 semaphore(%run_scoped3A : memref<!tpu.dma_semaphore, #tpu.memory_space<semaphore_mem>>) src(%dma_wait3A_33 : memref<200x100xi32, #tpu.memory_space<hbm>>) dst(%arg7 : memref<200x100xi32, #tpu.memory_space<vmem>>)
      tpu.yield
    }) : () -> ()
    "tpu.region"() ({
      %run_scoped3A = tpu.sem_alloc : memref<!tpu.dma_semaphore, #tpu.memory_space<semaphore_mem>>
      %dma_start3A = arith.constant 0 : i32
      %dma_start3A_28 = tpu.memref_slice %arg4[%mul3A_0, %dma_start3A] : memref<3200x100xi32, #tpu.memory_space<hbm>> -> memref<200x100xi32, #tpu.memory_space<hbm>>
      %dma_start3A_29 = arith.constant 0 : i32
      %dma_start3A_30 = tpu.memref_slice %arg4[%mul3A_0, %dma_start3A_29] : memref<3200x100xi32, #tpu.memory_space<hbm>> -> memref<200x100xi32, #tpu.memory_space<hbm>>
      tpu.enqueue_dma source(%dma_start3A_30 : memref<200x100xi32, #tpu.memory_space<hbm>>) target(%arg8 : memref<200x100xi32, #tpu.memory_space<vmem>>) target_semaphore(%run_scoped3A : memref<!tpu.dma_semaphore, #tpu.memory_space<semaphore_mem>>)
      %dma_wait3A = arith.constant 0 : i32
      %dma_wait3A_31 = tpu.memref_slice %arg4[%mul3A_0, %dma_wait3A] : memref<3200x100xi32, #tpu.memory_space<hbm>> -> memref<200x100xi32, #tpu.memory_space<hbm>>
      %dma_wait3A_32 = arith.constant 0 : i32
      %dma_wait3A_33 = tpu.memref_slice %arg4[%mul3A_0, %dma_wait3A_32] : memref<3200x100xi32, #tpu.memory_space<hbm>> -> memref<200x100xi32, #tpu.memory_space<hbm>>
      tpu.wait_dma2 semaphore(%run_scoped3A : memref<!tpu.dma_semaphore, #tpu.memory_space<semaphore_mem>>) src(%dma_wait3A_33 : memref<200x100xi32, #tpu.memory_space<hbm>>) dst(%arg8 : memref<200x100xi32, #tpu.memory_space<vmem>>)
      tpu.yield
    }) : () -> ()
    "tpu.region"() ({
      %run_scoped3A = tpu.sem_alloc : memref<!tpu.dma_semaphore, #tpu.memory_space<semaphore_mem>>
      tpu.enqueue_dma source(%arg5 : memref<200x64xf32, #tpu.memory_space<hbm>>) target(%arg10 : memref<200x64xf32, #tpu.memory_space<vmem>>) target_semaphore(%run_scoped3A : memref<!tpu.dma_semaphore, #tpu.memory_space<semaphore_mem>>)
      tpu.wait_dma2 semaphore(%run_scoped3A : memref<!tpu.dma_semaphore, #tpu.memory_space<semaphore_mem>>) src(%arg5 : memref<200x64xf32, #tpu.memory_space<hbm>>) dst(%arg10 : memref<200x64xf32, #tpu.memory_space<vmem>>)
      tpu.yield
    }) : () -> ()
    %scan3A = arith.constant 0 : i32
    %scan3A_1 = arith.constant 5 : i32
    %scan3A_2 = arith.addi %scan3A, %scan3A_1 : i32
    %scan3A_3 = arith.constant 1 : i32
    scf.for %scan3A_28 = %scan3A to %scan3A_2 step %scan3A_3  : i32 {
      %mul3A_29 = arith.constant 1 : i32
      %mul3A_30 = arith.muli %scan3A_28, %mul3A_29 : i32
      %add3A = arith.constant 0 : i32
      %add3A_31 = arith.addi %add3A, %mul3A_30 : i32
      %mul3A_32 = arith.constant 625 : i32
      %mul3A_33 = arith.muli %arg1, %mul3A_32 : i32
      %mul3A_34 = arith.constant 125 : i32
      %mul3A_35 = arith.muli %add3A_31, %mul3A_34 : i32
      %add3A_36 = arith.addi %mul3A_33, %mul3A_35 : i32
      "tpu.region"() ({
        %run_scoped3A = tpu.sem_alloc : memref<!tpu.dma_semaphore, #tpu.memory_space<semaphore_mem>>
        %dma_start3A = arith.constant 0 : i32
        %dma_start3A_37 = arith.constant 0 : i32
        %dma_start3A_38 = tpu.memref_slice %arg10[%dma_start3A, %dma_start3A_37] : memref<200x64xf32, #tpu.memory_space<vmem>> -> memref<125x64xf32, #tpu.memory_space<vmem>>
        %dma_start3A_39 = arith.constant 0 : i32
        %dma_start3A_40 = tpu.memref_slice %arg11[%add3A_36, %dma_start3A_39] : memref<10000x64xf32, #tpu.memory_space<vmem_shared>> -> memref<125x64xf32, #tpu.memory_space<vmem_shared>>
        %dma_start3A_41 = arith.constant 0 : i32
        %dma_start3A_42 = tpu.memref_slice %arg11[%add3A_36, %dma_start3A_41] : memref<10000x64xf32, #tpu.memory_space<vmem_shared>> -> memref<125x64xf32, #tpu.memory_space<vmem_shared>>
        %dma_start3A_43 = arith.constant 0 : i32
        %dma_start3A_44 = arith.constant 0 : i32
        %dma_start3A_45 = tpu.memref_slice %arg10[%dma_start3A_43, %dma_start3A_44] : memref<200x64xf32, #tpu.memory_space<vmem>> -> memref<125x64xf32, #tpu.memory_space<vmem>>
        tpu.enqueue_dma source(%dma_start3A_45 : memref<125x64xf32, #tpu.memory_space<vmem>>) target(%dma_start3A_42 : memref<125x64xf32, #tpu.memory_space<vmem_shared>>) target_semaphore(%run_scoped3A : memref<!tpu.dma_semaphore, #tpu.memory_space<semaphore_mem>>)
        %dma_wait3A = arith.constant 0 : i32
        %dma_wait3A_46 = arith.constant 0 : i32
        %dma_wait3A_47 = tpu.memref_slice %arg10[%dma_wait3A, %dma_wait3A_46] : memref<200x64xf32, #tpu.memory_space<vmem>> -> memref<125x64xf32, #tpu.memory_space<vmem>>
        %dma_wait3A_48 = arith.constant 0 : i32
        %dma_wait3A_49 = tpu.memref_slice %arg11[%add3A_36, %dma_wait3A_48] : memref<10000x64xf32, #tpu.memory_space<vmem_shared>> -> memref<125x64xf32, #tpu.memory_space<vmem_shared>>
        %dma_wait3A_50 = arith.constant 0 : i32
        %dma_wait3A_51 = tpu.memref_slice %arg11[%add3A_36, %dma_wait3A_50] : memref<10000x64xf32, #tpu.memory_space<vmem_shared>> -> memref<125x64xf32, #tpu.memory_space<vmem_shared>>
        %dma_wait3A_52 = arith.constant 0 : i32
        %dma_wait3A_53 = arith.constant 0 : i32
        %dma_wait3A_54 = tpu.memref_slice %arg10[%dma_wait3A_52, %dma_wait3A_53] : memref<200x64xf32, #tpu.memory_space<vmem>> -> memref<125x64xf32, #tpu.memory_space<vmem>>
        tpu.wait_dma2 semaphore(%run_scoped3A : memref<!tpu.dma_semaphore, #tpu.memory_space<semaphore_mem>>) src(%dma_wait3A_54 : memref<125x64xf32, #tpu.memory_space<vmem>>) dst(%dma_wait3A_51 : memref<125x64xf32, #tpu.memory_space<vmem_shared>>)
        tpu.yield
      }) : () -> ()
    }
    %scan3A_4 = arith.constant 5 : i32
    %eq3A = arith.constant 0 : i32
    %eq3A_5 = arith.cmpi eq, %arg0, %eq3A : i32
    %convert_element_type3A = arith.extui %eq3A_5 : i1 to i32
    %cond3A = arith.constant 0 : i32
    %cond3A_6 = arith.cmpi ne, %convert_element_type3A, %cond3A : i32
    scf.if %cond3A_6 {
      %dma_start3A = arith.constant 0 : i32
      %dma_start3A_28 = arith.constant 0 : i32
      %dma_start3A_29 = arith.constant 0 : i32
      %dma_start3A_30 = arith.constant 0 : i32
      %dma_start3A_31 = arith.constant 0 : i32
      %dma_start3A_32 = tpu.memref_slice %arg9[%dma_start3A_29, %dma_start3A_30, %dma_start3A_31] : memref<5x100x64xf32, #tpu.memory_space<vmem>> -> memref<1x100x64xf32, #tpu.memory_space<vmem>>
      %dma_start3A_33 = tpu.memref_squeeze %dma_start3A_32 : memref<1x100x64xf32, #tpu.memory_space<vmem>> -> memref<100x64xf32, #tpu.memory_space<vmem>>
      %dma_start3A_34 = arith.constant 0 : i32
      %dma_start3A_35 = tpu.memref_slice %arg7[%dma_start3A_28, %dma_start3A_34] : memref<200x100xi32, #tpu.memory_space<vmem>> -> memref<1x100xi32, #tpu.memory_space<vmem>>
      %dma_start3A_36 = tpu.memref_squeeze %dma_start3A_35 : memref<1x100xi32, #tpu.memory_space<vmem>> -> memref<100xi32, #tpu.memory_space<vmem>>
      %dma_start3A_37 = arith.constant 0 : i32
      %dma_start3A_38 = arith.constant 0 : i32
      %dma_start3A_39 = tpu.memref_slice %arg2[%dma_start3A, %dma_start3A_37, %dma_start3A_38] : memref<2x10000x64xf32, #tpu.memory_space<hbm>> -> memref<1x10000x64xf32, #tpu.memory_space<hbm>>
      %dma_start3A_40 = tpu.memref_squeeze %dma_start3A_39 : memref<1x10000x64xf32, #tpu.memory_space<hbm>> -> memref<10000x64xf32, #tpu.memory_space<hbm>>
      %dma_start3A_41 = arith.constant 0 : i32
      %dma_start3A_42 = arith.constant 0 : i32
      %dma_start3A_43 = tpu.memref_slice %dma_start3A_40[%dma_start3A_41, %dma_start3A_42] : memref<10000x64xf32, #tpu.memory_space<hbm>> -> memref<10000x64xf32, #tpu.memory_space<hbm>>
      tpu.enqueue_indirect_dma source(%dma_start3A_43 : memref<10000x64xf32, #tpu.memory_space<hbm>>) target(%dma_start3A_33 : memref<100x64xf32, #tpu.memory_space<vmem>>) offsets(%dma_start3A_36 : memref<100xi32, #tpu.memory_space<vmem>>) semaphore(%arg12 : memref<!tpu.dma_semaphore, #tpu.memory_space<semaphore_mem>>)
      %dma_start3A_44 = arith.constant 0 : i32
      %dma_start3A_45 = arith.constant 1 : i32
      %dma_start3A_46 = arith.constant 1 : i32
      %dma_start3A_47 = arith.constant 0 : i32
      %dma_start3A_48 = arith.constant 0 : i32
      %dma_start3A_49 = tpu.memref_slice %arg9[%dma_start3A_46, %dma_start3A_47, %dma_start3A_48] : memref<5x100x64xf32, #tpu.memory_space<vmem>> -> memref<1x100x64xf32, #tpu.memory_space<vmem>>
      %dma_start3A_50 = tpu.memref_squeeze %dma_start3A_49 : memref<1x100x64xf32, #tpu.memory_space<vmem>> -> memref<100x64xf32, #tpu.memory_space<vmem>>
      %dma_start3A_51 = arith.constant 0 : i32
      %dma_start3A_52 = tpu.memref_slice %arg7[%dma_start3A_45, %dma_start3A_51] : memref<200x100xi32, #tpu.memory_space<vmem>> -> memref<1x100xi32, #tpu.memory_space<vmem>>
      %dma_start3A_53 = tpu.memref_squeeze %dma_start3A_52 : memref<1x100xi32, #tpu.memory_space<vmem>> -> memref<100xi32, #tpu.memory_space<vmem>>
      %dma_start3A_54 = arith.constant 0 : i32
      %dma_start3A_55 = arith.constant 0 : i32
      %dma_start3A_56 = tpu.memref_slice %arg2[%dma_start3A_44, %dma_start3A_54, %dma_start3A_55] : memref<2x10000x64xf32, #tpu.memory_space<hbm>> -> memref<1x10000x64xf32, #tpu.memory_space<hbm>>
      %dma_start3A_57 = tpu.memref_squeeze %dma_start3A_56 : memref<1x10000x64xf32, #tpu.memory_space<hbm>> -> memref<10000x64xf32, #tpu.memory_space<hbm>>
      %dma_start3A_58 = arith.constant 0 : i32
      %dma_start3A_59 = arith.constant 0 : i32
      %dma_start3A_60 = tpu.memref_slice %dma_start3A_57[%dma_start3A_58, %dma_start3A_59] : memref<10000x64xf32, #tpu.memory_space<hbm>> -> memref<10000x64xf32, #tpu.memory_space<hbm>>
      tpu.enqueue_indirect_dma source(%dma_start3A_60 : memref<10000x64xf32, #tpu.memory_space<hbm>>) target(%dma_start3A_50 : memref<100x64xf32, #tpu.memory_space<vmem>>) offsets(%dma_start3A_53 : memref<100xi32, #tpu.memory_space<vmem>>) semaphore(%arg13 : memref<!tpu.dma_semaphore, #tpu.memory_space<semaphore_mem>>)
    } else {
    }
    %eq3A_7 = arith.constant 1 : i32
    %eq3A_8 = arith.cmpi eq, %arg0, %eq3A_7 : i32
    %convert_element_type3A_9 = arith.extui %eq3A_8 : i1 to i32
    %cond3A_10 = arith.constant 0 : i32
    %cond3A_11 = arith.cmpi ne, %convert_element_type3A_9, %cond3A_10 : i32
    scf.if %cond3A_11 {
      %dma_start3A = arith.constant 1 : i32
      %dma_start3A_28 = arith.constant 0 : i32
      %dma_start3A_29 = arith.constant 0 : i32
      %dma_start3A_30 = arith.constant 0 : i32
      %dma_start3A_31 = arith.constant 0 : i32
      %dma_start3A_32 = tpu.memref_slice %arg9[%dma_start3A_29, %dma_start3A_30, %dma_start3A_31] : memref<5x100x64xf32, #tpu.memory_space<vmem>> -> memref<1x100x64xf32, #tpu.memory_space<vmem>>
      %dma_start3A_33 = tpu.memref_squeeze %dma_start3A_32 : memref<1x100x64xf32, #tpu.memory_space<vmem>> -> memref<100x64xf32, #tpu.memory_space<vmem>>
      %dma_start3A_34 = arith.constant 0 : i32
      %dma_start3A_35 = tpu.memref_slice %arg7[%dma_start3A_28, %dma_start3A_34] : memref<200x100xi32, #tpu.memory_space<vmem>> -> memref<1x100xi32, #tpu.memory_space<vmem>>
      %dma_start3A_36 = tpu.memref_squeeze %dma_start3A_35 : memref<1x100xi32, #tpu.memory_space<vmem>> -> memref<100xi32, #tpu.memory_space<vmem>>
      %dma_start3A_37 = arith.constant 0 : i32
      %dma_start3A_38 = arith.constant 0 : i32
      %dma_start3A_39 = tpu.memref_slice %arg2[%dma_start3A, %dma_start3A_37, %dma_start3A_38] : memref<2x10000x64xf32, #tpu.memory_space<hbm>> -> memref<1x10000x64xf32, #tpu.memory_space<hbm>>
      %dma_start3A_40 = tpu.memref_squeeze %dma_start3A_39 : memref<1x10000x64xf32, #tpu.memory_space<hbm>> -> memref<10000x64xf32, #tpu.memory_space<hbm>>
      %dma_start3A_41 = arith.constant 0 : i32
      %dma_start3A_42 = arith.constant 0 : i32
      %dma_start3A_43 = tpu.memref_slice %dma_start3A_40[%dma_start3A_41, %dma_start3A_42] : memref<10000x64xf32, #tpu.memory_space<hbm>> -> memref<10000x64xf32, #tpu.memory_space<hbm>>
      tpu.enqueue_indirect_dma source(%dma_start3A_43 : memref<10000x64xf32, #tpu.memory_space<hbm>>) target(%dma_start3A_33 : memref<100x64xf32, #tpu.memory_space<vmem>>) offsets(%dma_start3A_36 : memref<100xi32, #tpu.memory_space<vmem>>) semaphore(%arg12 : memref<!tpu.dma_semaphore, #tpu.memory_space<semaphore_mem>>)
      %dma_start3A_44 = arith.constant 1 : i32
      %dma_start3A_45 = arith.constant 1 : i32
      %dma_start3A_46 = arith.constant 1 : i32
      %dma_start3A_47 = arith.constant 0 : i32
      %dma_start3A_48 = arith.constant 0 : i32
      %dma_start3A_49 = tpu.memref_slice %arg9[%dma_start3A_46, %dma_start3A_47, %dma_start3A_48] : memref<5x100x64xf32, #tpu.memory_space<vmem>> -> memref<1x100x64xf32, #tpu.memory_space<vmem>>
      %dma_start3A_50 = tpu.memref_squeeze %dma_start3A_49 : memref<1x100x64xf32, #tpu.memory_space<vmem>> -> memref<100x64xf32, #tpu.memory_space<vmem>>
      %dma_start3A_51 = arith.constant 0 : i32
      %dma_start3A_52 = tpu.memref_slice %arg7[%dma_start3A_45, %dma_start3A_51] : memref<200x100xi32, #tpu.memory_space<vmem>> -> memref<1x100xi32, #tpu.memory_space<vmem>>
      %dma_start3A_53 = tpu.memref_squeeze %dma_start3A_52 : memref<1x100xi32, #tpu.memory_space<vmem>> -> memref<100xi32, #tpu.memory_space<vmem>>
      %dma_start3A_54 = arith.constant 0 : i32
      %dma_start3A_55 = arith.constant 0 : i32
      %dma_start3A_56 = tpu.memref_slice %arg2[%dma_start3A_44, %dma_start3A_54, %dma_start3A_55] : memref<2x10000x64xf32, #tpu.memory_space<hbm>> -> memref<1x10000x64xf32, #tpu.memory_space<hbm>>
      %dma_start3A_57 = tpu.memref_squeeze %dma_start3A_56 : memref<1x10000x64xf32, #tpu.memory_space<hbm>> -> memref<10000x64xf32, #tpu.memory_space<hbm>>
      %dma_start3A_58 = arith.constant 0 : i32
      %dma_start3A_59 = arith.constant 0 : i32
      %dma_start3A_60 = tpu.memref_slice %dma_start3A_57[%dma_start3A_58, %dma_start3A_59] : memref<10000x64xf32, #tpu.memory_space<hbm>> -> memref<10000x64xf32, #tpu.memory_space<hbm>>
      tpu.enqueue_indirect_dma source(%dma_start3A_60 : memref<10000x64xf32, #tpu.memory_space<hbm>>) target(%dma_start3A_50 : memref<100x64xf32, #tpu.memory_space<vmem>>) offsets(%dma_start3A_53 : memref<100xi32, #tpu.memory_space<vmem>>) semaphore(%arg13 : memref<!tpu.dma_semaphore, #tpu.memory_space<semaphore_mem>>)
    } else {
    }
    %barrier3A = arith.constant 0 : index
    tpu.barrier barrier_id(%barrier3A)
    %eq3A_12 = arith.constant 0 : i32
    %eq3A_13 = arith.cmpi eq, %arg0, %eq3A_12 : i32
    %convert_element_type3A_14 = arith.extui %eq3A_13 : i1 to i32
    %cond3A_15 = arith.constant 0 : i32
    %cond3A_16 = arith.cmpi ne, %convert_element_type3A_14, %cond3A_15 : i32
    scf.if %cond3A_16 {
      %scan3A_28 = arith.constant 0 : i32
      %scan3A_29 = arith.constant 0 : i32
      %scan3A_30 = arith.constant 40 : i32
      %scan3A_31 = arith.addi %scan3A_29, %scan3A_30 : i32
      %scan3A_32 = arith.constant 1 : i32
      scf.for %scan3A_69 = %scan3A_29 to %scan3A_31 step %scan3A_32  : i32 {
        %mul3A_70 = arith.constant 5 : i32
        %mul3A_71 = arith.muli %scan3A_69, %mul3A_70 : i32
        %add3A = arith.constant 0 : i32
        %add3A_72 = arith.addi %add3A, %mul3A_71 : i32
        %add3A_73 = arith.constant 0 : i32
        %add3A_74 = arith.addi %add3A_72, %add3A_73 : i32
        %dma_wait3A_75 = arith.constant 0 : i32
        %dma_wait3A_76 = arith.constant 0 : i32
        %dma_wait3A_77 = arith.constant 0 : i32
        %dma_wait3A_78 = tpu.memref_slice %arg9[%dma_wait3A_75, %dma_wait3A_76, %dma_wait3A_77] : memref<5x100x64xf32, #tpu.memory_space<vmem>> -> memref<1x100x64xf32, #tpu.memory_space<vmem>>
        %dma_wait3A_79 = tpu.memref_squeeze %dma_wait3A_78 : memref<1x100x64xf32, #tpu.memory_space<vmem>> -> memref<100x64xf32, #tpu.memory_space<vmem>>
        %dma_wait3A_80 = arith.constant 0 : i32
        %dma_wait3A_81 = tpu.memref_slice %arg7[%add3A_74, %dma_wait3A_80] : memref<200x100xi32, #tpu.memory_space<vmem>> -> memref<1x100xi32, #tpu.memory_space<vmem>>
        %dma_wait3A_82 = tpu.memref_squeeze %dma_wait3A_81 : memref<1x100xi32, #tpu.memory_space<vmem>> -> memref<100xi32, #tpu.memory_space<vmem>>
        %dma_wait3A_83 = arith.constant 0 : i32
        %dma_wait3A_84 = arith.constant 0 : i32
        %dma_wait3A_85 = tpu.memref_slice %arg2[%scan3A_28, %dma_wait3A_83, %dma_wait3A_84] : memref<2x10000x64xf32, #tpu.memory_space<hbm>> -> memref<1x10000x64xf32, #tpu.memory_space<hbm>>
        %dma_wait3A_86 = tpu.memref_squeeze %dma_wait3A_85 : memref<1x10000x64xf32, #tpu.memory_space<hbm>> -> memref<10000x64xf32, #tpu.memory_space<hbm>>
        %dma_wait3A_87 = arith.constant 0 : i32
        %dma_wait3A_88 = arith.constant 0 : i32
        %dma_wait3A_89 = tpu.memref_slice %dma_wait3A_86[%dma_wait3A_87, %dma_wait3A_88] : memref<10000x64xf32, #tpu.memory_space<hbm>> -> memref<10000x64xf32, #tpu.memory_space<hbm>>
        tpu.wait_indirect_dma semaphore(%arg12 : memref<!tpu.dma_semaphore, #tpu.memory_space<semaphore_mem>>) src(%dma_wait3A_89 : memref<10000x64xf32, #tpu.memory_space<hbm>>) dst(%dma_wait3A_79 : memref<100x64xf32, #tpu.memory_space<vmem>>)
        %dma_start3A = arith.constant 0 : i32
        %dma_start3A_90 = arith.constant 0 : i32
        %dma_start3A_91 = arith.constant 0 : i32
        %dma_start3A_92 = tpu.memref_slice %arg9[%dma_start3A, %dma_start3A_90, %dma_start3A_91] : memref<5x100x64xf32, #tpu.memory_space<vmem>> -> memref<1x100x64xf32, #tpu.memory_space<vmem>>
        %dma_start3A_93 = tpu.memref_squeeze %dma_start3A_92 : memref<1x100x64xf32, #tpu.memory_space<vmem>> -> memref<100x64xf32, #tpu.memory_space<vmem>>
        %dma_start3A_94 = arith.constant 0 : i32
        %dma_start3A_95 = tpu.memref_slice %arg8[%add3A_74, %dma_start3A_94] : memref<200x100xi32, #tpu.memory_space<vmem>> -> memref<1x100xi32, #tpu.memory_space<vmem>>
        %dma_start3A_96 = tpu.memref_squeeze %dma_start3A_95 : memref<1x100xi32, #tpu.memory_space<vmem>> -> memref<100xi32, #tpu.memory_space<vmem>>
        %dma_start3A_97 = arith.constant 0 : i32
        %dma_start3A_98 = arith.constant 0 : i32
        %dma_start3A_99 = tpu.memref_slice %arg11[%dma_start3A_97, %dma_start3A_98] : memref<10000x64xf32, #tpu.memory_space<vmem_shared>> -> memref<10000x64xf32, #tpu.memory_space<vmem_shared>>
        tpu.enqueue_indirect_dma source(%dma_start3A_93 : memref<100x64xf32, #tpu.memory_space<vmem>>) target(%dma_start3A_99 : memref<10000x64xf32, #tpu.memory_space<vmem_shared>>) offsets(%dma_start3A_96 : memref<100xi32, #tpu.memory_space<vmem>>) semaphore(%arg17 : memref<!tpu.dma_semaphore, #tpu.memory_space<semaphore_mem>>) {add = true}
        %ge3A = arith.constant 3 : i32
        %ge3A_100 = arith.cmpi sge, %add3A_74, %ge3A : i32
        %convert_element_type3A_101 = arith.extui %ge3A_100 : i1 to i32
        %cond3A_102 = arith.constant 0 : i32
        %cond3A_103 = arith.cmpi ne, %convert_element_type3A_101, %cond3A_102 : i32
        scf.if %cond3A_103 {
          %dma_wait3A_270 = arith.constant 2 : i32
          %dma_wait3A_271 = arith.constant 0 : i32
          %dma_wait3A_272 = arith.constant 0 : i32
          %dma_wait3A_273 = arith.constant 0 : i32
          %dma_wait3A_274 = tpu.memref_slice %arg9[%dma_wait3A_270, %dma_wait3A_272, %dma_wait3A_273] : memref<5x100x64xf32, #tpu.memory_space<vmem>> -> memref<1x100x64xf32, #tpu.memory_space<vmem>>
          %dma_wait3A_275 = tpu.memref_squeeze %dma_wait3A_274 : memref<1x100x64xf32, #tpu.memory_space<vmem>> -> memref<100x64xf32, #tpu.memory_space<vmem>>
          %dma_wait3A_276 = arith.constant 0 : i32
          %dma_wait3A_277 = tpu.memref_slice %arg8[%dma_wait3A_271, %dma_wait3A_276] : memref<200x100xi32, #tpu.memory_space<vmem>> -> memref<1x100xi32, #tpu.memory_space<vmem>>
          %dma_wait3A_278 = tpu.memref_squeeze %dma_wait3A_277 : memref<1x100xi32, #tpu.memory_space<vmem>> -> memref<100xi32, #tpu.memory_space<vmem>>
          %dma_wait3A_279 = arith.constant 0 : i32
          %dma_wait3A_280 = arith.constant 0 : i32
          %dma_wait3A_281 = tpu.memref_slice %arg11[%dma_wait3A_279, %dma_wait3A_280] : memref<10000x64xf32, #tpu.memory_space<vmem_shared>> -> memref<10000x64xf32, #tpu.memory_space<vmem_shared>>
          tpu.wait_indirect_dma semaphore(%arg19 : memref<!tpu.dma_semaphore, #tpu.memory_space<semaphore_mem>>) src(%dma_wait3A_275 : memref<100x64xf32, #tpu.memory_space<vmem>>) dst(%dma_wait3A_281 : memref<10000x64xf32, #tpu.memory_space<vmem_shared>>)
        } else {
        }
        %add3A_104 = arith.constant 2 : i32
        %add3A_105 = arith.addi %add3A_74, %add3A_104 : i32
        %lt3A = arith.constant 200 : i32
        %lt3A_106 = arith.cmpi slt, %add3A_105, %lt3A : i32
        %convert_element_type3A_107 = arith.extui %lt3A_106 : i1 to i32
        %cond3A_108 = arith.constant 0 : i32
        %cond3A_109 = arith.cmpi ne, %convert_element_type3A_107, %cond3A_108 : i32
        scf.if %cond3A_109 {
          %add3A_270 = arith.constant 2 : i32
          %add3A_271 = arith.addi %add3A_74, %add3A_270 : i32
          %dma_start3A_272 = arith.constant 2 : i32
          %dma_start3A_273 = arith.constant 0 : i32
          %dma_start3A_274 = arith.constant 0 : i32
          %dma_start3A_275 = tpu.memref_slice %arg9[%dma_start3A_272, %dma_start3A_273, %dma_start3A_274] : memref<5x100x64xf32, #tpu.memory_space<vmem>> -> memref<1x100x64xf32, #tpu.memory_space<vmem>>
          %dma_start3A_276 = tpu.memref_squeeze %dma_start3A_275 : memref<1x100x64xf32, #tpu.memory_space<vmem>> -> memref<100x64xf32, #tpu.memory_space<vmem>>
          %dma_start3A_277 = arith.constant 0 : i32
          %dma_start3A_278 = tpu.memref_slice %arg7[%add3A_271, %dma_start3A_277] : memref<200x100xi32, #tpu.memory_space<vmem>> -> memref<1x100xi32, #tpu.memory_space<vmem>>
          %dma_start3A_279 = tpu.memref_squeeze %dma_start3A_278 : memref<1x100xi32, #tpu.memory_space<vmem>> -> memref<100xi32, #tpu.memory_space<vmem>>
          %dma_start3A_280 = arith.constant 0 : i32
          %dma_start3A_281 = arith.constant 0 : i32
          %dma_start3A_282 = tpu.memref_slice %arg2[%scan3A_28, %dma_start3A_280, %dma_start3A_281] : memref<2x10000x64xf32, #tpu.memory_space<hbm>> -> memref<1x10000x64xf32, #tpu.memory_space<hbm>>
          %dma_start3A_283 = tpu.memref_squeeze %dma_start3A_282 : memref<1x10000x64xf32, #tpu.memory_space<hbm>> -> memref<10000x64xf32, #tpu.memory_space<hbm>>
          %dma_start3A_284 = arith.constant 0 : i32
          %dma_start3A_285 = arith.constant 0 : i32
          %dma_start3A_286 = tpu.memref_slice %dma_start3A_283[%dma_start3A_284, %dma_start3A_285] : memref<10000x64xf32, #tpu.memory_space<hbm>> -> memref<10000x64xf32, #tpu.memory_space<hbm>>
          tpu.enqueue_indirect_dma source(%dma_start3A_286 : memref<10000x64xf32, #tpu.memory_space<hbm>>) target(%dma_start3A_276 : memref<100x64xf32, #tpu.memory_space<vmem>>) offsets(%dma_start3A_279 : memref<100xi32, #tpu.memory_space<vmem>>) semaphore(%arg14 : memref<!tpu.dma_semaphore, #tpu.memory_space<semaphore_mem>>)
        } else {
        }
        %add3A_110 = arith.constant 1 : i32
        %add3A_111 = arith.addi %add3A_72, %add3A_110 : i32
        %dma_wait3A_112 = arith.constant 1 : i32
        %dma_wait3A_113 = arith.constant 0 : i32
        %dma_wait3A_114 = arith.constant 0 : i32
        %dma_wait3A_115 = tpu.memref_slice %arg9[%dma_wait3A_112, %dma_wait3A_113, %dma_wait3A_114] : memref<5x100x64xf32, #tpu.memory_space<vmem>> -> memref<1x100x64xf32, #tpu.memory_space<vmem>>
        %dma_wait3A_116 = tpu.memref_squeeze %dma_wait3A_115 : memref<1x100x64xf32, #tpu.memory_space<vmem>> -> memref<100x64xf32, #tpu.memory_space<vmem>>
        %dma_wait3A_117 = arith.constant 0 : i32
        %dma_wait3A_118 = tpu.memref_slice %arg7[%add3A_111, %dma_wait3A_117] : memref<200x100xi32, #tpu.memory_space<vmem>> -> memref<1x100xi32, #tpu.memory_space<vmem>>
        %dma_wait3A_119 = tpu.memref_squeeze %dma_wait3A_118 : memref<1x100xi32, #tpu.memory_space<vmem>> -> memref<100xi32, #tpu.memory_space<vmem>>
        %dma_wait3A_120 = arith.constant 0 : i32
        %dma_wait3A_121 = arith.constant 0 : i32
        %dma_wait3A_122 = tpu.memref_slice %arg2[%scan3A_28, %dma_wait3A_120, %dma_wait3A_121] : memref<2x10000x64xf32, #tpu.memory_space<hbm>> -> memref<1x10000x64xf32, #tpu.memory_space<hbm>>
        %dma_wait3A_123 = tpu.memref_squeeze %dma_wait3A_122 : memref<1x10000x64xf32, #tpu.memory_space<hbm>> -> memref<10000x64xf32, #tpu.memory_space<hbm>>
        %dma_wait3A_124 = arith.constant 0 : i32
        %dma_wait3A_125 = arith.constant 0 : i32
        %dma_wait3A_126 = tpu.memref_slice %dma_wait3A_123[%dma_wait3A_124, %dma_wait3A_125] : memref<10000x64xf32, #tpu.memory_space<hbm>> -> memref<10000x64xf32, #tpu.memory_space<hbm>>
        tpu.wait_indirect_dma semaphore(%arg13 : memref<!tpu.dma_semaphore, #tpu.memory_space<semaphore_mem>>) src(%dma_wait3A_126 : memref<10000x64xf32, #tpu.memory_space<hbm>>) dst(%dma_wait3A_116 : memref<100x64xf32, #tpu.memory_space<vmem>>)
        %dma_start3A_127 = arith.constant 1 : i32
        %dma_start3A_128 = arith.constant 0 : i32
        %dma_start3A_129 = arith.constant 0 : i32
        %dma_start3A_130 = tpu.memref_slice %arg9[%dma_start3A_127, %dma_start3A_128, %dma_start3A_129] : memref<5x100x64xf32, #tpu.memory_space<vmem>> -> memref<1x100x64xf32, #tpu.memory_space<vmem>>
        %dma_start3A_131 = tpu.memref_squeeze %dma_start3A_130 : memref<1x100x64xf32, #tpu.memory_space<vmem>> -> memref<100x64xf32, #tpu.memory_space<vmem>>
        %dma_start3A_132 = arith.constant 0 : i32
        %dma_start3A_133 = tpu.memref_slice %arg8[%add3A_111, %dma_start3A_132] : memref<200x100xi32, #tpu.memory_space<vmem>> -> memref<1x100xi32, #tpu.memory_space<vmem>>
        %dma_start3A_134 = tpu.memref_squeeze %dma_start3A_133 : memref<1x100xi32, #tpu.memory_space<vmem>> -> memref<100xi32, #tpu.memory_space<vmem>>
        %dma_start3A_135 = arith.constant 0 : i32
        %dma_start3A_136 = arith.constant 0 : i32
        %dma_start3A_137 = tpu.memref_slice %arg11[%dma_start3A_135, %dma_start3A_136] : memref<10000x64xf32, #tpu.memory_space<vmem_shared>> -> memref<10000x64xf32, #tpu.memory_space<vmem_shared>>
        tpu.enqueue_indirect_dma source(%dma_start3A_131 : memref<100x64xf32, #tpu.memory_space<vmem>>) target(%dma_start3A_137 : memref<10000x64xf32, #tpu.memory_space<vmem_shared>>) offsets(%dma_start3A_134 : memref<100xi32, #tpu.memory_space<vmem>>) semaphore(%arg18 : memref<!tpu.dma_semaphore, #tpu.memory_space<semaphore_mem>>) {add = true}
        %ge3A_138 = arith.constant 3 : i32
        %ge3A_139 = arith.cmpi sge, %add3A_111, %ge3A_138 : i32
        %convert_element_type3A_140 = arith.extui %ge3A_139 : i1 to i32
        %cond3A_141 = arith.constant 0 : i32
        %cond3A_142 = arith.cmpi ne, %convert_element_type3A_140, %cond3A_141 : i32
        scf.if %cond3A_142 {
          %dma_wait3A_270 = arith.constant 3 : i32
          %dma_wait3A_271 = arith.constant 0 : i32
          %dma_wait3A_272 = arith.constant 0 : i32
          %dma_wait3A_273 = arith.constant 0 : i32
          %dma_wait3A_274 = tpu.memref_slice %arg9[%dma_wait3A_270, %dma_wait3A_272, %dma_wait3A_273] : memref<5x100x64xf32, #tpu.memory_space<vmem>> -> memref<1x100x64xf32, #tpu.memory_space<vmem>>
          %dma_wait3A_275 = tpu.memref_squeeze %dma_wait3A_274 : memref<1x100x64xf32, #tpu.memory_space<vmem>> -> memref<100x64xf32, #tpu.memory_space<vmem>>
          %dma_wait3A_276 = arith.constant 0 : i32
          %dma_wait3A_277 = tpu.memref_slice %arg8[%dma_wait3A_271, %dma_wait3A_276] : memref<200x100xi32, #tpu.memory_space<vmem>> -> memref<1x100xi32, #tpu.memory_space<vmem>>
          %dma_wait3A_278 = tpu.memref_squeeze %dma_wait3A_277 : memref<1x100xi32, #tpu.memory_space<vmem>> -> memref<100xi32, #tpu.memory_space<vmem>>
          %dma_wait3A_279 = arith.constant 0 : i32
          %dma_wait3A_280 = arith.constant 0 : i32
          %dma_wait3A_281 = tpu.memref_slice %arg11[%dma_wait3A_279, %dma_wait3A_280] : memref<10000x64xf32, #tpu.memory_space<vmem_shared>> -> memref<10000x64xf32, #tpu.memory_space<vmem_shared>>
          tpu.wait_indirect_dma semaphore(%arg20 : memref<!tpu.dma_semaphore, #tpu.memory_space<semaphore_mem>>) src(%dma_wait3A_275 : memref<100x64xf32, #tpu.memory_space<vmem>>) dst(%dma_wait3A_281 : memref<10000x64xf32, #tpu.memory_space<vmem_shared>>)
        } else {
        }
        %add3A_143 = arith.constant 2 : i32
        %add3A_144 = arith.addi %add3A_111, %add3A_143 : i32
        %lt3A_145 = arith.constant 200 : i32
        %lt3A_146 = arith.cmpi slt, %add3A_144, %lt3A_145 : i32
        %convert_element_type3A_147 = arith.extui %lt3A_146 : i1 to i32
        %cond3A_148 = arith.constant 0 : i32
        %cond3A_149 = arith.cmpi ne, %convert_element_type3A_147, %cond3A_148 : i32
        scf.if %cond3A_149 {
          %add3A_270 = arith.constant 2 : i32
          %add3A_271 = arith.addi %add3A_111, %add3A_270 : i32
          %dma_start3A_272 = arith.constant 3 : i32
          %dma_start3A_273 = arith.constant 0 : i32
          %dma_start3A_274 = arith.constant 0 : i32
          %dma_start3A_275 = tpu.memref_slice %arg9[%dma_start3A_272, %dma_start3A_273, %dma_start3A_274] : memref<5x100x64xf32, #tpu.memory_space<vmem>> -> memref<1x100x64xf32, #tpu.memory_space<vmem>>
          %dma_start3A_276 = tpu.memref_squeeze %dma_start3A_275 : memref<1x100x64xf32, #tpu.memory_space<vmem>> -> memref<100x64xf32, #tpu.memory_space<vmem>>
          %dma_start3A_277 = arith.constant 0 : i32
          %dma_start3A_278 = tpu.memref_slice %arg7[%add3A_271, %dma_start3A_277] : memref<200x100xi32, #tpu.memory_space<vmem>> -> memref<1x100xi32, #tpu.memory_space<vmem>>
          %dma_start3A_279 = tpu.memref_squeeze %dma_start3A_278 : memref<1x100xi32, #tpu.memory_space<vmem>> -> memref<100xi32, #tpu.memory_space<vmem>>
          %dma_start3A_280 = arith.constant 0 : i32
          %dma_start3A_281 = arith.constant 0 : i32
          %dma_start3A_282 = tpu.memref_slice %arg2[%scan3A_28, %dma_start3A_280, %dma_start3A_281] : memref<2x10000x64xf32, #tpu.memory_space<hbm>> -> memref<1x10000x64xf32, #tpu.memory_space<hbm>>
          %dma_start3A_283 = tpu.memref_squeeze %dma_start3A_282 : memref<1x10000x64xf32, #tpu.memory_space<hbm>> -> memref<10000x64xf32, #tpu.memory_space<hbm>>
          %dma_start3A_284 = arith.constant 0 : i32
          %dma_start3A_285 = arith.constant 0 : i32
          %dma_start3A_286 = tpu.memref_slice %dma_start3A_283[%dma_start3A_284, %dma_start3A_285] : memref<10000x64xf32, #tpu.memory_space<hbm>> -> memref<10000x64xf32, #tpu.memory_space<hbm>>
          tpu.enqueue_indirect_dma source(%dma_start3A_286 : memref<10000x64xf32, #tpu.memory_space<hbm>>) target(%dma_start3A_276 : memref<100x64xf32, #tpu.memory_space<vmem>>) offsets(%dma_start3A_279 : memref<100xi32, #tpu.memory_space<vmem>>) semaphore(%arg15 : memref<!tpu.dma_semaphore, #tpu.memory_space<semaphore_mem>>)
        } else {
        }
        %add3A_150 = arith.constant 2 : i32
        %add3A_151 = arith.addi %add3A_72, %add3A_150 : i32
        %dma_wait3A_152 = arith.constant 2 : i32
        %dma_wait3A_153 = arith.constant 0 : i32
        %dma_wait3A_154 = arith.constant 0 : i32
        %dma_wait3A_155 = tpu.memref_slice %arg9[%dma_wait3A_152, %dma_wait3A_153, %dma_wait3A_154] : memref<5x100x64xf32, #tpu.memory_space<vmem>> -> memref<1x100x64xf32, #tpu.memory_space<vmem>>
        %dma_wait3A_156 = tpu.memref_squeeze %dma_wait3A_155 : memref<1x100x64xf32, #tpu.memory_space<vmem>> -> memref<100x64xf32, #tpu.memory_space<vmem>>
        %dma_wait3A_157 = arith.constant 0 : i32
        %dma_wait3A_158 = tpu.memref_slice %arg7[%add3A_151, %dma_wait3A_157] : memref<200x100xi32, #tpu.memory_space<vmem>> -> memref<1x100xi32, #tpu.memory_space<vmem>>
        %dma_wait3A_159 = tpu.memref_squeeze %dma_wait3A_158 : memref<1x100xi32, #tpu.memory_space<vmem>> -> memref<100xi32, #tpu.memory_space<vmem>>
        %dma_wait3A_160 = arith.constant 0 : i32
        %dma_wait3A_161 = arith.constant 0 : i32
        %dma_wait3A_162 = tpu.memref_slice %arg2[%scan3A_28, %dma_wait3A_160, %dma_wait3A_161] : memref<2x10000x64xf32, #tpu.memory_space<hbm>> -> memref<1x10000x64xf32, #tpu.memory_space<hbm>>
        %dma_wait3A_163 = tpu.memref_squeeze %dma_wait3A_162 : memref<1x10000x64xf32, #tpu.memory_space<hbm>> -> memref<10000x64xf32, #tpu.memory_space<hbm>>
        %dma_wait3A_164 = arith.constant 0 : i32
        %dma_wait3A_165 = arith.constant 0 : i32
        %dma_wait3A_166 = tpu.memref_slice %dma_wait3A_163[%dma_wait3A_164, %dma_wait3A_165] : memref<10000x64xf32, #tpu.memory_space<hbm>> -> memref<10000x64xf32, #tpu.memory_space<hbm>>
        tpu.wait_indirect_dma semaphore(%arg14 : memref<!tpu.dma_semaphore, #tpu.memory_space<semaphore_mem>>) src(%dma_wait3A_166 : memref<10000x64xf32, #tpu.memory_space<hbm>>) dst(%dma_wait3A_156 : memref<100x64xf32, #tpu.memory_space<vmem>>)
        %dma_start3A_167 = arith.constant 2 : i32
        %dma_start3A_168 = arith.constant 0 : i32
        %dma_start3A_169 = arith.constant 0 : i32
        %dma_start3A_170 = tpu.memref_slice %arg9[%dma_start3A_167, %dma_start3A_168, %dma_start3A_169] : memref<5x100x64xf32, #tpu.memory_space<vmem>> -> memref<1x100x64xf32, #tpu.memory_space<vmem>>
        %dma_start3A_171 = tpu.memref_squeeze %dma_start3A_170 : memref<1x100x64xf32, #tpu.memory_space<vmem>> -> memref<100x64xf32, #tpu.memory_space<vmem>>
        %dma_start3A_172 = arith.constant 0 : i32
        %dma_start3A_173 = tpu.memref_slice %arg8[%add3A_151, %dma_start3A_172] : memref<200x100xi32, #tpu.memory_space<vmem>> -> memref<1x100xi32, #tpu.memory_space<vmem>>
        %dma_start3A_174 = tpu.memref_squeeze %dma_start3A_173 : memref<1x100xi32, #tpu.memory_space<vmem>> -> memref<100xi32, #tpu.memory_space<vmem>>
        %dma_start3A_175 = arith.constant 0 : i32
        %dma_start3A_176 = arith.constant 0 : i32
        %dma_start3A_177 = tpu.memref_slice %arg11[%dma_start3A_175, %dma_start3A_176] : memref<10000x64xf32, #tpu.memory_space<vmem_shared>> -> memref<10000x64xf32, #tpu.memory_space<vmem_shared>>
        tpu.enqueue_indirect_dma source(%dma_start3A_171 : memref<100x64xf32, #tpu.memory_space<vmem>>) target(%dma_start3A_177 : memref<10000x64xf32, #tpu.memory_space<vmem_shared>>) offsets(%dma_start3A_174 : memref<100xi32, #tpu.memory_space<vmem>>) semaphore(%arg19 : memref<!tpu.dma_semaphore, #tpu.memory_space<semaphore_mem>>) {add = true}
        %ge3A_178 = arith.constant 3 : i32
        %ge3A_179 = arith.cmpi sge, %add3A_151, %ge3A_178 : i32
        %convert_element_type3A_180 = arith.extui %ge3A_179 : i1 to i32
        %cond3A_181 = arith.constant 0 : i32
        %cond3A_182 = arith.cmpi ne, %convert_element_type3A_180, %cond3A_181 : i32
        scf.if %cond3A_182 {
          %dma_wait3A_270 = arith.constant 4 : i32
          %dma_wait3A_271 = arith.constant 0 : i32
          %dma_wait3A_272 = arith.constant 0 : i32
          %dma_wait3A_273 = arith.constant 0 : i32
          %dma_wait3A_274 = tpu.memref_slice %arg9[%dma_wait3A_270, %dma_wait3A_272, %dma_wait3A_273] : memref<5x100x64xf32, #tpu.memory_space<vmem>> -> memref<1x100x64xf32, #tpu.memory_space<vmem>>
          %dma_wait3A_275 = tpu.memref_squeeze %dma_wait3A_274 : memref<1x100x64xf32, #tpu.memory_space<vmem>> -> memref<100x64xf32, #tpu.memory_space<vmem>>
          %dma_wait3A_276 = arith.constant 0 : i32
          %dma_wait3A_277 = tpu.memref_slice %arg8[%dma_wait3A_271, %dma_wait3A_276] : memref<200x100xi32, #tpu.memory_space<vmem>> -> memref<1x100xi32, #tpu.memory_space<vmem>>
          %dma_wait3A_278 = tpu.memref_squeeze %dma_wait3A_277 : memref<1x100xi32, #tpu.memory_space<vmem>> -> memref<100xi32, #tpu.memory_space<vmem>>
          %dma_wait3A_279 = arith.constant 0 : i32
          %dma_wait3A_280 = arith.constant 0 : i32
          %dma_wait3A_281 = tpu.memref_slice %arg11[%dma_wait3A_279, %dma_wait3A_280] : memref<10000x64xf32, #tpu.memory_space<vmem_shared>> -> memref<10000x64xf32, #tpu.memory_space<vmem_shared>>
          tpu.wait_indirect_dma semaphore(%arg21 : memref<!tpu.dma_semaphore, #tpu.memory_space<semaphore_mem>>) src(%dma_wait3A_275 : memref<100x64xf32, #tpu.memory_space<vmem>>) dst(%dma_wait3A_281 : memref<10000x64xf32, #tpu.memory_space<vmem_shared>>)
        } else {
        }
        %add3A_183 = arith.constant 2 : i32
        %add3A_184 = arith.addi %add3A_151, %add3A_183 : i32
        %lt3A_185 = arith.constant 200 : i32
        %lt3A_186 = arith.cmpi slt, %add3A_184, %lt3A_185 : i32
        %convert_element_type3A_187 = arith.extui %lt3A_186 : i1 to i32
        %cond3A_188 = arith.constant 0 : i32
        %cond3A_189 = arith.cmpi ne, %convert_element_type3A_187, %cond3A_188 : i32
        scf.if %cond3A_189 {
          %add3A_270 = arith.constant 2 : i32
          %add3A_271 = arith.addi %add3A_151, %add3A_270 : i32
          %dma_start3A_272 = arith.constant 4 : i32
          %dma_start3A_273 = arith.constant 0 : i32
          %dma_start3A_274 = arith.constant 0 : i32
          %dma_start3A_275 = tpu.memref_slice %arg9[%dma_start3A_272, %dma_start3A_273, %dma_start3A_274] : memref<5x100x64xf32, #tpu.memory_space<vmem>> -> memref<1x100x64xf32, #tpu.memory_space<vmem>>
          %dma_start3A_276 = tpu.memref_squeeze %dma_start3A_275 : memref<1x100x64xf32, #tpu.memory_space<vmem>> -> memref<100x64xf32, #tpu.memory_space<vmem>>
          %dma_start3A_277 = arith.constant 0 : i32
          %dma_start3A_278 = tpu.memref_slice %arg7[%add3A_271, %dma_start3A_277] : memref<200x100xi32, #tpu.memory_space<vmem>> -> memref<1x100xi32, #tpu.memory_space<vmem>>
          %dma_start3A_279 = tpu.memref_squeeze %dma_start3A_278 : memref<1x100xi32, #tpu.memory_space<vmem>> -> memref<100xi32, #tpu.memory_space<vmem>>
          %dma_start3A_280 = arith.constant 0 : i32
          %dma_start3A_281 = arith.constant 0 : i32
          %dma_start3A_282 = tpu.memref_slice %arg2[%scan3A_28, %dma_start3A_280, %dma_start3A_281] : memref<2x10000x64xf32, #tpu.memory_space<hbm>> -> memref<1x10000x64xf32, #tpu.memory_space<hbm>>
          %dma_start3A_283 = tpu.memref_squeeze %dma_start3A_282 : memref<1x10000x64xf32, #tpu.memory_space<hbm>> -> memref<10000x64xf32, #tpu.memory_space<hbm>>
          %dma_start3A_284 = arith.constant 0 : i32
          %dma_start3A_285 = arith.constant 0 : i32
          %dma_start3A_286 = tpu.memref_slice %dma_start3A_283[%dma_start3A_284, %dma_start3A_285] : memref<10000x64xf32, #tpu.memory_space<hbm>> -> memref<10000x64xf32, #tpu.memory_space<hbm>>
          tpu.enqueue_indirect_dma source(%dma_start3A_286 : memref<10000x64xf32, #tpu.memory_space<hbm>>) target(%dma_start3A_276 : memref<100x64xf32, #tpu.memory_space<vmem>>) offsets(%dma_start3A_279 : memref<100xi32, #tpu.memory_space<vmem>>) semaphore(%arg16 : memref<!tpu.dma_semaphore, #tpu.memory_space<semaphore_mem>>)
        } else {
        }
        %add3A_190 = arith.constant 3 : i32
        %add3A_191 = arith.addi %add3A_72, %add3A_190 : i32
        %dma_wait3A_192 = arith.constant 3 : i32
        %dma_wait3A_193 = arith.constant 0 : i32
        %dma_wait3A_194 = arith.constant 0 : i32
        %dma_wait3A_195 = tpu.memref_slice %arg9[%dma_wait3A_192, %dma_wait3A_193, %dma_wait3A_194] : memref<5x100x64xf32, #tpu.memory_space<vmem>> -> memref<1x100x64xf32, #tpu.memory_space<vmem>>
        %dma_wait3A_196 = tpu.memref_squeeze %dma_wait3A_195 : memref<1x100x64xf32, #tpu.memory_space<vmem>> -> memref<100x64xf32, #tpu.memory_space<vmem>>
        %dma_wait3A_197 = arith.constant 0 : i32
        %dma_wait3A_198 = tpu.memref_slice %arg7[%add3A_191, %dma_wait3A_197] : memref<200x100xi32, #tpu.memory_space<vmem>> -> memref<1x100xi32, #tpu.memory_space<vmem>>
        %dma_wait3A_199 = tpu.memref_squeeze %dma_wait3A_198 : memref<1x100xi32, #tpu.memory_space<vmem>> -> memref<100xi32, #tpu.memory_space<vmem>>
        %dma_wait3A_200 = arith.constant 0 : i32
        %dma_wait3A_201 = arith.constant 0 : i32
        %dma_wait3A_202 = tpu.memref_slice %arg2[%scan3A_28, %dma_wait3A_200, %dma_wait3A_201] : memref<2x10000x64xf32, #tpu.memory_space<hbm>> -> memref<1x10000x64xf32, #tpu.memory_space<hbm>>
        %dma_wait3A_203 = tpu.memref_squeeze %dma_wait3A_202 : memref<1x10000x64xf32, #tpu.memory_space<hbm>> -> memref<10000x64xf32, #tpu.memory_space<hbm>>
        %dma_wait3A_204 = arith.constant 0 : i32
        %dma_wait3A_205 = arith.constant 0 : i32
        %dma_wait3A_206 = tpu.memref_slice %dma_wait3A_203[%dma_wait3A_204, %dma_wait3A_205] : memref<10000x64xf32, #tpu.memory_space<hbm>> -> memref<10000x64xf32, #tpu.memory_space<hbm>>
        tpu.wait_indirect_dma semaphore(%arg15 : memref<!tpu.dma_semaphore, #tpu.memory_space<semaphore_mem>>) src(%dma_wait3A_206 : memref<10000x64xf32, #tpu.memory_space<hbm>>) dst(%dma_wait3A_196 : memref<100x64xf32, #tpu.memory_space<vmem>>)
        %dma_start3A_207 = arith.constant 3 : i32
        %dma_start3A_208 = arith.constant 0 : i32
        %dma_start3A_209 = arith.constant 0 : i32
        %dma_start3A_210 = tpu.memref_slice %arg9[%dma_start3A_207, %dma_start3A_208, %dma_start3A_209] : memref<5x100x64xf32, #tpu.memory_space<vmem>> -> memref<1x100x64xf32, #tpu.memory_space<vmem>>
        %dma_start3A_211 = tpu.memref_squeeze %dma_start3A_210 : memref<1x100x64xf32, #tpu.memory_space<vmem>> -> memref<100x64xf32, #tpu.memory_space<vmem>>
        %dma_start3A_212 = arith.constant 0 : i32
        %dma_start3A_213 = tpu.memref_slice %arg8[%add3A_191, %dma_start3A_212] : memref<200x100xi32, #tpu.memory_space<vmem>> -> memref<1x100xi32, #tpu.memory_space<vmem>>
        %dma_start3A_214 = tpu.memref_squeeze %dma_start3A_213 : memref<1x100xi32, #tpu.memory_space<vmem>> -> memref<100xi32, #tpu.memory_space<vmem>>
        %dma_start3A_215 = arith.constant 0 : i32
        %dma_start3A_216 = arith.constant 0 : i32
        %dma_start3A_217 = tpu.memref_slice %arg11[%dma_start3A_215, %dma_start3A_216] : memref<10000x64xf32, #tpu.memory_space<vmem_shared>> -> memref<10000x64xf32, #tpu.memory_space<vmem_shared>>
        tpu.enqueue_indirect_dma source(%dma_start3A_211 : memref<100x64xf32, #tpu.memory_space<vmem>>) target(%dma_start3A_217 : memref<10000x64xf32, #tpu.memory_space<vmem_shared>>) offsets(%dma_start3A_214 : memref<100xi32, #tpu.memory_space<vmem>>) semaphore(%arg20 : memref<!tpu.dma_semaphore, #tpu.memory_space<semaphore_mem>>) {add = true}
        %ge3A_218 = arith.constant 3 : i32
        %ge3A_219 = arith.cmpi sge, %add3A_191, %ge3A_218 : i32
        %convert_element_type3A_220 = arith.extui %ge3A_219 : i1 to i32
        %cond3A_221 = arith.constant 0 : i32
        %cond3A_222 = arith.cmpi ne, %convert_element_type3A_220, %cond3A_221 : i32
        scf.if %cond3A_222 {
          %dma_wait3A_270 = arith.constant 0 : i32
          %dma_wait3A_271 = arith.constant 0 : i32
          %dma_wait3A_272 = arith.constant 0 : i32
          %dma_wait3A_273 = arith.constant 0 : i32
          %dma_wait3A_274 = tpu.memref_slice %arg9[%dma_wait3A_270, %dma_wait3A_272, %dma_wait3A_273] : memref<5x100x64xf32, #tpu.memory_space<vmem>> -> memref<1x100x64xf32, #tpu.memory_space<vmem>>
          %dma_wait3A_275 = tpu.memref_squeeze %dma_wait3A_274 : memref<1x100x64xf32, #tpu.memory_space<vmem>> -> memref<100x64xf32, #tpu.memory_space<vmem>>
          %dma_wait3A_276 = arith.constant 0 : i32
          %dma_wait3A_277 = tpu.memref_slice %arg8[%dma_wait3A_271, %dma_wait3A_276] : memref<200x100xi32, #tpu.memory_space<vmem>> -> memref<1x100xi32, #tpu.memory_space<vmem>>
          %dma_wait3A_278 = tpu.memref_squeeze %dma_wait3A_277 : memref<1x100xi32, #tpu.memory_space<vmem>> -> memref<100xi32, #tpu.memory_space<vmem>>
          %dma_wait3A_279 = arith.constant 0 : i32
          %dma_wait3A_280 = arith.constant 0 : i32
          %dma_wait3A_281 = tpu.memref_slice %arg11[%dma_wait3A_279, %dma_wait3A_280] : memref<10000x64xf32, #tpu.memory_space<vmem_shared>> -> memref<10000x64xf32, #tpu.memory_space<vmem_shared>>
          tpu.wait_indirect_dma semaphore(%arg17 : memref<!tpu.dma_semaphore, #tpu.memory_space<semaphore_mem>>) src(%dma_wait3A_275 : memref<100x64xf32, #tpu.memory_space<vmem>>) dst(%dma_wait3A_281 : memref<10000x64xf32, #tpu.memory_space<vmem_shared>>)
        } else {
        }
        %add3A_223 = arith.constant 2 : i32
        %add3A_224 = arith.addi %add3A_191, %add3A_223 : i32
        %lt3A_225 = arith.constant 200 : i32
        %lt3A_226 = arith.cmpi slt, %add3A_224, %lt3A_225 : i32
        %convert_element_type3A_227 = arith.extui %lt3A_226 : i1 to i32
        %cond3A_228 = arith.constant 0 : i32
        %cond3A_229 = arith.cmpi ne, %convert_element_type3A_227, %cond3A_228 : i32
        scf.if %cond3A_229 {
          %add3A_270 = arith.constant 2 : i32
          %add3A_271 = arith.addi %add3A_191, %add3A_270 : i32
          %dma_start3A_272 = arith.constant 0 : i32
          %dma_start3A_273 = arith.constant 0 : i32
          %dma_start3A_274 = arith.constant 0 : i32
          %dma_start3A_275 = tpu.memref_slice %arg9[%dma_start3A_272, %dma_start3A_273, %dma_start3A_274] : memref<5x100x64xf32, #tpu.memory_space<vmem>> -> memref<1x100x64xf32, #tpu.memory_space<vmem>>
          %dma_start3A_276 = tpu.memref_squeeze %dma_start3A_275 : memref<1x100x64xf32, #tpu.memory_space<vmem>> -> memref<100x64xf32, #tpu.memory_space<vmem>>
          %dma_start3A_277 = arith.constant 0 : i32
          %dma_start3A_278 = tpu.memref_slice %arg7[%add3A_271, %dma_start3A_277] : memref<200x100xi32, #tpu.memory_space<vmem>> -> memref<1x100xi32, #tpu.memory_space<vmem>>
          %dma_start3A_279 = tpu.memref_squeeze %dma_start3A_278 : memref<1x100xi32, #tpu.memory_space<vmem>> -> memref<100xi32, #tpu.memory_space<vmem>>
          %dma_start3A_280 = arith.constant 0 : i32
          %dma_start3A_281 = arith.constant 0 : i32
          %dma_start3A_282 = tpu.memref_slice %arg2[%scan3A_28, %dma_start3A_280, %dma_start3A_281] : memref<2x10000x64xf32, #tpu.memory_space<hbm>> -> memref<1x10000x64xf32, #tpu.memory_space<hbm>>
          %dma_start3A_283 = tpu.memref_squeeze %dma_start3A_282 : memref<1x10000x64xf32, #tpu.memory_space<hbm>> -> memref<10000x64xf32, #tpu.memory_space<hbm>>
          %dma_start3A_284 = arith.constant 0 : i32
          %dma_start3A_285 = arith.constant 0 : i32
          %dma_start3A_286 = tpu.memref_slice %dma_start3A_283[%dma_start3A_284, %dma_start3A_285] : memref<10000x64xf32, #tpu.memory_space<hbm>> -> memref<10000x64xf32, #tpu.memory_space<hbm>>
          tpu.enqueue_indirect_dma source(%dma_start3A_286 : memref<10000x64xf32, #tpu.memory_space<hbm>>) target(%dma_start3A_276 : memref<100x64xf32, #tpu.memory_space<vmem>>) offsets(%dma_start3A_279 : memref<100xi32, #tpu.memory_space<vmem>>) semaphore(%arg12 : memref<!tpu.dma_semaphore, #tpu.memory_space<semaphore_mem>>)
        } else {
        }
        %add3A_230 = arith.constant 4 : i32
        %add3A_231 = arith.addi %add3A_72, %add3A_230 : i32
        %dma_wait3A_232 = arith.constant 4 : i32
        %dma_wait3A_233 = arith.constant 0 : i32
        %dma_wait3A_234 = arith.constant 0 : i32
        %dma_wait3A_235 = tpu.memref_slice %arg9[%dma_wait3A_232, %dma_wait3A_233, %dma_wait3A_234] : memref<5x100x64xf32, #tpu.memory_space<vmem>> -> memref<1x100x64xf32, #tpu.memory_space<vmem>>
        %dma_wait3A_236 = tpu.memref_squeeze %dma_wait3A_235 : memref<1x100x64xf32, #tpu.memory_space<vmem>> -> memref<100x64xf32, #tpu.memory_space<vmem>>
        %dma_wait3A_237 = arith.constant 0 : i32
        %dma_wait3A_238 = tpu.memref_slice %arg7[%add3A_231, %dma_wait3A_237] : memref<200x100xi32, #tpu.memory_space<vmem>> -> memref<1x100xi32, #tpu.memory_space<vmem>>
        %dma_wait3A_239 = tpu.memref_squeeze %dma_wait3A_238 : memref<1x100xi32, #tpu.memory_space<vmem>> -> memref<100xi32, #tpu.memory_space<vmem>>
        %dma_wait3A_240 = arith.constant 0 : i32
        %dma_wait3A_241 = arith.constant 0 : i32
        %dma_wait3A_242 = tpu.memref_slice %arg2[%scan3A_28, %dma_wait3A_240, %dma_wait3A_241] : memref<2x10000x64xf32, #tpu.memory_space<hbm>> -> memref<1x10000x64xf32, #tpu.memory_space<hbm>>
        %dma_wait3A_243 = tpu.memref_squeeze %dma_wait3A_242 : memref<1x10000x64xf32, #tpu.memory_space<hbm>> -> memref<10000x64xf32, #tpu.memory_space<hbm>>
        %dma_wait3A_244 = arith.constant 0 : i32
        %dma_wait3A_245 = arith.constant 0 : i32
        %dma_wait3A_246 = tpu.memref_slice %dma_wait3A_243[%dma_wait3A_244, %dma_wait3A_245] : memref<10000x64xf32, #tpu.memory_space<hbm>> -> memref<10000x64xf32, #tpu.memory_space<hbm>>
        tpu.wait_indirect_dma semaphore(%arg16 : memref<!tpu.dma_semaphore, #tpu.memory_space<semaphore_mem>>) src(%dma_wait3A_246 : memref<10000x64xf32, #tpu.memory_space<hbm>>) dst(%dma_wait3A_236 : memref<100x64xf32, #tpu.memory_space<vmem>>)
        %dma_start3A_247 = arith.constant 4 : i32
        %dma_start3A_248 = arith.constant 0 : i32
        %dma_start3A_249 = arith.constant 0 : i32
        %dma_start3A_250 = tpu.memref_slice %arg9[%dma_start3A_247, %dma_start3A_248, %dma_start3A_249] : memref<5x100x64xf32, #tpu.memory_space<vmem>> -> memref<1x100x64xf32, #tpu.memory_space<vmem>>
        %dma_start3A_251 = tpu.memref_squeeze %dma_start3A_250 : memref<1x100x64xf32, #tpu.memory_space<vmem>> -> memref<100x64xf32, #tpu.memory_space<vmem>>
        %dma_start3A_252 = arith.constant 0 : i32
        %dma_start3A_253 = tpu.memref_slice %arg8[%add3A_231, %dma_start3A_252] : memref<200x100xi32, #tpu.memory_space<vmem>> -> memref<1x100xi32, #tpu.memory_space<vmem>>
        %dma_start3A_254 = tpu.memref_squeeze %dma_start3A_253 : memref<1x100xi32, #tpu.memory_space<vmem>> -> memref<100xi32, #tpu.memory_space<vmem>>
        %dma_start3A_255 = arith.constant 0 : i32
        %dma_start3A_256 = arith.constant 0 : i32
        %dma_start3A_257 = tpu.memref_slice %arg11[%dma_start3A_255, %dma_start3A_256] : memref<10000x64xf32, #tpu.memory_space<vmem_shared>> -> memref<10000x64xf32, #tpu.memory_space<vmem_shared>>
        tpu.enqueue_indirect_dma source(%dma_start3A_251 : memref<100x64xf32, #tpu.memory_space<vmem>>) target(%dma_start3A_257 : memref<10000x64xf32, #tpu.memory_space<vmem_shared>>) offsets(%dma_start3A_254 : memref<100xi32, #tpu.memory_space<vmem>>) semaphore(%arg21 : memref<!tpu.dma_semaphore, #tpu.memory_space<semaphore_mem>>) {add = true}
        %ge3A_258 = arith.constant 3 : i32
        %ge3A_259 = arith.cmpi sge, %add3A_231, %ge3A_258 : i32
        %convert_element_type3A_260 = arith.extui %ge3A_259 : i1 to i32
        %cond3A_261 = arith.constant 0 : i32
        %cond3A_262 = arith.cmpi ne, %convert_element_type3A_260, %cond3A_261 : i32
        scf.if %cond3A_262 {
          %dma_wait3A_270 = arith.constant 1 : i32
          %dma_wait3A_271 = arith.constant 0 : i32
          %dma_wait3A_272 = arith.constant 0 : i32
          %dma_wait3A_273 = arith.constant 0 : i32
          %dma_wait3A_274 = tpu.memref_slice %arg9[%dma_wait3A_270, %dma_wait3A_272, %dma_wait3A_273] : memref<5x100x64xf32, #tpu.memory_space<vmem>> -> memref<1x100x64xf32, #tpu.memory_space<vmem>>
          %dma_wait3A_275 = tpu.memref_squeeze %dma_wait3A_274 : memref<1x100x64xf32, #tpu.memory_space<vmem>> -> memref<100x64xf32, #tpu.memory_space<vmem>>
          %dma_wait3A_276 = arith.constant 0 : i32
          %dma_wait3A_277 = tpu.memref_slice %arg8[%dma_wait3A_271, %dma_wait3A_276] : memref<200x100xi32, #tpu.memory_space<vmem>> -> memref<1x100xi32, #tpu.memory_space<vmem>>
          %dma_wait3A_278 = tpu.memref_squeeze %dma_wait3A_277 : memref<1x100xi32, #tpu.memory_space<vmem>> -> memref<100xi32, #tpu.memory_space<vmem>>
          %dma_wait3A_279 = arith.constant 0 : i32
          %dma_wait3A_280 = arith.constant 0 : i32
          %dma_wait3A_281 = tpu.memref_slice %arg11[%dma_wait3A_279, %dma_wait3A_280] : memref<10000x64xf32, #tpu.memory_space<vmem_shared>> -> memref<10000x64xf32, #tpu.memory_space<vmem_shared>>
          tpu.wait_indirect_dma semaphore(%arg18 : memref<!tpu.dma_semaphore, #tpu.memory_space<semaphore_mem>>) src(%dma_wait3A_275 : memref<100x64xf32, #tpu.memory_space<vmem>>) dst(%dma_wait3A_281 : memref<10000x64xf32, #tpu.memory_space<vmem_shared>>)
        } else {
        }
        %add3A_263 = arith.constant 2 : i32
        %add3A_264 = arith.addi %add3A_231, %add3A_263 : i32
        %lt3A_265 = arith.constant 200 : i32
        %lt3A_266 = arith.cmpi slt, %add3A_264, %lt3A_265 : i32
        %convert_element_type3A_267 = arith.extui %lt3A_266 : i1 to i32
        %cond3A_268 = arith.constant 0 : i32
        %cond3A_269 = arith.cmpi ne, %convert_element_type3A_267, %cond3A_268 : i32
        scf.if %cond3A_269 {
          %add3A_270 = arith.constant 2 : i32
          %add3A_271 = arith.addi %add3A_231, %add3A_270 : i32
          %dma_start3A_272 = arith.constant 1 : i32
          %dma_start3A_273 = arith.constant 0 : i32
          %dma_start3A_274 = arith.constant 0 : i32
          %dma_start3A_275 = tpu.memref_slice %arg9[%dma_start3A_272, %dma_start3A_273, %dma_start3A_274] : memref<5x100x64xf32, #tpu.memory_space<vmem>> -> memref<1x100x64xf32, #tpu.memory_space<vmem>>
          %dma_start3A_276 = tpu.memref_squeeze %dma_start3A_275 : memref<1x100x64xf32, #tpu.memory_space<vmem>> -> memref<100x64xf32, #tpu.memory_space<vmem>>
          %dma_start3A_277 = arith.constant 0 : i32
          %dma_start3A_278 = tpu.memref_slice %arg7[%add3A_271, %dma_start3A_277] : memref<200x100xi32, #tpu.memory_space<vmem>> -> memref<1x100xi32, #tpu.memory_space<vmem>>
          %dma_start3A_279 = tpu.memref_squeeze %dma_start3A_278 : memref<1x100xi32, #tpu.memory_space<vmem>> -> memref<100xi32, #tpu.memory_space<vmem>>
          %dma_start3A_280 = arith.constant 0 : i32
          %dma_start3A_281 = arith.constant 0 : i32
          %dma_start3A_282 = tpu.memref_slice %arg2[%scan3A_28, %dma_start3A_280, %dma_start3A_281] : memref<2x10000x64xf32, #tpu.memory_space<hbm>> -> memref<1x10000x64xf32, #tpu.memory_space<hbm>>
          %dma_start3A_283 = tpu.memref_squeeze %dma_start3A_282 : memref<1x10000x64xf32, #tpu.memory_space<hbm>> -> memref<10000x64xf32, #tpu.memory_space<hbm>>
          %dma_start3A_284 = arith.constant 0 : i32
          %dma_start3A_285 = arith.constant 0 : i32
          %dma_start3A_286 = tpu.memref_slice %dma_start3A_283[%dma_start3A_284, %dma_start3A_285] : memref<10000x64xf32, #tpu.memory_space<hbm>> -> memref<10000x64xf32, #tpu.memory_space<hbm>>
          tpu.enqueue_indirect_dma source(%dma_start3A_286 : memref<10000x64xf32, #tpu.memory_space<hbm>>) target(%dma_start3A_276 : memref<100x64xf32, #tpu.memory_space<vmem>>) offsets(%dma_start3A_279 : memref<100xi32, #tpu.memory_space<vmem>>) semaphore(%arg13 : memref<!tpu.dma_semaphore, #tpu.memory_space<semaphore_mem>>)
        } else {
        }
      }
      %scan3A_33 = arith.constant 40 : i32
      %dma_wait3A = arith.constant 2 : i32
      %dma_wait3A_34 = arith.constant 0 : i32
      %dma_wait3A_35 = arith.constant 0 : i32
      %dma_wait3A_36 = arith.constant 0 : i32
      %dma_wait3A_37 = tpu.memref_slice %arg9[%dma_wait3A, %dma_wait3A_35, %dma_wait3A_36] : memref<5x100x64xf32, #tpu.memory_space<vmem>> -> memref<1x100x64xf32, #tpu.memory_space<vmem>>
      %dma_wait3A_38 = tpu.memref_squeeze %dma_wait3A_37 : memref<1x100x64xf32, #tpu.memory_space<vmem>> -> memref<100x64xf32, #tpu.memory_space<vmem>>
      %dma_wait3A_39 = arith.constant 0 : i32
      %dma_wait3A_40 = tpu.memref_slice %arg8[%dma_wait3A_34, %dma_wait3A_39] : memref<200x100xi32, #tpu.memory_space<vmem>> -> memref<1x100xi32, #tpu.memory_space<vmem>>
      %dma_wait3A_41 = tpu.memref_squeeze %dma_wait3A_40 : memref<1x100xi32, #tpu.memory_space<vmem>> -> memref<100xi32, #tpu.memory_space<vmem>>
      %dma_wait3A_42 = arith.constant 0 : i32
      %dma_wait3A_43 = arith.constant 0 : i32
      %dma_wait3A_44 = tpu.memref_slice %arg11[%dma_wait3A_42, %dma_wait3A_43] : memref<10000x64xf32, #tpu.memory_space<vmem_shared>> -> memref<10000x64xf32, #tpu.memory_space<vmem_shared>>
      tpu.wait_indirect_dma semaphore(%arg19 : memref<!tpu.dma_semaphore, #tpu.memory_space<semaphore_mem>>) src(%dma_wait3A_38 : memref<100x64xf32, #tpu.memory_space<vmem>>) dst(%dma_wait3A_44 : memref<10000x64xf32, #tpu.memory_space<vmem_shared>>)
      %dma_wait3A_45 = arith.constant 3 : i32
      %dma_wait3A_46 = arith.constant 0 : i32
      %dma_wait3A_47 = arith.constant 0 : i32
      %dma_wait3A_48 = arith.constant 0 : i32
      %dma_wait3A_49 = tpu.memref_slice %arg9[%dma_wait3A_45, %dma_wait3A_47, %dma_wait3A_48] : memref<5x100x64xf32, #tpu.memory_space<vmem>> -> memref<1x100x64xf32, #tpu.memory_space<vmem>>
      %dma_wait3A_50 = tpu.memref_squeeze %dma_wait3A_49 : memref<1x100x64xf32, #tpu.memory_space<vmem>> -> memref<100x64xf32, #tpu.memory_space<vmem>>
      %dma_wait3A_51 = arith.constant 0 : i32
      %dma_wait3A_52 = tpu.memref_slice %arg8[%dma_wait3A_46, %dma_wait3A_51] : memref<200x100xi32, #tpu.memory_space<vmem>> -> memref<1x100xi32, #tpu.memory_space<vmem>>
      %dma_wait3A_53 = tpu.memref_squeeze %dma_wait3A_52 : memref<1x100xi32, #tpu.memory_space<vmem>> -> memref<100xi32, #tpu.memory_space<vmem>>
      %dma_wait3A_54 = arith.constant 0 : i32
      %dma_wait3A_55 = arith.constant 0 : i32
      %dma_wait3A_56 = tpu.memref_slice %arg11[%dma_wait3A_54, %dma_wait3A_55] : memref<10000x64xf32, #tpu.memory_space<vmem_shared>> -> memref<10000x64xf32, #tpu.memory_space<vmem_shared>>
      tpu.wait_indirect_dma semaphore(%arg20 : memref<!tpu.dma_semaphore, #tpu.memory_space<semaphore_mem>>) src(%dma_wait3A_50 : memref<100x64xf32, #tpu.memory_space<vmem>>) dst(%dma_wait3A_56 : memref<10000x64xf32, #tpu.memory_space<vmem_shared>>)
      %dma_wait3A_57 = arith.constant 4 : i32
      %dma_wait3A_58 = arith.constant 0 : i32
      %dma_wait3A_59 = arith.constant 0 : i32
      %dma_wait3A_60 = arith.constant 0 : i32
      %dma_wait3A_61 = tpu.memref_slice %arg9[%dma_wait3A_57, %dma_wait3A_59, %dma_wait3A_60] : memref<5x100x64xf32, #tpu.memory_space<vmem>> -> memref<1x100x64xf32, #tpu.memory_space<vmem>>
      %dma_wait3A_62 = tpu.memref_squeeze %dma_wait3A_61 : memref<1x100x64xf32, #tpu.memory_space<vmem>> -> memref<100x64xf32, #tpu.memory_space<vmem>>
      %dma_wait3A_63 = arith.constant 0 : i32
      %dma_wait3A_64 = tpu.memref_slice %arg8[%dma_wait3A_58, %dma_wait3A_63] : memref<200x100xi32, #tpu.memory_space<vmem>> -> memref<1x100xi32, #tpu.memory_space<vmem>>
      %dma_wait3A_65 = tpu.memref_squeeze %dma_wait3A_64 : memref<1x100xi32, #tpu.memory_space<vmem>> -> memref<100xi32, #tpu.memory_space<vmem>>
      %dma_wait3A_66 = arith.constant 0 : i32
      %dma_wait3A_67 = arith.constant 0 : i32
      %dma_wait3A_68 = tpu.memref_slice %arg11[%dma_wait3A_66, %dma_wait3A_67] : memref<10000x64xf32, #tpu.memory_space<vmem_shared>> -> memref<10000x64xf32, #tpu.memory_space<vmem_shared>>
      tpu.wait_indirect_dma semaphore(%arg21 : memref<!tpu.dma_semaphore, #tpu.memory_space<semaphore_mem>>) src(%dma_wait3A_62 : memref<100x64xf32, #tpu.memory_space<vmem>>) dst(%dma_wait3A_68 : memref<10000x64xf32, #tpu.memory_space<vmem_shared>>)
    } else {
    }
    %eq3A_17 = arith.constant 1 : i32
    %eq3A_18 = arith.cmpi eq, %arg0, %eq3A_17 : i32
    %convert_element_type3A_19 = arith.extui %eq3A_18 : i1 to i32
    %cond3A_20 = arith.constant 0 : i32
    %cond3A_21 = arith.cmpi ne, %convert_element_type3A_19, %cond3A_20 : i32
    scf.if %cond3A_21 {
      %scan3A_28 = arith.constant 1 : i32
      %scan3A_29 = arith.constant 0 : i32
      %scan3A_30 = arith.constant 40 : i32
      %scan3A_31 = arith.addi %scan3A_29, %scan3A_30 : i32
      %scan3A_32 = arith.constant 1 : i32
      scf.for %scan3A_69 = %scan3A_29 to %scan3A_31 step %scan3A_32  : i32 {
        %mul3A_70 = arith.constant 5 : i32
        %mul3A_71 = arith.muli %scan3A_69, %mul3A_70 : i32
        %add3A = arith.constant 0 : i32
        %add3A_72 = arith.addi %add3A, %mul3A_71 : i32
        %add3A_73 = arith.constant 0 : i32
        %add3A_74 = arith.addi %add3A_72, %add3A_73 : i32
        %dma_wait3A_75 = arith.constant 0 : i32
        %dma_wait3A_76 = arith.constant 0 : i32
        %dma_wait3A_77 = arith.constant 0 : i32
        %dma_wait3A_78 = tpu.memref_slice %arg9[%dma_wait3A_75, %dma_wait3A_76, %dma_wait3A_77] : memref<5x100x64xf32, #tpu.memory_space<vmem>> -> memref<1x100x64xf32, #tpu.memory_space<vmem>>
        %dma_wait3A_79 = tpu.memref_squeeze %dma_wait3A_78 : memref<1x100x64xf32, #tpu.memory_space<vmem>> -> memref<100x64xf32, #tpu.memory_space<vmem>>
        %dma_wait3A_80 = arith.constant 0 : i32
        %dma_wait3A_81 = tpu.memref_slice %arg7[%add3A_74, %dma_wait3A_80] : memref<200x100xi32, #tpu.memory_space<vmem>> -> memref<1x100xi32, #tpu.memory_space<vmem>>
        %dma_wait3A_82 = tpu.memref_squeeze %dma_wait3A_81 : memref<1x100xi32, #tpu.memory_space<vmem>> -> memref<100xi32, #tpu.memory_space<vmem>>
        %dma_wait3A_83 = arith.constant 0 : i32
        %dma_wait3A_84 = arith.constant 0 : i32
        %dma_wait3A_85 = tpu.memref_slice %arg2[%scan3A_28, %dma_wait3A_83, %dma_wait3A_84] : memref<2x10000x64xf32, #tpu.memory_space<hbm>> -> memref<1x10000x64xf32, #tpu.memory_space<hbm>>
        %dma_wait3A_86 = tpu.memref_squeeze %dma_wait3A_85 : memref<1x10000x64xf32, #tpu.memory_space<hbm>> -> memref<10000x64xf32, #tpu.memory_space<hbm>>
        %dma_wait3A_87 = arith.constant 0 : i32
        %dma_wait3A_88 = arith.constant 0 : i32
        %dma_wait3A_89 = tpu.memref_slice %dma_wait3A_86[%dma_wait3A_87, %dma_wait3A_88] : memref<10000x64xf32, #tpu.memory_space<hbm>> -> memref<10000x64xf32, #tpu.memory_space<hbm>>
        tpu.wait_indirect_dma semaphore(%arg12 : memref<!tpu.dma_semaphore, #tpu.memory_space<semaphore_mem>>) src(%dma_wait3A_89 : memref<10000x64xf32, #tpu.memory_space<hbm>>) dst(%dma_wait3A_79 : memref<100x64xf32, #tpu.memory_space<vmem>>)
        %dma_start3A = arith.constant 0 : i32
        %dma_start3A_90 = arith.constant 0 : i32
        %dma_start3A_91 = arith.constant 0 : i32
        %dma_start3A_92 = tpu.memref_slice %arg9[%dma_start3A, %dma_start3A_90, %dma_start3A_91] : memref<5x100x64xf32, #tpu.memory_space<vmem>> -> memref<1x100x64xf32, #tpu.memory_space<vmem>>
        %dma_start3A_93 = tpu.memref_squeeze %dma_start3A_92 : memref<1x100x64xf32, #tpu.memory_space<vmem>> -> memref<100x64xf32, #tpu.memory_space<vmem>>
        %dma_start3A_94 = arith.constant 0 : i32
        %dma_start3A_95 = tpu.memref_slice %arg8[%add3A_74, %dma_start3A_94] : memref<200x100xi32, #tpu.memory_space<vmem>> -> memref<1x100xi32, #tpu.memory_space<vmem>>
        %dma_start3A_96 = tpu.memref_squeeze %dma_start3A_95 : memref<1x100xi32, #tpu.memory_space<vmem>> -> memref<100xi32, #tpu.memory_space<vmem>>
        %dma_start3A_97 = arith.constant 0 : i32
        %dma_start3A_98 = arith.constant 0 : i32
        %dma_start3A_99 = tpu.memref_slice %arg11[%dma_start3A_97, %dma_start3A_98] : memref<10000x64xf32, #tpu.memory_space<vmem_shared>> -> memref<10000x64xf32, #tpu.memory_space<vmem_shared>>
        tpu.enqueue_indirect_dma source(%dma_start3A_93 : memref<100x64xf32, #tpu.memory_space<vmem>>) target(%dma_start3A_99 : memref<10000x64xf32, #tpu.memory_space<vmem_shared>>) offsets(%dma_start3A_96 : memref<100xi32, #tpu.memory_space<vmem>>) semaphore(%arg17 : memref<!tpu.dma_semaphore, #tpu.memory_space<semaphore_mem>>) {add = true}
        %ge3A = arith.constant 3 : i32
        %ge3A_100 = arith.cmpi sge, %add3A_74, %ge3A : i32
        %convert_element_type3A_101 = arith.extui %ge3A_100 : i1 to i32
        %cond3A_102 = arith.constant 0 : i32
        %cond3A_103 = arith.cmpi ne, %convert_element_type3A_101, %cond3A_102 : i32
        scf.if %cond3A_103 {
          %dma_wait3A_270 = arith.constant 2 : i32
          %dma_wait3A_271 = arith.constant 0 : i32
          %dma_wait3A_272 = arith.constant 0 : i32
          %dma_wait3A_273 = arith.constant 0 : i32
          %dma_wait3A_274 = tpu.memref_slice %arg9[%dma_wait3A_270, %dma_wait3A_272, %dma_wait3A_273] : memref<5x100x64xf32, #tpu.memory_space<vmem>> -> memref<1x100x64xf32, #tpu.memory_space<vmem>>
          %dma_wait3A_275 = tpu.memref_squeeze %dma_wait3A_274 : memref<1x100x64xf32, #tpu.memory_space<vmem>> -> memref<100x64xf32, #tpu.memory_space<vmem>>
          %dma_wait3A_276 = arith.constant 0 : i32
          %dma_wait3A_277 = tpu.memref_slice %arg8[%dma_wait3A_271, %dma_wait3A_276] : memref<200x100xi32, #tpu.memory_space<vmem>> -> memref<1x100xi32, #tpu.memory_space<vmem>>
          %dma_wait3A_278 = tpu.memref_squeeze %dma_wait3A_277 : memref<1x100xi32, #tpu.memory_space<vmem>> -> memref<100xi32, #tpu.memory_space<vmem>>
          %dma_wait3A_279 = arith.constant 0 : i32
          %dma_wait3A_280 = arith.constant 0 : i32
          %dma_wait3A_281 = tpu.memref_slice %arg11[%dma_wait3A_279, %dma_wait3A_280] : memref<10000x64xf32, #tpu.memory_space<vmem_shared>> -> memref<10000x64xf32, #tpu.memory_space<vmem_shared>>
          tpu.wait_indirect_dma semaphore(%arg19 : memref<!tpu.dma_semaphore, #tpu.memory_space<semaphore_mem>>) src(%dma_wait3A_275 : memref<100x64xf32, #tpu.memory_space<vmem>>) dst(%dma_wait3A_281 : memref<10000x64xf32, #tpu.memory_space<vmem_shared>>)
        } else {
        }
        %add3A_104 = arith.constant 2 : i32
        %add3A_105 = arith.addi %add3A_74, %add3A_104 : i32
        %lt3A = arith.constant 200 : i32
        %lt3A_106 = arith.cmpi slt, %add3A_105, %lt3A : i32
        %convert_element_type3A_107 = arith.extui %lt3A_106 : i1 to i32
        %cond3A_108 = arith.constant 0 : i32
        %cond3A_109 = arith.cmpi ne, %convert_element_type3A_107, %cond3A_108 : i32
        scf.if %cond3A_109 {
          %add3A_270 = arith.constant 2 : i32
          %add3A_271 = arith.addi %add3A_74, %add3A_270 : i32
          %dma_start3A_272 = arith.constant 2 : i32
          %dma_start3A_273 = arith.constant 0 : i32
          %dma_start3A_274 = arith.constant 0 : i32
          %dma_start3A_275 = tpu.memref_slice %arg9[%dma_start3A_272, %dma_start3A_273, %dma_start3A_274] : memref<5x100x64xf32, #tpu.memory_space<vmem>> -> memref<1x100x64xf32, #tpu.memory_space<vmem>>
          %dma_start3A_276 = tpu.memref_squeeze %dma_start3A_275 : memref<1x100x64xf32, #tpu.memory_space<vmem>> -> memref<100x64xf32, #tpu.memory_space<vmem>>
          %dma_start3A_277 = arith.constant 0 : i32
          %dma_start3A_278 = tpu.memref_slice %arg7[%add3A_271, %dma_start3A_277] : memref<200x100xi32, #tpu.memory_space<vmem>> -> memref<1x100xi32, #tpu.memory_space<vmem>>
          %dma_start3A_279 = tpu.memref_squeeze %dma_start3A_278 : memref<1x100xi32, #tpu.memory_space<vmem>> -> memref<100xi32, #tpu.memory_space<vmem>>
          %dma_start3A_280 = arith.constant 0 : i32
          %dma_start3A_281 = arith.constant 0 : i32
          %dma_start3A_282 = tpu.memref_slice %arg2[%scan3A_28, %dma_start3A_280, %dma_start3A_281] : memref<2x10000x64xf32, #tpu.memory_space<hbm>> -> memref<1x10000x64xf32, #tpu.memory_space<hbm>>
          %dma_start3A_283 = tpu.memref_squeeze %dma_start3A_282 : memref<1x10000x64xf32, #tpu.memory_space<hbm>> -> memref<10000x64xf32, #tpu.memory_space<hbm>>
          %dma_start3A_284 = arith.constant 0 : i32
          %dma_start3A_285 = arith.constant 0 : i32
          %dma_start3A_286 = tpu.memref_slice %dma_start3A_283[%dma_start3A_284, %dma_start3A_285] : memref<10000x64xf32, #tpu.memory_space<hbm>> -> memref<10000x64xf32, #tpu.memory_space<hbm>>
          tpu.enqueue_indirect_dma source(%dma_start3A_286 : memref<10000x64xf32, #tpu.memory_space<hbm>>) target(%dma_start3A_276 : memref<100x64xf32, #tpu.memory_space<vmem>>) offsets(%dma_start3A_279 : memref<100xi32, #tpu.memory_space<vmem>>) semaphore(%arg14 : memref<!tpu.dma_semaphore, #tpu.memory_space<semaphore_mem>>)
        } else {
        }
        %add3A_110 = arith.constant 1 : i32
        %add3A_111 = arith.addi %add3A_72, %add3A_110 : i32
        %dma_wait3A_112 = arith.constant 1 : i32
        %dma_wait3A_113 = arith.constant 0 : i32
        %dma_wait3A_114 = arith.constant 0 : i32
        %dma_wait3A_115 = tpu.memref_slice %arg9[%dma_wait3A_112, %dma_wait3A_113, %dma_wait3A_114] : memref<5x100x64xf32, #tpu.memory_space<vmem>> -> memref<1x100x64xf32, #tpu.memory_space<vmem>>
        %dma_wait3A_116 = tpu.memref_squeeze %dma_wait3A_115 : memref<1x100x64xf32, #tpu.memory_space<vmem>> -> memref<100x64xf32, #tpu.memory_space<vmem>>
        %dma_wait3A_117 = arith.constant 0 : i32
        %dma_wait3A_118 = tpu.memref_slice %arg7[%add3A_111, %dma_wait3A_117] : memref<200x100xi32, #tpu.memory_space<vmem>> -> memref<1x100xi32, #tpu.memory_space<vmem>>
        %dma_wait3A_119 = tpu.memref_squeeze %dma_wait3A_118 : memref<1x100xi32, #tpu.memory_space<vmem>> -> memref<100xi32, #tpu.memory_space<vmem>>
        %dma_wait3A_120 = arith.constant 0 : i32
        %dma_wait3A_121 = arith.constant 0 : i32
        %dma_wait3A_122 = tpu.memref_slice %arg2[%scan3A_28, %dma_wait3A_120, %dma_wait3A_121] : memref<2x10000x64xf32, #tpu.memory_space<hbm>> -> memref<1x10000x64xf32, #tpu.memory_space<hbm>>
        %dma_wait3A_123 = tpu.memref_squeeze %dma_wait3A_122 : memref<1x10000x64xf32, #tpu.memory_space<hbm>> -> memref<10000x64xf32, #tpu.memory_space<hbm>>
        %dma_wait3A_124 = arith.constant 0 : i32
        %dma_wait3A_125 = arith.constant 0 : i32
        %dma_wait3A_126 = tpu.memref_slice %dma_wait3A_123[%dma_wait3A_124, %dma_wait3A_125] : memref<10000x64xf32, #tpu.memory_space<hbm>> -> memref<10000x64xf32, #tpu.memory_space<hbm>>
        tpu.wait_indirect_dma semaphore(%arg13 : memref<!tpu.dma_semaphore, #tpu.memory_space<semaphore_mem>>) src(%dma_wait3A_126 : memref<10000x64xf32, #tpu.memory_space<hbm>>) dst(%dma_wait3A_116 : memref<100x64xf32, #tpu.memory_space<vmem>>)
        %dma_start3A_127 = arith.constant 1 : i32
        %dma_start3A_128 = arith.constant 0 : i32
        %dma_start3A_129 = arith.constant 0 : i32
        %dma_start3A_130 = tpu.memref_slice %arg9[%dma_start3A_127, %dma_start3A_128, %dma_start3A_129] : memref<5x100x64xf32, #tpu.memory_space<vmem>> -> memref<1x100x64xf32, #tpu.memory_space<vmem>>
        %dma_start3A_131 = tpu.memref_squeeze %dma_start3A_130 : memref<1x100x64xf32, #tpu.memory_space<vmem>> -> memref<100x64xf32, #tpu.memory_space<vmem>>
        %dma_start3A_132 = arith.constant 0 : i32
        %dma_start3A_133 = tpu.memref_slice %arg8[%add3A_111, %dma_start3A_132] : memref<200x100xi32, #tpu.memory_space<vmem>> -> memref<1x100xi32, #tpu.memory_space<vmem>>
        %dma_start3A_134 = tpu.memref_squeeze %dma_start3A_133 : memref<1x100xi32, #tpu.memory_space<vmem>> -> memref<100xi32, #tpu.memory_space<vmem>>
        %dma_start3A_135 = arith.constant 0 : i32
        %dma_start3A_136 = arith.constant 0 : i32
        %dma_start3A_137 = tpu.memref_slice %arg11[%dma_start3A_135, %dma_start3A_136] : memref<10000x64xf32, #tpu.memory_space<vmem_shared>> -> memref<10000x64xf32, #tpu.memory_space<vmem_shared>>
        tpu.enqueue_indirect_dma source(%dma_start3A_131 : memref<100x64xf32, #tpu.memory_space<vmem>>) target(%dma_start3A_137 : memref<10000x64xf32, #tpu.memory_space<vmem_shared>>) offsets(%dma_start3A_134 : memref<100xi32, #tpu.memory_space<vmem>>) semaphore(%arg18 : memref<!tpu.dma_semaphore, #tpu.memory_space<semaphore_mem>>) {add = true}
        %ge3A_138 = arith.constant 3 : i32
        %ge3A_139 = arith.cmpi sge, %add3A_111, %ge3A_138 : i32
        %convert_element_type3A_140 = arith.extui %ge3A_139 : i1 to i32
        %cond3A_141 = arith.constant 0 : i32
        %cond3A_142 = arith.cmpi ne, %convert_element_type3A_140, %cond3A_141 : i32
        scf.if %cond3A_142 {
          %dma_wait3A_270 = arith.constant 3 : i32
          %dma_wait3A_271 = arith.constant 0 : i32
          %dma_wait3A_272 = arith.constant 0 : i32
          %dma_wait3A_273 = arith.constant 0 : i32
          %dma_wait3A_274 = tpu.memref_slice %arg9[%dma_wait3A_270, %dma_wait3A_272, %dma_wait3A_273] : memref<5x100x64xf32, #tpu.memory_space<vmem>> -> memref<1x100x64xf32, #tpu.memory_space<vmem>>
          %dma_wait3A_275 = tpu.memref_squeeze %dma_wait3A_274 : memref<1x100x64xf32, #tpu.memory_space<vmem>> -> memref<100x64xf32, #tpu.memory_space<vmem>>
          %dma_wait3A_276 = arith.constant 0 : i32
          %dma_wait3A_277 = tpu.memref_slice %arg8[%dma_wait3A_271, %dma_wait3A_276] : memref<200x100xi32, #tpu.memory_space<vmem>> -> memref<1x100xi32, #tpu.memory_space<vmem>>
          %dma_wait3A_278 = tpu.memref_squeeze %dma_wait3A_277 : memref<1x100xi32, #tpu.memory_space<vmem>> -> memref<100xi32, #tpu.memory_space<vmem>>
          %dma_wait3A_279 = arith.constant 0 : i32
          %dma_wait3A_280 = arith.constant 0 : i32
          %dma_wait3A_281 = tpu.memref_slice %arg11[%dma_wait3A_279, %dma_wait3A_280] : memref<10000x64xf32, #tpu.memory_space<vmem_shared>> -> memref<10000x64xf32, #tpu.memory_space<vmem_shared>>
          tpu.wait_indirect_dma semaphore(%arg20 : memref<!tpu.dma_semaphore, #tpu.memory_space<semaphore_mem>>) src(%dma_wait3A_275 : memref<100x64xf32, #tpu.memory_space<vmem>>) dst(%dma_wait3A_281 : memref<10000x64xf32, #tpu.memory_space<vmem_shared>>)
        } else {
        }
        %add3A_143 = arith.constant 2 : i32
        %add3A_144 = arith.addi %add3A_111, %add3A_143 : i32
        %lt3A_145 = arith.constant 200 : i32
        %lt3A_146 = arith.cmpi slt, %add3A_144, %lt3A_145 : i32
        %convert_element_type3A_147 = arith.extui %lt3A_146 : i1 to i32
        %cond3A_148 = arith.constant 0 : i32
        %cond3A_149 = arith.cmpi ne, %convert_element_type3A_147, %cond3A_148 : i32
        scf.if %cond3A_149 {
          %add3A_270 = arith.constant 2 : i32
          %add3A_271 = arith.addi %add3A_111, %add3A_270 : i32
          %dma_start3A_272 = arith.constant 3 : i32
          %dma_start3A_273 = arith.constant 0 : i32
          %dma_start3A_274 = arith.constant 0 : i32
          %dma_start3A_275 = tpu.memref_slice %arg9[%dma_start3A_272, %dma_start3A_273, %dma_start3A_274] : memref<5x100x64xf32, #tpu.memory_space<vmem>> -> memref<1x100x64xf32, #tpu.memory_space<vmem>>
          %dma_start3A_276 = tpu.memref_squeeze %dma_start3A_275 : memref<1x100x64xf32, #tpu.memory_space<vmem>> -> memref<100x64xf32, #tpu.memory_space<vmem>>
          %dma_start3A_277 = arith.constant 0 : i32
          %dma_start3A_278 = tpu.memref_slice %arg7[%add3A_271, %dma_start3A_277] : memref<200x100xi32, #tpu.memory_space<vmem>> -> memref<1x100xi32, #tpu.memory_space<vmem>>
          %dma_start3A_279 = tpu.memref_squeeze %dma_start3A_278 : memref<1x100xi32, #tpu.memory_space<vmem>> -> memref<100xi32, #tpu.memory_space<vmem>>
          %dma_start3A_280 = arith.constant 0 : i32
          %dma_start3A_281 = arith.constant 0 : i32
          %dma_start3A_282 = tpu.memref_slice %arg2[%scan3A_28, %dma_start3A_280, %dma_start3A_281] : memref<2x10000x64xf32, #tpu.memory_space<hbm>> -> memref<1x10000x64xf32, #tpu.memory_space<hbm>>
          %dma_start3A_283 = tpu.memref_squeeze %dma_start3A_282 : memref<1x10000x64xf32, #tpu.memory_space<hbm>> -> memref<10000x64xf32, #tpu.memory_space<hbm>>
          %dma_start3A_284 = arith.constant 0 : i32
          %dma_start3A_285 = arith.constant 0 : i32
          %dma_start3A_286 = tpu.memref_slice %dma_start3A_283[%dma_start3A_284, %dma_start3A_285] : memref<10000x64xf32, #tpu.memory_space<hbm>> -> memref<10000x64xf32, #tpu.memory_space<hbm>>
          tpu.enqueue_indirect_dma source(%dma_start3A_286 : memref<10000x64xf32, #tpu.memory_space<hbm>>) target(%dma_start3A_276 : memref<100x64xf32, #tpu.memory_space<vmem>>) offsets(%dma_start3A_279 : memref<100xi32, #tpu.memory_space<vmem>>) semaphore(%arg15 : memref<!tpu.dma_semaphore, #tpu.memory_space<semaphore_mem>>)
        } else {
        }
        %add3A_150 = arith.constant 2 : i32
        %add3A_151 = arith.addi %add3A_72, %add3A_150 : i32
        %dma_wait3A_152 = arith.constant 2 : i32
        %dma_wait3A_153 = arith.constant 0 : i32
        %dma_wait3A_154 = arith.constant 0 : i32
        %dma_wait3A_155 = tpu.memref_slice %arg9[%dma_wait3A_152, %dma_wait3A_153, %dma_wait3A_154] : memref<5x100x64xf32, #tpu.memory_space<vmem>> -> memref<1x100x64xf32, #tpu.memory_space<vmem>>
        %dma_wait3A_156 = tpu.memref_squeeze %dma_wait3A_155 : memref<1x100x64xf32, #tpu.memory_space<vmem>> -> memref<100x64xf32, #tpu.memory_space<vmem>>
        %dma_wait3A_157 = arith.constant 0 : i32
        %dma_wait3A_158 = tpu.memref_slice %arg7[%add3A_151, %dma_wait3A_157] : memref<200x100xi32, #tpu.memory_space<vmem>> -> memref<1x100xi32, #tpu.memory_space<vmem>>
        %dma_wait3A_159 = tpu.memref_squeeze %dma_wait3A_158 : memref<1x100xi32, #tpu.memory_space<vmem>> -> memref<100xi32, #tpu.memory_space<vmem>>
        %dma_wait3A_160 = arith.constant 0 : i32
        %dma_wait3A_161 = arith.constant 0 : i32
        %dma_wait3A_162 = tpu.memref_slice %arg2[%scan3A_28, %dma_wait3A_160, %dma_wait3A_161] : memref<2x10000x64xf32, #tpu.memory_space<hbm>> -> memref<1x10000x64xf32, #tpu.memory_space<hbm>>
        %dma_wait3A_163 = tpu.memref_squeeze %dma_wait3A_162 : memref<1x10000x64xf32, #tpu.memory_space<hbm>> -> memref<10000x64xf32, #tpu.memory_space<hbm>>
        %dma_wait3A_164 = arith.constant 0 : i32
        %dma_wait3A_165 = arith.constant 0 : i32
        %dma_wait3A_166 = tpu.memref_slice %dma_wait3A_163[%dma_wait3A_164, %dma_wait3A_165] : memref<10000x64xf32, #tpu.memory_space<hbm>> -> memref<10000x64xf32, #tpu.memory_space<hbm>>
        tpu.wait_indirect_dma semaphore(%arg14 : memref<!tpu.dma_semaphore, #tpu.memory_space<semaphore_mem>>) src(%dma_wait3A_166 : memref<10000x64xf32, #tpu.memory_space<hbm>>) dst(%dma_wait3A_156 : memref<100x64xf32, #tpu.memory_space<vmem>>)
        %dma_start3A_167 = arith.constant 2 : i32
        %dma_start3A_168 = arith.constant 0 : i32
        %dma_start3A_169 = arith.constant 0 : i32
        %dma_start3A_170 = tpu.memref_slice %arg9[%dma_start3A_167, %dma_start3A_168, %dma_start3A_169] : memref<5x100x64xf32, #tpu.memory_space<vmem>> -> memref<1x100x64xf32, #tpu.memory_space<vmem>>
        %dma_start3A_171 = tpu.memref_squeeze %dma_start3A_170 : memref<1x100x64xf32, #tpu.memory_space<vmem>> -> memref<100x64xf32, #tpu.memory_space<vmem>>
        %dma_start3A_172 = arith.constant 0 : i32
        %dma_start3A_173 = tpu.memref_slice %arg8[%add3A_151, %dma_start3A_172] : memref<200x100xi32, #tpu.memory_space<vmem>> -> memref<1x100xi32, #tpu.memory_space<vmem>>
        %dma_start3A_174 = tpu.memref_squeeze %dma_start3A_173 : memref<1x100xi32, #tpu.memory_space<vmem>> -> memref<100xi32, #tpu.memory_space<vmem>>
        %dma_start3A_175 = arith.constant 0 : i32
        %dma_start3A_176 = arith.constant 0 : i32
        %dma_start3A_177 = tpu.memref_slice %arg11[%dma_start3A_175, %dma_start3A_176] : memref<10000x64xf32, #tpu.memory_space<vmem_shared>> -> memref<10000x64xf32, #tpu.memory_space<vmem_shared>>
        tpu.enqueue_indirect_dma source(%dma_start3A_171 : memref<100x64xf32, #tpu.memory_space<vmem>>) target(%dma_start3A_177 : memref<10000x64xf32, #tpu.memory_space<vmem_shared>>) offsets(%dma_start3A_174 : memref<100xi32, #tpu.memory_space<vmem>>) semaphore(%arg19 : memref<!tpu.dma_semaphore, #tpu.memory_space<semaphore_mem>>) {add = true}
        %ge3A_178 = arith.constant 3 : i32
        %ge3A_179 = arith.cmpi sge, %add3A_151, %ge3A_178 : i32
        %convert_element_type3A_180 = arith.extui %ge3A_179 : i1 to i32
        %cond3A_181 = arith.constant 0 : i32
        %cond3A_182 = arith.cmpi ne, %convert_element_type3A_180, %cond3A_181 : i32
        scf.if %cond3A_182 {
          %dma_wait3A_270 = arith.constant 4 : i32
          %dma_wait3A_271 = arith.constant 0 : i32
          %dma_wait3A_272 = arith.constant 0 : i32
          %dma_wait3A_273 = arith.constant 0 : i32
          %dma_wait3A_274 = tpu.memref_slice %arg9[%dma_wait3A_270, %dma_wait3A_272, %dma_wait3A_273] : memref<5x100x64xf32, #tpu.memory_space<vmem>> -> memref<1x100x64xf32, #tpu.memory_space<vmem>>
          %dma_wait3A_275 = tpu.memref_squeeze %dma_wait3A_274 : memref<1x100x64xf32, #tpu.memory_space<vmem>> -> memref<100x64xf32, #tpu.memory_space<vmem>>
          %dma_wait3A_276 = arith.constant 0 : i32
          %dma_wait3A_277 = tpu.memref_slice %arg8[%dma_wait3A_271, %dma_wait3A_276] : memref<200x100xi32, #tpu.memory_space<vmem>> -> memref<1x100xi32, #tpu.memory_space<vmem>>
          %dma_wait3A_278 = tpu.memref_squeeze %dma_wait3A_277 : memref<1x100xi32, #tpu.memory_space<vmem>> -> memref<100xi32, #tpu.memory_space<vmem>>
          %dma_wait3A_279 = arith.constant 0 : i32
          %dma_wait3A_280 = arith.constant 0 : i32
          %dma_wait3A_281 = tpu.memref_slice %arg11[%dma_wait3A_279, %dma_wait3A_280] : memref<10000x64xf32, #tpu.memory_space<vmem_shared>> -> memref<10000x64xf32, #tpu.memory_space<vmem_shared>>
          tpu.wait_indirect_dma semaphore(%arg21 : memref<!tpu.dma_semaphore, #tpu.memory_space<semaphore_mem>>) src(%dma_wait3A_275 : memref<100x64xf32, #tpu.memory_space<vmem>>) dst(%dma_wait3A_281 : memref<10000x64xf32, #tpu.memory_space<vmem_shared>>)
        } else {
        }
        %add3A_183 = arith.constant 2 : i32
        %add3A_184 = arith.addi %add3A_151, %add3A_183 : i32
        %lt3A_185 = arith.constant 200 : i32
        %lt3A_186 = arith.cmpi slt, %add3A_184, %lt3A_185 : i32
        %convert_element_type3A_187 = arith.extui %lt3A_186 : i1 to i32
        %cond3A_188 = arith.constant 0 : i32
        %cond3A_189 = arith.cmpi ne, %convert_element_type3A_187, %cond3A_188 : i32
        scf.if %cond3A_189 {
          %add3A_270 = arith.constant 2 : i32
          %add3A_271 = arith.addi %add3A_151, %add3A_270 : i32
          %dma_start3A_272 = arith.constant 4 : i32
          %dma_start3A_273 = arith.constant 0 : i32
          %dma_start3A_274 = arith.constant 0 : i32
          %dma_start3A_275 = tpu.memref_slice %arg9[%dma_start3A_272, %dma_start3A_273, %dma_start3A_274] : memref<5x100x64xf32, #tpu.memory_space<vmem>> -> memref<1x100x64xf32, #tpu.memory_space<vmem>>
          %dma_start3A_276 = tpu.memref_squeeze %dma_start3A_275 : memref<1x100x64xf32, #tpu.memory_space<vmem>> -> memref<100x64xf32, #tpu.memory_space<vmem>>
          %dma_start3A_277 = arith.constant 0 : i32
          %dma_start3A_278 = tpu.memref_slice %arg7[%add3A_271, %dma_start3A_277] : memref<200x100xi32, #tpu.memory_space<vmem>> -> memref<1x100xi32, #tpu.memory_space<vmem>>
          %dma_start3A_279 = tpu.memref_squeeze %dma_start3A_278 : memref<1x100xi32, #tpu.memory_space<vmem>> -> memref<100xi32, #tpu.memory_space<vmem>>
          %dma_start3A_280 = arith.constant 0 : i32
          %dma_start3A_281 = arith.constant 0 : i32
          %dma_start3A_282 = tpu.memref_slice %arg2[%scan3A_28, %dma_start3A_280, %dma_start3A_281] : memref<2x10000x64xf32, #tpu.memory_space<hbm>> -> memref<1x10000x64xf32, #tpu.memory_space<hbm>>
          %dma_start3A_283 = tpu.memref_squeeze %dma_start3A_282 : memref<1x10000x64xf32, #tpu.memory_space<hbm>> -> memref<10000x64xf32, #tpu.memory_space<hbm>>
          %dma_start3A_284 = arith.constant 0 : i32
          %dma_start3A_285 = arith.constant 0 : i32
          %dma_start3A_286 = tpu.memref_slice %dma_start3A_283[%dma_start3A_284, %dma_start3A_285] : memref<10000x64xf32, #tpu.memory_space<hbm>> -> memref<10000x64xf32, #tpu.memory_space<hbm>>
          tpu.enqueue_indirect_dma source(%dma_start3A_286 : memref<10000x64xf32, #tpu.memory_space<hbm>>) target(%dma_start3A_276 : memref<100x64xf32, #tpu.memory_space<vmem>>) offsets(%dma_start3A_279 : memref<100xi32, #tpu.memory_space<vmem>>) semaphore(%arg16 : memref<!tpu.dma_semaphore, #tpu.memory_space<semaphore_mem>>)
        } else {
        }
        %add3A_190 = arith.constant 3 : i32
        %add3A_191 = arith.addi %add3A_72, %add3A_190 : i32
        %dma_wait3A_192 = arith.constant 3 : i32
        %dma_wait3A_193 = arith.constant 0 : i32
        %dma_wait3A_194 = arith.constant 0 : i32
        %dma_wait3A_195 = tpu.memref_slice %arg9[%dma_wait3A_192, %dma_wait3A_193, %dma_wait3A_194] : memref<5x100x64xf32, #tpu.memory_space<vmem>> -> memref<1x100x64xf32, #tpu.memory_space<vmem>>
        %dma_wait3A_196 = tpu.memref_squeeze %dma_wait3A_195 : memref<1x100x64xf32, #tpu.memory_space<vmem>> -> memref<100x64xf32, #tpu.memory_space<vmem>>
        %dma_wait3A_197 = arith.constant 0 : i32
        %dma_wait3A_198 = tpu.memref_slice %arg7[%add3A_191, %dma_wait3A_197] : memref<200x100xi32, #tpu.memory_space<vmem>> -> memref<1x100xi32, #tpu.memory_space<vmem>>
        %dma_wait3A_199 = tpu.memref_squeeze %dma_wait3A_198 : memref<1x100xi32, #tpu.memory_space<vmem>> -> memref<100xi32, #tpu.memory_space<vmem>>
        %dma_wait3A_200 = arith.constant 0 : i32
        %dma_wait3A_201 = arith.constant 0 : i32
        %dma_wait3A_202 = tpu.memref_slice %arg2[%scan3A_28, %dma_wait3A_200, %dma_wait3A_201] : memref<2x10000x64xf32, #tpu.memory_space<hbm>> -> memref<1x10000x64xf32, #tpu.memory_space<hbm>>
        %dma_wait3A_203 = tpu.memref_squeeze %dma_wait3A_202 : memref<1x10000x64xf32, #tpu.memory_space<hbm>> -> memref<10000x64xf32, #tpu.memory_space<hbm>>
        %dma_wait3A_204 = arith.constant 0 : i32
        %dma_wait3A_205 = arith.constant 0 : i32
        %dma_wait3A_206 = tpu.memref_slice %dma_wait3A_203[%dma_wait3A_204, %dma_wait3A_205] : memref<10000x64xf32, #tpu.memory_space<hbm>> -> memref<10000x64xf32, #tpu.memory_space<hbm>>
        tpu.wait_indirect_dma semaphore(%arg15 : memref<!tpu.dma_semaphore, #tpu.memory_space<semaphore_mem>>) src(%dma_wait3A_206 : memref<10000x64xf32, #tpu.memory_space<hbm>>) dst(%dma_wait3A_196 : memref<100x64xf32, #tpu.memory_space<vmem>>)
        %dma_start3A_207 = arith.constant 3 : i32
        %dma_start3A_208 = arith.constant 0 : i32
        %dma_start3A_209 = arith.constant 0 : i32
        %dma_start3A_210 = tpu.memref_slice %arg9[%dma_start3A_207, %dma_start3A_208, %dma_start3A_209] : memref<5x100x64xf32, #tpu.memory_space<vmem>> -> memref<1x100x64xf32, #tpu.memory_space<vmem>>
        %dma_start3A_211 = tpu.memref_squeeze %dma_start3A_210 : memref<1x100x64xf32, #tpu.memory_space<vmem>> -> memref<100x64xf32, #tpu.memory_space<vmem>>
        %dma_start3A_212 = arith.constant 0 : i32
        %dma_start3A_213 = tpu.memref_slice %arg8[%add3A_191, %dma_start3A_212] : memref<200x100xi32, #tpu.memory_space<vmem>> -> memref<1x100xi32, #tpu.memory_space<vmem>>
        %dma_start3A_214 = tpu.memref_squeeze %dma_start3A_213 : memref<1x100xi32, #tpu.memory_space<vmem>> -> memref<100xi32, #tpu.memory_space<vmem>>
        %dma_start3A_215 = arith.constant 0 : i32
        %dma_start3A_216 = arith.constant 0 : i32
        %dma_start3A_217 = tpu.memref_slice %arg11[%dma_start3A_215, %dma_start3A_216] : memref<10000x64xf32, #tpu.memory_space<vmem_shared>> -> memref<10000x64xf32, #tpu.memory_space<vmem_shared>>
        tpu.enqueue_indirect_dma source(%dma_start3A_211 : memref<100x64xf32, #tpu.memory_space<vmem>>) target(%dma_start3A_217 : memref<10000x64xf32, #tpu.memory_space<vmem_shared>>) offsets(%dma_start3A_214 : memref<100xi32, #tpu.memory_space<vmem>>) semaphore(%arg20 : memref<!tpu.dma_semaphore, #tpu.memory_space<semaphore_mem>>) {add = true}
        %ge3A_218 = arith.constant 3 : i32
        %ge3A_219 = arith.cmpi sge, %add3A_191, %ge3A_218 : i32
        %convert_element_type3A_220 = arith.extui %ge3A_219 : i1 to i32
        %cond3A_221 = arith.constant 0 : i32
        %cond3A_222 = arith.cmpi ne, %convert_element_type3A_220, %cond3A_221 : i32
        scf.if %cond3A_222 {
          %dma_wait3A_270 = arith.constant 0 : i32
          %dma_wait3A_271 = arith.constant 0 : i32
          %dma_wait3A_272 = arith.constant 0 : i32
          %dma_wait3A_273 = arith.constant 0 : i32
          %dma_wait3A_274 = tpu.memref_slice %arg9[%dma_wait3A_270, %dma_wait3A_272, %dma_wait3A_273] : memref<5x100x64xf32, #tpu.memory_space<vmem>> -> memref<1x100x64xf32, #tpu.memory_space<vmem>>
          %dma_wait3A_275 = tpu.memref_squeeze %dma_wait3A_274 : memref<1x100x64xf32, #tpu.memory_space<vmem>> -> memref<100x64xf32, #tpu.memory_space<vmem>>
          %dma_wait3A_276 = arith.constant 0 : i32
          %dma_wait3A_277 = tpu.memref_slice %arg8[%dma_wait3A_271, %dma_wait3A_276] : memref<200x100xi32, #tpu.memory_space<vmem>> -> memref<1x100xi32, #tpu.memory_space<vmem>>
          %dma_wait3A_278 = tpu.memref_squeeze %dma_wait3A_277 : memref<1x100xi32, #tpu.memory_space<vmem>> -> memref<100xi32, #tpu.memory_space<vmem>>
          %dma_wait3A_279 = arith.constant 0 : i32
          %dma_wait3A_280 = arith.constant 0 : i32
          %dma_wait3A_281 = tpu.memref_slice %arg11[%dma_wait3A_279, %dma_wait3A_280] : memref<10000x64xf32, #tpu.memory_space<vmem_shared>> -> memref<10000x64xf32, #tpu.memory_space<vmem_shared>>
          tpu.wait_indirect_dma semaphore(%arg17 : memref<!tpu.dma_semaphore, #tpu.memory_space<semaphore_mem>>) src(%dma_wait3A_275 : memref<100x64xf32, #tpu.memory_space<vmem>>) dst(%dma_wait3A_281 : memref<10000x64xf32, #tpu.memory_space<vmem_shared>>)
        } else {
        }
        %add3A_223 = arith.constant 2 : i32
        %add3A_224 = arith.addi %add3A_191, %add3A_223 : i32
        %lt3A_225 = arith.constant 200 : i32
        %lt3A_226 = arith.cmpi slt, %add3A_224, %lt3A_225 : i32
        %convert_element_type3A_227 = arith.extui %lt3A_226 : i1 to i32
        %cond3A_228 = arith.constant 0 : i32
        %cond3A_229 = arith.cmpi ne, %convert_element_type3A_227, %cond3A_228 : i32
        scf.if %cond3A_229 {
          %add3A_270 = arith.constant 2 : i32
          %add3A_271 = arith.addi %add3A_191, %add3A_270 : i32
          %dma_start3A_272 = arith.constant 0 : i32
          %dma_start3A_273 = arith.constant 0 : i32
          %dma_start3A_274 = arith.constant 0 : i32
          %dma_start3A_275 = tpu.memref_slice %arg9[%dma_start3A_272, %dma_start3A_273, %dma_start3A_274] : memref<5x100x64xf32, #tpu.memory_space<vmem>> -> memref<1x100x64xf32, #tpu.memory_space<vmem>>
          %dma_start3A_276 = tpu.memref_squeeze %dma_start3A_275 : memref<1x100x64xf32, #tpu.memory_space<vmem>> -> memref<100x64xf32, #tpu.memory_space<vmem>>
          %dma_start3A_277 = arith.constant 0 : i32
          %dma_start3A_278 = tpu.memref_slice %arg7[%add3A_271, %dma_start3A_277] : memref<200x100xi32, #tpu.memory_space<vmem>> -> memref<1x100xi32, #tpu.memory_space<vmem>>
          %dma_start3A_279 = tpu.memref_squeeze %dma_start3A_278 : memref<1x100xi32, #tpu.memory_space<vmem>> -> memref<100xi32, #tpu.memory_space<vmem>>
          %dma_start3A_280 = arith.constant 0 : i32
          %dma_start3A_281 = arith.constant 0 : i32
          %dma_start3A_282 = tpu.memref_slice %arg2[%scan3A_28, %dma_start3A_280, %dma_start3A_281] : memref<2x10000x64xf32, #tpu.memory_space<hbm>> -> memref<1x10000x64xf32, #tpu.memory_space<hbm>>
          %dma_start3A_283 = tpu.memref_squeeze %dma_start3A_282 : memref<1x10000x64xf32, #tpu.memory_space<hbm>> -> memref<10000x64xf32, #tpu.memory_space<hbm>>
          %dma_start3A_284 = arith.constant 0 : i32
          %dma_start3A_285 = arith.constant 0 : i32
          %dma_start3A_286 = tpu.memref_slice %dma_start3A_283[%dma_start3A_284, %dma_start3A_285] : memref<10000x64xf32, #tpu.memory_space<hbm>> -> memref<10000x64xf32, #tpu.memory_space<hbm>>
          tpu.enqueue_indirect_dma source(%dma_start3A_286 : memref<10000x64xf32, #tpu.memory_space<hbm>>) target(%dma_start3A_276 : memref<100x64xf32, #tpu.memory_space<vmem>>) offsets(%dma_start3A_279 : memref<100xi32, #tpu.memory_space<vmem>>) semaphore(%arg12 : memref<!tpu.dma_semaphore, #tpu.memory_space<semaphore_mem>>)
        } else {
        }
        %add3A_230 = arith.constant 4 : i32
        %add3A_231 = arith.addi %add3A_72, %add3A_230 : i32
        %dma_wait3A_232 = arith.constant 4 : i32
        %dma_wait3A_233 = arith.constant 0 : i32
        %dma_wait3A_234 = arith.constant 0 : i32
        %dma_wait3A_235 = tpu.memref_slice %arg9[%dma_wait3A_232, %dma_wait3A_233, %dma_wait3A_234] : memref<5x100x64xf32, #tpu.memory_space<vmem>> -> memref<1x100x64xf32, #tpu.memory_space<vmem>>
        %dma_wait3A_236 = tpu.memref_squeeze %dma_wait3A_235 : memref<1x100x64xf32, #tpu.memory_space<vmem>> -> memref<100x64xf32, #tpu.memory_space<vmem>>
        %dma_wait3A_237 = arith.constant 0 : i32
        %dma_wait3A_238 = tpu.memref_slice %arg7[%add3A_231, %dma_wait3A_237] : memref<200x100xi32, #tpu.memory_space<vmem>> -> memref<1x100xi32, #tpu.memory_space<vmem>>
        %dma_wait3A_239 = tpu.memref_squeeze %dma_wait3A_238 : memref<1x100xi32, #tpu.memory_space<vmem>> -> memref<100xi32, #tpu.memory_space<vmem>>
        %dma_wait3A_240 = arith.constant 0 : i32
        %dma_wait3A_241 = arith.constant 0 : i32
        %dma_wait3A_242 = tpu.memref_slice %arg2[%scan3A_28, %dma_wait3A_240, %dma_wait3A_241] : memref<2x10000x64xf32, #tpu.memory_space<hbm>> -> memref<1x10000x64xf32, #tpu.memory_space<hbm>>
        %dma_wait3A_243 = tpu.memref_squeeze %dma_wait3A_242 : memref<1x10000x64xf32, #tpu.memory_space<hbm>> -> memref<10000x64xf32, #tpu.memory_space<hbm>>
        %dma_wait3A_244 = arith.constant 0 : i32
        %dma_wait3A_245 = arith.constant 0 : i32
        %dma_wait3A_246 = tpu.memref_slice %dma_wait3A_243[%dma_wait3A_244, %dma_wait3A_245] : memref<10000x64xf32, #tpu.memory_space<hbm>> -> memref<10000x64xf32, #tpu.memory_space<hbm>>
        tpu.wait_indirect_dma semaphore(%arg16 : memref<!tpu.dma_semaphore, #tpu.memory_space<semaphore_mem>>) src(%dma_wait3A_246 : memref<10000x64xf32, #tpu.memory_space<hbm>>) dst(%dma_wait3A_236 : memref<100x64xf32, #tpu.memory_space<vmem>>)
        %dma_start3A_247 = arith.constant 4 : i32
        %dma_start3A_248 = arith.constant 0 : i32
        %dma_start3A_249 = arith.constant 0 : i32
        %dma_start3A_250 = tpu.memref_slice %arg9[%dma_start3A_247, %dma_start3A_248, %dma_start3A_249] : memref<5x100x64xf32, #tpu.memory_space<vmem>> -> memref<1x100x64xf32, #tpu.memory_space<vmem>>
        %dma_start3A_251 = tpu.memref_squeeze %dma_start3A_250 : memref<1x100x64xf32, #tpu.memory_space<vmem>> -> memref<100x64xf32, #tpu.memory_space<vmem>>
        %dma_start3A_252 = arith.constant 0 : i32
        %dma_start3A_253 = tpu.memref_slice %arg8[%add3A_231, %dma_start3A_252] : memref<200x100xi32, #tpu.memory_space<vmem>> -> memref<1x100xi32, #tpu.memory_space<vmem>>
        %dma_start3A_254 = tpu.memref_squeeze %dma_start3A_253 : memref<1x100xi32, #tpu.memory_space<vmem>> -> memref<100xi32, #tpu.memory_space<vmem>>
        %dma_start3A_255 = arith.constant 0 : i32
        %dma_start3A_256 = arith.constant 0 : i32
        %dma_start3A_257 = tpu.memref_slice %arg11[%dma_start3A_255, %dma_start3A_256] : memref<10000x64xf32, #tpu.memory_space<vmem_shared>> -> memref<10000x64xf32, #tpu.memory_space<vmem_shared>>
        tpu.enqueue_indirect_dma source(%dma_start3A_251 : memref<100x64xf32, #tpu.memory_space<vmem>>) target(%dma_start3A_257 : memref<10000x64xf32, #tpu.memory_space<vmem_shared>>) offsets(%dma_start3A_254 : memref<100xi32, #tpu.memory_space<vmem>>) semaphore(%arg21 : memref<!tpu.dma_semaphore, #tpu.memory_space<semaphore_mem>>) {add = true}
        %ge3A_258 = arith.constant 3 : i32
        %ge3A_259 = arith.cmpi sge, %add3A_231, %ge3A_258 : i32
        %convert_element_type3A_260 = arith.extui %ge3A_259 : i1 to i32
        %cond3A_261 = arith.constant 0 : i32
        %cond3A_262 = arith.cmpi ne, %convert_element_type3A_260, %cond3A_261 : i32
        scf.if %cond3A_262 {
          %dma_wait3A_270 = arith.constant 1 : i32
          %dma_wait3A_271 = arith.constant 0 : i32
          %dma_wait3A_272 = arith.constant 0 : i32
          %dma_wait3A_273 = arith.constant 0 : i32
          %dma_wait3A_274 = tpu.memref_slice %arg9[%dma_wait3A_270, %dma_wait3A_272, %dma_wait3A_273] : memref<5x100x64xf32, #tpu.memory_space<vmem>> -> memref<1x100x64xf32, #tpu.memory_space<vmem>>
          %dma_wait3A_275 = tpu.memref_squeeze %dma_wait3A_274 : memref<1x100x64xf32, #tpu.memory_space<vmem>> -> memref<100x64xf32, #tpu.memory_space<vmem>>
          %dma_wait3A_276 = arith.constant 0 : i32
          %dma_wait3A_277 = tpu.memref_slice %arg8[%dma_wait3A_271, %dma_wait3A_276] : memref<200x100xi32, #tpu.memory_space<vmem>> -> memref<1x100xi32, #tpu.memory_space<vmem>>
          %dma_wait3A_278 = tpu.memref_squeeze %dma_wait3A_277 : memref<1x100xi32, #tpu.memory_space<vmem>> -> memref<100xi32, #tpu.memory_space<vmem>>
          %dma_wait3A_279 = arith.constant 0 : i32
          %dma_wait3A_280 = arith.constant 0 : i32
          %dma_wait3A_281 = tpu.memref_slice %arg11[%dma_wait3A_279, %dma_wait3A_280] : memref<10000x64xf32, #tpu.memory_space<vmem_shared>> -> memref<10000x64xf32, #tpu.memory_space<vmem_shared>>
          tpu.wait_indirect_dma semaphore(%arg18 : memref<!tpu.dma_semaphore, #tpu.memory_space<semaphore_mem>>) src(%dma_wait3A_275 : memref<100x64xf32, #tpu.memory_space<vmem>>) dst(%dma_wait3A_281 : memref<10000x64xf32, #tpu.memory_space<vmem_shared>>)
        } else {
        }
        %add3A_263 = arith.constant 2 : i32
        %add3A_264 = arith.addi %add3A_231, %add3A_263 : i32
        %lt3A_265 = arith.constant 200 : i32
        %lt3A_266 = arith.cmpi slt, %add3A_264, %lt3A_265 : i32
        %convert_element_type3A_267 = arith.extui %lt3A_266 : i1 to i32
        %cond3A_268 = arith.constant 0 : i32
        %cond3A_269 = arith.cmpi ne, %convert_element_type3A_267, %cond3A_268 : i32
        scf.if %cond3A_269 {
          %add3A_270 = arith.constant 2 : i32
          %add3A_271 = arith.addi %add3A_231, %add3A_270 : i32
          %dma_start3A_272 = arith.constant 1 : i32
          %dma_start3A_273 = arith.constant 0 : i32
          %dma_start3A_274 = arith.constant 0 : i32
          %dma_start3A_275 = tpu.memref_slice %arg9[%dma_start3A_272, %dma_start3A_273, %dma_start3A_274] : memref<5x100x64xf32, #tpu.memory_space<vmem>> -> memref<1x100x64xf32, #tpu.memory_space<vmem>>
          %dma_start3A_276 = tpu.memref_squeeze %dma_start3A_275 : memref<1x100x64xf32, #tpu.memory_space<vmem>> -> memref<100x64xf32, #tpu.memory_space<vmem>>
          %dma_start3A_277 = arith.constant 0 : i32
          %dma_start3A_278 = tpu.memref_slice %arg7[%add3A_271, %dma_start3A_277] : memref<200x100xi32, #tpu.memory_space<vmem>> -> memref<1x100xi32, #tpu.memory_space<vmem>>
          %dma_start3A_279 = tpu.memref_squeeze %dma_start3A_278 : memref<1x100xi32, #tpu.memory_space<vmem>> -> memref<100xi32, #tpu.memory_space<vmem>>
          %dma_start3A_280 = arith.constant 0 : i32
          %dma_start3A_281 = arith.constant 0 : i32
          %dma_start3A_282 = tpu.memref_slice %arg2[%scan3A_28, %dma_start3A_280, %dma_start3A_281] : memref<2x10000x64xf32, #tpu.memory_space<hbm>> -> memref<1x10000x64xf32, #tpu.memory_space<hbm>>
          %dma_start3A_283 = tpu.memref_squeeze %dma_start3A_282 : memref<1x10000x64xf32, #tpu.memory_space<hbm>> -> memref<10000x64xf32, #tpu.memory_space<hbm>>
          %dma_start3A_284 = arith.constant 0 : i32
          %dma_start3A_285 = arith.constant 0 : i32
          %dma_start3A_286 = tpu.memref_slice %dma_start3A_283[%dma_start3A_284, %dma_start3A_285] : memref<10000x64xf32, #tpu.memory_space<hbm>> -> memref<10000x64xf32, #tpu.memory_space<hbm>>
          tpu.enqueue_indirect_dma source(%dma_start3A_286 : memref<10000x64xf32, #tpu.memory_space<hbm>>) target(%dma_start3A_276 : memref<100x64xf32, #tpu.memory_space<vmem>>) offsets(%dma_start3A_279 : memref<100xi32, #tpu.memory_space<vmem>>) semaphore(%arg13 : memref<!tpu.dma_semaphore, #tpu.memory_space<semaphore_mem>>)
        } else {
        }
      }
      %scan3A_33 = arith.constant 40 : i32
      %dma_wait3A = arith.constant 2 : i32
      %dma_wait3A_34 = arith.constant 0 : i32
      %dma_wait3A_35 = arith.constant 0 : i32
      %dma_wait3A_36 = arith.constant 0 : i32
      %dma_wait3A_37 = tpu.memref_slice %arg9[%dma_wait3A, %dma_wait3A_35, %dma_wait3A_36] : memref<5x100x64xf32, #tpu.memory_space<vmem>> -> memref<1x100x64xf32, #tpu.memory_space<vmem>>
      %dma_wait3A_38 = tpu.memref_squeeze %dma_wait3A_37 : memref<1x100x64xf32, #tpu.memory_space<vmem>> -> memref<100x64xf32, #tpu.memory_space<vmem>>
      %dma_wait3A_39 = arith.constant 0 : i32
      %dma_wait3A_40 = tpu.memref_slice %arg8[%dma_wait3A_34, %dma_wait3A_39] : memref<200x100xi32, #tpu.memory_space<vmem>> -> memref<1x100xi32, #tpu.memory_space<vmem>>
      %dma_wait3A_41 = tpu.memref_squeeze %dma_wait3A_40 : memref<1x100xi32, #tpu.memory_space<vmem>> -> memref<100xi32, #tpu.memory_space<vmem>>
      %dma_wait3A_42 = arith.constant 0 : i32
      %dma_wait3A_43 = arith.constant 0 : i32
      %dma_wait3A_44 = tpu.memref_slice %arg11[%dma_wait3A_42, %dma_wait3A_43] : memref<10000x64xf32, #tpu.memory_space<vmem_shared>> -> memref<10000x64xf32, #tpu.memory_space<vmem_shared>>
      tpu.wait_indirect_dma semaphore(%arg19 : memref<!tpu.dma_semaphore, #tpu.memory_space<semaphore_mem>>) src(%dma_wait3A_38 : memref<100x64xf32, #tpu.memory_space<vmem>>) dst(%dma_wait3A_44 : memref<10000x64xf32, #tpu.memory_space<vmem_shared>>)
      %dma_wait3A_45 = arith.constant 3 : i32
      %dma_wait3A_46 = arith.constant 0 : i32
      %dma_wait3A_47 = arith.constant 0 : i32
      %dma_wait3A_48 = arith.constant 0 : i32
      %dma_wait3A_49 = tpu.memref_slice %arg9[%dma_wait3A_45, %dma_wait3A_47, %dma_wait3A_48] : memref<5x100x64xf32, #tpu.memory_space<vmem>> -> memref<1x100x64xf32, #tpu.memory_space<vmem>>
      %dma_wait3A_50 = tpu.memref_squeeze %dma_wait3A_49 : memref<1x100x64xf32, #tpu.memory_space<vmem>> -> memref<100x64xf32, #tpu.memory_space<vmem>>
      %dma_wait3A_51 = arith.constant 0 : i32
      %dma_wait3A_52 = tpu.memref_slice %arg8[%dma_wait3A_46, %dma_wait3A_51] : memref<200x100xi32, #tpu.memory_space<vmem>> -> memref<1x100xi32, #tpu.memory_space<vmem>>
      %dma_wait3A_53 = tpu.memref_squeeze %dma_wait3A_52 : memref<1x100xi32, #tpu.memory_space<vmem>> -> memref<100xi32, #tpu.memory_space<vmem>>
      %dma_wait3A_54 = arith.constant 0 : i32
      %dma_wait3A_55 = arith.constant 0 : i32
      %dma_wait3A_56 = tpu.memref_slice %arg11[%dma_wait3A_54, %dma_wait3A_55] : memref<10000x64xf32, #tpu.memory_space<vmem_shared>> -> memref<10000x64xf32, #tpu.memory_space<vmem_shared>>
      tpu.wait_indirect_dma semaphore(%arg20 : memref<!tpu.dma_semaphore, #tpu.memory_space<semaphore_mem>>) src(%dma_wait3A_50 : memref<100x64xf32, #tpu.memory_space<vmem>>) dst(%dma_wait3A_56 : memref<10000x64xf32, #tpu.memory_space<vmem_shared>>)
      %dma_wait3A_57 = arith.constant 4 : i32
      %dma_wait3A_58 = arith.constant 0 : i32
      %dma_wait3A_59 = arith.constant 0 : i32
      %dma_wait3A_60 = arith.constant 0 : i32
      %dma_wait3A_61 = tpu.memref_slice %arg9[%dma_wait3A_57, %dma_wait3A_59, %dma_wait3A_60] : memref<5x100x64xf32, #tpu.memory_space<vmem>> -> memref<1x100x64xf32, #tpu.memory_space<vmem>>
      %dma_wait3A_62 = tpu.memref_squeeze %dma_wait3A_61 : memref<1x100x64xf32, #tpu.memory_space<vmem>> -> memref<100x64xf32, #tpu.memory_space<vmem>>
      %dma_wait3A_63 = arith.constant 0 : i32
      %dma_wait3A_64 = tpu.memref_slice %arg8[%dma_wait3A_58, %dma_wait3A_63] : memref<200x100xi32, #tpu.memory_space<vmem>> -> memref<1x100xi32, #tpu.memory_space<vmem>>
      %dma_wait3A_65 = tpu.memref_squeeze %dma_wait3A_64 : memref<1x100xi32, #tpu.memory_space<vmem>> -> memref<100xi32, #tpu.memory_space<vmem>>
      %dma_wait3A_66 = arith.constant 0 : i32
      %dma_wait3A_67 = arith.constant 0 : i32
      %dma_wait3A_68 = tpu.memref_slice %arg11[%dma_wait3A_66, %dma_wait3A_67] : memref<10000x64xf32, #tpu.memory_space<vmem_shared>> -> memref<10000x64xf32, #tpu.memory_space<vmem_shared>>
      tpu.wait_indirect_dma semaphore(%arg21 : memref<!tpu.dma_semaphore, #tpu.memory_space<semaphore_mem>>) src(%dma_wait3A_62 : memref<100x64xf32, #tpu.memory_space<vmem>>) dst(%dma_wait3A_68 : memref<10000x64xf32, #tpu.memory_space<vmem_shared>>)
    } else {
    }
    %barrier3A_22 = arith.constant 0 : index
    tpu.barrier barrier_id(%barrier3A_22)
    %scan3A_23 = arith.constant 0 : i32
    %scan3A_24 = arith.constant 5 : i32
    %scan3A_25 = arith.addi %scan3A_23, %scan3A_24 : i32
    %scan3A_26 = arith.constant 1 : i32
    scf.for %scan3A_28 = %scan3A_23 to %scan3A_25 step %scan3A_26  : i32 {
      %mul3A_29 = arith.constant 1 : i32
      %mul3A_30 = arith.muli %scan3A_28, %mul3A_29 : i32
      %add3A = arith.constant 0 : i32
      %add3A_31 = arith.addi %add3A, %mul3A_30 : i32
      %mul3A_32 = arith.constant 625 : i32
      %mul3A_33 = arith.muli %arg1, %mul3A_32 : i32
      %mul3A_34 = arith.constant 125 : i32
      %mul3A_35 = arith.muli %add3A_31, %mul3A_34 : i32
      %add3A_36 = arith.addi %mul3A_33, %mul3A_35 : i32
      "tpu.region"() ({
        %run_scoped3A = tpu.sem_alloc : memref<!tpu.dma_semaphore, #tpu.memory_space<semaphore_mem>>
        %dma_start3A = arith.constant 0 : i32
        %dma_start3A_37 = arith.constant 0 : i32
        %dma_start3A_38 = tpu.memref_slice %arg10[%dma_start3A, %dma_start3A_37] : memref<200x64xf32, #tpu.memory_space<vmem>> -> memref<125x64xf32, #tpu.memory_space<vmem>>
        %dma_start3A_39 = arith.constant 0 : i32
        %dma_start3A_40 = tpu.memref_slice %arg11[%add3A_36, %dma_start3A_39] : memref<10000x64xf32, #tpu.memory_space<vmem_shared>> -> memref<125x64xf32, #tpu.memory_space<vmem_shared>>
        %dma_start3A_41 = arith.constant 0 : i32
        %dma_start3A_42 = arith.constant 0 : i32
        %dma_start3A_43 = tpu.memref_slice %arg10[%dma_start3A_41, %dma_start3A_42] : memref<200x64xf32, #tpu.memory_space<vmem>> -> memref<125x64xf32, #tpu.memory_space<vmem>>
        %dma_start3A_44 = arith.constant 0 : i32
        %dma_start3A_45 = tpu.memref_slice %arg11[%add3A_36, %dma_start3A_44] : memref<10000x64xf32, #tpu.memory_space<vmem_shared>> -> memref<125x64xf32, #tpu.memory_space<vmem_shared>>
        tpu.enqueue_dma source(%dma_start3A_45 : memref<125x64xf32, #tpu.memory_space<vmem_shared>>) target(%dma_start3A_43 : memref<125x64xf32, #tpu.memory_space<vmem>>) target_semaphore(%run_scoped3A : memref<!tpu.dma_semaphore, #tpu.memory_space<semaphore_mem>>)
        %dma_wait3A = arith.constant 0 : i32
        %dma_wait3A_46 = arith.constant 0 : i32
        %dma_wait3A_47 = tpu.memref_slice %arg10[%dma_wait3A, %dma_wait3A_46] : memref<200x64xf32, #tpu.memory_space<vmem>> -> memref<125x64xf32, #tpu.memory_space<vmem>>
        %dma_wait3A_48 = arith.constant 0 : i32
        %dma_wait3A_49 = tpu.memref_slice %arg11[%add3A_36, %dma_wait3A_48] : memref<10000x64xf32, #tpu.memory_space<vmem_shared>> -> memref<125x64xf32, #tpu.memory_space<vmem_shared>>
        %dma_wait3A_50 = arith.constant 0 : i32
        %dma_wait3A_51 = arith.constant 0 : i32
        %dma_wait3A_52 = tpu.memref_slice %arg10[%dma_wait3A_50, %dma_wait3A_51] : memref<200x64xf32, #tpu.memory_space<vmem>> -> memref<125x64xf32, #tpu.memory_space<vmem>>
        %dma_wait3A_53 = arith.constant 0 : i32
        %dma_wait3A_54 = tpu.memref_slice %arg11[%add3A_36, %dma_wait3A_53] : memref<10000x64xf32, #tpu.memory_space<vmem_shared>> -> memref<125x64xf32, #tpu.memory_space<vmem_shared>>
        tpu.wait_dma2 semaphore(%run_scoped3A : memref<!tpu.dma_semaphore, #tpu.memory_space<semaphore_mem>>) src(%dma_wait3A_54 : memref<125x64xf32, #tpu.memory_space<vmem_shared>>) dst(%dma_wait3A_52 : memref<125x64xf32, #tpu.memory_space<vmem>>)
        tpu.yield
      }) : () -> ()
      "tpu.region"() ({
        %run_scoped3A = tpu.sem_alloc : memref<!tpu.dma_semaphore, #tpu.memory_space<semaphore_mem>>
        %dma_start3A = arith.constant 0 : i32
        %dma_start3A_37 = arith.constant 0 : i32
        %dma_start3A_38 = tpu.memref_slice %arg10[%dma_start3A, %dma_start3A_37] : memref<200x64xf32, #tpu.memory_space<vmem>> -> memref<125x64xf32, #tpu.memory_space<vmem>>
        %dma_start3A_39 = arith.constant 0 : i32
        %dma_start3A_40 = tpu.memref_slice %arg6[%arg0, %add3A_36, %dma_start3A_39] : memref<2x10000x64xf32, #tpu.memory_space<hbm>> -> memref<1x125x64xf32, #tpu.memory_space<hbm>>
        %dma_start3A_41 = tpu.memref_squeeze %dma_start3A_40 : memref<1x125x64xf32, #tpu.memory_space<hbm>> -> memref<125x64xf32, #tpu.memory_space<hbm>>
        %dma_start3A_42 = arith.constant 0 : i32
        %dma_start3A_43 = tpu.memref_slice %arg6[%arg0, %add3A_36, %dma_start3A_42] : memref<2x10000x64xf32, #tpu.memory_space<hbm>> -> memref<1x125x64xf32, #tpu.memory_space<hbm>>
        %dma_start3A_44 = tpu.memref_squeeze %dma_start3A_43 : memref<1x125x64xf32, #tpu.memory_space<hbm>> -> memref<125x64xf32, #tpu.memory_space<hbm>>
        %dma_start3A_45 = arith.constant 0 : i32
        %dma_start3A_46 = arith.constant 0 : i32
        %dma_start3A_47 = tpu.memref_slice %arg10[%dma_start3A_45, %dma_start3A_46] : memref<200x64xf32, #tpu.memory_space<vmem>> -> memref<125x64xf32, #tpu.memory_space<vmem>>
        tpu.enqueue_dma source(%dma_start3A_47 : memref<125x64xf32, #tpu.memory_space<vmem>>) target(%dma_start3A_44 : memref<125x64xf32, #tpu.memory_space<hbm>>) target_semaphore(%run_scoped3A : memref<!tpu.dma_semaphore, #tpu.memory_space<semaphore_mem>>)
        %dma_wait3A = arith.constant 0 : i32
        %dma_wait3A_48 = arith.constant 0 : i32
        %dma_wait3A_49 = tpu.memref_slice %arg10[%dma_wait3A, %dma_wait3A_48] : memref<200x64xf32, #tpu.memory_space<vmem>> -> memref<125x64xf32, #tpu.memory_space<vmem>>
        %dma_wait3A_50 = arith.constant 0 : i32
        %dma_wait3A_51 = tpu.memref_slice %arg6[%arg0, %add3A_36, %dma_wait3A_50] : memref<2x10000x64xf32, #tpu.memory_space<hbm>> -> memref<1x125x64xf32, #tpu.memory_space<hbm>>
        %dma_wait3A_52 = tpu.memref_squeeze %dma_wait3A_51 : memref<1x125x64xf32, #tpu.memory_space<hbm>> -> memref<125x64xf32, #tpu.memory_space<hbm>>
        %dma_wait3A_53 = arith.constant 0 : i32
        %dma_wait3A_54 = tpu.memref_slice %arg6[%arg0, %add3A_36, %dma_wait3A_53] : memref<2x10000x64xf32, #tpu.memory_space<hbm>> -> memref<1x125x64xf32, #tpu.memory_space<hbm>>
        %dma_wait3A_55 = tpu.memref_squeeze %dma_wait3A_54 : memref<1x125x64xf32, #tpu.memory_space<hbm>> -> memref<125x64xf32, #tpu.memory_space<hbm>>
        %dma_wait3A_56 = arith.constant 0 : i32
        %dma_wait3A_57 = arith.constant 0 : i32
        %dma_wait3A_58 = tpu.memref_slice %arg10[%dma_wait3A_56, %dma_wait3A_57] : memref<200x64xf32, #tpu.memory_space<vmem>> -> memref<125x64xf32, #tpu.memory_space<vmem>>
        tpu.wait_dma2 semaphore(%run_scoped3A : memref<!tpu.dma_semaphore, #tpu.memory_space<semaphore_mem>>) src(%dma_wait3A_58 : memref<125x64xf32, #tpu.memory_space<vmem>>) dst(%dma_wait3A_55 : memref<125x64xf32, #tpu.memory_space<hbm>>)
        tpu.yield
      }) : () -> ()
    }
    %scan3A_27 = arith.constant 5 : i32
    return
  }
}

module attributes {stable_mosaic.version = 14 : i64} {
  func.func @_tc1_body(%arg0: i32, %arg1: memref<1000x128xf32, #tpu.memory_space<vmem>>, %arg2: memref<128x128xf32, #tpu.memory_space<vmem>>, %arg3: memref<2x1000x1xf32, #tpu.memory_space<vmem>>, %arg4: memref<2x1000x64xf32, #tpu.memory_space<vmem>>, %arg5: memref<1000x1xf32, #tpu.memory_space<vmem>>) attributes {dimension_semantics = [#tpu.dimension_semantics<arbitrary>], iteration_bounds = array<i64: 10>, scalar_prefetch = 0 : i64, scratch_operands = 0 : i64, tpu.core_type = #tpu.core_type<tc>, window_params = [{transform_indices = @transform_0, window_bounds = array<i64: 1000, 128>}, {pipeline_mode = #tpu.pipeline_mode<synchronous>, transform_indices = @transform_1, window_bounds = array<i64: 128, 128>}, {transform_indices = @transform_2, window_bounds = array<i64: 2, 1000, 1>}, {transform_indices = @transform_3, window_bounds = array<i64: 2, 1000, 64>}, {transform_indices = @transform_4, window_bounds = array<i64: 1000, 1>}]} {
    %get3A = arith.constant 0 : index
    %get3A_0 = arith.constant 0 : index
    %get3A_1 = arith.constant 0 : index
    %get3A_2 = vector.load %arg3[%get3A, %get3A_0, %get3A_1] : memref<2x1000x1xf32, #tpu.memory_space<vmem>>, vector<1x1000x1xf32>
    %get3A_3 = vector.shape_cast %get3A_2 : vector<1x1000x1xf32> to vector<1000x1xf32>
    %add3A = arith.constant 1.000000e+00 : f32
    %add3A_4 = vector.broadcast %add3A : f32 to vector<1000x1xf32>
    %add3A_5 = arith.addf %add3A_4, %get3A_3 : vector<1000x1xf32>
    %get3A_6 = arith.constant 1 : index
    %get3A_7 = arith.constant 0 : index
    %get3A_8 = arith.constant 0 : index
    %get3A_9 = vector.load %arg3[%get3A_6, %get3A_7, %get3A_8] : memref<2x1000x1xf32, #tpu.memory_space<vmem>>, vector<1x1000x1xf32>
    %get3A_10 = vector.shape_cast %get3A_9 : vector<1x1000x1xf32> to vector<1000x1xf32>
    %add3A_11 = arith.addf %add3A_5, %get3A_10 : vector<1000x1xf32>
    %rsqrt3A = math.rsqrt %add3A_11 : vector<1000x1xf32>
    %get3A_12 = arith.constant 0 : index
    %get3A_13 = arith.constant 0 : index
    %get3A_14 = vector.load %arg1[%get3A_12, %get3A_13] : memref<1000x128xf32, #tpu.memory_space<vmem>>, vector<1000x128xf32>
    %get3A_15 = arith.constant 0 : index
    %get3A_16 = arith.constant 0 : index
    %get3A_17 = vector.load %arg2[%get3A_15, %get3A_16] : memref<128x128xf32, #tpu.memory_space<vmem>>, vector<128x128xf32>
    %dot_general3A = arith.constant dense<0.000000e+00> : vector<1000x128xf32>
    %dot_general3A_18 = tpu.matmul %get3A_14, %get3A_17, %dot_general3A {dimension_numbers = #tpu.dot_dimension_numbers<[1], [0], [0], [1], [0, 0, 1, 1], [], []>, transpose_lhs_hint = false} : vector<1000x128xf32>, vector<128x128xf32>, vector<1000x128xf32> -> vector<1000x128xf32>
    %mul3A = vector.broadcast %rsqrt3A : vector<1000x1xf32> to vector<1000x128xf32>
    %mul3A_19 = arith.mulf %dot_general3A_18, %mul3A : vector<1000x128xf32>
    %slice3A = vector.extract_strided_slice %mul3A_19 {offsets = [0, 0], sizes = [1000, 64], strides = [1, 1]} : vector<1000x128xf32> to vector<1000x64xf32>
    %swap3A = arith.constant 0 : index
    %swap3A_20 = arith.constant 0 : index
    %swap3A_21 = arith.constant 0 : index
    %swap3A_22 = vector.load %arg4[%swap3A, %swap3A_20, %swap3A_21] : memref<2x1000x64xf32, #tpu.memory_space<vmem>>, vector<1x1000x64xf32>
    %swap3A_23 = vector.shape_cast %swap3A_22 : vector<1x1000x64xf32> to vector<1000x64xf32>
    %swap3A_24 = vector.shape_cast %slice3A : vector<1000x64xf32> to vector<1x1000x64xf32>
    tpu.vector_store %arg4[%swap3A, %swap3A_20, %swap3A_21], %swap3A_24 {strides = array<i32>} : memref<2x1000x64xf32, #tpu.memory_space<vmem>>, vector<1x1000x64xf32>,
    %slice3A_25 = vector.extract_strided_slice %mul3A_19 {offsets = [0, 64], sizes = [1000, 64], strides = [1, 1]} : vector<1000x128xf32> to vector<1000x64xf32>
    %swap3A_26 = arith.constant 1 : index
    %swap3A_27 = arith.constant 0 : index
    %swap3A_28 = arith.constant 0 : index
    %swap3A_29 = vector.load %arg4[%swap3A_26, %swap3A_27, %swap3A_28] : memref<2x1000x64xf32, #tpu.memory_space<vmem>>, vector<1x1000x64xf32>
    %swap3A_30 = vector.shape_cast %swap3A_29 : vector<1x1000x64xf32> to vector<1000x64xf32>
    %swap3A_31 = vector.shape_cast %slice3A_25 : vector<1000x64xf32> to vector<1x1000x64xf32>
    tpu.vector_store %arg4[%swap3A_26, %swap3A_27, %swap3A_28], %swap3A_31 {strides = array<i32>} : memref<2x1000x64xf32, #tpu.memory_space<vmem>>, vector<1x1000x64xf32>,
    %swap3A_32 = arith.constant 0 : index
    %swap3A_33 = arith.constant 0 : index
    %swap3A_34 = vector.load %arg5[%swap3A_32, %swap3A_33] : memref<1000x1xf32, #tpu.memory_space<vmem>>, vector<1000x1xf32>
    tpu.vector_store %arg5[%swap3A_32, %swap3A_33], %rsqrt3A {strides = array<i32>} : memref<1000x1xf32, #tpu.memory_space<vmem>>, vector<1000x1xf32>,
    return
  }
  func.func @transform_0(%arg0: i32) -> (i32, i32) {
    %c0_i32 = arith.constant 0 : i32
    %c0_i32_0 = arith.constant 0 : i32
    return %arg0, %c0_i32 : i32, i32
  }
  func.func @transform_1(%arg0: i32) -> (i32, i32) {
    %c0_i32 = arith.constant 0 : i32
    %c0_i32_0 = arith.constant 0 : i32
    %c0_i32_1 = arith.constant 0 : i32
    return %c0_i32, %c0_i32_0 : i32, i32
  }
  func.func @transform_2(%arg0: i32) -> (i32, i32, i32) {
    %c0_i32 = arith.constant 0 : i32
    %c0_i32_0 = arith.constant 0 : i32
    %c0_i32_1 = arith.constant 0 : i32
    return %c0_i32, %arg0, %c0_i32_0 : i32, i32, i32
  }
  func.func @transform_3(%arg0: i32) -> (i32, i32, i32) {
    %c0_i32 = arith.constant 0 : i32
    %c0_i32_0 = arith.constant 0 : i32
    %c0_i32_1 = arith.constant 0 : i32
    return %c0_i32, %arg0, %c0_i32_0 : i32, i32, i32
  }
  func.func @transform_4(%arg0: i32) -> (i32, i32) {
    %c0_i32 = arith.constant 0 : i32
    %c0_i32_0 = arith.constant 0 : i32
    return %arg0, %c0_i32 : i32, i32
  }
}

module attributes {stable_mosaic.version = 14 : i64} {
  func.func @_tc2_body(%arg0: i32, %arg1: memref<2x1000x64xf32, #tpu.memory_space<vmem>>, %arg2: memref<2x1000x64xf32, #tpu.memory_space<vmem>>, %arg3: memref<1000x1xf32, #tpu.memory_space<vmem>>, %arg4: memref<1x128xf32, #tpu.memory_space<vmem>>, %arg5: memref<128x128xf32, #tpu.memory_space<vmem>>, %arg6: memref<2x1000x64xf32, #tpu.memory_space<vmem>>) attributes {dimension_semantics = [#tpu.dimension_semantics<arbitrary>], iteration_bounds = array<i64: 10>, scalar_prefetch = 0 : i64, scratch_operands = 0 : i64, tpu.core_type = #tpu.core_type<tc>, window_params = [{transform_indices = @transform_0, window_bounds = array<i64: 2, 1000, 64>}, {transform_indices = @transform_1, window_bounds = array<i64: 2, 1000, 64>}, {transform_indices = @transform_2, window_bounds = array<i64: 1000, 1>}, {pipeline_mode = #tpu.pipeline_mode<synchronous>, transform_indices = @transform_3, window_bounds = array<i64: 1, 128>}, {pipeline_mode = #tpu.pipeline_mode<synchronous>, transform_indices = @transform_4, window_bounds = array<i64: 128, 128>}, {transform_indices = @transform_5, window_bounds = array<i64: 2, 1000, 64>}]} {
    %get3A = arith.constant 0 : index
    %get3A_0 = arith.constant 0 : index
    %get3A_1 = vector.load %arg3[%get3A, %get3A_0] : memref<1000x1xf32, #tpu.memory_space<vmem>>, vector<1000x1xf32>
    %get3A_2 = arith.constant 0 : index
    %get3A_3 = arith.constant 0 : index
    %get3A_4 = arith.constant 0 : index
    %get3A_5 = vector.load %arg1[%get3A_2, %get3A_3, %get3A_4] : memref<2x1000x64xf32, #tpu.memory_space<vmem>>, vector<1x1000x64xf32>
    %get3A_6 = vector.shape_cast %get3A_5 : vector<1x1000x64xf32> to vector<1000x64xf32>
    %get3A_7 = arith.constant 0 : index
    %get3A_8 = arith.constant 0 : index
    %get3A_9 = arith.constant 0 : index
    %get3A_10 = vector.load %arg2[%get3A_7, %get3A_8, %get3A_9] : memref<2x1000x64xf32, #tpu.memory_space<vmem>>, vector<1x1000x64xf32>
    %get3A_11 = vector.shape_cast %get3A_10 : vector<1x1000x64xf32> to vector<1000x64xf32>
    %add3A = arith.addf %get3A_6, %get3A_11 : vector<1000x64xf32>
    %get3A_12 = arith.constant 1 : index
    %get3A_13 = arith.constant 0 : index
    %get3A_14 = arith.constant 0 : index
    %get3A_15 = vector.load %arg1[%get3A_12, %get3A_13, %get3A_14] : memref<2x1000x64xf32, #tpu.memory_space<vmem>>, vector<1x1000x64xf32>
    %get3A_16 = vector.shape_cast %get3A_15 : vector<1x1000x64xf32> to vector<1000x64xf32>
    %get3A_17 = arith.constant 1 : index
    %get3A_18 = arith.constant 0 : index
    %get3A_19 = arith.constant 0 : index
    %get3A_20 = vector.load %arg2[%get3A_17, %get3A_18, %get3A_19] : memref<2x1000x64xf32, #tpu.memory_space<vmem>>, vector<1x1000x64xf32>
    %get3A_21 = vector.shape_cast %get3A_20 : vector<1x1000x64xf32> to vector<1000x64xf32>
    %add3A_22 = arith.addf %get3A_16, %get3A_21 : vector<1000x64xf32>
    %concatenate3A = tpu.concatenate %add3A, %add3A_22 in 1 : vector<1000x64xf32>, vector<1000x64xf32> -> vector<1000x128xf32>
    %mul3A = vector.broadcast %get3A_1 : vector<1000x1xf32> to vector<1000x128xf32>
    %mul3A_23 = arith.mulf %mul3A, %concatenate3A : vector<1000x128xf32>
    %get3A_24 = arith.constant 0 : index
    %get3A_25 = arith.constant 0 : index
    %get3A_26 = vector.load %arg4[%get3A_24, %get3A_25] : memref<1x128xf32, #tpu.memory_space<vmem>>, vector<1x128xf32>
    %add3A_27 = vector.broadcast %get3A_26 : vector<1x128xf32> to vector<1000x128xf32>
    %add3A_28 = arith.addf %mul3A_23, %add3A_27 : vector<1000x128xf32>
    %max3A = arith.constant 0.000000e+00 : f32
    %max3A_29 = vector.broadcast %max3A : f32 to vector<1000x128xf32>
    %max3A_30 = arith.maximumf %add3A_28, %max3A_29 : vector<1000x128xf32>
    %get3A_31 = arith.constant 0 : index
    %get3A_32 = arith.constant 0 : index
    %get3A_33 = vector.load %arg5[%get3A_31, %get3A_32] : memref<128x128xf32, #tpu.memory_space<vmem>>, vector<128x128xf32>
    %dot_general3A = arith.constant dense<0.000000e+00> : vector<1000x128xf32>
    %dot_general3A_34 = tpu.matmul %max3A_30, %get3A_33, %dot_general3A {dimension_numbers = #tpu.dot_dimension_numbers<[1], [0], [0], [1], [0, 0, 1, 1], [], []>, transpose_lhs_hint = false} : vector<1000x128xf32>, vector<128x128xf32>, vector<1000x128xf32> -> vector<1000x128xf32>
    %mul3A_35 = vector.broadcast %get3A_1 : vector<1000x1xf32> to vector<1000x128xf32>
    %mul3A_36 = arith.mulf %dot_general3A_34, %mul3A_35 : vector<1000x128xf32>
    %slice3A = vector.extract_strided_slice %mul3A_36 {offsets = [0, 0], sizes = [1000, 64], strides = [1, 1]} : vector<1000x128xf32> to vector<1000x64xf32>
    %swap3A = arith.constant 0 : index
    %swap3A_37 = arith.constant 0 : index
    %swap3A_38 = arith.constant 0 : index
    %swap3A_39 = vector.load %arg6[%swap3A, %swap3A_37, %swap3A_38] : memref<2x1000x64xf32, #tpu.memory_space<vmem>>, vector<1x1000x64xf32>
    %swap3A_40 = vector.shape_cast %swap3A_39 : vector<1x1000x64xf32> to vector<1000x64xf32>
    %swap3A_41 = vector.shape_cast %slice3A : vector<1000x64xf32> to vector<1x1000x64xf32>
    tpu.vector_store %arg6[%swap3A, %swap3A_37, %swap3A_38], %swap3A_41 {strides = array<i32>} : memref<2x1000x64xf32, #tpu.memory_space<vmem>>, vector<1x1000x64xf32>,
    %slice3A_42 = vector.extract_strided_slice %mul3A_36 {offsets = [0, 64], sizes = [1000, 64], strides = [1, 1]} : vector<1000x128xf32> to vector<1000x64xf32>
    %swap3A_43 = arith.constant 1 : index
    %swap3A_44 = arith.constant 0 : index
    %swap3A_45 = arith.constant 0 : index
    %swap3A_46 = vector.load %arg6[%swap3A_43, %swap3A_44, %swap3A_45] : memref<2x1000x64xf32, #tpu.memory_space<vmem>>, vector<1x1000x64xf32>
    %swap3A_47 = vector.shape_cast %swap3A_46 : vector<1x1000x64xf32> to vector<1000x64xf32>
    %swap3A_48 = vector.shape_cast %slice3A_42 : vector<1000x64xf32> to vector<1x1000x64xf32>
    tpu.vector_store %arg6[%swap3A_43, %swap3A_44, %swap3A_45], %swap3A_48 {strides = array<i32>} : memref<2x1000x64xf32, #tpu.memory_space<vmem>>, vector<1x1000x64xf32>,
    return
  }
  func.func @transform_0(%arg0: i32) -> (i32, i32, i32) {
    %c0_i32 = arith.constant 0 : i32
    %c0_i32_0 = arith.constant 0 : i32
    %c0_i32_1 = arith.constant 0 : i32
    return %c0_i32, %arg0, %c0_i32_0 : i32, i32, i32
  }
  func.func @transform_1(%arg0: i32) -> (i32, i32, i32) {
    %c0_i32 = arith.constant 0 : i32
    %c0_i32_0 = arith.constant 0 : i32
    %c0_i32_1 = arith.constant 0 : i32
    return %c0_i32, %arg0, %c0_i32_0 : i32, i32, i32
  }
  func.func @transform_2(%arg0: i32) -> (i32, i32) {
    %c0_i32 = arith.constant 0 : i32
    %c0_i32_0 = arith.constant 0 : i32
    return %arg0, %c0_i32 : i32, i32
  }
  func.func @transform_3(%arg0: i32) -> (i32, i32) {
    %c0_i32 = arith.constant 0 : i32
    %c0_i32_0 = arith.constant 0 : i32
    %c0_i32_1 = arith.constant 0 : i32
    return %c0_i32, %c0_i32_0 : i32, i32
  }
  func.func @transform_4(%arg0: i32) -> (i32, i32) {
    %c0_i32 = arith.constant 0 : i32
    %c0_i32_0 = arith.constant 0 : i32
    %c0_i32_1 = arith.constant 0 : i32
    return %c0_i32, %c0_i32_0 : i32, i32
  }
  func.func @transform_5(%arg0: i32) -> (i32, i32, i32) {
    %c0_i32 = arith.constant 0 : i32
    %c0_i32_0 = arith.constant 0 : i32
    %c0_i32_1 = arith.constant 0 : i32
    return %c0_i32, %arg0, %c0_i32_0 : i32, i32, i32
  }
}

module attributes {stable_mosaic.version = 14 : i64} {
  func.func @_tc3_body(%arg0: i32, %arg1: memref<2x1000x64xf32, #tpu.memory_space<vmem>>, %arg2: memref<2x1000x64xf32, #tpu.memory_space<vmem>>, %arg3: memref<1000x1xf32, #tpu.memory_space<vmem>>, %arg4: memref<1x128xf32, #tpu.memory_space<vmem>>, %arg5: memref<128x64xf32, #tpu.memory_space<vmem>>, %arg6: memref<1x64xf32, #tpu.memory_space<vmem>>, %arg7: memref<1000x64xf32, #tpu.memory_space<vmem>>) attributes {dimension_semantics = [#tpu.dimension_semantics<arbitrary>], iteration_bounds = array<i64: 10>, scalar_prefetch = 0 : i64, scratch_operands = 0 : i64, tpu.core_type = #tpu.core_type<tc>, window_params = [{transform_indices = @transform_0, window_bounds = array<i64: 2, 1000, 64>}, {transform_indices = @transform_1, window_bounds = array<i64: 2, 1000, 64>}, {transform_indices = @transform_2, window_bounds = array<i64: 1000, 1>}, {pipeline_mode = #tpu.pipeline_mode<synchronous>, transform_indices = @transform_3, window_bounds = array<i64: 1, 128>}, {pipeline_mode = #tpu.pipeline_mode<synchronous>, transform_indices = @transform_4, window_bounds = array<i64: 128, 64>}, {pipeline_mode = #tpu.pipeline_mode<synchronous>, transform_indices = @transform_5, window_bounds = array<i64: 1, 64>}, {transform_indices = @transform_6, window_bounds = array<i64: 1000, 64>}]} {
    %get3A = arith.constant 0 : index
    %get3A_0 = arith.constant 0 : index
    %get3A_1 = vector.load %arg3[%get3A, %get3A_0] : memref<1000x1xf32, #tpu.memory_space<vmem>>, vector<1000x1xf32>
    %get3A_2 = arith.constant 0 : index
    %get3A_3 = arith.constant 0 : index
    %get3A_4 = arith.constant 0 : index
    %get3A_5 = vector.load %arg1[%get3A_2, %get3A_3, %get3A_4] : memref<2x1000x64xf32, #tpu.memory_space<vmem>>, vector<1x1000x64xf32>
    %get3A_6 = vector.shape_cast %get3A_5 : vector<1x1000x64xf32> to vector<1000x64xf32>
    %get3A_7 = arith.constant 0 : index
    %get3A_8 = arith.constant 0 : index
    %get3A_9 = arith.constant 0 : index
    %get3A_10 = vector.load %arg2[%get3A_7, %get3A_8, %get3A_9] : memref<2x1000x64xf32, #tpu.memory_space<vmem>>, vector<1x1000x64xf32>
    %get3A_11 = vector.shape_cast %get3A_10 : vector<1x1000x64xf32> to vector<1000x64xf32>
    %add3A = arith.addf %get3A_6, %get3A_11 : vector<1000x64xf32>
    %get3A_12 = arith.constant 1 : index
    %get3A_13 = arith.constant 0 : index
    %get3A_14 = arith.constant 0 : index
    %get3A_15 = vector.load %arg1[%get3A_12, %get3A_13, %get3A_14] : memref<2x1000x64xf32, #tpu.memory_space<vmem>>, vector<1x1000x64xf32>
    %get3A_16 = vector.shape_cast %get3A_15 : vector<1x1000x64xf32> to vector<1000x64xf32>
    %get3A_17 = arith.constant 1 : index
    %get3A_18 = arith.constant 0 : index
    %get3A_19 = arith.constant 0 : index
    %get3A_20 = vector.load %arg2[%get3A_17, %get3A_18, %get3A_19] : memref<2x1000x64xf32, #tpu.memory_space<vmem>>, vector<1x1000x64xf32>
    %get3A_21 = vector.shape_cast %get3A_20 : vector<1x1000x64xf32> to vector<1000x64xf32>
    %add3A_22 = arith.addf %get3A_16, %get3A_21 : vector<1000x64xf32>
    %concatenate3A = tpu.concatenate %add3A, %add3A_22 in 1 : vector<1000x64xf32>, vector<1000x64xf32> -> vector<1000x128xf32>
    %mul3A = vector.broadcast %get3A_1 : vector<1000x1xf32> to vector<1000x128xf32>
    %mul3A_23 = arith.mulf %mul3A, %concatenate3A : vector<1000x128xf32>
    %get3A_24 = arith.constant 0 : index
    %get3A_25 = arith.constant 0 : index
    %get3A_26 = vector.load %arg4[%get3A_24, %get3A_25] : memref<1x128xf32, #tpu.memory_space<vmem>>, vector<1x128xf32>
    %add3A_27 = vector.broadcast %get3A_26 : vector<1x128xf32> to vector<1000x128xf32>
    %add3A_28 = arith.addf %mul3A_23, %add3A_27 : vector<1000x128xf32>
    %get3A_29 = arith.constant 0 : index
    %get3A_30 = arith.constant 0 : index
    %get3A_31 = vector.load %arg5[%get3A_29, %get3A_30] : memref<128x64xf32, #tpu.memory_space<vmem>>, vector<128x64xf32>
    %dot_general3A = arith.constant dense<0.000000e+00> : vector<1000x64xf32>
    %dot_general3A_32 = tpu.matmul %add3A_28, %get3A_31, %dot_general3A {dimension_numbers = #tpu.dot_dimension_numbers<[1], [0], [0], [1], [0, 0, 1, 1], [], []>, transpose_lhs_hint = false} : vector<1000x128xf32>, vector<128x64xf32>, vector<1000x64xf32> -> vector<1000x64xf32>
    %get3A_33 = arith.constant 0 : index
    %get3A_34 = arith.constant 0 : index
    %get3A_35 = vector.load %arg6[%get3A_33, %get3A_34] : memref<1x64xf32, #tpu.memory_space<vmem>>, vector<1x64xf32>
    %add3A_36 = vector.broadcast %get3A_35 : vector<1x64xf32> to vector<1000x64xf32>
    %add3A_37 = arith.addf %dot_general3A_32, %add3A_36 : vector<1000x64xf32>
    %reduce_max3A = arith.constant dense<0xFF800000> : vector<1000xf32>
    %reduce_max3A_38 = vector.multi_reduction <maximumf>, %add3A_37, %reduce_max3A [1] : vector<1000x64xf32> to vector<1000xf32>
    %broadcast_in_dim3A = vector.shape_cast %reduce_max3A_38 : vector<1000xf32> to vector<1000x1xf32>
    %sub3A = vector.broadcast %broadcast_in_dim3A : vector<1000x1xf32> to vector<1000x64xf32>
    %sub3A_39 = arith.subf %add3A_37, %sub3A : vector<1000x64xf32>
    %exp3A = math.exp %sub3A_39 : vector<1000x64xf32>
    %reduce_sum3A = arith.constant dense<0.000000e+00> : vector<1000xf32>
    %reduce_sum3A_40 = vector.multi_reduction <add>, %exp3A, %reduce_sum3A [1] : vector<1000x64xf32> to vector<1000xf32>
    %broadcast_in_dim3A_41 = vector.shape_cast %reduce_sum3A_40 : vector<1000xf32> to vector<1000x1xf32>
    %log3A = math.log %broadcast_in_dim3A_41 : vector<1000x1xf32>
    %sub3A_42 = vector.broadcast %broadcast_in_dim3A : vector<1000x1xf32> to vector<1000x64xf32>
    %sub3A_43 = arith.subf %add3A_37, %sub3A_42 : vector<1000x64xf32>
    %sub3A_44 = vector.broadcast %log3A : vector<1000x1xf32> to vector<1000x64xf32>
    %sub3A_45 = arith.subf %sub3A_43, %sub3A_44 : vector<1000x64xf32>
    %swap3A = arith.constant 0 : index
    %swap3A_46 = arith.constant 0 : index
    %swap3A_47 = vector.load %arg7[%swap3A, %swap3A_46] : memref<1000x64xf32, #tpu.memory_space<vmem>>, vector<1000x64xf32>
    tpu.vector_store %arg7[%swap3A, %swap3A_46], %sub3A_45 {strides = array<i32>} : memref<1000x64xf32, #tpu.memory_space<vmem>>, vector<1000x64xf32>,
    return
  }
  func.func @transform_0(%arg0: i32) -> (i32, i32, i32) {
    %c0_i32 = arith.constant 0 : i32
    %c0_i32_0 = arith.constant 0 : i32
    %c0_i32_1 = arith.constant 0 : i32
    return %c0_i32, %arg0, %c0_i32_0 : i32, i32, i32
  }
  func.func @transform_1(%arg0: i32) -> (i32, i32, i32) {
    %c0_i32 = arith.constant 0 : i32
    %c0_i32_0 = arith.constant 0 : i32
    %c0_i32_1 = arith.constant 0 : i32
    return %c0_i32, %arg0, %c0_i32_0 : i32, i32, i32
  }
  func.func @transform_2(%arg0: i32) -> (i32, i32) {
    %c0_i32 = arith.constant 0 : i32
    %c0_i32_0 = arith.constant 0 : i32
    return %arg0, %c0_i32 : i32, i32
  }
  func.func @transform_3(%arg0: i32) -> (i32, i32) {
    %c0_i32 = arith.constant 0 : i32
    %c0_i32_0 = arith.constant 0 : i32
    %c0_i32_1 = arith.constant 0 : i32
    return %c0_i32, %c0_i32_0 : i32, i32
  }
  func.func @transform_4(%arg0: i32) -> (i32, i32) {
    %c0_i32 = arith.constant 0 : i32
    %c0_i32_0 = arith.constant 0 : i32
    %c0_i32_1 = arith.constant 0 : i32
    return %c0_i32, %c0_i32_0 : i32, i32
  }
  func.func @transform_5(%arg0: i32) -> (i32, i32) {
    %c0_i32 = arith.constant 0 : i32
    %c0_i32_0 = arith.constant 0 : i32
    %c0_i32_1 = arith.constant 0 : i32
    return %c0_i32, %c0_i32_0 : i32, i32
  }
  func.func @transform_6(%arg0: i32) -> (i32, i32) {
    %c0_i32 = arith.constant 0 : i32
    %c0_i32_0 = arith.constant 0 : i32
    return %arg0, %c0_i32 : i32, i32
  }
}

</mosaic_0001>

<sc_bundles>
// kernel: kernel.11.cloned.1.call-start
scs
__scs_entry_jumppad:
0x0: {  	(pc) =	sbr.rel $0x88, $3  }
0x1: {  	(tag) =	ssettag $0x0;
	lr =	simm.s32 $0x1  }
0x2: {  	[smem:$0x3F99] =	sst lr;
	_ =	strace $0xD0000000  }
0x3: {  	_ = 	snop  }
0x4: {  	_ = 	snop  }
0x5: {  	_ = 	snop  }
0x6: {  	_ = 	snop  }
0x7: {  	_ = 	snop  }
__scs_overlays_trampoline_lowered:
0x8: {  	[smem:$0x3FA8] =	sst s0  }
0x9: {  	[smem:$0x3FA9] =	sst s1  }
0xa: {  	[smem:$0x3FAA] =	sst s2  }
0xb: {  	[smem:$0x3FAB] =	sst s3  }
0xc: {  	[smem:$0x3FAC] =	sst s4  }
0xd: {  	[smem:$0x3FAD] =	sst s5  }
0xe: {  	[smem:$0x3FAE] =	sst s6  }
0xf: {  	[smem:$0x3FAF] =	sst s7  }
0x10: {  	[smem:$0x3FB0] =	sst s8  }
0x11: {  	[smem:$0x3FB1] =	sst s9;
	s0 =	simm.s32 @!p0 $0x0  }
0x12: {  	s1 =	sld [smem:$0x3F97];
	s0 =	simm.s32 @p0 $0x1  }
0x13: {  	[smem:$0x3FB2] =	sst s0;
	s0 =	simm.s32 @!p1 $0x0  }
0x14: {  	s2 =	sld [smem:$0x3F96];
	s0 =	simm.s32 @p1 $0x1  }
0x15: {  	[smem:$0x3FB3] =	sst s0;
	s0 =	simm.s32 @!p2 $0x0  }
0x16: {  	s3 =	sld [smem:$0x3FDB];
	s0 =	simm.s32 @p2 $0x1  }
0x17: {  	s4 =	simm.s32 $0x1BF5;
	[smem:$0x3FB5] =	sst s0  }
0x18: {  	s0 =	sld [smem:$0x3F98];
	_ =	swait.ge [sflag:s4], $0x0  }
0x19: {  	s7 =	sld [smem:$0x3F99]  }
0x1a: {  	s8 =	sadd.s32 $0xFFFFE003, lr  }
0x1b: {  	s9 =	sadd.s32 $0xFFFFFEF7, lr;
	s5 =	simm.s32 $0xFFFFFFFF;
	p2 =	slt.u32 s8, $0xFFFFF086  }
0x1c: {  	p1 =	slt.u32 s9, $0xF7A;
	s5 =	simm.s32 @!p2 $0x0  }
0x1d: {  	s5 =	simm.s32 @p1 $0x1;
	p0 =	seq.s32 s7, s2  }
0x1e: {  	s7 =	smul.u32 @!p0 $0xF7A, s2;
	p2 =	seq.s32 @!p0 s5, $0x0  }
0x1f: {  	s9 =	smul.u32 $0xF7A, s1;
	s8 =	simm.s32 @!p0 $0x1BF5;
	p2 =	por !p2, p0  }
0x20: {  	[sflag:s8] =	ssyncset.s32 @!p0 $0xFFFFF086;
	s6 =	sadd.s32 @!p0 s3, s7;
	s7 =	simm.s32 @!p0 $0x108  }
0x21: {  	s3 =	sadd.s32 s3, s9;
	s6 =	sadd.s32 @!p0 $0x88, s6;
	s7 =	simm.s32 @p2 $0x1082  }
0x22: {  	[simem:s7], [sflag:s8] =	dma.local @!p0 [hbm:s6], $0xF7A  }
0x23: {  	s9 =	sor.u32 $0xD0000000, s2;
	s6 =	simm.s32 $0x108;
	_ =	swait.ge @!p0 [sflag:s8], $0x0  }
0x24: {  	s3 =	sadd.s32 $0x88, s3;
	s6 =	simm.s32 @!p1 $0x1082;
	[sflag:s4] =	ssyncset.s32 $0xFFFFF086  }
0x25: {  	[simem:s6], [sflag:s4] =	dma.local [hbm:s3], $0xF7A  }
0x26: {  	[smem:$0x3F99] =	sst s1;
	(tag) =	ssettag s2;
	_ =	strace s9  }
0x27: {  	s1 =	sld [smem:$0x3FA9]  }
0x28: {  	s2 =	sld [smem:$0x3FAA]  }
0x29: {  	s4 =	sld [smem:$0x3FAC]  }
0x2a: {  	p0 =	seq.s32 s5, $0x0;
	s5 =	sld [smem:$0x3FAD]  }
0x2b: {  	s6 =	sld [smem:$0x3FAE]  }
0x2c: {  	s7 =	sld [smem:$0x3FAF]  }
0x2d: {  	s3 =	simm.s32 $0x108;
	s8 =	sld [smem:$0x3FB0]  }
0x2e: {  	s3 =	simm.s32 @!p0 $0x1082;
	s9 =	sld [smem:$0x3FB1]  }
0x2f: {  	lr =	sadd.s32 s0, s3;
	s0 =	sld [smem:$0x3FA8]  }
0x30: {  	s3 =	sld [smem:$0x3FAB]  }
0x31: {  	[smem:$0x3FB4] =	sst s10  }
0x32: {  	s10 =	sld [smem:$0x3FB2];
	_ =	sdelay $0x3  }
0x33: {  	p0 =	seq.s32 s10, $0x1;
	s10 =	sld [smem:$0x3FB4];
	_ =	sdelay $0x3  }
0x34: {  	[smem:$0x3FB4] =	sst s10  }
0x35: {  	s10 =	sld [smem:$0x3FB3];
	_ =	sdelay $0x3  }
0x36: {  	p1 =	seq.s32 s10, $0x1;
	s10 =	sld [smem:$0x3FB4];
	_ =	sdelay $0x3  }
0x37: {  	[smem:$0x3FB4] =	sst s10  }
0x38: {  	s10 =	sld [smem:$0x3FB5]  }
0x39: {  	_ = 	snop;
	(pc) =	sbr.ind lr, $3  }
0x3a: {  	_ = 	snop  }
0x3b: {  	_ = 	snop  }
0x3c: {  	p2 =	seq.s32 s10, $0x1;
	s10 =	sld [smem:$0x3FB4]  }
0x3d: {  	_ =	shalt  }
0x3e: {  	_ =	shalt  }
0x3f: {  	_ =	shalt  }
0x40: {  	_ =	shalt  }
0x41: {  	_ =	shalt  }
0x42: {  	_ =	shalt  }
0x43: {  	_ =	shalt  }
0x44: {  	_ =	shalt  }
0x45: {  	_ =	shalt  }
0x46: {  	_ =	shalt  }
0x47: {  	_ =	shalt  }
0x48: {  	_ =	shalt  }
0x49: {  	_ =	shalt  }
0x4a: {  	_ =	shalt  }
0x4b: {  	_ =	shalt  }
0x4c: {  	_ =	shalt  }
0x4d: {  	_ =	shalt  }
0x4e: {  	_ =	shalt  }
0x4f: {  	_ =	shalt  }
0x50: {  	_ =	shalt  }
0x51: {  	_ =	shalt  }
0x52: {  	_ =	shalt  }
0x53: {  	_ =	shalt  }
0x54: {  	_ =	shalt  }
0x55: {  	_ =	shalt  }
0x56: {  	_ =	shalt  }
0x57: {  	_ =	shalt  }
0x58: {  	_ =	shalt  }
0x59: {  	_ =	shalt  }
0x5a: {  	_ =	shalt  }
0x5b: {  	_ =	shalt  }
0x5c: {  	_ =	shalt  }
0x5d: {  	_ =	shalt  }
0x5e: {  	_ =	shalt  }
0x5f: {  	_ =	shalt  }
0x60: {  	_ =	shalt  }
0x61: {  	_ =	shalt  }
0x62: {  	_ =	shalt  }
0x63: {  	_ =	shalt  }
0x64: {  	_ =	shalt  }
0x65: {  	_ =	shalt  }
0x66: {  	_ =	shalt  }
0x67: {  	_ =	shalt  }
0x68: {  	_ =	shalt  }
0x69: {  	_ =	shalt  }
0x6a: {  	_ =	shalt  }
0x6b: {  	_ =	shalt  }
0x6c: {  	_ =	shalt  }
0x6d: {  	_ =	shalt  }
0x6e: {  	_ =	shalt  }
0x6f: {  	_ =	shalt  }
0x70: {  	_ =	shalt  }
0x71: {  	_ =	shalt  }
0x72: {  	_ =	shalt  }
0x73: {  	_ =	shalt  }
0x74: {  	_ =	shalt  }
0x75: {  	_ =	shalt  }
0x76: {  	_ =	shalt  }
0x77: {  	_ =	shalt  }
0x78: {  	_ =	shalt  }
0x79: {  	_ =	shalt  }
0x7a: {  	_ =	shalt  }
0x7b: {  	_ =	shalt  }
0x7c: {  	_ =	shalt  }
0x7d: {  	_ =	shalt  }
0x7e: {  	_ =	shalt  }
0x7f: {  	_ =	shalt  }
0x80: {  	_ =	shalt  }
0x81: {  	_ =	shalt  }
0x82: {  	_ =	shalt  }
0x83: {  	_ =	shalt  }
0x84: {  	_ =	shalt  }
0x85: {  	_ =	shalt  }
0x86: {  	_ =	shalt  }
0x87: {  	_ =	shalt  }
.Lfunc_end0:
.L_simem_size_0:
called_computation.1_lowered:
.L_overlay_start_0:
0x88: {  	s2 =	sld [smem:$0x3FD9]  }
0x89: {  	s3 =	sld [smem:$0x3FFE];
	_ =	sdelay $0x1  }
0x8a: {  	s1 =	srdreg.scid  }
0x8b: {  	s0 =	sand.u32 $0x1, s1  }
0x8c: {  	s17 =	sshll.u32 s0, $0xA;
	s2 =	sadd.s32 s3, s2  }
0x8d: {  	s2 =	sadd.s32 s2, s17  }
0x8e: {  	[smem:$0x3FC0] =	sst s2  }
0x8f: {  	_ = 	snop  }
0x90: {  	s2 =	sld [smem:$0x3FD0];
	(tm) =	ssettm $0x1  }
0x91: {  	s18 =	sld [smem:$0x3FFB];
	_ =	sdelay $0x3  }
0x92: {  	_ =	strace s18  }
0x93: {  	s3 =	sld [smem:$0x3FFC];
	_ =	sdelay $0x3  }
0x94: {  	_ =	strace s3  }
0x95: {  	s3 =	sld [smem:$0x3FFD];
	_ =	sdelay $0x3  }
0x96: {  	_ =	strace s3  }
0x97: {  	_ =	strace $0x8FFFFFFF  }
0x98: {  	s19 =	sld [smem:$0x3FDB];
	_ =	sdelay $0x1  }
0x99: {  	s4 =	simm.s32 $_scs_section_size  }
0x9a: {  	s5 =	simm.s32 $_size__tile_overlayer_lowered;
	s6 =	simm.s32 $_tile_overlayer_lowered  }
0x9b: {  	s22 =	simm.s32 $0x1BFF;
	s21 =	sshll.u32 s6, $0x1;
	s3 =	sadd.s32 s4, s19  }
0x9c: {  	s7 =	simm.s32 $0x0;
	s20 =	sshll.u32 s5, $0x1;
	s5 =	sadd.s32 s21, s3  }
0x9d: {  	[timem:s7], [sflag:s22] =	dma.local [hbm:s5], s20  }
0x9e: {  	_ =	swait.ge [sflag:s22], s20  }
0x9f: {  	s4 =	ssub.s32 $0x0, s20;
	[sflag:s22] =	ssyncset.done $0x0  }
0xa0: {  	[sflag:s22] =	ssyncadd.s32 s4;
	_ =	sdelay $0x1  }
0xa1: {  	s23 =	simm.s32 $0x1B8B  }
0xa2: {  	_ =	swait.ge [sflag:s23], $0x1  }
0xa3: {  	[sflag:s23] =	ssyncset.done $0x0  }
0xa4: {  	s25 =	simm.s32 $0x1B8E;
	s24 =	sld [smem:$0x3FFE];
	[sflag:s23] =	ssyncadd.s32 $0xFFFFFFFF  }
0xa5: {  	s26 =	simm.s32 $execute0_lowered;
	[smem:$0x3FD2] =	sst s25  }
0xa6: {  	s5 =	sshll.u32 s26, $0x1;
	_ =	strace $0x80000049;
	[dreg:$0x1] =	wrdreg $0xFFFFFFFF  }
0xa7: {  	s28 =	simm.s32 $_size_execute0_lowered;
	s3 =	sadd.s32 s3, s5;
	[dreg:$0x0] =	wrdreg $0x0  }
0xa8: {  	s5 =	sshll.u32 s28, $0x1;
	[dreg:$0x2] =	wrdreg s3  }
0xa9: {  	[dreg:$0x3] =	wrdreg s5  }
0xaa: {  	[dreg:$0x4] =	wrdreg $0xC0  }
0xab: {  	_ =	task [dreg:s7], $0x5FFFF  }
0xac: {  	[dreg:$0x1] =	wrdreg $0xFFFFFFFF  }
0xad: {  	[dreg:$0x0] =	wrdreg $0x60  }
0xae: {  	[dreg:$0x2] =	wrdreg s24  }
0xaf: {  	[dreg:$0x3] =	wrdreg s2  }
0xb0: {  	[dreg:$0x4] =	wrdreg $0x151800  }
0xb1: {  	[dreg:$0x5] =	wrdreg $0x9  }
0xb2: {  	_ =	task.clear_ibuf [dreg:s7], $0x6FFFF;
	_ =	strace $0x90000049  }
0xb3: {  	s29 =	simm.s32 $0x9;
	_ =	strace $0x8000004B  }
0xb4: {  	_ =	swait.ge [sflag:s29], $0x1  }
0xb5: {  	[sflag:s29] =	ssyncadd.s32 $0xFFFFFFFF  }
0xb6: {  	_ =	strace $0x9000004B  }
0xb7: {  	_ =	sfence  }
0xb8: {  	s30 =	sld [smem:$0x0];
	_ =	sdelay $0x2  }
0xb9: {  	s31 =	sshll.u32 s1, $0xD;
	s1 =	sshrl.u32 s1, $0x2  }
0xba: {  	s3 =	sand.u32 $0x4000, s31;
	s1 =	sadd.s32 s1, s30  }
0xbb: {  	s0 =	sor.u32 s3, s0;
	s1 =	sshll.u32 s1, $0x11  }
0xbc: {  	s0 =	sor.u32 s1, s0  }
0xbd: {  	s0 =	sadd.s32 $0x8F2B, s0  }
0xbe: {  	[sflag:s0] =	ssyncadd.remote.s32 $0x1  }
0xbf: {  	_ =	sfence.sel $0xFFFF  }
0xc0: {  	[dreg:$0x0] =	wrdreg $0xFFFFFFFF;
	(pc) =	sbr.abs _section_cstart, $3  }
0xc1: {  	[dreg:$0x1] =	wrdreg $0xFFFFFFFF  }
0xc2: {  	_ =	task.clear_ibuf [dreg:s7], $0x2FFFF;
	_ =	strace $0x9FFFFFFF  }
0xc3: {  	(tm) =	ssettm $0x7FFFFFFF  }
tec
execute0_lowered:
.L_overlay_start_1:
0x0: {  	(tag) =	ssettag $0x1  }
0x1: {  	s0 =	rddreg [dreg:$0x0]  }
0x2: {  	s1 =	rddreg [dreg:$0x1]  }
0x3: {  	s2 =	rddreg [dreg:$0x2];
	s3 =	simm.s32 $0x0  }
0x4: {  	s11 =	stileid.u32;
	s4 =	srdreg.scid;
	s28 =	simm.s32 $0xBB80  }
0x5: {  	s29 =	simm.s32 $0x1;
	s31 =	simm.s32 $0xD480;
	s30 =	simm.s32 $0xED80  }
0x6: {  	[smem:$0x7FF] =	sst s3;
	s5 =	smul.u32 $0xA28, s11;
	s6 =	sand.u32 $0x1, s4  }
0x7: {  	s4 =	sadd.s32 $0x82E00, s0;
	s9 =	sadd.s32 $0x2800, s0;
	s15 =	smul.u32 $0x27100, s11  }
0x8: {  	s10 =	sadd.s32 $0xAA000, s0;
	s16 =	smul.u32 $0x9C40, s11;
	_ =	strace $0x8000004A  }
0x9: {  	s7 =	ssub.s32 $0x2, s6;
	[dreg:$0x4] =	wrdreg s9;
	s17 =	smul.u32 $0x9C400, s6  }
0xa: {  	p0 =	seq.s32 s6, $0x0;
	s6 =	simm.s32 $0x6;
	s9 =	simm.s32 $0x7  }
0xb: {  	s8 =	sadd.s32 s5, s0;
	s14 =	sshrl.u32 s7, $0x1;
	s1 =	sadd.s32 s1, s5  }
0xc: {  	s18 =	sshrl.u32 s15, $0x2;
	s19 =	sadd.s32 s16, s2;
	s20 =	sadd.s32 $0x1F40, s16  }
0xd: {  	s21 =	sadd.s32 $0x3E80, s16;
	s22 =	sadd.s32 $0x5DC0, s16;
	s11 =	sadd.s32 $0x7D00, s16  }
0xe: {  	s7 =	ssub.s32 s7, s14;
	s8 =	sadd.s32 $0x3600, s8;
	[dreg:$0x6] =	wrdreg s1  }
0xf: {  	[dreg:$0x7] =	wrdreg s19;
	s5 =	sadd.s32 s18, s2;
	s12 =	sadd.s32 s20, s2  }
0x10: {  	s13 =	sadd.s32 s21, s2;
	s14 =	sadd.s32 s22, s2;
	s1 =	sadd.s32 s17, s16  }
0x11: {  	s15 =	sadd.s32 s11, s2;
	s24 =	sadd.s32 s17, s21;
	s25 =	sadd.s32 s17, s22  }
0x12: {  	s21 =	simm.s32 $0xB;
	s19 =	simm.s32 $0x5140;
	s16 =	simm.s32 $0xA  }
0x13: {  	[dreg:$0x5] =	wrdreg s8;
	s8 =	sadd.s32 $0x96680, s0;
	s7 =	smax.u32 s7, $0x1  }
0x14: {  	[dreg:$0x9] =	wrdreg s5;
	s5 =	sadd.s32 s17, s20;
	s1 =	sshrl.u32 s1, $0x3  }
0x15: {  	s0 =	sadd.s32 s17, s11;
	s26 =	sshrl.u32 s25, $0x3;
	s25 =	simm.s32 $0xA280  }
0x16: {  	s11 =	simm.s32 $0x9;
	s17 =	simm.s32 $0x0;
	[dreg:$0x8] =	wrdreg s7  }
0x17: {  	s5 =	sshrl.u32 s5, $0x3;
	s1 =	sadd.s32 s10, s1;
	s0 =	sshrl.u32 s0, $0x3  }
0x18: {  	s7 =	simm.s32 $0x5;
	[dreg:$0xa] =	wrdreg s1;
	s23 =	sadd.s32 s10, s5  }
.Ltmp0:
0x19: {  	s1 =	sshrl.u32 s24, $0x3;
	s20 =	sadd.s32 s10, s0;
	(pc) =	sbr.rel .LBB2_1-.Ltmp0, $4  }
0x1a: {  	s24 =	simm.s32 $0x64;
	s0 =	simm.s32 $0x2;
	s5 =	simm.s32 $0x4  }
0x1b: {  	[dreg:$0xb] =	wrdreg s23;
	s1 =	sadd.s32 s10, s1;
	s23 =	simm.s32 $0x11F80  }
0x1c: {  	[dreg:$0xc] =	wrdreg s1;
	s1 =	sadd.s32 s10, s26;
	s26 =	simm.s32 $0x10680  }
0x1d: {  	s10 =	simm.s32 $0x8;
	[dreg:$0xd] =	wrdreg s1;
	s1 =	simm.s32 $0x3  }
.LBB2_9:
0x1e: {  	s18 =	sadd.s32 $0xEA0, s18  }
.LBB2_10:
0x1f: {  	_ =	swait.ge [sflag:s7], $0x1900  }
0x20: {  	s18 =	sshra.s32 s18, $0x2;
	[sflag:s7] =	ssyncset.done $0x0  }
0x21: {  	s18 =	sadd.s32 $0x5140, s18;
	[sflag:s7] =	ssyncadd.s32 $0xFFFFE700  }
0x22: {  	[spmem:s2] =	stream.indirect.scatter.add.f32 [tilespmem:s26], [sflag:$0xA], $0x40, s18, s24, $0xb8;
	[tilespmem:$0x1EDC0] =	vst v63  }
0x23: {  	_ =	swait.ge [sflag:s9], $0x1900  }
0x24: {  	[sflag:s9] =	ssyncset.done $0x0  }
0x25: {  	[sflag:s9] =	ssyncadd.s32 $0xFFFFE700  }
0x26: {  	_ =	swait.ge [sflag:s10], $0x1900  }
0x27: {  	[sflag:s10] =	ssyncset.done $0x0  }
0x28: {  	[sflag:s10] =	ssyncadd.s32 $0xFFFFE700  }
0x29: {  	_ =	swait.ge [sflag:s11], $0x1900  }
0x2a: {  	[sflag:s11] =	ssyncset.done $0x0  }
0x2b: {  	[sflag:s11] =	ssyncadd.s32 $0xFFFFE700  }
0x2c: {  	_ =	swait.ge [sflag:s16], $0x1900  }
0x2d: {  	[sflag:s16] =	ssyncset.done $0x0  }
0x2e: {  	[sflag:s16] =	ssyncadd.s32 $0xFFFFE700  }
0x2f: {  	[bflag:$0x0] =	sbarrier.arrive $0xFFFF  }
0x30: {  	s19 =	rddreg [dreg:$0x7]  }
0x31: {  	[tilespmem:s23], [sflag:$0xB] =	stream.linear.gather [spmem:s19], $0x1F40, $0x38;
	[tilespmem:$0x1EDC0] =	vst v63  }
0x32: {  	_ =	swait.ge [sflag:s21], $0x1F40  }
0x33: {  	[sflag:s21] =	ssyncset.done $0x0  }
0x34: {  	s22 =	rddreg [dreg:$0xa];
	[sflag:s21] =	ssyncadd.s32 $0xFFFFE0C0  }
0x35: {  	[hbm4b:s22+s3] =	stream.linear.scatter [tilespmem:s23], [sflag:$0xB], $0x1F40, $0x38;
	[tilespmem:$0x1EDC0] =	vst v63  }
0x36: {  	_ =	swait.ge [sflag:s21], $0x1F40  }
0x37: {  	[sflag:s21] =	ssyncset.done $0x0  }
0x38: {  	[sflag:s21] =	ssyncadd.s32 $0xFFFFE0C0  }
0x39: {  	[tilespmem:s23], [sflag:$0xB] =	stream.linear.gather [spmem:s12], $0x1F40, $0x38;
	[tilespmem:$0x1EDC0] =	vst v63  }
0x3a: {  	_ =	swait.ge [sflag:s21], $0x1F40  }
0x3b: {  	[sflag:s21] =	ssyncset.done $0x0  }
0x3c: {  	s19 =	rddreg [dreg:$0xb];
	[sflag:s21] =	ssyncadd.s32 $0xFFFFE0C0  }
0x3d: {  	[hbm4b:s19+s3] =	stream.linear.scatter [tilespmem:s23], [sflag:$0xB], $0x1F40, $0x38;
	[tilespmem:$0x1EDC0] =	vst v63  }
0x3e: {  	_ =	swait.ge [sflag:s21], $0x1F40  }
0x3f: {  	[sflag:s21] =	ssyncset.done $0x0  }
0x40: {  	[sflag:s21] =	ssyncadd.s32 $0xFFFFE0C0  }
0x41: {  	[tilespmem:s23], [sflag:$0xB] =	stream.linear.gather [spmem:s13], $0x1F40, $0x38;
	[tilespmem:$0x1EDC0] =	vst v63  }
0x42: {  	_ =	swait.ge [sflag:s21], $0x1F40  }
0x43: {  	[sflag:s21] =	ssyncset.done $0x0  }
0x44: {  	s22 =	rddreg [dreg:$0xc];
	[sflag:s21] =	ssyncadd.s32 $0xFFFFE0C0  }
0x45: {  	[hbm4b:s22+s3] =	stream.linear.scatter [tilespmem:s23], [sflag:$0xB], $0x1F40, $0x38;
	[tilespmem:$0x1EDC0] =	vst v63  }
0x46: {  	_ =	swait.ge [sflag:s21], $0x1F40  }
0x47: {  	[sflag:s21] =	ssyncset.done $0x0  }
0x48: {  	[sflag:s21] =	ssyncadd.s32 $0xFFFFE0C0  }
0x49: {  	[tilespmem:s23], [sflag:$0xB] =	stream.linear.gather [spmem:s14], $0x1F40, $0x38;
	[tilespmem:$0x1EDC0] =	vst v63  }
0x4a: {  	_ =	swait.ge [sflag:s21], $0x1F40  }
0x4b: {  	[sflag:s21] =	ssyncset.done $0x0  }
0x4c: {  	s19 =	rddreg [dreg:$0xd];
	[sflag:s21] =	ssyncadd.s32 $0xFFFFE0C0  }
0x4d: {  	[hbm4b:s19+s3] =	stream.linear.scatter [tilespmem:s23], [sflag:$0xB], $0x1F40, $0x38;
	[tilespmem:$0x1EDC0] =	vst v63  }
0x4e: {  	_ =	swait.ge [sflag:s21], $0x1F40  }
0x4f: {  	[sflag:s21] =	ssyncset.done $0x0  }
0x50: {  	[sflag:s21] =	ssyncadd.s32 $0xFFFFE0C0  }
0x51: {  	[tilespmem:s23], [sflag:$0xB] =	stream.linear.gather [spmem:s15], $0x1F40, $0x38;
	[tilespmem:$0x1EDC0] =	vst v63  }
0x52: {  	_ =	swait.ge [sflag:s21], $0x1F40  }
0x53: {  	[sflag:s21] =	ssyncset.done $0x0  }
0x54: {  	[sflag:s21] =	ssyncadd.s32 $0xFFFFE0C0  }
0x55: {  	[hbm4b:s20+s3] =	stream.linear.scatter [tilespmem:s23], [sflag:$0xB], $0x1F40, $0x38;
	[tilespmem:$0x1EDC0] =	vst v63  }
0x56: {  	_ =	swait.ge [sflag:s21], $0x1F40  }
0x57: {  	s17 =	sadd.s32 $0x1, s17;
	s22 =	rddreg [dreg:$0x8]  }
0x58: {  	p1 =	sne.s32 s17, s22  }
.Ltmp1:
0x59: {  	_ = 	snop;
	(pc) =	sbr.rel @!p1 .LBB2_11-.Ltmp1, $3  }
0x5a: {  	_ =	sdelay $0x1  }
0x5b: {  	[sflag:s21] =	ssyncset.done $0x0  }
0x5c: {  	s19 =	simm.s32 $0x5140;
	[sflag:s21] =	ssyncadd.s32 $0xFFFFE0C0  }
.LBB2_1:
0x5d: {  	s18 =	rddreg [dreg:$0x5]  }
0x5e: {  	[tilespmem:s3], [sflag:$0xB] =	stream.linear.gather [hbm4b:s18+s3], $0x5140, $0x38;
	[tilespmem:$0x1EDC0] =	vst v63  }
0x5f: {  	_ =	swait.ge [sflag:s21], $0x5140  }
0x60: {  	[sflag:s21] =	ssyncset.done $0x0  }
0x61: {  	s22 =	rddreg [dreg:$0x6];
	[sflag:s21] =	ssyncadd.s32 $0xFFFFAEC0  }
0x62: {  	[tilespmem:s19], [sflag:$0xB] =	stream.linear.gather [hbm4b:s22+s3], $0x5140, $0x38;
	[tilespmem:$0x1EDC0] =	vst v63  }
0x63: {  	_ =	swait.ge [sflag:s21], $0x5140  }
0x64: {  	[sflag:s21] =	ssyncset.done $0x0  }
0x65: {  	s22 =	rddreg [dreg:$0x4];
	[sflag:s21] =	ssyncadd.s32 $0xFFFFAEC0  }
0x66: {  	[tilespmem:s23], [sflag:$0xB] =	stream.linear.gather [hbm4b:s22+s3], $0x3200, $0x38;
	[tilespmem:$0x1EDC0] =	vst v63  }
0x67: {  	_ =	swait.ge [sflag:s21], $0x3200  }
0x68: {  	[sflag:s21] =	ssyncset.done $0x0  }
0x69: {  	s22 =	rddreg [dreg:$0x9];
	[sflag:s21] =	ssyncadd.s32 $0xFFFFCE00  }
0x6a: {  	[spmem:s22] =	stream.linear.scatter [tilespmem:s23], [sflag:$0xB], $0x1F40, $0x38;
	[tilespmem:$0x1EDC0] =	vst v63  }
0x6b: {  	_ =	swait.ge [sflag:s21], $0x1F40  }
0x6c: {  	[sflag:s21] =	ssyncset.done $0x0  }
0x6d: {  	[sflag:s21] =	ssyncadd.s32 $0xFFFFE0C0  }
0x6e: {  	[spmem:s12] =	stream.linear.scatter [tilespmem:s23], [sflag:$0xB], $0x1F40, $0x38;
	[tilespmem:$0x1EDC0] =	vst v63  }
0x6f: {  	_ =	swait.ge [sflag:s21], $0x1F40  }
0x70: {  	[sflag:s21] =	ssyncset.done $0x0  }
0x71: {  	[sflag:s21] =	ssyncadd.s32 $0xFFFFE0C0  }
0x72: {  	[spmem:s13] =	stream.linear.scatter [tilespmem:s23], [sflag:$0xB], $0x1F40, $0x38;
	[tilespmem:$0x1EDC0] =	vst v63  }
0x73: {  	_ =	swait.ge [sflag:s21], $0x1F40  }
0x74: {  	[sflag:s21] =	ssyncset.done $0x0  }
0x75: {  	[sflag:s21] =	ssyncadd.s32 $0xFFFFE0C0  }
0x76: {  	[spmem:s14] =	stream.linear.scatter [tilespmem:s23], [sflag:$0xB], $0x1F40, $0x38;
	[tilespmem:$0x1EDC0] =	vst v63  }
0x77: {  	_ =	swait.ge [sflag:s21], $0x1F40  }
0x78: {  	[sflag:s21] =	ssyncset.done $0x0  }
.Ltmp2:
0x79: {  	[sflag:s21] =	ssyncadd.s32 $0xFFFFE0C0;
	(pc) =	sbr.rel @!p0 .LBB2_2-.Ltmp2, $4  }
0x7a: {  	[spmem:s15] =	stream.linear.scatter [tilespmem:s23], [sflag:$0xB], $0x1F40, $0x38;
	[tilespmem:$0x1EDC0] =	vst v63  }
0x7b: {  	_ =	swait.ge [sflag:s21], $0x1F40  }
0x7c: {  	[sflag:s21] =	ssyncset.done $0x0  }
0x7d: {  	s18 =	simm.s32 $0x0;
	[sflag:s21] =	ssyncadd.s32 $0xFFFFE0C0  }
0x7e: {  	[tilespmem:s25], [sflag:$0x1] =	stream.indirect.gather [hbm4b:s4+s24], $0x40, s18, s24, $0xb8;
	[tilespmem:$0x1EDC0] =	vst v63  }
0x7f: {  	s22 =	simm.s32 $0x68  }
0x80: {  	[tilespmem:s28], [sflag:$0x2] =	stream.indirect.gather [hbm4b:s4+s24], $0x40, s22, s24, $0xb8;
	[tilespmem:$0x1EDC0] =	vst v63  }
0x81: {  	[bflag:$0x0] =	sbarrier.arrive $0xFFFF  }
0x82: {  	_ =	swait.ge [sflag:s29], $0x1900  }
0x83: {  	[sflag:s29] =	ssyncset.done $0x0  }
0x84: {  	[sflag:s29] =	ssyncadd.s32 $0xFFFFE700  }
0x85: {  	[spmem:s2] =	stream.indirect.scatter.add.f32 [tilespmem:s25], [sflag:$0x6], $0x40, s19, s24, $0xb8;
	[tilespmem:$0x1EDC0] =	vst v63  }
0x86: {  	s22 =	simm.s32 $0xD0  }
0x87: {  	[tilespmem:s31], [sflag:$0x3] =	stream.indirect.gather [hbm4b:s4+s24], $0x40, s22, s24, $0xb8;
	[tilespmem:$0x1EDC0] =	vst v63  }
0x88: {  	_ =	swait.ge [sflag:s0], $0x1900  }
0x89: {  	[sflag:s0] =	ssyncset.done $0x0  }
0x8a: {  	s22 =	simm.s32 $0x51A8;
	[sflag:s0] =	ssyncadd.s32 $0xFFFFE700  }
0x8b: {  	[spmem:s2] =	stream.indirect.scatter.add.f32 [tilespmem:s28], [sflag:$0x7], $0x40, s22, s24, $0xb8;
	[tilespmem:$0x1EDC0] =	vst v63  }
0x8c: {  	s22 =	simm.s32 $0x138  }
0x8d: {  	[tilespmem:s30], [sflag:$0x4] =	stream.indirect.gather [hbm4b:s4+s24], $0x40, s22, s24, $0xb8;
	[tilespmem:$0x1EDC0] =	vst v63  }
0x8e: {  	_ =	swait.ge [sflag:s1], $0x1900  }
0x8f: {  	[sflag:s1] =	ssyncset.done $0x0  }
0x90: {  	s22 =	simm.s32 $0x5210;
	[sflag:s1] =	ssyncadd.s32 $0xFFFFE700  }
0x91: {  	[spmem:s2] =	stream.indirect.scatter.add.f32 [tilespmem:s31], [sflag:$0x8], $0x40, s22, s24, $0xb8;
	[tilespmem:$0x1EDC0] =	vst v63  }
0x92: {  	s22 =	simm.s32 $0x1A0  }
0x93: {  	[tilespmem:s26], [sflag:$0x5] =	stream.indirect.gather [hbm4b:s4+s24], $0x40, s22, s24, $0xb8;
	[tilespmem:$0x1EDC0] =	vst v63  }
0x94: {  	_ =	swait.ge [sflag:s5], $0x1900  }
0x95: {  	[sflag:s5] =	ssyncset.done $0x0  }
0x96: {  	s22 =	simm.s32 $0x5278;
	[sflag:s5] =	ssyncadd.s32 $0xFFFFE700  }
0x97: {  	[spmem:s2] =	stream.indirect.scatter.add.f32 [tilespmem:s30], [sflag:$0x9], $0x40, s22, s24, $0xb8;
	[tilespmem:$0x1EDC0] =	vst v63  }
0x98: {  	_ =	swait.ge [sflag:s6], $0x1900  }
0x99: {  	[sflag:s6] =	ssyncset.done $0x0  }
0x9a: {  	s22 =	simm.s32 $0x208;
	[sflag:s6] =	ssyncadd.s32 $0xFFFFE700  }
0x9b: {  	[tilespmem:s25], [sflag:$0x1] =	stream.indirect.gather [hbm4b:s4+s24], $0x40, s22, s24, $0xb8;
	[tilespmem:$0x1EDC0] =	vst v63  }
0x9c: {  	_ =	swait.ge [sflag:s7], $0x1900  }
0x9d: {  	[sflag:s7] =	ssyncset.done $0x0  }
0x9e: {  	s22 =	simm.s32 $0x52E0;
	[sflag:s7] =	ssyncadd.s32 $0xFFFFE700  }
0x9f: {  	[spmem:s2] =	stream.indirect.scatter.add.f32 [tilespmem:s26], [sflag:$0xA], $0x40, s22, s24, $0xb8;
	[tilespmem:$0x1EDC0] =	vst v63  }
0xa0: {  	_ =	swait.ge [sflag:s9], $0x1900  }
0xa1: {  	[sflag:s9] =	ssyncset.done $0x0  }
0xa2: {  	s22 =	simm.s32 $0x270;
	[sflag:s9] =	ssyncadd.s32 $0xFFFFE700  }
0xa3: {  	[tilespmem:s28], [sflag:$0x2] =	stream.indirect.gather [hbm4b:s4+s24], $0x40, s22, s24, $0xb8;
	[tilespmem:$0x1EDC0] =	vst v63  }
.LBB2_6:
0xa4: {  	_ =	swait.ge [sflag:s29], $0x1900  }
0xa5: {  	s22 =	sshra.s32 s18, $0x2;
	[sflag:s29] =	ssyncset.done $0x0  }
0xa6: {  	s19 =	sadd.s32 $0x5348, s22;
	[sflag:s29] =	ssyncadd.s32 $0xFFFFE700  }
0xa7: {  	[spmem:s2] =	stream.indirect.scatter.add.f32 [tilespmem:s25], [sflag:$0x6], $0x40, s19, s24, $0xb8;
	[tilespmem:$0x1EDC0] =	vst v63  }
0xa8: {  	_ =	swait.ge [sflag:s10], $0x1900  }
0xa9: {  	[sflag:s10] =	ssyncset.done $0x0  }
0xaa: {  	s19 =	sadd.s32 $0x2D8, s22;
	[sflag:s10] =	ssyncadd.s32 $0xFFFFE700  }
0xab: {  	[tilespmem:s31], [sflag:$0x3] =	stream.indirect.gather [hbm4b:s4+s24], $0x40, s19, s24, $0xb8;
	[tilespmem:$0x1EDC0] =	vst v63  }
0xac: {  	_ =	swait.ge [sflag:s0], $0x1900  }
0xad: {  	[sflag:s0] =	ssyncset.done $0x0  }
0xae: {  	s19 =	sadd.s32 $0x53B0, s22;
	[sflag:s0] =	ssyncadd.s32 $0xFFFFE700  }
0xaf: {  	[spmem:s2] =	stream.indirect.scatter.add.f32 [tilespmem:s28], [sflag:$0x7], $0x40, s19, s24, $0xb8;
	[tilespmem:$0x1EDC0] =	vst v63  }
0xb0: {  	_ =	swait.ge [sflag:s11], $0x1900  }
0xb1: {  	[sflag:s11] =	ssyncset.done $0x0  }
0xb2: {  	s19 =	sadd.s32 $0x340, s22;
	[sflag:s11] =	ssyncadd.s32 $0xFFFFE700  }
0xb3: {  	[tilespmem:s30], [sflag:$0x4] =	stream.indirect.gather [hbm4b:s4+s24], $0x40, s19, s24, $0xb8;
	[tilespmem:$0x1EDC0] =	vst v63  }
0xb4: {  	_ =	swait.ge [sflag:s1], $0x1900  }
0xb5: {  	[sflag:s1] =	ssyncset.done $0x0  }
0xb6: {  	s19 =	sadd.s32 $0x5418, s22;
	[sflag:s1] =	ssyncadd.s32 $0xFFFFE700  }
0xb7: {  	[spmem:s2] =	stream.indirect.scatter.add.f32 [tilespmem:s31], [sflag:$0x8], $0x40, s19, s24, $0xb8;
	[tilespmem:$0x1EDC0] =	vst v63  }
0xb8: {  	_ =	swait.ge [sflag:s16], $0x1900  }
0xb9: {  	[sflag:s16] =	ssyncset.done $0x0  }
0xba: {  	s19 =	sadd.s32 $0x3A8, s22;
	[sflag:s16] =	ssyncadd.s32 $0xFFFFE700  }
0xbb: {  	[tilespmem:s26], [sflag:$0x5] =	stream.indirect.gather [hbm4b:s4+s24], $0x40, s19, s24, $0xb8;
	[tilespmem:$0x1EDC0] =	vst v63  }
0xbc: {  	_ =	swait.ge [sflag:s5], $0x1900  }
0xbd: {  	p1 =	seq.s32 s18, $0x134C0;
	[sflag:s5] =	ssyncset.done $0x0  }
.Ltmp3:
0xbe: {  	s19 =	sadd.s32 $0x5480, s22;
	[sflag:s5] =	ssyncadd.s32 $0xFFFFE700;
	(pc) =	sbr.rel @p1 .LBB2_8-.Ltmp3, $4  }
0xbf: {  	[spmem:s2] =	stream.indirect.scatter.add.f32 [tilespmem:s30], [sflag:$0x9], $0x40, s19, s24, $0xb8;
	[tilespmem:$0x1EDC0] =	vst v63  }
0xc0: {  	_ =	swait.ge [sflag:s6], $0x1900  }
0xc1: {  	[sflag:s6] =	ssyncset.done $0x0  }
0xc2: {  	[sflag:s6] =	ssyncadd.s32 $0xFFFFE700  }
0xc3: {  	s19 =	sadd.s32 $0x410, s22  }
0xc4: {  	[tilespmem:s25], [sflag:$0x1] =	stream.indirect.gather [hbm4b:s4+s24], $0x40, s19, s24, $0xb8;
	[tilespmem:$0x1EDC0] =	vst v63  }
0xc5: {  	_ =	swait.ge [sflag:s7], $0x1900  }
0xc6: {  	[sflag:s7] =	ssyncset.done $0x0  }
0xc7: {  	s19 =	sadd.s32 $0x54E8, s22;
	[sflag:s7] =	ssyncadd.s32 $0xFFFFE700  }
0xc8: {  	[spmem:s2] =	stream.indirect.scatter.add.f32 [tilespmem:s26], [sflag:$0xA], $0x40, s19, s24, $0xb8;
	[tilespmem:$0x1EDC0] =	vst v63  }
.Ltmp4:
0xc9: {  	_ = 	snop;
	(pc) =	sbr.rel .LBB2_6-.Ltmp4, $4  }
0xca: {  	_ =	swait.ge [sflag:s9], $0x1900  }
0xcb: {  	[sflag:s9] =	ssyncset.done $0x0  }
0xcc: {  	s18 =	sadd.s32 $0x820, s18;
	s22 =	sadd.s32 $0x478, s22;
	[sflag:s9] =	ssyncadd.s32 $0xFFFFE700  }
0xcd: {  	[tilespmem:s28], [sflag:$0x2] =	stream.indirect.gather [hbm4b:s4+s24], $0x40, s22, s24, $0xb8;
	[tilespmem:$0x1EDC0] =	vst v63  }
.LBB2_2:
0xce: {  	[tilespmem:s25], [sflag:$0x1] =	stream.indirect.gather [hbm4b:s8+s24], $0x40, s18, s24, $0xb8;
	[tilespmem:$0x1EDC0] =	vst v63  }
0xcf: {  	s22 =	simm.s32 $0x68  }
0xd0: {  	[tilespmem:s28], [sflag:$0x2] =	stream.indirect.gather [hbm4b:s8+s24], $0x40, s22, s24, $0xb8;
	[tilespmem:$0x1EDC0] =	vst v63  }
0xd1: {  	[bflag:$0x0] =	sbarrier.arrive $0xFFFF  }
0xd2: {  	_ =	swait.ge [sflag:s29], $0x1900  }
0xd3: {  	[sflag:s29] =	ssyncset.done $0x0  }
0xd4: {  	[sflag:s29] =	ssyncadd.s32 $0xFFFFE700  }
0xd5: {  	[spmem:s2] =	stream.indirect.scatter.add.f32 [tilespmem:s25], [sflag:$0x6], $0x40, s19, s24, $0xb8;
	[tilespmem:$0x1EDC0] =	vst v63  }
0xd6: {  	s22 =	simm.s32 $0xD0  }
0xd7: {  	[tilespmem:s31], [sflag:$0x3] =	stream.indirect.gather [hbm4b:s8+s24], $0x40, s22, s24, $0xb8;
	[tilespmem:$0x1EDC0] =	vst v63  }
0xd8: {  	_ =	swait.ge [sflag:s0], $0x1900  }
0xd9: {  	[sflag:s0] =	ssyncset.done $0x0  }
0xda: {  	s22 =	simm.s32 $0x51A8;
	[sflag:s0] =	ssyncadd.s32 $0xFFFFE700  }
0xdb: {  	[spmem:s2] =	stream.indirect.scatter.add.f32 [tilespmem:s28], [sflag:$0x7], $0x40, s22, s24, $0xb8;
	[tilespmem:$0x1EDC0] =	vst v63  }
0xdc: {  	s22 =	simm.s32 $0x138  }
0xdd: {  	[tilespmem:s30], [sflag:$0x4] =	stream.indirect.gather [hbm4b:s8+s24], $0x40, s22, s24, $0xb8;
	[tilespmem:$0x1EDC0] =	vst v63  }
0xde: {  	_ =	swait.ge [sflag:s1], $0x1900  }
0xdf: {  	[sflag:s1] =	ssyncset.done $0x0  }
0xe0: {  	s22 =	simm.s32 $0x5210;
	[sflag:s1] =	ssyncadd.s32 $0xFFFFE700  }
0xe1: {  	[spmem:s2] =	stream.indirect.scatter.add.f32 [tilespmem:s31], [sflag:$0x8], $0x40, s22, s24, $0xb8;
	[tilespmem:$0x1EDC0] =	vst v63  }
0xe2: {  	s22 =	simm.s32 $0x1A0  }
0xe3: {  	[tilespmem:s26], [sflag:$0x5] =	stream.indirect.gather [hbm4b:s8+s24], $0x40, s22, s24, $0xb8;
	[tilespmem:$0x1EDC0] =	vst v63  }
0xe4: {  	_ =	swait.ge [sflag:s5], $0x1900  }
0xe5: {  	[sflag:s5] =	ssyncset.done $0x0  }
0xe6: {  	s22 =	simm.s32 $0x5278;
	[sflag:s5] =	ssyncadd.s32 $0xFFFFE700  }
0xe7: {  	[spmem:s2] =	stream.indirect.scatter.add.f32 [tilespmem:s30], [sflag:$0x9], $0x40, s22, s24, $0xb8;
	[tilespmem:$0x1EDC0] =	vst v63  }
0xe8: {  	_ =	swait.ge [sflag:s6], $0x1900  }
0xe9: {  	[sflag:s6] =	ssyncset.done $0x0  }
0xea: {  	s22 =	simm.s32 $0x208;
	[sflag:s6] =	ssyncadd.s32 $0xFFFFE700  }
0xeb: {  	[tilespmem:s25], [sflag:$0x1] =	stream.indirect.gather [hbm4b:s8+s24], $0x40, s22, s24, $0xb8;
	[tilespmem:$0x1EDC0] =	vst v63  }
0xec: {  	_ =	swait.ge [sflag:s7], $0x1900  }
0xed: {  	[sflag:s7] =	ssyncset.done $0x0  }
0xee: {  	s22 =	simm.s32 $0x52E0;
	[sflag:s7] =	ssyncadd.s32 $0xFFFFE700  }
0xef: {  	[spmem:s2] =	stream.indirect.scatter.add.f32 [tilespmem:s26], [sflag:$0xA], $0x40, s22, s24, $0xb8;
	[tilespmem:$0x1EDC0] =	vst v63  }
0xf0: {  	_ =	swait.ge [sflag:s9], $0x1900  }
0xf1: {  	[sflag:s9] =	ssyncset.done $0x0  }
0xf2: {  	s22 =	simm.s32 $0x270;
	[sflag:s9] =	ssyncadd.s32 $0xFFFFE700  }
0xf3: {  	[tilespmem:s28], [sflag:$0x2] =	stream.indirect.gather [hbm4b:s8+s24], $0x40, s22, s24, $0xb8;
	[tilespmem:$0x1EDC0] =	vst v63  }
.LBB2_3:
0xf4: {  	_ =	swait.ge [sflag:s29], $0x1900  }
0xf5: {  	s22 =	sshra.s32 s18, $0x2;
	[sflag:s29] =	ssyncset.done $0x0  }
0xf6: {  	s19 =	sadd.s32 $0x5348, s22;
	[sflag:s29] =	ssyncadd.s32 $0xFFFFE700  }
0xf7: {  	[spmem:s2] =	stream.indirect.scatter.add.f32 [tilespmem:s25], [sflag:$0x6], $0x40, s19, s24, $0xb8;
	[tilespmem:$0x1EDC0] =	vst v63  }
0xf8: {  	_ =	swait.ge [sflag:s10], $0x1900  }
0xf9: {  	[sflag:s10] =	ssyncset.done $0x0  }
0xfa: {  	s19 =	sadd.s32 $0x2D8, s22;
	[sflag:s10] =	ssyncadd.s32 $0xFFFFE700  }
0xfb: {  	[tilespmem:s31], [sflag:$0x3] =	stream.indirect.gather [hbm4b:s8+s24], $0x40, s19, s24, $0xb8;
	[tilespmem:$0x1EDC0] =	vst v63  }
0xfc: {  	_ =	swait.ge [sflag:s0], $0x1900  }
0xfd: {  	[sflag:s0] =	ssyncset.done $0x0  }
0xfe: {  	s19 =	sadd.s32 $0x53B0, s22;
	[sflag:s0] =	ssyncadd.s32 $0xFFFFE700  }
0xff: {  	[spmem:s2] =	stream.indirect.scatter.add.f32 [tilespmem:s28], [sflag:$0x7], $0x40, s19, s24, $0xb8;
	[tilespmem:$0x1EDC0] =	vst v63  }
0x100: {  	_ =	swait.ge [sflag:s11], $0x1900  }
0x101: {  	[sflag:s11] =	ssyncset.done $0x0  }
0x102: {  	s19 =	sadd.s32 $0x340, s22;
	[sflag:s11] =	ssyncadd.s32 $0xFFFFE700  }
0x103: {  	[tilespmem:s30], [sflag:$0x4] =	stream.indirect.gather [hbm4b:s8+s24], $0x40, s19, s24, $0xb8;
	[tilespmem:$0x1EDC0] =	vst v63  }
0x104: {  	_ =	swait.ge [sflag:s1], $0x1900  }
0x105: {  	[sflag:s1] =	ssyncset.done $0x0  }
0x106: {  	s19 =	sadd.s32 $0x5418, s22;
	[sflag:s1] =	ssyncadd.s32 $0xFFFFE700  }
0x107: {  	[spmem:s2] =	stream.indirect.scatter.add.f32 [tilespmem:s31], [sflag:$0x8], $0x40, s19, s24, $0xb8;
	[tilespmem:$0x1EDC0] =	vst v63  }
0x108: {  	_ =	swait.ge [sflag:s16], $0x1900  }
0x109: {  	[sflag:s16] =	ssyncset.done $0x0  }
0x10a: {  	s19 =	sadd.s32 $0x3A8, s22;
	[sflag:s16] =	ssyncadd.s32 $0xFFFFE700  }
0x10b: {  	[tilespmem:s26], [sflag:$0x5] =	stream.indirect.gather [hbm4b:s8+s24], $0x40, s19, s24, $0xb8;
	[tilespmem:$0x1EDC0] =	vst v63  }
0x10c: {  	_ =	swait.ge [sflag:s5], $0x1900  }
0x10d: {  	p1 =	seq.s32 s18, $0x134C0;
	[sflag:s5] =	ssyncset.done $0x0  }
.Ltmp5:
0x10e: {  	s19 =	sadd.s32 $0x5480, s22;
	[sflag:s5] =	ssyncadd.s32 $0xFFFFE700;
	(pc) =	sbr.rel @p1 .LBB2_9-.Ltmp5, $4  }
0x10f: {  	[spmem:s2] =	stream.indirect.scatter.add.f32 [tilespmem:s30], [sflag:$0x9], $0x40, s19, s24, $0xb8;
	[tilespmem:$0x1EDC0] =	vst v63  }
0x110: {  	_ =	swait.ge [sflag:s6], $0x1900  }
0x111: {  	[sflag:s6] =	ssyncset.done $0x0  }
0x112: {  	[sflag:s6] =	ssyncadd.s32 $0xFFFFE700  }
0x113: {  	s19 =	sadd.s32 $0x410, s22  }
0x114: {  	[tilespmem:s25], [sflag:$0x1] =	stream.indirect.gather [hbm4b:s8+s24], $0x40, s19, s24, $0xb8;
	[tilespmem:$0x1EDC0] =	vst v63  }
0x115: {  	_ =	swait.ge [sflag:s7], $0x1900  }
0x116: {  	[sflag:s7] =	ssyncset.done $0x0  }
0x117: {  	s19 =	sadd.s32 $0x54E8, s22;
	[sflag:s7] =	ssyncadd.s32 $0xFFFFE700  }
0x118: {  	[spmem:s2] =	stream.indirect.scatter.add.f32 [tilespmem:s26], [sflag:$0xA], $0x40, s19, s24, $0xb8;
	[tilespmem:$0x1EDC0] =	vst v63  }
.Ltmp6:
0x119: {  	_ = 	snop;
	(pc) =	sbr.rel .LBB2_3-.Ltmp6, $4  }
0x11a: {  	_ =	swait.ge [sflag:s9], $0x1900  }
0x11b: {  	[sflag:s9] =	ssyncset.done $0x0  }
0x11c: {  	s18 =	sadd.s32 $0x820, s18;
	s22 =	sadd.s32 $0x478, s22;
	[sflag:s9] =	ssyncadd.s32 $0xFFFFE700  }
0x11d: {  	[tilespmem:s28], [sflag:$0x2] =	stream.indirect.gather [hbm4b:s8+s24], $0x40, s22, s24, $0xb8;
	[tilespmem:$0x1EDC0] =	vst v63  }
.LBB2_8:
.Ltmp7:
0x11e: {  	(pc) =	sbr.rel .LBB2_10-.Ltmp7, $2  }
0x11f: {  	_ =	sdelay $0x2  }
0x120: {  	s18 =	sadd.s32 $0xEA0, s18  }
.LBB2_11:
0x121: {  	_ =	sfence.sel $0x180000  }
0x122: {  	[bflag:$0x0] =	sbarrier.arrive $0xFFFF  }
0x123: {  	_ =	strace $0x9000004A  }
0x124: {  	s0 =	stileid.u32;
	[bflag:$0x2] =	sbarrier.arrive $0xFFFF  }
0x125: {  	p0 =	sne.s32 s0, $0x0;
	s0 =	rddreg [dreg:$0x3]  }
0x126: {  	s0 =	sadd.s32 @!p0 $0x100000, s0  }
0x127: {  	[sflag:s0] =	ssyncadd.tile.s32 @!p0 $0x1;
	_ =	shalt  }
.Lfunc_end2:
_tile_overlayer_lowered:
.L_overlay_start_2:
0x128: {  	(tag) =	ssettag $0x2  }
0x129: {  	s0 =	rddreg [dreg:$0x0];
	s2 =	stileid.u32  }
0x12a: {  	s1 =	rddreg [dreg:$0x1];
	p0 =	sne.s32 s2, $0x0  }
0x12b: {  	s3 =	rddreg [dreg:$0x2];
	[bflag:$0x3] =	sbarrier.arrive $0xFFFF;
	s2 =	simm.s32 @!p0 $0x1C0B  }
0x12c: {  	[timem:s3], [sflag:s2] =	dma.local @!p0 [hbm:s0], s1  }
0x12d: {  	s0 =	simm.s32 @!p0 $0xB  }
0x12e: {  	_ =	swait.ge @!p0 [sflag:s0], s1  }
0x12f: {  	s1 =	ssub.s32 @!p0 $0x0, s1;
	[sflag:s0] =	ssyncset.done @!p0 $0x0  }
0x130: {  	[sflag:s0] =	ssyncadd.s32 @!p0 s1  }
0x131: {  	[bflag:$0x3] =	sbarrier.arrive $0xFFFF  }
0x132: {  	_ =	shalt  }

// kernel: kernel.14.cloned.1.call-start
scs
__scs_entry_jumppad:
0x0: {  	(pc) =	sbr.rel $0x88, $3  }
0x1: {  	(tag) =	ssettag $0x0;
	lr =	simm.s32 $0x1  }
0x2: {  	[smem:$0x3F99] =	sst lr;
	_ =	strace $0xD0000000  }
0x3: {  	_ = 	snop  }
0x4: {  	_ = 	snop  }
0x5: {  	_ = 	snop  }
0x6: {  	_ = 	snop  }
0x7: {  	_ = 	snop  }
__scs_overlays_trampoline_lowered:
0x8: {  	[smem:$0x3FA8] =	sst s0  }
0x9: {  	[smem:$0x3FA9] =	sst s1  }
0xa: {  	[smem:$0x3FAA] =	sst s2  }
0xb: {  	[smem:$0x3FAB] =	sst s3  }
0xc: {  	[smem:$0x3FAC] =	sst s4  }
0xd: {  	[smem:$0x3FAD] =	sst s5  }
0xe: {  	[smem:$0x3FAE] =	sst s6  }
0xf: {  	[smem:$0x3FAF] =	sst s7  }
0x10: {  	[smem:$0x3FB0] =	sst s8  }
0x11: {  	[smem:$0x3FB1] =	sst s9;
	s0 =	simm.s32 @!p0 $0x0  }
0x12: {  	s1 =	sld [smem:$0x3F97];
	s0 =	simm.s32 @p0 $0x1  }
0x13: {  	[smem:$0x3FB2] =	sst s0;
	s0 =	simm.s32 @!p1 $0x0  }
0x14: {  	s2 =	sld [smem:$0x3F96];
	s0 =	simm.s32 @p1 $0x1  }
0x15: {  	[smem:$0x3FB3] =	sst s0;
	s0 =	simm.s32 @!p2 $0x0  }
0x16: {  	s3 =	sld [smem:$0x3FDB];
	s0 =	simm.s32 @p2 $0x1  }
0x17: {  	s4 =	simm.s32 $0x1BF5;
	[smem:$0x3FB5] =	sst s0  }
0x18: {  	s0 =	sld [smem:$0x3F98];
	_ =	swait.ge [sflag:s4], $0x0  }
0x19: {  	s7 =	sld [smem:$0x3F99]  }
0x1a: {  	s8 =	sadd.s32 $0xFFFFE003, lr  }
0x1b: {  	s9 =	sadd.s32 $0xFFFFFEF7, lr;
	s5 =	simm.s32 $0xFFFFFFFF;
	p2 =	slt.u32 s8, $0xFFFFF086  }
0x1c: {  	p1 =	slt.u32 s9, $0xF7A;
	s5 =	simm.s32 @!p2 $0x0  }
0x1d: {  	s5 =	simm.s32 @p1 $0x1;
	p0 =	seq.s32 s7, s2  }
0x1e: {  	s7 =	smul.u32 @!p0 $0xF7A, s2;
	p2 =	seq.s32 @!p0 s5, $0x0  }
0x1f: {  	s9 =	smul.u32 $0xF7A, s1;
	s8 =	simm.s32 @!p0 $0x1BF5;
	p2 =	por !p2, p0  }
0x20: {  	[sflag:s8] =	ssyncset.s32 @!p0 $0xFFFFF086;
	s6 =	sadd.s32 @!p0 s3, s7;
	s7 =	simm.s32 @!p0 $0x108  }
0x21: {  	s3 =	sadd.s32 s3, s9;
	s6 =	sadd.s32 @!p0 $0x88, s6;
	s7 =	simm.s32 @p2 $0x1082  }
0x22: {  	[simem:s7], [sflag:s8] =	dma.local @!p0 [hbm:s6], $0xF7A  }
0x23: {  	s9 =	sor.u32 $0xD0000000, s2;
	s6 =	simm.s32 $0x108;
	_ =	swait.ge @!p0 [sflag:s8], $0x0  }
0x24: {  	s3 =	sadd.s32 $0x88, s3;
	s6 =	simm.s32 @!p1 $0x1082;
	[sflag:s4] =	ssyncset.s32 $0xFFFFF086  }
0x25: {  	[simem:s6], [sflag:s4] =	dma.local [hbm:s3], $0xF7A  }
0x26: {  	[smem:$0x3F99] =	sst s1;
	(tag) =	ssettag s2;
	_ =	strace s9  }
0x27: {  	s1 =	sld [smem:$0x3FA9]  }
0x28: {  	s2 =	sld [smem:$0x3FAA]  }
0x29: {  	s4 =	sld [smem:$0x3FAC]  }
0x2a: {  	p0 =	seq.s32 s5, $0x0;
	s5 =	sld [smem:$0x3FAD]  }
0x2b: {  	s6 =	sld [smem:$0x3FAE]  }
0x2c: {  	s7 =	sld [smem:$0x3FAF]  }
0x2d: {  	s3 =	simm.s32 $0x108;
	s8 =	sld [smem:$0x3FB0]  }
0x2e: {  	s3 =	simm.s32 @!p0 $0x1082;
	s9 =	sld [smem:$0x3FB1]  }
0x2f: {  	lr =	sadd.s32 s0, s3;
	s0 =	sld [smem:$0x3FA8]  }
0x30: {  	s3 =	sld [smem:$0x3FAB]  }
0x31: {  	[smem:$0x3FB4] =	sst s10  }
0x32: {  	s10 =	sld [smem:$0x3FB2];
	_ =	sdelay $0x3  }
0x33: {  	p0 =	seq.s32 s10, $0x1;
	s10 =	sld [smem:$0x3FB4];
	_ =	sdelay $0x3  }
0x34: {  	[smem:$0x3FB4] =	sst s10  }
0x35: {  	s10 =	sld [smem:$0x3FB3];
	_ =	sdelay $0x3  }
0x36: {  	p1 =	seq.s32 s10, $0x1;
	s10 =	sld [smem:$0x3FB4];
	_ =	sdelay $0x3  }
0x37: {  	[smem:$0x3FB4] =	sst s10  }
0x38: {  	s10 =	sld [smem:$0x3FB5]  }
0x39: {  	_ = 	snop;
	(pc) =	sbr.ind lr, $3  }
0x3a: {  	_ = 	snop  }
0x3b: {  	_ = 	snop  }
0x3c: {  	p2 =	seq.s32 s10, $0x1;
	s10 =	sld [smem:$0x3FB4]  }
0x3d: {  	_ =	shalt  }
0x3e: {  	_ =	shalt  }
0x3f: {  	_ =	shalt  }
0x40: {  	_ =	shalt  }
0x41: {  	_ =	shalt  }
0x42: {  	_ =	shalt  }
0x43: {  	_ =	shalt  }
0x44: {  	_ =	shalt  }
0x45: {  	_ =	shalt  }
0x46: {  	_ =	shalt  }
0x47: {  	_ =	shalt  }
0x48: {  	_ =	shalt  }
0x49: {  	_ =	shalt  }
0x4a: {  	_ =	shalt  }
0x4b: {  	_ =	shalt  }
0x4c: {  	_ =	shalt  }
0x4d: {  	_ =	shalt  }
0x4e: {  	_ =	shalt  }
0x4f: {  	_ =	shalt  }
0x50: {  	_ =	shalt  }
0x51: {  	_ =	shalt  }
0x52: {  	_ =	shalt  }
0x53: {  	_ =	shalt  }
0x54: {  	_ =	shalt  }
0x55: {  	_ =	shalt  }
0x56: {  	_ =	shalt  }
0x57: {  	_ =	shalt  }
0x58: {  	_ =	shalt  }
0x59: {  	_ =	shalt  }
0x5a: {  	_ =	shalt  }
0x5b: {  	_ =	shalt  }
0x5c: {  	_ =	shalt  }
0x5d: {  	_ =	shalt  }
0x5e: {  	_ =	shalt  }
0x5f: {  	_ =	shalt  }
0x60: {  	_ =	shalt  }
0x61: {  	_ =	shalt  }
0x62: {  	_ =	shalt  }
0x63: {  	_ =	shalt  }
0x64: {  	_ =	shalt  }
0x65: {  	_ =	shalt  }
0x66: {  	_ =	shalt  }
0x67: {  	_ =	shalt  }
0x68: {  	_ =	shalt  }
0x69: {  	_ =	shalt  }
0x6a: {  	_ =	shalt  }
0x6b: {  	_ =	shalt  }
0x6c: {  	_ =	shalt  }
0x6d: {  	_ =	shalt  }
0x6e: {  	_ =	shalt  }
0x6f: {  	_ =	shalt  }
0x70: {  	_ =	shalt  }
0x71: {  	_ =	shalt  }
0x72: {  	_ =	shalt  }
0x73: {  	_ =	shalt  }
0x74: {  	_ =	shalt  }
0x75: {  	_ =	shalt  }
0x76: {  	_ =	shalt  }
0x77: {  	_ =	shalt  }
0x78: {  	_ =	shalt  }
0x79: {  	_ =	shalt  }
0x7a: {  	_ =	shalt  }
0x7b: {  	_ =	shalt  }
0x7c: {  	_ =	shalt  }
0x7d: {  	_ =	shalt  }
0x7e: {  	_ =	shalt  }
0x7f: {  	_ =	shalt  }
0x80: {  	_ =	shalt  }
0x81: {  	_ =	shalt  }
0x82: {  	_ =	shalt  }
0x83: {  	_ =	shalt  }
0x84: {  	_ =	shalt  }
0x85: {  	_ =	shalt  }
0x86: {  	_ =	shalt  }
0x87: {  	_ =	shalt  }
.Lfunc_end0:
.L_simem_size_0:
called_computation.2_lowered:
.L_overlay_start_0:
0x88: {  	s2 =	sld [smem:$0x3FD9]  }
0x89: {  	s3 =	sld [smem:$0x3FFE];
	_ =	sdelay $0x1  }
0x8a: {  	s1 =	srdreg.scid  }
0x8b: {  	s0 =	sand.u32 $0x1, s1  }
0x8c: {  	s17 =	sshll.u32 s0, $0xA;
	s2 =	sadd.s32 s3, s2  }
0x8d: {  	s2 =	sadd.s32 s2, s17  }
0x8e: {  	[smem:$0x3FC0] =	sst s2  }
0x8f: {  	_ = 	snop  }
0x90: {  	s2 =	sld [smem:$0x3FD0];
	(tm) =	ssettm $0x1  }
0x91: {  	s18 =	sld [smem:$0x3FFB];
	_ =	sdelay $0x3  }
0x92: {  	_ =	strace s18  }
0x93: {  	s3 =	sld [smem:$0x3FFC];
	_ =	sdelay $0x3  }
0x94: {  	_ =	strace s3  }
0x95: {  	s3 =	sld [smem:$0x3FFD];
	_ =	sdelay $0x3  }
0x96: {  	_ =	strace s3  }
0x97: {  	_ =	strace $0x8FFFFFFF  }
0x98: {  	s19 =	sld [smem:$0x3FDB];
	_ =	sdelay $0x1  }
0x99: {  	s4 =	simm.s32 $_scs_section_size  }
0x9a: {  	s5 =	simm.s32 $_size__tile_overlayer_lowered;
	s6 =	simm.s32 $_tile_overlayer_lowered  }
0x9b: {  	s22 =	simm.s32 $0x1BFF;
	s21 =	sshll.u32 s6, $0x1;
	s3 =	sadd.s32 s4, s19  }
0x9c: {  	s7 =	simm.s32 $0x0;
	s20 =	sshll.u32 s5, $0x1;
	s5 =	sadd.s32 s21, s3  }
0x9d: {  	[timem:s7], [sflag:s22] =	dma.local [hbm:s5], s20  }
0x9e: {  	_ =	swait.ge [sflag:s22], s20  }
0x9f: {  	s4 =	ssub.s32 $0x0, s20;
	[sflag:s22] =	ssyncset.done $0x0  }
0xa0: {  	[sflag:s22] =	ssyncadd.s32 s4;
	_ =	sdelay $0x1  }
0xa1: {  	s23 =	simm.s32 $0x1B8B  }
0xa2: {  	_ =	swait.ge [sflag:s23], $0x1  }
0xa3: {  	[sflag:s23] =	ssyncset.done $0x0  }
0xa4: {  	s25 =	simm.s32 $0x1B8E;
	s24 =	sld [smem:$0x3FFE];
	[sflag:s23] =	ssyncadd.s32 $0xFFFFFFFF  }
0xa5: {  	s26 =	simm.s32 $execute0_lowered;
	[smem:$0x3FD2] =	sst s25  }
0xa6: {  	s5 =	sshll.u32 s26, $0x1;
	_ =	strace $0x8000004C;
	[dreg:$0x1] =	wrdreg $0xFFFFFFFF  }
0xa7: {  	s28 =	simm.s32 $_size_execute0_lowered;
	s3 =	sadd.s32 s3, s5;
	[dreg:$0x0] =	wrdreg $0x0  }
0xa8: {  	s5 =	sshll.u32 s28, $0x1;
	[dreg:$0x2] =	wrdreg s3  }
0xa9: {  	[dreg:$0x3] =	wrdreg s5  }
0xaa: {  	[dreg:$0x4] =	wrdreg $0xC0  }
0xab: {  	_ =	task [dreg:s7], $0x5FFFF  }
0xac: {  	[dreg:$0x1] =	wrdreg $0xFFFFFFFF  }
0xad: {  	[dreg:$0x0] =	wrdreg $0x60  }
0xae: {  	[dreg:$0x2] =	wrdreg s24  }
0xaf: {  	[dreg:$0x3] =	wrdreg s2  }
0xb0: {  	[dreg:$0x4] =	wrdreg $0x151800  }
0xb1: {  	[dreg:$0x5] =	wrdreg $0x9  }
0xb2: {  	_ =	task.clear_ibuf [dreg:s7], $0x6FFFF;
	_ =	strace $0x9000004C  }
0xb3: {  	s29 =	simm.s32 $0x9;
	_ =	strace $0x8000004E  }
0xb4: {  	_ =	swait.ge [sflag:s29], $0x1  }
0xb5: {  	[sflag:s29] =	ssyncadd.s32 $0xFFFFFFFF  }
0xb6: {  	_ =	strace $0x9000004E  }
0xb7: {  	_ =	sfence  }
0xb8: {  	s30 =	sld [smem:$0x0];
	_ =	sdelay $0x2  }
0xb9: {  	s31 =	sshll.u32 s1, $0xD;
	s1 =	sshrl.u32 s1, $0x2  }
0xba: {  	s3 =	sand.u32 $0x4000, s31;
	s1 =	sadd.s32 s1, s30  }
0xbb: {  	s0 =	sor.u32 s3, s0;
	s1 =	sshll.u32 s1, $0x11  }
0xbc: {  	s0 =	sor.u32 s1, s0  }
0xbd: {  	s0 =	sadd.s32 $0x8F2B, s0  }
0xbe: {  	[sflag:s0] =	ssyncadd.remote.s32 $0x1  }
0xbf: {  	_ =	sfence.sel $0xFFFF  }
0xc0: {  	[dreg:$0x0] =	wrdreg $0xFFFFFFFF;
	(pc) =	sbr.abs _section_cstart, $3  }
0xc1: {  	[dreg:$0x1] =	wrdreg $0xFFFFFFFF  }
0xc2: {  	_ =	task.clear_ibuf [dreg:s7], $0x2FFFF;
	_ =	strace $0x9FFFFFFF  }
0xc3: {  	(tm) =	ssettm $0x7FFFFFFF  }
tec
execute0_lowered:
.L_overlay_start_1:
0x0: {  	(tag) =	ssettag $0x1  }
0x1: {  	s0 =	rddreg [dreg:$0x0]  }
0x2: {  	s1 =	rddreg [dreg:$0x1]  }
0x3: {  	s2 =	rddreg [dreg:$0x2];
	s3 =	simm.s32 $0x0  }
0x4: {  	s11 =	stileid.u32;
	s4 =	srdreg.scid;
	s28 =	simm.s32 $0xBB80  }
0x5: {  	s29 =	simm.s32 $0x1;
	s31 =	simm.s32 $0xD480;
	s30 =	simm.s32 $0xED80  }
0x6: {  	[smem:$0x7FF] =	sst s3;
	s5 =	smul.u32 $0xA28, s11;
	s6 =	sand.u32 $0x1, s4  }
0x7: {  	s4 =	sadd.s32 $0x82E00, s0;
	s9 =	sadd.s32 $0x2800, s0;
	s15 =	smul.u32 $0x27100, s11  }
0x8: {  	s10 =	sadd.s32 $0xAA000, s0;
	s16 =	smul.u32 $0x9C40, s11;
	_ =	strace $0x8000004D  }
0x9: {  	s7 =	ssub.s32 $0x2, s6;
	[dreg:$0x4] =	wrdreg s9;
	s17 =	smul.u32 $0x9C400, s6  }
0xa: {  	p0 =	seq.s32 s6, $0x0;
	s6 =	simm.s32 $0x6;
	s9 =	simm.s32 $0x7  }
0xb: {  	s8 =	sadd.s32 s5, s0;
	s14 =	sshrl.u32 s7, $0x1;
	s1 =	sadd.s32 s1, s5  }
0xc: {  	s18 =	sshrl.u32 s15, $0x2;
	s19 =	sadd.s32 s16, s2;
	s20 =	sadd.s32 $0x1F40, s16  }
0xd: {  	s21 =	sadd.s32 $0x3E80, s16;
	s22 =	sadd.s32 $0x5DC0, s16;
	s11 =	sadd.s32 $0x7D00, s16  }
0xe: {  	s7 =	ssub.s32 s7, s14;
	s8 =	sadd.s32 $0x3600, s8;
	[dreg:$0x6] =	wrdreg s1  }
0xf: {  	[dreg:$0x7] =	wrdreg s19;
	s5 =	sadd.s32 s18, s2;
	s12 =	sadd.s32 s20, s2  }
0x10: {  	s13 =	sadd.s32 s21, s2;
	s14 =	sadd.s32 s22, s2;
	s1 =	sadd.s32 s17, s16  }
0x11: {  	s15 =	sadd.s32 s11, s2;
	s24 =	sadd.s32 s17, s21;
	s25 =	sadd.s32 s17, s22  }
0x12: {  	s21 =	simm.s32 $0xB;
	s19 =	simm.s32 $0x5140;
	s16 =	simm.s32 $0xA  }
0x13: {  	[dreg:$0x5] =	wrdreg s8;
	s8 =	sadd.s32 $0x96680, s0;
	s7 =	smax.u32 s7, $0x1  }
0x14: {  	[dreg:$0x9] =	wrdreg s5;
	s5 =	sadd.s32 s17, s20;
	s1 =	sshrl.u32 s1, $0x3  }
0x15: {  	s0 =	sadd.s32 s17, s11;
	s26 =	sshrl.u32 s25, $0x3;
	s25 =	simm.s32 $0xA280  }
0x16: {  	s11 =	simm.s32 $0x9;
	s17 =	simm.s32 $0x0;
	[dreg:$0x8] =	wrdreg s7  }
0x17: {  	s5 =	sshrl.u32 s5, $0x3;
	s1 =	sadd.s32 s10, s1;
	s0 =	sshrl.u32 s0, $0x3  }
0x18: {  	s7 =	simm.s32 $0x5;
	[dreg:$0xa] =	wrdreg s1;
	s23 =	sadd.s32 s10, s5  }
.Ltmp0:
0x19: {  	s1 =	sshrl.u32 s24, $0x3;
	s20 =	sadd.s32 s10, s0;
	(pc) =	sbr.rel .LBB2_1-.Ltmp0, $4  }
0x1a: {  	s24 =	simm.s32 $0x64;
	s0 =	simm.s32 $0x2;
	s5 =	simm.s32 $0x4  }
0x1b: {  	[dreg:$0xb] =	wrdreg s23;
	s1 =	sadd.s32 s10, s1;
	s23 =	simm.s32 $0x11F80  }
0x1c: {  	[dreg:$0xc] =	wrdreg s1;
	s1 =	sadd.s32 s10, s26;
	s26 =	simm.s32 $0x10680  }
0x1d: {  	s10 =	simm.s32 $0x8;
	[dreg:$0xd] =	wrdreg s1;
	s1 =	simm.s32 $0x3  }
.LBB2_9:
0x1e: {  	s18 =	sadd.s32 $0xEA0, s18  }
.LBB2_10:
0x1f: {  	_ =	swait.ge [sflag:s7], $0x1900  }
0x20: {  	s18 =	sshra.s32 s18, $0x2;
	[sflag:s7] =	ssyncset.done $0x0  }
0x21: {  	s18 =	sadd.s32 $0x5140, s18;
	[sflag:s7] =	ssyncadd.s32 $0xFFFFE700  }
0x22: {  	[spmem:s2] =	stream.indirect.scatter.add.f32 [tilespmem:s26], [sflag:$0xA], $0x40, s18, s24, $0xb8;
	[tilespmem:$0x1EDC0] =	vst v63  }
0x23: {  	_ =	swait.ge [sflag:s9], $0x1900  }
0x24: {  	[sflag:s9] =	ssyncset.done $0x0  }
0x25: {  	[sflag:s9] =	ssyncadd.s32 $0xFFFFE700  }
0x26: {  	_ =	swait.ge [sflag:s10], $0x1900  }
0x27: {  	[sflag:s10] =	ssyncset.done $0x0  }
0x28: {  	[sflag:s10] =	ssyncadd.s32 $0xFFFFE700  }
0x29: {  	_ =	swait.ge [sflag:s11], $0x1900  }
0x2a: {  	[sflag:s11] =	ssyncset.done $0x0  }
0x2b: {  	[sflag:s11] =	ssyncadd.s32 $0xFFFFE700  }
0x2c: {  	_ =	swait.ge [sflag:s16], $0x1900  }
0x2d: {  	[sflag:s16] =	ssyncset.done $0x0  }
0x2e: {  	[sflag:s16] =	ssyncadd.s32 $0xFFFFE700  }
0x2f: {  	[bflag:$0x0] =	sbarrier.arrive $0xFFFF  }
0x30: {  	s19 =	rddreg [dreg:$0x7]  }
0x31: {  	[tilespmem:s23], [sflag:$0xB] =	stream.linear.gather [spmem:s19], $0x1F40, $0x38;
	[tilespmem:$0x1EDC0] =	vst v63  }
0x32: {  	_ =	swait.ge [sflag:s21], $0x1F40  }
0x33: {  	[sflag:s21] =	ssyncset.done $0x0  }
0x34: {  	s22 =	rddreg [dreg:$0xa];
	[sflag:s21] =	ssyncadd.s32 $0xFFFFE0C0  }
0x35: {  	[hbm4b:s22+s3] =	stream.linear.scatter [tilespmem:s23], [sflag:$0xB], $0x1F40, $0x38;
	[tilespmem:$0x1EDC0] =	vst v63  }
0x36: {  	_ =	swait.ge [sflag:s21], $0x1F40  }
0x37: {  	[sflag:s21] =	ssyncset.done $0x0  }
0x38: {  	[sflag:s21] =	ssyncadd.s32 $0xFFFFE0C0  }
0x39: {  	[tilespmem:s23], [sflag:$0xB] =	stream.linear.gather [spmem:s12], $0x1F40, $0x38;
	[tilespmem:$0x1EDC0] =	vst v63  }
0x3a: {  	_ =	swait.ge [sflag:s21], $0x1F40  }
0x3b: {  	[sflag:s21] =	ssyncset.done $0x0  }
0x3c: {  	s19 =	rddreg [dreg:$0xb];
	[sflag:s21] =	ssyncadd.s32 $0xFFFFE0C0  }
0x3d: {  	[hbm4b:s19+s3] =	stream.linear.scatter [tilespmem:s23], [sflag:$0xB], $0x1F40, $0x38;
	[tilespmem:$0x1EDC0] =	vst v63  }
0x3e: {  	_ =	swait.ge [sflag:s21], $0x1F40  }
0x3f: {  	[sflag:s21] =	ssyncset.done $0x0  }
0x40: {  	[sflag:s21] =	ssyncadd.s32 $0xFFFFE0C0  }
0x41: {  	[tilespmem:s23], [sflag:$0xB] =	stream.linear.gather [spmem:s13], $0x1F40, $0x38;
	[tilespmem:$0x1EDC0] =	vst v63  }
0x42: {  	_ =	swait.ge [sflag:s21], $0x1F40  }
0x43: {  	[sflag:s21] =	ssyncset.done $0x0  }
0x44: {  	s22 =	rddreg [dreg:$0xc];
	[sflag:s21] =	ssyncadd.s32 $0xFFFFE0C0  }
0x45: {  	[hbm4b:s22+s3] =	stream.linear.scatter [tilespmem:s23], [sflag:$0xB], $0x1F40, $0x38;
	[tilespmem:$0x1EDC0] =	vst v63  }
0x46: {  	_ =	swait.ge [sflag:s21], $0x1F40  }
0x47: {  	[sflag:s21] =	ssyncset.done $0x0  }
0x48: {  	[sflag:s21] =	ssyncadd.s32 $0xFFFFE0C0  }
0x49: {  	[tilespmem:s23], [sflag:$0xB] =	stream.linear.gather [spmem:s14], $0x1F40, $0x38;
	[tilespmem:$0x1EDC0] =	vst v63  }
0x4a: {  	_ =	swait.ge [sflag:s21], $0x1F40  }
0x4b: {  	[sflag:s21] =	ssyncset.done $0x0  }
0x4c: {  	s19 =	rddreg [dreg:$0xd];
	[sflag:s21] =	ssyncadd.s32 $0xFFFFE0C0  }
0x4d: {  	[hbm4b:s19+s3] =	stream.linear.scatter [tilespmem:s23], [sflag:$0xB], $0x1F40, $0x38;
	[tilespmem:$0x1EDC0] =	vst v63  }
0x4e: {  	_ =	swait.ge [sflag:s21], $0x1F40  }
0x4f: {  	[sflag:s21] =	ssyncset.done $0x0  }
0x50: {  	[sflag:s21] =	ssyncadd.s32 $0xFFFFE0C0  }
0x51: {  	[tilespmem:s23], [sflag:$0xB] =	stream.linear.gather [spmem:s15], $0x1F40, $0x38;
	[tilespmem:$0x1EDC0] =	vst v63  }
0x52: {  	_ =	swait.ge [sflag:s21], $0x1F40  }
0x53: {  	[sflag:s21] =	ssyncset.done $0x0  }
0x54: {  	[sflag:s21] =	ssyncadd.s32 $0xFFFFE0C0  }
0x55: {  	[hbm4b:s20+s3] =	stream.linear.scatter [tilespmem:s23], [sflag:$0xB], $0x1F40, $0x38;
	[tilespmem:$0x1EDC0] =	vst v63  }
0x56: {  	_ =	swait.ge [sflag:s21], $0x1F40  }
0x57: {  	s17 =	sadd.s32 $0x1, s17;
	s22 =	rddreg [dreg:$0x8]  }
0x58: {  	p1 =	sne.s32 s17, s22  }
.Ltmp1:
0x59: {  	_ = 	snop;
	(pc) =	sbr.rel @!p1 .LBB2_11-.Ltmp1, $3  }
0x5a: {  	_ =	sdelay $0x1  }
0x5b: {  	[sflag:s21] =	ssyncset.done $0x0  }
0x5c: {  	s19 =	simm.s32 $0x5140;
	[sflag:s21] =	ssyncadd.s32 $0xFFFFE0C0  }
.LBB2_1:
0x5d: {  	s18 =	rddreg [dreg:$0x5]  }
0x5e: {  	[tilespmem:s3], [sflag:$0xB] =	stream.linear.gather [hbm4b:s18+s3], $0x5140, $0x38;
	[tilespmem:$0x1EDC0] =	vst v63  }
0x5f: {  	_ =	swait.ge [sflag:s21], $0x5140  }
0x60: {  	[sflag:s21] =	ssyncset.done $0x0  }
0x61: {  	s22 =	rddreg [dreg:$0x6];
	[sflag:s21] =	ssyncadd.s32 $0xFFFFAEC0  }
0x62: {  	[tilespmem:s19], [sflag:$0xB] =	stream.linear.gather [hbm4b:s22+s3], $0x5140, $0x38;
	[tilespmem:$0x1EDC0] =	vst v63  }
0x63: {  	_ =	swait.ge [sflag:s21], $0x5140  }
0x64: {  	[sflag:s21] =	ssyncset.done $0x0  }
0x65: {  	s22 =	rddreg [dreg:$0x4];
	[sflag:s21] =	ssyncadd.s32 $0xFFFFAEC0  }
0x66: {  	[tilespmem:s23], [sflag:$0xB] =	stream.linear.gather [hbm4b:s22+s3], $0x3200, $0x38;
	[tilespmem:$0x1EDC0] =	vst v63  }
0x67: {  	_ =	swait.ge [sflag:s21], $0x3200  }
0x68: {  	[sflag:s21] =	ssyncset.done $0x0  }
0x69: {  	s22 =	rddreg [dreg:$0x9];
	[sflag:s21] =	ssyncadd.s32 $0xFFFFCE00  }
0x6a: {  	[spmem:s22] =	stream.linear.scatter [tilespmem:s23], [sflag:$0xB], $0x1F40, $0x38;
	[tilespmem:$0x1EDC0] =	vst v63  }
0x6b: {  	_ =	swait.ge [sflag:s21], $0x1F40  }
0x6c: {  	[sflag:s21] =	ssyncset.done $0x0  }
0x6d: {  	[sflag:s21] =	ssyncadd.s32 $0xFFFFE0C0  }
0x6e: {  	[spmem:s12] =	stream.linear.scatter [tilespmem:s23], [sflag:$0xB], $0x1F40, $0x38;
	[tilespmem:$0x1EDC0] =	vst v63  }
0x6f: {  	_ =	swait.ge [sflag:s21], $0x1F40  }
0x70: {  	[sflag:s21] =	ssyncset.done $0x0  }
0x71: {  	[sflag:s21] =	ssyncadd.s32 $0xFFFFE0C0  }
0x72: {  	[spmem:s13] =	stream.linear.scatter [tilespmem:s23], [sflag:$0xB], $0x1F40, $0x38;
	[tilespmem:$0x1EDC0] =	vst v63  }
0x73: {  	_ =	swait.ge [sflag:s21], $0x1F40  }
0x74: {  	[sflag:s21] =	ssyncset.done $0x0  }
0x75: {  	[sflag:s21] =	ssyncadd.s32 $0xFFFFE0C0  }
0x76: {  	[spmem:s14] =	stream.linear.scatter [tilespmem:s23], [sflag:$0xB], $0x1F40, $0x38;
	[tilespmem:$0x1EDC0] =	vst v63  }
0x77: {  	_ =	swait.ge [sflag:s21], $0x1F40  }
0x78: {  	[sflag:s21] =	ssyncset.done $0x0  }
.Ltmp2:
0x79: {  	[sflag:s21] =	ssyncadd.s32 $0xFFFFE0C0;
	(pc) =	sbr.rel @!p0 .LBB2_2-.Ltmp2, $4  }
0x7a: {  	[spmem:s15] =	stream.linear.scatter [tilespmem:s23], [sflag:$0xB], $0x1F40, $0x38;
	[tilespmem:$0x1EDC0] =	vst v63  }
0x7b: {  	_ =	swait.ge [sflag:s21], $0x1F40  }
0x7c: {  	[sflag:s21] =	ssyncset.done $0x0  }
0x7d: {  	s18 =	simm.s32 $0x0;
	[sflag:s21] =	ssyncadd.s32 $0xFFFFE0C0  }
0x7e: {  	[tilespmem:s25], [sflag:$0x1] =	stream.indirect.gather [hbm4b:s4+s24], $0x40, s18, s24, $0xb8;
	[tilespmem:$0x1EDC0] =	vst v63  }
0x7f: {  	s22 =	simm.s32 $0x68  }
0x80: {  	[tilespmem:s28], [sflag:$0x2] =	stream.indirect.gather [hbm4b:s4+s24], $0x40, s22, s24, $0xb8;
	[tilespmem:$0x1EDC0] =	vst v63  }
0x81: {  	[bflag:$0x0] =	sbarrier.arrive $0xFFFF  }
0x82: {  	_ =	swait.ge [sflag:s29], $0x1900  }
0x83: {  	[sflag:s29] =	ssyncset.done $0x0  }
0x84: {  	[sflag:s29] =	ssyncadd.s32 $0xFFFFE700  }
0x85: {  	[spmem:s2] =	stream.indirect.scatter.add.f32 [tilespmem:s25], [sflag:$0x6], $0x40, s19, s24, $0xb8;
	[tilespmem:$0x1EDC0] =	vst v63  }
0x86: {  	s22 =	simm.s32 $0xD0  }
0x87: {  	[tilespmem:s31], [sflag:$0x3] =	stream.indirect.gather [hbm4b:s4+s24], $0x40, s22, s24, $0xb8;
	[tilespmem:$0x1EDC0] =	vst v63  }
0x88: {  	_ =	swait.ge [sflag:s0], $0x1900  }
0x89: {  	[sflag:s0] =	ssyncset.done $0x0  }
0x8a: {  	s22 =	simm.s32 $0x51A8;
	[sflag:s0] =	ssyncadd.s32 $0xFFFFE700  }
0x8b: {  	[spmem:s2] =	stream.indirect.scatter.add.f32 [tilespmem:s28], [sflag:$0x7], $0x40, s22, s24, $0xb8;
	[tilespmem:$0x1EDC0] =	vst v63  }
0x8c: {  	s22 =	simm.s32 $0x138  }
0x8d: {  	[tilespmem:s30], [sflag:$0x4] =	stream.indirect.gather [hbm4b:s4+s24], $0x40, s22, s24, $0xb8;
	[tilespmem:$0x1EDC0] =	vst v63  }
0x8e: {  	_ =	swait.ge [sflag:s1], $0x1900  }
0x8f: {  	[sflag:s1] =	ssyncset.done $0x0  }
0x90: {  	s22 =	simm.s32 $0x5210;
	[sflag:s1] =	ssyncadd.s32 $0xFFFFE700  }
0x91: {  	[spmem:s2] =	stream.indirect.scatter.add.f32 [tilespmem:s31], [sflag:$0x8], $0x40, s22, s24, $0xb8;
	[tilespmem:$0x1EDC0] =	vst v63  }
0x92: {  	s22 =	simm.s32 $0x1A0  }
0x93: {  	[tilespmem:s26], [sflag:$0x5] =	stream.indirect.gather [hbm4b:s4+s24], $0x40, s22, s24, $0xb8;
	[tilespmem:$0x1EDC0] =	vst v63  }
0x94: {  	_ =	swait.ge [sflag:s5], $0x1900  }
0x95: {  	[sflag:s5] =	ssyncset.done $0x0  }
0x96: {  	s22 =	simm.s32 $0x5278;
	[sflag:s5] =	ssyncadd.s32 $0xFFFFE700  }
0x97: {  	[spmem:s2] =	stream.indirect.scatter.add.f32 [tilespmem:s30], [sflag:$0x9], $0x40, s22, s24, $0xb8;
	[tilespmem:$0x1EDC0] =	vst v63  }
0x98: {  	_ =	swait.ge [sflag:s6], $0x1900  }
0x99: {  	[sflag:s6] =	ssyncset.done $0x0  }
0x9a: {  	s22 =	simm.s32 $0x208;
	[sflag:s6] =	ssyncadd.s32 $0xFFFFE700  }
0x9b: {  	[tilespmem:s25], [sflag:$0x1] =	stream.indirect.gather [hbm4b:s4+s24], $0x40, s22, s24, $0xb8;
	[tilespmem:$0x1EDC0] =	vst v63  }
0x9c: {  	_ =	swait.ge [sflag:s7], $0x1900  }
0x9d: {  	[sflag:s7] =	ssyncset.done $0x0  }
0x9e: {  	s22 =	simm.s32 $0x52E0;
	[sflag:s7] =	ssyncadd.s32 $0xFFFFE700  }
0x9f: {  	[spmem:s2] =	stream.indirect.scatter.add.f32 [tilespmem:s26], [sflag:$0xA], $0x40, s22, s24, $0xb8;
	[tilespmem:$0x1EDC0] =	vst v63  }
0xa0: {  	_ =	swait.ge [sflag:s9], $0x1900  }
0xa1: {  	[sflag:s9] =	ssyncset.done $0x0  }
0xa2: {  	s22 =	simm.s32 $0x270;
	[sflag:s9] =	ssyncadd.s32 $0xFFFFE700  }
0xa3: {  	[tilespmem:s28], [sflag:$0x2] =	stream.indirect.gather [hbm4b:s4+s24], $0x40, s22, s24, $0xb8;
	[tilespmem:$0x1EDC0] =	vst v63  }
.LBB2_6:
0xa4: {  	_ =	swait.ge [sflag:s29], $0x1900  }
0xa5: {  	s22 =	sshra.s32 s18, $0x2;
	[sflag:s29] =	ssyncset.done $0x0  }
0xa6: {  	s19 =	sadd.s32 $0x5348, s22;
	[sflag:s29] =	ssyncadd.s32 $0xFFFFE700  }
0xa7: {  	[spmem:s2] =	stream.indirect.scatter.add.f32 [tilespmem:s25], [sflag:$0x6], $0x40, s19, s24, $0xb8;
	[tilespmem:$0x1EDC0] =	vst v63  }
0xa8: {  	_ =	swait.ge [sflag:s10], $0x1900  }
0xa9: {  	[sflag:s10] =	ssyncset.done $0x0  }
0xaa: {  	s19 =	sadd.s32 $0x2D8, s22;
	[sflag:s10] =	ssyncadd.s32 $0xFFFFE700  }
0xab: {  	[tilespmem:s31], [sflag:$0x3] =	stream.indirect.gather [hbm4b:s4+s24], $0x40, s19, s24, $0xb8;
	[tilespmem:$0x1EDC0] =	vst v63  }
0xac: {  	_ =	swait.ge [sflag:s0], $0x1900  }
0xad: {  	[sflag:s0] =	ssyncset.done $0x0  }
0xae: {  	s19 =	sadd.s32 $0x53B0, s22;
	[sflag:s0] =	ssyncadd.s32 $0xFFFFE700  }
0xaf: {  	[spmem:s2] =	stream.indirect.scatter.add.f32 [tilespmem:s28], [sflag:$0x7], $0x40, s19, s24, $0xb8;
	[tilespmem:$0x1EDC0] =	vst v63  }
0xb0: {  	_ =	swait.ge [sflag:s11], $0x1900  }
0xb1: {  	[sflag:s11] =	ssyncset.done $0x0  }
0xb2: {  	s19 =	sadd.s32 $0x340, s22;
	[sflag:s11] =	ssyncadd.s32 $0xFFFFE700  }
0xb3: {  	[tilespmem:s30], [sflag:$0x4] =	stream.indirect.gather [hbm4b:s4+s24], $0x40, s19, s24, $0xb8;
	[tilespmem:$0x1EDC0] =	vst v63  }
0xb4: {  	_ =	swait.ge [sflag:s1], $0x1900  }
0xb5: {  	[sflag:s1] =	ssyncset.done $0x0  }
0xb6: {  	s19 =	sadd.s32 $0x5418, s22;
	[sflag:s1] =	ssyncadd.s32 $0xFFFFE700  }
0xb7: {  	[spmem:s2] =	stream.indirect.scatter.add.f32 [tilespmem:s31], [sflag:$0x8], $0x40, s19, s24, $0xb8;
	[tilespmem:$0x1EDC0] =	vst v63  }
0xb8: {  	_ =	swait.ge [sflag:s16], $0x1900  }
0xb9: {  	[sflag:s16] =	ssyncset.done $0x0  }
0xba: {  	s19 =	sadd.s32 $0x3A8, s22;
	[sflag:s16] =	ssyncadd.s32 $0xFFFFE700  }
0xbb: {  	[tilespmem:s26], [sflag:$0x5] =	stream.indirect.gather [hbm4b:s4+s24], $0x40, s19, s24, $0xb8;
	[tilespmem:$0x1EDC0] =	vst v63  }
0xbc: {  	_ =	swait.ge [sflag:s5], $0x1900  }
0xbd: {  	p1 =	seq.s32 s18, $0x134C0;
	[sflag:s5] =	ssyncset.done $0x0  }
.Ltmp3:
0xbe: {  	s19 =	sadd.s32 $0x5480, s22;
	[sflag:s5] =	ssyncadd.s32 $0xFFFFE700;
	(pc) =	sbr.rel @p1 .LBB2_8-.Ltmp3, $4  }
0xbf: {  	[spmem:s2] =	stream.indirect.scatter.add.f32 [tilespmem:s30], [sflag:$0x9], $0x40, s19, s24, $0xb8;
	[tilespmem:$0x1EDC0] =	vst v63  }
0xc0: {  	_ =	swait.ge [sflag:s6], $0x1900  }
0xc1: {  	[sflag:s6] =	ssyncset.done $0x0  }
0xc2: {  	[sflag:s6] =	ssyncadd.s32 $0xFFFFE700  }
0xc3: {  	s19 =	sadd.s32 $0x410, s22  }
0xc4: {  	[tilespmem:s25], [sflag:$0x1] =	stream.indirect.gather [hbm4b:s4+s24], $0x40, s19, s24, $0xb8;
	[tilespmem:$0x1EDC0] =	vst v63  }
0xc5: {  	_ =	swait.ge [sflag:s7], $0x1900  }
0xc6: {  	[sflag:s7] =	ssyncset.done $0x0  }
0xc7: {  	s19 =	sadd.s32 $0x54E8, s22;
	[sflag:s7] =	ssyncadd.s32 $0xFFFFE700  }
0xc8: {  	[spmem:s2] =	stream.indirect.scatter.add.f32 [tilespmem:s26], [sflag:$0xA], $0x40, s19, s24, $0xb8;
	[tilespmem:$0x1EDC0] =	vst v63  }
.Ltmp4:
0xc9: {  	_ = 	snop;
	(pc) =	sbr.rel .LBB2_6-.Ltmp4, $4  }
0xca: {  	_ =	swait.ge [sflag:s9], $0x1900  }
0xcb: {  	[sflag:s9] =	ssyncset.done $0x0  }
0xcc: {  	s18 =	sadd.s32 $0x820, s18;
	s22 =	sadd.s32 $0x478, s22;
	[sflag:s9] =	ssyncadd.s32 $0xFFFFE700  }
0xcd: {  	[tilespmem:s28], [sflag:$0x2] =	stream.indirect.gather [hbm4b:s4+s24], $0x40, s22, s24, $0xb8;
	[tilespmem:$0x1EDC0] =	vst v63  }
.LBB2_2:
0xce: {  	[tilespmem:s25], [sflag:$0x1] =	stream.indirect.gather [hbm4b:s8+s24], $0x40, s18, s24, $0xb8;
	[tilespmem:$0x1EDC0] =	vst v63  }
0xcf: {  	s22 =	simm.s32 $0x68  }
0xd0: {  	[tilespmem:s28], [sflag:$0x2] =	stream.indirect.gather [hbm4b:s8+s24], $0x40, s22, s24, $0xb8;
	[tilespmem:$0x1EDC0] =	vst v63  }
0xd1: {  	[bflag:$0x0] =	sbarrier.arrive $0xFFFF  }
0xd2: {  	_ =	swait.ge [sflag:s29], $0x1900  }
0xd3: {  	[sflag:s29] =	ssyncset.done $0x0  }
0xd4: {  	[sflag:s29] =	ssyncadd.s32 $0xFFFFE700  }
0xd5: {  	[spmem:s2] =	stream.indirect.scatter.add.f32 [tilespmem:s25], [sflag:$0x6], $0x40, s19, s24, $0xb8;
	[tilespmem:$0x1EDC0] =	vst v63  }
0xd6: {  	s22 =	simm.s32 $0xD0  }
0xd7: {  	[tilespmem:s31], [sflag:$0x3] =	stream.indirect.gather [hbm4b:s8+s24], $0x40, s22, s24, $0xb8;
	[tilespmem:$0x1EDC0] =	vst v63  }
0xd8: {  	_ =	swait.ge [sflag:s0], $0x1900  }
0xd9: {  	[sflag:s0] =	ssyncset.done $0x0  }
0xda: {  	s22 =	simm.s32 $0x51A8;
	[sflag:s0] =	ssyncadd.s32 $0xFFFFE700  }
0xdb: {  	[spmem:s2] =	stream.indirect.scatter.add.f32 [tilespmem:s28], [sflag:$0x7], $0x40, s22, s24, $0xb8;
	[tilespmem:$0x1EDC0] =	vst v63  }
0xdc: {  	s22 =	simm.s32 $0x138  }
0xdd: {  	[tilespmem:s30], [sflag:$0x4] =	stream.indirect.gather [hbm4b:s8+s24], $0x40, s22, s24, $0xb8;
	[tilespmem:$0x1EDC0] =	vst v63  }
0xde: {  	_ =	swait.ge [sflag:s1], $0x1900  }
0xdf: {  	[sflag:s1] =	ssyncset.done $0x0  }
0xe0: {  	s22 =	simm.s32 $0x5210;
	[sflag:s1] =	ssyncadd.s32 $0xFFFFE700  }
0xe1: {  	[spmem:s2] =	stream.indirect.scatter.add.f32 [tilespmem:s31], [sflag:$0x8], $0x40, s22, s24, $0xb8;
	[tilespmem:$0x1EDC0] =	vst v63  }
0xe2: {  	s22 =	simm.s32 $0x1A0  }
0xe3: {  	[tilespmem:s26], [sflag:$0x5] =	stream.indirect.gather [hbm4b:s8+s24], $0x40, s22, s24, $0xb8;
	[tilespmem:$0x1EDC0] =	vst v63  }
0xe4: {  	_ =	swait.ge [sflag:s5], $0x1900  }
0xe5: {  	[sflag:s5] =	ssyncset.done $0x0  }
0xe6: {  	s22 =	simm.s32 $0x5278;
	[sflag:s5] =	ssyncadd.s32 $0xFFFFE700  }
0xe7: {  	[spmem:s2] =	stream.indirect.scatter.add.f32 [tilespmem:s30], [sflag:$0x9], $0x40, s22, s24, $0xb8;
	[tilespmem:$0x1EDC0] =	vst v63  }
0xe8: {  	_ =	swait.ge [sflag:s6], $0x1900  }
0xe9: {  	[sflag:s6] =	ssyncset.done $0x0  }
0xea: {  	s22 =	simm.s32 $0x208;
	[sflag:s6] =	ssyncadd.s32 $0xFFFFE700  }
0xeb: {  	[tilespmem:s25], [sflag:$0x1] =	stream.indirect.gather [hbm4b:s8+s24], $0x40, s22, s24, $0xb8;
	[tilespmem:$0x1EDC0] =	vst v63  }
0xec: {  	_ =	swait.ge [sflag:s7], $0x1900  }
0xed: {  	[sflag:s7] =	ssyncset.done $0x0  }
0xee: {  	s22 =	simm.s32 $0x52E0;
	[sflag:s7] =	ssyncadd.s32 $0xFFFFE700  }
0xef: {  	[spmem:s2] =	stream.indirect.scatter.add.f32 [tilespmem:s26], [sflag:$0xA], $0x40, s22, s24, $0xb8;
	[tilespmem:$0x1EDC0] =	vst v63  }
0xf0: {  	_ =	swait.ge [sflag:s9], $0x1900  }
0xf1: {  	[sflag:s9] =	ssyncset.done $0x0  }
0xf2: {  	s22 =	simm.s32 $0x270;
	[sflag:s9] =	ssyncadd.s32 $0xFFFFE700  }
0xf3: {  	[tilespmem:s28], [sflag:$0x2] =	stream.indirect.gather [hbm4b:s8+s24], $0x40, s22, s24, $0xb8;
	[tilespmem:$0x1EDC0] =	vst v63  }
.LBB2_3:
0xf4: {  	_ =	swait.ge [sflag:s29], $0x1900  }
0xf5: {  	s22 =	sshra.s32 s18, $0x2;
	[sflag:s29] =	ssyncset.done $0x0  }
0xf6: {  	s19 =	sadd.s32 $0x5348, s22;
	[sflag:s29] =	ssyncadd.s32 $0xFFFFE700  }
0xf7: {  	[spmem:s2] =	stream.indirect.scatter.add.f32 [tilespmem:s25], [sflag:$0x6], $0x40, s19, s24, $0xb8;
	[tilespmem:$0x1EDC0] =	vst v63  }
0xf8: {  	_ =	swait.ge [sflag:s10], $0x1900  }
0xf9: {  	[sflag:s10] =	ssyncset.done $0x0  }
0xfa: {  	s19 =	sadd.s32 $0x2D8, s22;
	[sflag:s10] =	ssyncadd.s32 $0xFFFFE700  }
0xfb: {  	[tilespmem:s31], [sflag:$0x3] =	stream.indirect.gather [hbm4b:s8+s24], $0x40, s19, s24, $0xb8;
	[tilespmem:$0x1EDC0] =	vst v63  }
0xfc: {  	_ =	swait.ge [sflag:s0], $0x1900  }
0xfd: {  	[sflag:s0] =	ssyncset.done $0x0  }
0xfe: {  	s19 =	sadd.s32 $0x53B0, s22;
	[sflag:s0] =	ssyncadd.s32 $0xFFFFE700  }
0xff: {  	[spmem:s2] =	stream.indirect.scatter.add.f32 [tilespmem:s28], [sflag:$0x7], $0x40, s19, s24, $0xb8;
	[tilespmem:$0x1EDC0] =	vst v63  }
0x100: {  	_ =	swait.ge [sflag:s11], $0x1900  }
0x101: {  	[sflag:s11] =	ssyncset.done $0x0  }
0x102: {  	s19 =	sadd.s32 $0x340, s22;
	[sflag:s11] =	ssyncadd.s32 $0xFFFFE700  }
0x103: {  	[tilespmem:s30], [sflag:$0x4] =	stream.indirect.gather [hbm4b:s8+s24], $0x40, s19, s24, $0xb8;
	[tilespmem:$0x1EDC0] =	vst v63  }
0x104: {  	_ =	swait.ge [sflag:s1], $0x1900  }
0x105: {  	[sflag:s1] =	ssyncset.done $0x0  }
0x106: {  	s19 =	sadd.s32 $0x5418, s22;
	[sflag:s1] =	ssyncadd.s32 $0xFFFFE700  }
0x107: {  	[spmem:s2] =	stream.indirect.scatter.add.f32 [tilespmem:s31], [sflag:$0x8], $0x40, s19, s24, $0xb8;
	[tilespmem:$0x1EDC0] =	vst v63  }
0x108: {  	_ =	swait.ge [sflag:s16], $0x1900  }
0x109: {  	[sflag:s16] =	ssyncset.done $0x0  }
0x10a: {  	s19 =	sadd.s32 $0x3A8, s22;
	[sflag:s16] =	ssyncadd.s32 $0xFFFFE700  }
0x10b: {  	[tilespmem:s26], [sflag:$0x5] =	stream.indirect.gather [hbm4b:s8+s24], $0x40, s19, s24, $0xb8;
	[tilespmem:$0x1EDC0] =	vst v63  }
0x10c: {  	_ =	swait.ge [sflag:s5], $0x1900  }
0x10d: {  	p1 =	seq.s32 s18, $0x134C0;
	[sflag:s5] =	ssyncset.done $0x0  }
.Ltmp5:
0x10e: {  	s19 =	sadd.s32 $0x5480, s22;
	[sflag:s5] =	ssyncadd.s32 $0xFFFFE700;
	(pc) =	sbr.rel @p1 .LBB2_9-.Ltmp5, $4  }
0x10f: {  	[spmem:s2] =	stream.indirect.scatter.add.f32 [tilespmem:s30], [sflag:$0x9], $0x40, s19, s24, $0xb8;
	[tilespmem:$0x1EDC0] =	vst v63  }
0x110: {  	_ =	swait.ge [sflag:s6], $0x1900  }
0x111: {  	[sflag:s6] =	ssyncset.done $0x0  }
0x112: {  	[sflag:s6] =	ssyncadd.s32 $0xFFFFE700  }
0x113: {  	s19 =	sadd.s32 $0x410, s22  }
0x114: {  	[tilespmem:s25], [sflag:$0x1] =	stream.indirect.gather [hbm4b:s8+s24], $0x40, s19, s24, $0xb8;
	[tilespmem:$0x1EDC0] =	vst v63  }
0x115: {  	_ =	swait.ge [sflag:s7], $0x1900  }
0x116: {  	[sflag:s7] =	ssyncset.done $0x0  }
0x117: {  	s19 =	sadd.s32 $0x54E8, s22;
	[sflag:s7] =	ssyncadd.s32 $0xFFFFE700  }
0x118: {  	[spmem:s2] =	stream.indirect.scatter.add.f32 [tilespmem:s26], [sflag:$0xA], $0x40, s19, s24, $0xb8;
	[tilespmem:$0x1EDC0] =	vst v63  }
.Ltmp6:
0x119: {  	_ = 	snop;
	(pc) =	sbr.rel .LBB2_3-.Ltmp6, $4  }
0x11a: {  	_ =	swait.ge [sflag:s9], $0x1900  }
0x11b: {  	[sflag:s9] =	ssyncset.done $0x0  }
0x11c: {  	s18 =	sadd.s32 $0x820, s18;
	s22 =	sadd.s32 $0x478, s22;
	[sflag:s9] =	ssyncadd.s32 $0xFFFFE700  }
0x11d: {  	[tilespmem:s28], [sflag:$0x2] =	stream.indirect.gather [hbm4b:s8+s24], $0x40, s22, s24, $0xb8;
	[tilespmem:$0x1EDC0] =	vst v63  }
.LBB2_8:
.Ltmp7:
0x11e: {  	(pc) =	sbr.rel .LBB2_10-.Ltmp7, $2  }
0x11f: {  	_ =	sdelay $0x2  }
0x120: {  	s18 =	sadd.s32 $0xEA0, s18  }
.LBB2_11:
0x121: {  	_ =	sfence.sel $0x180000  }
0x122: {  	[bflag:$0x0] =	sbarrier.arrive $0xFFFF  }
0x123: {  	_ =	strace $0x9000004D  }
0x124: {  	s0 =	stileid.u32;
	[bflag:$0x2] =	sbarrier.arrive $0xFFFF  }
0x125: {  	p0 =	sne.s32 s0, $0x0;
	s0 =	rddreg [dreg:$0x3]  }
0x126: {  	s0 =	sadd.s32 @!p0 $0x100000, s0  }
0x127: {  	[sflag:s0] =	ssyncadd.tile.s32 @!p0 $0x1;
	_ =	shalt  }
.Lfunc_end2:
_tile_overlayer_lowered:
.L_overlay_start_2:
0x128: {  	(tag) =	ssettag $0x2  }
0x129: {  	s0 =	rddreg [dreg:$0x0];
	s2 =	stileid.u32  }
0x12a: {  	s1 =	rddreg [dreg:$0x1];
	p0 =	sne.s32 s2, $0x0  }
0x12b: {  	s3 =	rddreg [dreg:$0x2];
	[bflag:$0x3] =	sbarrier.arrive $0xFFFF;
	s2 =	simm.s32 @!p0 $0x1C0B  }
0x12c: {  	[timem:s3], [sflag:s2] =	dma.local @!p0 [hbm:s0], s1  }
0x12d: {  	s0 =	simm.s32 @!p0 $0xB  }
0x12e: {  	_ =	swait.ge @!p0 [sflag:s0], s1  }
0x12f: {  	s1 =	ssub.s32 @!p0 $0x0, s1;
	[sflag:s0] =	ssyncset.done @!p0 $0x0  }
0x130: {  	[sflag:s0] =	ssyncadd.s32 @!p0 s1  }
0x131: {  	[bflag:$0x3] =	sbarrier.arrive $0xFFFF  }
0x132: {  	_ =	shalt  }

// kernel: kernel.8.cloned.1.call-start
scs
__scs_entry_jumppad:
0x0: {  	(pc) =	sbr.rel $0x88, $3  }
0x1: {  	(tag) =	ssettag $0x0;
	lr =	simm.s32 $0x1  }
0x2: {  	[smem:$0x3F99] =	sst lr;
	_ =	strace $0xD0000000  }
0x3: {  	_ = 	snop  }
0x4: {  	_ = 	snop  }
0x5: {  	_ = 	snop  }
0x6: {  	_ = 	snop  }
0x7: {  	_ = 	snop  }
__scs_overlays_trampoline_lowered:
0x8: {  	[smem:$0x3FA8] =	sst s0  }
0x9: {  	[smem:$0x3FA9] =	sst s1  }
0xa: {  	[smem:$0x3FAA] =	sst s2  }
0xb: {  	[smem:$0x3FAB] =	sst s3  }
0xc: {  	[smem:$0x3FAC] =	sst s4  }
0xd: {  	[smem:$0x3FAD] =	sst s5  }
0xe: {  	[smem:$0x3FAE] =	sst s6  }
0xf: {  	[smem:$0x3FAF] =	sst s7  }
0x10: {  	[smem:$0x3FB0] =	sst s8  }
0x11: {  	[smem:$0x3FB1] =	sst s9;
	s0 =	simm.s32 @!p0 $0x0  }
0x12: {  	s1 =	sld [smem:$0x3F97];
	s0 =	simm.s32 @p0 $0x1  }
0x13: {  	[smem:$0x3FB2] =	sst s0;
	s0 =	simm.s32 @!p1 $0x0  }
0x14: {  	s2 =	sld [smem:$0x3F96];
	s0 =	simm.s32 @p1 $0x1  }
0x15: {  	[smem:$0x3FB3] =	sst s0;
	s0 =	simm.s32 @!p2 $0x0  }
0x16: {  	s3 =	sld [smem:$0x3FDB];
	s0 =	simm.s32 @p2 $0x1  }
0x17: {  	s4 =	simm.s32 $0x1BF5;
	[smem:$0x3FB5] =	sst s0  }
0x18: {  	s0 =	sld [smem:$0x3F98];
	_ =	swait.ge [sflag:s4], $0x0  }
0x19: {  	s7 =	sld [smem:$0x3F99]  }
0x1a: {  	s8 =	sadd.s32 $0xFFFFE003, lr  }
0x1b: {  	s9 =	sadd.s32 $0xFFFFFEF7, lr;
	s5 =	simm.s32 $0xFFFFFFFF;
	p2 =	slt.u32 s8, $0xFFFFF086  }
0x1c: {  	p1 =	slt.u32 s9, $0xF7A;
	s5 =	simm.s32 @!p2 $0x0  }
0x1d: {  	s5 =	simm.s32 @p1 $0x1;
	p0 =	seq.s32 s7, s2  }
0x1e: {  	s7 =	smul.u32 @!p0 $0xF7A, s2;
	p2 =	seq.s32 @!p0 s5, $0x0  }
0x1f: {  	s9 =	smul.u32 $0xF7A, s1;
	s8 =	simm.s32 @!p0 $0x1BF5;
	p2 =	por !p2, p0  }
0x20: {  	[sflag:s8] =	ssyncset.s32 @!p0 $0xFFFFF086;
	s6 =	sadd.s32 @!p0 s3, s7;
	s7 =	simm.s32 @!p0 $0x108  }
0x21: {  	s3 =	sadd.s32 s3, s9;
	s6 =	sadd.s32 @!p0 $0x88, s6;
	s7 =	simm.s32 @p2 $0x1082  }
0x22: {  	[simem:s7], [sflag:s8] =	dma.local @!p0 [hbm:s6], $0xF7A  }
0x23: {  	s9 =	sor.u32 $0xD0000000, s2;
	s6 =	simm.s32 $0x108;
	_ =	swait.ge @!p0 [sflag:s8], $0x0  }
0x24: {  	s3 =	sadd.s32 $0x88, s3;
	s6 =	simm.s32 @!p1 $0x1082;
	[sflag:s4] =	ssyncset.s32 $0xFFFFF086  }
0x25: {  	[simem:s6], [sflag:s4] =	dma.local [hbm:s3], $0xF7A  }
0x26: {  	[smem:$0x3F99] =	sst s1;
	(tag) =	ssettag s2;
	_ =	strace s9  }
0x27: {  	s1 =	sld [smem:$0x3FA9]  }
0x28: {  	s2 =	sld [smem:$0x3FAA]  }
0x29: {  	s4 =	sld [smem:$0x3FAC]  }
0x2a: {  	p0 =	seq.s32 s5, $0x0;
	s5 =	sld [smem:$0x3FAD]  }
0x2b: {  	s6 =	sld [smem:$0x3FAE]  }
0x2c: {  	s7 =	sld [smem:$0x3FAF]  }
0x2d: {  	s3 =	simm.s32 $0x108;
	s8 =	sld [smem:$0x3FB0]  }
0x2e: {  	s3 =	simm.s32 @!p0 $0x1082;
	s9 =	sld [smem:$0x3FB1]  }
0x2f: {  	lr =	sadd.s32 s0, s3;
	s0 =	sld [smem:$0x3FA8]  }
0x30: {  	s3 =	sld [smem:$0x3FAB]  }
0x31: {  	[smem:$0x3FB4] =	sst s10  }
0x32: {  	s10 =	sld [smem:$0x3FB2];
	_ =	sdelay $0x3  }
0x33: {  	p0 =	seq.s32 s10, $0x1;
	s10 =	sld [smem:$0x3FB4];
	_ =	sdelay $0x3  }
0x34: {  	[smem:$0x3FB4] =	sst s10  }
0x35: {  	s10 =	sld [smem:$0x3FB3];
	_ =	sdelay $0x3  }
0x36: {  	p1 =	seq.s32 s10, $0x1;
	s10 =	sld [smem:$0x3FB4];
	_ =	sdelay $0x3  }
0x37: {  	[smem:$0x3FB4] =	sst s10  }
0x38: {  	s10 =	sld [smem:$0x3FB5]  }
0x39: {  	_ = 	snop;
	(pc) =	sbr.ind lr, $3  }
0x3a: {  	_ = 	snop  }
0x3b: {  	_ = 	snop  }
0x3c: {  	p2 =	seq.s32 s10, $0x1;
	s10 =	sld [smem:$0x3FB4]  }
0x3d: {  	_ =	shalt  }
0x3e: {  	_ =	shalt  }
0x3f: {  	_ =	shalt  }
0x40: {  	_ =	shalt  }
0x41: {  	_ =	shalt  }
0x42: {  	_ =	shalt  }
0x43: {  	_ =	shalt  }
0x44: {  	_ =	shalt  }
0x45: {  	_ =	shalt  }
0x46: {  	_ =	shalt  }
0x47: {  	_ =	shalt  }
0x48: {  	_ =	shalt  }
0x49: {  	_ =	shalt  }
0x4a: {  	_ =	shalt  }
0x4b: {  	_ =	shalt  }
0x4c: {  	_ =	shalt  }
0x4d: {  	_ =	shalt  }
0x4e: {  	_ =	shalt  }
0x4f: {  	_ =	shalt  }
0x50: {  	_ =	shalt  }
0x51: {  	_ =	shalt  }
0x52: {  	_ =	shalt  }
0x53: {  	_ =	shalt  }
0x54: {  	_ =	shalt  }
0x55: {  	_ =	shalt  }
0x56: {  	_ =	shalt  }
0x57: {  	_ =	shalt  }
0x58: {  	_ =	shalt  }
0x59: {  	_ =	shalt  }
0x5a: {  	_ =	shalt  }
0x5b: {  	_ =	shalt  }
0x5c: {  	_ =	shalt  }
0x5d: {  	_ =	shalt  }
0x5e: {  	_ =	shalt  }
0x5f: {  	_ =	shalt  }
0x60: {  	_ =	shalt  }
0x61: {  	_ =	shalt  }
0x62: {  	_ =	shalt  }
0x63: {  	_ =	shalt  }
0x64: {  	_ =	shalt  }
0x65: {  	_ =	shalt  }
0x66: {  	_ =	shalt  }
0x67: {  	_ =	shalt  }
0x68: {  	_ =	shalt  }
0x69: {  	_ =	shalt  }
0x6a: {  	_ =	shalt  }
0x6b: {  	_ =	shalt  }
0x6c: {  	_ =	shalt  }
0x6d: {  	_ =	shalt  }
0x6e: {  	_ =	shalt  }
0x6f: {  	_ =	shalt  }
0x70: {  	_ =	shalt  }
0x71: {  	_ =	shalt  }
0x72: {  	_ =	shalt  }
0x73: {  	_ =	shalt  }
0x74: {  	_ =	shalt  }
0x75: {  	_ =	shalt  }
0x76: {  	_ =	shalt  }
0x77: {  	_ =	shalt  }
0x78: {  	_ =	shalt  }
0x79: {  	_ =	shalt  }
0x7a: {  	_ =	shalt  }
0x7b: {  	_ =	shalt  }
0x7c: {  	_ =	shalt  }
0x7d: {  	_ =	shalt  }
0x7e: {  	_ =	shalt  }
0x7f: {  	_ =	shalt  }
0x80: {  	_ =	shalt  }
0x81: {  	_ =	shalt  }
0x82: {  	_ =	shalt  }
0x83: {  	_ =	shalt  }
0x84: {  	_ =	shalt  }
0x85: {  	_ =	shalt  }
0x86: {  	_ =	shalt  }
0x87: {  	_ =	shalt  }
.Lfunc_end0:
.L_simem_size_0:
called_computation_lowered:
.L_overlay_start_0:
0x88: {  	s2 =	sld [smem:$0x3FD9]  }
0x89: {  	s3 =	sld [smem:$0x3FFE];
	_ =	sdelay $0x1  }
0x8a: {  	s1 =	srdreg.scid  }
0x8b: {  	s0 =	sand.u32 $0x1, s1  }
0x8c: {  	s17 =	sshll.u32 s0, $0xA;
	s2 =	sadd.s32 s3, s2  }
0x8d: {  	s2 =	sadd.s32 s2, s17  }
0x8e: {  	[smem:$0x3FC0] =	sst s2  }
0x8f: {  	_ = 	snop  }
0x90: {  	s2 =	sld [smem:$0x3FD0];
	(tm) =	ssettm $0x1  }
0x91: {  	s18 =	sld [smem:$0x3FFB];
	_ =	sdelay $0x3  }
0x92: {  	_ =	strace s18  }
0x93: {  	s3 =	sld [smem:$0x3FFC];
	_ =	sdelay $0x3  }
0x94: {  	_ =	strace s3  }
0x95: {  	s3 =	sld [smem:$0x3FFD];
	_ =	sdelay $0x3  }
0x96: {  	_ =	strace s3  }
0x97: {  	_ =	strace $0x8FFFFFFF  }
0x98: {  	s19 =	sld [smem:$0x3FDB];
	_ =	sdelay $0x1  }
0x99: {  	s4 =	simm.s32 $_scs_section_size  }
0x9a: {  	s5 =	simm.s32 $_size__tile_overlayer_lowered;
	s6 =	simm.s32 $_tile_overlayer_lowered  }
0x9b: {  	s22 =	simm.s32 $0x1BFF;
	s21 =	sshll.u32 s6, $0x1;
	s3 =	sadd.s32 s4, s19  }
0x9c: {  	s7 =	simm.s32 $0x0;
	s20 =	sshll.u32 s5, $0x1;
	s5 =	sadd.s32 s21, s3  }
0x9d: {  	[timem:s7], [sflag:s22] =	dma.local [hbm:s5], s20  }
0x9e: {  	_ =	swait.ge [sflag:s22], s20  }
0x9f: {  	s4 =	ssub.s32 $0x0, s20;
	[sflag:s22] =	ssyncset.done $0x0  }
0xa0: {  	[sflag:s22] =	ssyncadd.s32 s4;
	_ =	sdelay $0x1  }
0xa1: {  	s23 =	simm.s32 $0x1B8B  }
0xa2: {  	_ =	swait.ge [sflag:s23], $0x1  }
0xa3: {  	[sflag:s23] =	ssyncset.done $0x0  }
0xa4: {  	s25 =	simm.s32 $0x1B8E;
	s24 =	sld [smem:$0x3FFE];
	[sflag:s23] =	ssyncadd.s32 $0xFFFFFFFF  }
0xa5: {  	s26 =	simm.s32 $execute0_lowered;
	[smem:$0x3FD2] =	sst s25  }
0xa6: {  	s5 =	sshll.u32 s26, $0x1;
	_ =	strace $0x80000046;
	[dreg:$0x1] =	wrdreg $0xFFFFFFFF  }
0xa7: {  	s28 =	simm.s32 $_size_execute0_lowered;
	s3 =	sadd.s32 s3, s5;
	[dreg:$0x0] =	wrdreg $0x0  }
0xa8: {  	s5 =	sshll.u32 s28, $0x1;
	[dreg:$0x2] =	wrdreg s3  }
0xa9: {  	[dreg:$0x3] =	wrdreg s5  }
0xaa: {  	[dreg:$0x4] =	wrdreg $0xC0  }
0xab: {  	_ =	task [dreg:s7], $0x5FFFF  }
0xac: {  	[dreg:$0x1] =	wrdreg $0xFFFFFFFF  }
0xad: {  	[dreg:$0x0] =	wrdreg $0x60  }
0xae: {  	[dreg:$0x2] =	wrdreg s2  }
0xaf: {  	[dreg:$0x3] =	wrdreg s24  }
0xb0: {  	[dreg:$0x4] =	wrdreg $0x50180  }
0xb1: {  	[dreg:$0x5] =	wrdreg $0x9  }
0xb2: {  	_ =	task.clear_ibuf [dreg:s7], $0x6FFFF;
	_ =	strace $0x90000046  }
0xb3: {  	s29 =	simm.s32 $0x9;
	_ =	strace $0x80000048  }
0xb4: {  	_ =	swait.ge [sflag:s29], $0x1  }
0xb5: {  	[sflag:s29] =	ssyncadd.s32 $0xFFFFFFFF  }
0xb6: {  	_ =	strace $0x90000048  }
0xb7: {  	_ =	sfence  }
0xb8: {  	s30 =	sld [smem:$0x0];
	_ =	sdelay $0x2  }
0xb9: {  	s31 =	sshll.u32 s1, $0xD;
	s1 =	sshrl.u32 s1, $0x2  }
0xba: {  	s3 =	sand.u32 $0x4000, s31;
	s1 =	sadd.s32 s1, s30  }
0xbb: {  	s0 =	sor.u32 s3, s0;
	s1 =	sshll.u32 s1, $0x11  }
0xbc: {  	s0 =	sor.u32 s1, s0  }
0xbd: {  	s0 =	sadd.s32 $0x8F2B, s0  }
0xbe: {  	[sflag:s0] =	ssyncadd.remote.s32 $0x1  }
0xbf: {  	_ =	sfence.sel $0xFFFF  }
0xc0: {  	[dreg:$0x0] =	wrdreg $0xFFFFFFFF;
	(pc) =	sbr.abs _section_cstart, $3  }
0xc1: {  	[dreg:$0x1] =	wrdreg $0xFFFFFFFF  }
0xc2: {  	_ =	task.clear_ibuf [dreg:s7], $0x2FFFF;
	_ =	strace $0x9FFFFFFF  }
0xc3: {  	(tm) =	ssettm $0x7FFFFFFF  }
tec
execute0_lowered:
.L_overlay_start_1:
0x0: {  	(tag) =	ssettag $0x1  }
0x1: {  	s5 =	rddreg [dreg:$0x0]  }
0x2: {  	s6 =	rddreg [dreg:$0x1]  }
0x3: {  	s1 =	rddreg [dreg:$0x2]  }
0x4: {  	s0 =	rddreg [dreg:$0x3];
	s2 =	simm.s32 $0x0;
	s3 =	srdreg.scid  }
0x5: {  	s13 =	stileid.u32;
	s12 =	simm.s32 $0x1;
	[smem:$0x7FF] =	sst s2  }
0x6: {  	s7 =	sand.u32 $0x1, s3;
	s3 =	sadd.s32 $0x2A00, s6;
	s10 =	smul.u32 $0xFA0, s13  }
0x7: {  	p1 =	sgt.u32 s13, $0x9;
	p0 =	sne.s32 s13, $0x0;
	_ =	strace $0x80000047  }
0x8: {  	s8 =	smul.u32 $0x500, s7;
	s4 =	sshll.u32 s7, $0x4;
	s7 =	ssub.s32 $0x2, s7  }
0x9: {  	s9 =	sor.u32 s13, s4;
	s4 =	sadd.s32 $0x2800, s6;
	s31 =	sshrl.u32 s7, $0x1  }
0xa: {  	s10 =	sshrl.u32 s10, $0x2;
	s13 =	simm.s32 $0x0;
	s9 =	smul.u32 $0x514, s9  }
0xb: {  	s8 =	sadd.s32 s8, s6;
	s11 =	ssub.s32 s7, s31;
	s6 =	sadd.s32 s10, s1  }
0xc: {  	s10 =	simm.s32 $0x28A0;
	s7 =	sadd.s32 $0x2C00, s8;
	s8 =	smax.u32 s11, $0x1  }
0xd: {  	s11 =	simm.s32 $0x2908;
	s5 =	sadd.s32 s5, s9;
	s9 =	simm.s32 $0x2  }
.LBB2_1:
0xe: {  	[tilespmem:s2], [sflag:$0x2] =	stream.linear.gather [hbm4b:s5+s2], $0x28A0, $0x38;
	[tilespmem:$0x5290] =	vst v63  }
0xf: {  	_ =	swait.ge [sflag:s9], $0x28A0  }
0x10: {  	[sflag:s9] =	ssyncset.done $0x0  }
0x11: {  	[sflag:s9] =	ssyncadd.s32 $0xFFFFD760  }
0x12: {  	[tilespmem:s10], [sflag:$0x2] =	stream.linear.gather [hbm4b:s3+s2], $0x68, $0x38;
	[tilespmem:$0x5290] =	vst v63  }
0x13: {  	_ =	swait.ge [sflag:s9], $0x68  }
0x14: {  	[sflag:s9] =	ssyncset.done $0x0  }
0x15: {  	[sflag:s9] =	ssyncadd.s32 $0xFFFFFF98  }
0x16: {  	[tilespmem:s11], [sflag:$0x2] =	stream.linear.gather [hbm4b:s4+s2], $0x400, $0x38;
	[tilespmem:$0x5290] =	vst v63  }
0x17: {  	_ =	swait.ge [sflag:s9], $0x400  }
0x18: {  	[sflag:s9] =	ssyncset.done $0x0  }
0x19: {  	s14 =	simm.s32 @!p1 $0x2908;
	[sflag:s9] =	ssyncadd.s32 $0xFFFFFC00  }
0x1a: {  	[spmem:s6] =	stream.linear.scatter @!p1 [tilespmem:s14], [sflag:$0x2], $0x3E8, $0x38;
	[tilespmem:$0x5290] =	vst v63  }
0x1b: {  	s14 =	simm.s32 @!p1 $0x2  }
0x1c: {  	_ =	swait.ge @!p1 [sflag:s14], $0x3E8  }
0x1d: {  	[sflag:s14] =	ssyncset.done @!p1 $0x0  }
0x1e: {  	s16 =	simm.s32 $0x0;
	[sflag:s14] =	ssyncadd.s32 @!p1 $0xFFFFFC18  }
0x1f: {  	s15 =	simm.s32 $0x64;
	s14 =	simm.s32 $0x1A0;
	[bflag:$0x0] =	sbarrier.arrive $0xFFFF  }
.LBB2_2:
0x20: {  	[spmem:s1] =	stream.indirect.scatter.add.f32 [tilespmem:s10], [sflag:$0x1], $0x1, s16, s15, $0xb8;
	[tilespmem:$0x5290] =	vst v63  }
0x21: {  	s16 =	smov.u32 s14;
	p2 =	sne.s32 s14, $0xA0E0  }
.Ltmp0:
0x22: {  	s14 =	sadd.s32 $0x1A0, s14;
	(pc) =	sbr.rel @p2 .LBB2_2-.Ltmp0, $2  }
0x23: {  	_ =	sdelay $0x2  }
0x24: {  	s16 =	sshra.s32 s16, $0x2  }
0x25: {  	[spmem:s1] =	stream.indirect.scatter.add.f32 [tilespmem:s10], [sflag:$0x1], $0x1, s16, s15, $0xb8;
	[tilespmem:$0x5290] =	vst v63  }
0x26: {  	_ =	swait.ge [sflag:s12], $0x64  }
0x27: {  	s14 =	simm.s32 $0x63;
	[sflag:s12] =	ssyncset.done $0x0  }
.LBB2_4:
0x28: {  	p2 =	sne.s32 s14, $0x1;
	s14 =	sadd.s32 $0xFFFFFFFF, s14;
	[sflag:s12] =	ssyncadd.s32 $0xFFFFFF9C  }
.Ltmp1:
0x29: {  	(pc) =	sbr.rel @p2 .LBB2_4-.Ltmp1, $3  }
0x2a: {  	_ =	sdelay $0x1  }
0x2b: {  	_ =	swait.ge [sflag:s12], $0x64  }
0x2c: {  	[sflag:s12] =	ssyncset.done $0x0  }
0x2d: {  	[sflag:s12] =	ssyncadd.s32 $0xFFFFFF9C  }
0x2e: {  	s14 =	simm.s32 @!p0 $0x2908;
	s15 =	simm.s32 @!p0 $0x2;
	[bflag:$0x0] =	sbarrier.arrive $0xFFFF  }
0x2f: {  	[tilespmem:s14], [sflag:$0x2] =	stream.linear.gather @!p0 [spmem:s1], $0x2710, $0x38;
	[tilespmem:$0x5290] =	vst v63  }
0x30: {  	s13 =	sadd.s32 $0x1, s13;
	_ =	swait.ge @!p0 [sflag:s15], $0x2710  }
0x31: {  	p2 =	sne.s32 s13, s8;
	[sflag:s15] =	ssyncset.done @!p0 $0x0  }
.Ltmp2:
0x32: {  	s16 =	simm.s32 @!p0 $0x0;
	[sflag:s15] =	ssyncadd.s32 @!p0 $0xFFFFD8F0;
	(pc) =	sbr.rel @p2 .LBB2_1-.Ltmp2, $4  }
0x33: {  	[hbm4b:s7+s16] =	stream.linear.scatter @!p0 [tilespmem:s14], [sflag:$0x2], $0x2710, $0x38;
	[tilespmem:$0x5290] =	vst v63  }
0x34: {  	_ =	swait.ge @!p0 [sflag:s15], $0x2710  }
0x35: {  	[sflag:s15] =	ssyncset.done @!p0 $0x0  }
0x36: {  	[sflag:s15] =	ssyncadd.s32 @!p0 $0xFFFFD8F0  }
0x37: {  	_ =	sfence.sel $0x180000  }
0x38: {  	[bflag:$0x0] =	sbarrier.arrive $0xFFFF  }
0x39: {  	_ =	strace $0x90000047  }
0x3a: {  	s0 =	sadd.s32 @!p0 $0x100000, s0;
	[bflag:$0x2] =	sbarrier.arrive $0xFFFF  }
0x3b: {  	[sflag:s0] =	ssyncadd.tile.s32 @!p0 $0x1;
	_ =	shalt  }
.Lfunc_end2:
_tile_overlayer_lowered:
.L_overlay_start_2:
0x3c: {  	(tag) =	ssettag $0x2  }
0x3d: {  	s0 =	rddreg [dreg:$0x0];
	s2 =	stileid.u32  }
0x3e: {  	s1 =	rddreg [dreg:$0x1];
	p0 =	sne.s32 s2, $0x0  }
0x3f: {  	s3 =	rddreg [dreg:$0x2];
	[bflag:$0x3] =	sbarrier.arrive $0xFFFF;
	s2 =	simm.s32 @!p0 $0x1C02  }
0x40: {  	[timem:s3], [sflag:s2] =	dma.local @!p0 [hbm:s0], s1  }
0x41: {  	s0 =	simm.s32 @!p0 $0x2  }
0x42: {  	_ =	swait.ge @!p0 [sflag:s0], s1  }
0x43: {  	s1 =	ssub.s32 @!p0 $0x0, s1;
	[sflag:s0] =	ssyncset.done @!p0 $0x0  }
0x44: {  	[sflag:s0] =	ssyncadd.s32 @!p0 s1  }
0x45: {  	[bflag:$0x3] =	sbarrier.arrive $0xFFFF  }
0x46: {  	_ =	shalt  }

</sc_bundles>
